<compile_context>
chip_gen: v7x
topology: tpu7x:2x2x1
jax: 0.10.2.dev20260603
libtpu: 0.0.44.dev20260713+nightly
codegen_flags: <defaults>
</compile_context>

<pallas_src>
import functools
import math

import jax
import jax.numpy as jnp
from jax import lax
from jax.experimental import pallas as pl
from jax.experimental.pallas import tpu as pltpu
from jax.experimental.pallas import tpu_sc as plsc

_VOCAB = 1000000
_D = 64
_BATCH = 16384
_HIST = 200
_NC, _NS = 2, 16
_NW = _NC * _NS
_NBB = 128
_BBW = _NBB // _NW
_CI = 128
_SCALE = math.sqrt(_D)

_mesh = plsc.VectorSubcoreMesh(core_axis_name="c", subcore_axis_name="s")


@functools.partial(
    pl.kernel,
    mesh=_mesh,
    out_type=jax.ShapeDtypeStruct((_HIST, _D // 8, _NBB, 8, _CI), jnp.float32),
    scratch_types=[
        pltpu.VMEM((2, _BBW, _CI), jnp.int32),
        pltpu.VMEM((2, _BBW * _CI, _D), jnp.float32),
        pltpu.VMEM((2, _D // 8, _BBW // 2, 8, _CI), jnp.float32),
        pltpu.SemaphoreType.DMA((2,)),
        pltpu.SemaphoreType.DMA((2,)),
        pltpu.SemaphoreType.DMA((2,)),
    ],
    compiler_params=pltpu.CompilerParams(use_tc_tiling_on_sc=False,
                                         needs_layout_passes=False),
)
def _emb_lookup(x_hbm, lut_hbm, out_hbm, idx_v, rows_v, t_v, isem, gsem, osem):
    wid = lax.axis_index("s") * _NC + lax.axis_index("c")
    bb0 = wid * _BBW

    def fire_gathers(buf):
        for k in range(_BBW):
            pltpu.async_copy(
                lut_hbm.at[idx_v.at[buf, k]],
                rows_v.at[buf, pl.ds(k * _CI, _CI)],
                gsem.at[buf],
            )

    def drain_gathers(buf):
        for k in range(_BBW):
            pltpu.make_async_copy(
                lut_hbm.at[pl.ds(0, _CI)],
                rows_v.at[buf, pl.ds(k * _CI, _CI)],
                gsem.at[buf],
            ).wait()

    def drain_out(half):
        pltpu.make_async_copy(
            t_v.at[half],
            out_hbm.at[0, :, pl.ds(bb0, _BBW // 2)],
            osem.at[half],
        ).wait()

    pltpu.sync_copy(x_hbm.at[0, pl.ds(bb0, _BBW)], idx_v.at[0])
    fire_gathers(0)
    pltpu.async_copy(x_hbm.at[1, pl.ds(bb0, _BBW)], idx_v.at[1], isem.at[1])

    iota16 = lax.iota(jnp.int32, 16)

    def h_body(h, carry):
        a = lax.rem(h, 2)
        b = lax.rem(h + 1, 2)

        drain_gathers(a)

        @pl.when(h + 2 < _HIST)
        def _():
            pltpu.async_copy(x_hbm.at[h + 2, pl.ds(bb0, _BBW)],
                             idx_v.at[a], isem.at[a])

        @pl.when(h + 1 < _HIST)
        def _():
            pltpu.make_async_copy(x_hbm.at[0, pl.ds(bb0, _BBW)],
                                  idx_v.at[b], isem.at[b]).wait()
            fire_gathers(b)

        for half in range(2):
            @pl.when(h >= 1)
            def _():
                drain_out(half)

            for k in range(2 * half, 2 * half + 2):
                kvec = jnp.broadcast_to(jnp.int32(k - 2 * half), (16,))

                @plsc.parallel_loop(0, _CI // 16, step=1, unroll=2)
                def _(r0):
                    rvec = jnp.broadcast_to(k * _CI + r0 * 16, (16,)) + iota16
                    brvec = jnp.broadcast_to(r0 * 16, (16,)) + iota16

                    @plsc.parallel_loop(0, 16, step=1, unroll=4)
                    def _(s):
                        rot = (iota16 + s) % 16
                        for d0 in range(_D // 16):
                            cvec = d0 * 16 + rot
                            dbvec = lax.shift_right_logical(cvec, 3)
                            drvec = cvec % 8
                            vals = plsc.load_gather(rows_v.at[a],
                                                    [rvec, cvec])
                            plsc.store_scatter(
                                t_v.at[half], [dbvec, kvec, drvec, brvec],
                                vals * _SCALE)

            pltpu.async_copy(
                t_v.at[half],
                out_hbm.at[h, :, pl.ds(bb0 + 2 * half, _BBW // 2)],
                osem.at[half])
        return carry

    lax.fori_loop(0, _HIST, h_body, 0)
    drain_out(0)
    drain_out(1)


def kernel(x, lut):
    xt = x.T.reshape(_HIST, _NBB, _CI).astype(jnp.int32)
    out4 = _emb_lookup(xt, lut)
    out = out4.transpose(2, 4, 0, 1, 3).reshape(_BATCH, _HIST, _D)
    return out

# --- scband reference (transcript-rebuilt; emitter-appended) ---
"""Pipeline reference for scband-embeddings-15899968930192 (READ-ONLY COPY).

The authoritative reference and input builder live on the scoring server;
editing this copy changes nothing except your own understanding.
"""

import jax, jax.numpy as jnp
import numpy as np
import math

VOCAB = 1000000
D_MODEL = 64
BATCH = 16384
HIST = 200

def setup_inputs(seed: int = 0) -> dict:
    key = jax.random.key(seed)
    k_idx, k_tab = jax.random.split(key)
    x = jax.random.randint(k_idx, (BATCH, HIST), 0, VOCAB, dtype=jnp.int64 if jax.config.jax_enable_x64 else jnp.int32)
    lut = jax.random.normal(k_tab, (VOCAB, D_MODEL), dtype=jnp.float32)
    return {"x": x, "lut": lut}

def reference(x, lut):
    # Embeddings.forward: self.lut(x) * math.sqrt(self.d_model)
    emb = jnp.take(lut, x, axis=0)
    return emb * math.sqrt(D_MODEL)

if __name__ == "__main__":
    import jax
    _d = setup_inputs()
    print(jax.jit(kernel)(*tuple(_d.values())))

</pallas_src>

<mosaic_0001>
#map = affine_map<(d0, d1) -> (0, 0, 0)>
#map1 = affine_map<(d0, d1) -> (0, 0)>
#map2 = affine_map<(d0, d1) -> (0, 0, 0, 0, 0)>
module attributes {stable_mosaic.version = 14 : i64} {
  func.func @_emb_lookup(%arg0: i32, %arg1: i32, %arg2: memref<200x128x128xi32, #tpu.memory_space<hbm>>, %arg3: memref<1000000x64xf32, #tpu.memory_space<hbm>>, %arg4: memref<200x8x128x8x128xf32, #tpu.memory_space<hbm>>, %arg5: memref<2x4x128xi32, #tpu.memory_space<vmem>>, %arg6: memref<2x512x64xf32, #tpu.memory_space<vmem>>, %arg7: memref<2x8x2x8x128xf32, #tpu.memory_space<vmem>>, %arg8: memref<2x!tpu.dma_semaphore, #tpu.memory_space<semaphore_mem>>, %arg9: memref<2x!tpu.dma_semaphore, #tpu.memory_space<semaphore_mem>>, %arg10: memref<2x!tpu.dma_semaphore, #tpu.memory_space<semaphore_mem>>) attributes {dimension_semantics = [#tpu.dimension_semantics<core_parallel>, #tpu.dimension_semantics<subcore_parallel>], iteration_bounds = array<i64: 2, 16>, scalar_prefetch = 0 : i64, scratch_operands = 6 : i64, tpu.core_type = #tpu.core_type<sc_vector_subcore>, window_params = [{transform_indices = #map}, {transform_indices = #map1}, {transform_indices = #map2}]} {
    %mul3A = arith.constant 2 : i32
    %mul3A_0 = arith.muli %arg1, %mul3A : i32
    %add3A = arith.addi %mul3A_0, %arg0 : i32
    %mul3A_1 = arith.constant 4 : i32
    %mul3A_2 = arith.muli %add3A, %mul3A_1 : i32
    %run_scoped3A = arith.constant 0 : i32
    %run_scoped3A_3 = arith.constant 0 : i32
    "tpu.region"() ({
      %run_scoped3A_144 = tpu.sem_alloc : memref<!tpu.dma_semaphore, #tpu.memory_space<semaphore_mem>>
      %dma_start3A_145 = arith.constant 0 : i32
      %dma_start3A_146 = arith.constant 0 : i32
      %dma_start3A_147 = tpu.memref_slice %arg5[%run_scoped3A_3, %dma_start3A_145, %dma_start3A_146] : memref<2x4x128xi32, #tpu.memory_space<vmem>> -> memref<1x4x128xi32, #tpu.memory_space<vmem>>
      %dma_start3A_148 = tpu.memref_squeeze %dma_start3A_147 : memref<1x4x128xi32, #tpu.memory_space<vmem>> -> memref<4x128xi32, #tpu.memory_space<vmem>>
      %dma_start3A_149 = arith.constant 0 : i32
      %dma_start3A_150 = tpu.memref_slice %arg2[%run_scoped3A, %mul3A_2, %dma_start3A_149] : memref<200x128x128xi32, #tpu.memory_space<hbm>> -> memref<1x4x128xi32, #tpu.memory_space<hbm>>
      %dma_start3A_151 = tpu.memref_squeeze %dma_start3A_150 : memref<1x4x128xi32, #tpu.memory_space<hbm>> -> memref<4x128xi32, #tpu.memory_space<hbm>>
      %dma_start3A_152 = arith.constant 0 : i32
      %dma_start3A_153 = arith.constant 0 : i32
      %dma_start3A_154 = tpu.memref_slice %arg5[%run_scoped3A_3, %dma_start3A_152, %dma_start3A_153] : memref<2x4x128xi32, #tpu.memory_space<vmem>> -> memref<1x4x128xi32, #tpu.memory_space<vmem>>
      %dma_start3A_155 = tpu.memref_squeeze %dma_start3A_154 : memref<1x4x128xi32, #tpu.memory_space<vmem>> -> memref<4x128xi32, #tpu.memory_space<vmem>>
      %dma_start3A_156 = arith.constant 0 : i32
      %dma_start3A_157 = tpu.memref_slice %arg2[%run_scoped3A, %mul3A_2, %dma_start3A_156] : memref<200x128x128xi32, #tpu.memory_space<hbm>> -> memref<1x4x128xi32, #tpu.memory_space<hbm>>
      %dma_start3A_158 = tpu.memref_squeeze %dma_start3A_157 : memref<1x4x128xi32, #tpu.memory_space<hbm>> -> memref<4x128xi32, #tpu.memory_space<hbm>>
      tpu.enqueue_dma source(%dma_start3A_158 : memref<4x128xi32, #tpu.memory_space<hbm>>) target(%dma_start3A_155 : memref<4x128xi32, #tpu.memory_space<vmem>>) target_semaphore(%run_scoped3A_144 : memref<!tpu.dma_semaphore, #tpu.memory_space<semaphore_mem>>)
      %dma_wait3A_159 = arith.constant 0 : i32
      %dma_wait3A_160 = arith.constant 0 : i32
      %dma_wait3A_161 = tpu.memref_slice %arg5[%run_scoped3A_3, %dma_wait3A_159, %dma_wait3A_160] : memref<2x4x128xi32, #tpu.memory_space<vmem>> -> memref<1x4x128xi32, #tpu.memory_space<vmem>>
      %dma_wait3A_162 = tpu.memref_squeeze %dma_wait3A_161 : memref<1x4x128xi32, #tpu.memory_space<vmem>> -> memref<4x128xi32, #tpu.memory_space<vmem>>
      %dma_wait3A_163 = arith.constant 0 : i32
      %dma_wait3A_164 = tpu.memref_slice %arg2[%run_scoped3A, %mul3A_2, %dma_wait3A_163] : memref<200x128x128xi32, #tpu.memory_space<hbm>> -> memref<1x4x128xi32, #tpu.memory_space<hbm>>
      %dma_wait3A_165 = tpu.memref_squeeze %dma_wait3A_164 : memref<1x4x128xi32, #tpu.memory_space<hbm>> -> memref<4x128xi32, #tpu.memory_space<hbm>>
      %dma_wait3A_166 = arith.constant 0 : i32
      %dma_wait3A_167 = arith.constant 0 : i32
      %dma_wait3A_168 = tpu.memref_slice %arg5[%run_scoped3A_3, %dma_wait3A_166, %dma_wait3A_167] : memref<2x4x128xi32, #tpu.memory_space<vmem>> -> memref<1x4x128xi32, #tpu.memory_space<vmem>>
      %dma_wait3A_169 = tpu.memref_squeeze %dma_wait3A_168 : memref<1x4x128xi32, #tpu.memory_space<vmem>> -> memref<4x128xi32, #tpu.memory_space<vmem>>
      %dma_wait3A_170 = arith.constant 0 : i32
      %dma_wait3A_171 = tpu.memref_slice %arg2[%run_scoped3A, %mul3A_2, %dma_wait3A_170] : memref<200x128x128xi32, #tpu.memory_space<hbm>> -> memref<1x4x128xi32, #tpu.memory_space<hbm>>
      %dma_wait3A_172 = tpu.memref_squeeze %dma_wait3A_171 : memref<1x4x128xi32, #tpu.memory_space<hbm>> -> memref<4x128xi32, #tpu.memory_space<hbm>>
      tpu.wait_dma2 semaphore(%run_scoped3A_144 : memref<!tpu.dma_semaphore, #tpu.memory_space<semaphore_mem>>) src(%dma_wait3A_172 : memref<4x128xi32, #tpu.memory_space<hbm>>) dst(%dma_wait3A_169 : memref<4x128xi32, #tpu.memory_space<vmem>>)
      tpu.yield
    }) : () -> ()
    %dma_start3A = arith.constant 0 : i32
    %dma_start3A_4 = arith.constant 0 : i32
    %dma_start3A_5 = arith.constant 0 : i32
    %dma_start3A_6 = arith.constant 0 : i32
    %dma_start3A_7 = arith.constant 0 : i32
    %dma_start3A_8 = arith.constant 0 : i32
    %dma_start3A_9 = tpu.memref_slice %arg6[%dma_start3A_5, %dma_start3A_7, %dma_start3A_8] : memref<2x512x64xf32, #tpu.memory_space<vmem>> -> memref<1x128x64xf32, #tpu.memory_space<vmem>>
    %dma_start3A_10 = tpu.memref_squeeze %dma_start3A_9 : memref<1x128x64xf32, #tpu.memory_space<vmem>> -> memref<128x64xf32, #tpu.memory_space<vmem>>
    %dma_start3A_11 = arith.constant 0 : i32
    %dma_start3A_12 = tpu.memref_slice %arg5[%dma_start3A, %dma_start3A_4, %dma_start3A_11] : memref<2x4x128xi32, #tpu.memory_space<vmem>> -> memref<1x1x128xi32, #tpu.memory_space<vmem>>
    %dma_start3A_13 = tpu.memref_squeeze %dma_start3A_12 : memref<1x1x128xi32, #tpu.memory_space<vmem>> -> memref<128xi32, #tpu.memory_space<vmem>>
    %dma_start3A_14 = arith.constant 0 : i32
    %dma_start3A_15 = arith.constant 0 : i32
    %dma_start3A_16 = tpu.memref_slice %arg3[%dma_start3A_14, %dma_start3A_15] : memref<1000000x64xf32, #tpu.memory_space<hbm>> -> memref<1000000x64xf32, #tpu.memory_space<hbm>>
    %dma_start3A_17 = tpu.memref_slice %arg9[%dma_start3A_6] : memref<2x!tpu.dma_semaphore, #tpu.memory_space<semaphore_mem>> -> memref<1x!tpu.dma_semaphore, #tpu.memory_space<semaphore_mem>>
    %dma_start3A_18 = tpu.memref_squeeze %dma_start3A_17 : memref<1x!tpu.dma_semaphore, #tpu.memory_space<semaphore_mem>> -> memref<!tpu.dma_semaphore, #tpu.memory_space<semaphore_mem>>
    tpu.enqueue_indirect_dma source(%dma_start3A_16 : memref<1000000x64xf32, #tpu.memory_space<hbm>>) target(%dma_start3A_10 : memref<128x64xf32, #tpu.memory_space<vmem>>) offsets(%dma_start3A_13 : memref<128xi32, #tpu.memory_space<vmem>>) semaphore(%dma_start3A_18 : memref<!tpu.dma_semaphore, #tpu.memory_space<semaphore_mem>>)
    %dma_start3A_19 = arith.constant 0 : i32
    %dma_start3A_20 = arith.constant 1 : i32
    %dma_start3A_21 = arith.constant 0 : i32
    %dma_start3A_22 = arith.constant 0 : i32
    %dma_start3A_23 = arith.constant 128 : i32
    %dma_start3A_24 = arith.constant 0 : i32
    %dma_start3A_25 = tpu.memref_slice %arg6[%dma_start3A_21, %dma_start3A_23, %dma_start3A_24] : memref<2x512x64xf32, #tpu.memory_space<vmem>> -> memref<1x128x64xf32, #tpu.memory_space<vmem>>
    %dma_start3A_26 = tpu.memref_squeeze %dma_start3A_25 : memref<1x128x64xf32, #tpu.memory_space<vmem>> -> memref<128x64xf32, #tpu.memory_space<vmem>>
    %dma_start3A_27 = arith.constant 0 : i32
    %dma_start3A_28 = tpu.memref_slice %arg5[%dma_start3A_19, %dma_start3A_20, %dma_start3A_27] : memref<2x4x128xi32, #tpu.memory_space<vmem>> -> memref<1x1x128xi32, #tpu.memory_space<vmem>>
    %dma_start3A_29 = tpu.memref_squeeze %dma_start3A_28 : memref<1x1x128xi32, #tpu.memory_space<vmem>> -> memref<128xi32, #tpu.memory_space<vmem>>
    %dma_start3A_30 = arith.constant 0 : i32
    %dma_start3A_31 = arith.constant 0 : i32
    %dma_start3A_32 = tpu.memref_slice %arg3[%dma_start3A_30, %dma_start3A_31] : memref<1000000x64xf32, #tpu.memory_space<hbm>> -> memref<1000000x64xf32, #tpu.memory_space<hbm>>
    %dma_start3A_33 = tpu.memref_slice %arg9[%dma_start3A_22] : memref<2x!tpu.dma_semaphore, #tpu.memory_space<semaphore_mem>> -> memref<1x!tpu.dma_semaphore, #tpu.memory_space<semaphore_mem>>
    %dma_start3A_34 = tpu.memref_squeeze %dma_start3A_33 : memref<1x!tpu.dma_semaphore, #tpu.memory_space<semaphore_mem>> -> memref<!tpu.dma_semaphore, #tpu.memory_space<semaphore_mem>>
    tpu.enqueue_indirect_dma source(%dma_start3A_32 : memref<1000000x64xf32, #tpu.memory_space<hbm>>) target(%dma_start3A_26 : memref<128x64xf32, #tpu.memory_space<vmem>>) offsets(%dma_start3A_29 : memref<128xi32, #tpu.memory_space<vmem>>) semaphore(%dma_start3A_34 : memref<!tpu.dma_semaphore, #tpu.memory_space<semaphore_mem>>)
    %dma_start3A_35 = arith.constant 0 : i32
    %dma_start3A_36 = arith.constant 2 : i32
    %dma_start3A_37 = arith.constant 0 : i32
    %dma_start3A_38 = arith.constant 0 : i32
    %dma_start3A_39 = arith.constant 256 : i32
    %dma_start3A_40 = arith.constant 0 : i32
    %dma_start3A_41 = tpu.memref_slice %arg6[%dma_start3A_37, %dma_start3A_39, %dma_start3A_40] : memref<2x512x64xf32, #tpu.memory_space<vmem>> -> memref<1x128x64xf32, #tpu.memory_space<vmem>>
    %dma_start3A_42 = tpu.memref_squeeze %dma_start3A_41 : memref<1x128x64xf32, #tpu.memory_space<vmem>> -> memref<128x64xf32, #tpu.memory_space<vmem>>
    %dma_start3A_43 = arith.constant 0 : i32
    %dma_start3A_44 = tpu.memref_slice %arg5[%dma_start3A_35, %dma_start3A_36, %dma_start3A_43] : memref<2x4x128xi32, #tpu.memory_space<vmem>> -> memref<1x1x128xi32, #tpu.memory_space<vmem>>
    %dma_start3A_45 = tpu.memref_squeeze %dma_start3A_44 : memref<1x1x128xi32, #tpu.memory_space<vmem>> -> memref<128xi32, #tpu.memory_space<vmem>>
    %dma_start3A_46 = arith.constant 0 : i32
    %dma_start3A_47 = arith.constant 0 : i32
    %dma_start3A_48 = tpu.memref_slice %arg3[%dma_start3A_46, %dma_start3A_47] : memref<1000000x64xf32, #tpu.memory_space<hbm>> -> memref<1000000x64xf32, #tpu.memory_space<hbm>>
    %dma_start3A_49 = tpu.memref_slice %arg9[%dma_start3A_38] : memref<2x!tpu.dma_semaphore, #tpu.memory_space<semaphore_mem>> -> memref<1x!tpu.dma_semaphore, #tpu.memory_space<semaphore_mem>>
    %dma_start3A_50 = tpu.memref_squeeze %dma_start3A_49 : memref<1x!tpu.dma_semaphore, #tpu.memory_space<semaphore_mem>> -> memref<!tpu.dma_semaphore, #tpu.memory_space<semaphore_mem>>
    tpu.enqueue_indirect_dma source(%dma_start3A_48 : memref<1000000x64xf32, #tpu.memory_space<hbm>>) target(%dma_start3A_42 : memref<128x64xf32, #tpu.memory_space<vmem>>) offsets(%dma_start3A_45 : memref<128xi32, #tpu.memory_space<vmem>>) semaphore(%dma_start3A_50 : memref<!tpu.dma_semaphore, #tpu.memory_space<semaphore_mem>>)
    %dma_start3A_51 = arith.constant 0 : i32
    %dma_start3A_52 = arith.constant 3 : i32
    %dma_start3A_53 = arith.constant 0 : i32
    %dma_start3A_54 = arith.constant 0 : i32
    %dma_start3A_55 = arith.constant 384 : i32
    %dma_start3A_56 = arith.constant 0 : i32
    %dma_start3A_57 = tpu.memref_slice %arg6[%dma_start3A_53, %dma_start3A_55, %dma_start3A_56] : memref<2x512x64xf32, #tpu.memory_space<vmem>> -> memref<1x128x64xf32, #tpu.memory_space<vmem>>
    %dma_start3A_58 = tpu.memref_squeeze %dma_start3A_57 : memref<1x128x64xf32, #tpu.memory_space<vmem>> -> memref<128x64xf32, #tpu.memory_space<vmem>>
    %dma_start3A_59 = arith.constant 0 : i32
    %dma_start3A_60 = tpu.memref_slice %arg5[%dma_start3A_51, %dma_start3A_52, %dma_start3A_59] : memref<2x4x128xi32, #tpu.memory_space<vmem>> -> memref<1x1x128xi32, #tpu.memory_space<vmem>>
    %dma_start3A_61 = tpu.memref_squeeze %dma_start3A_60 : memref<1x1x128xi32, #tpu.memory_space<vmem>> -> memref<128xi32, #tpu.memory_space<vmem>>
    %dma_start3A_62 = arith.constant 0 : i32
    %dma_start3A_63 = arith.constant 0 : i32
    %dma_start3A_64 = tpu.memref_slice %arg3[%dma_start3A_62, %dma_start3A_63] : memref<1000000x64xf32, #tpu.memory_space<hbm>> -> memref<1000000x64xf32, #tpu.memory_space<hbm>>
    %dma_start3A_65 = tpu.memref_slice %arg9[%dma_start3A_54] : memref<2x!tpu.dma_semaphore, #tpu.memory_space<semaphore_mem>> -> memref<1x!tpu.dma_semaphore, #tpu.memory_space<semaphore_mem>>
    %dma_start3A_66 = tpu.memref_squeeze %dma_start3A_65 : memref<1x!tpu.dma_semaphore, #tpu.memory_space<semaphore_mem>> -> memref<!tpu.dma_semaphore, #tpu.memory_space<semaphore_mem>>
    tpu.enqueue_indirect_dma source(%dma_start3A_64 : memref<1000000x64xf32, #tpu.memory_space<hbm>>) target(%dma_start3A_58 : memref<128x64xf32, #tpu.memory_space<vmem>>) offsets(%dma_start3A_61 : memref<128xi32, #tpu.memory_space<vmem>>) semaphore(%dma_start3A_66 : memref<!tpu.dma_semaphore, #tpu.memory_space<semaphore_mem>>)
    %dma_start3A_67 = arith.constant 1 : i32
    %dma_start3A_68 = arith.constant 1 : i32
    %dma_start3A_69 = arith.constant 1 : i32
    %dma_start3A_70 = arith.constant 0 : i32
    %dma_start3A_71 = arith.constant 0 : i32
    %dma_start3A_72 = tpu.memref_slice %arg5[%dma_start3A_68, %dma_start3A_70, %dma_start3A_71] : memref<2x4x128xi32, #tpu.memory_space<vmem>> -> memref<1x4x128xi32, #tpu.memory_space<vmem>>
    %dma_start3A_73 = tpu.memref_squeeze %dma_start3A_72 : memref<1x4x128xi32, #tpu.memory_space<vmem>> -> memref<4x128xi32, #tpu.memory_space<vmem>>
    %dma_start3A_74 = arith.constant 0 : i32
    %dma_start3A_75 = tpu.memref_slice %arg2[%dma_start3A_67, %mul3A_2, %dma_start3A_74] : memref<200x128x128xi32, #tpu.memory_space<hbm>> -> memref<1x4x128xi32, #tpu.memory_space<hbm>>
    %dma_start3A_76 = tpu.memref_squeeze %dma_start3A_75 : memref<1x4x128xi32, #tpu.memory_space<hbm>> -> memref<4x128xi32, #tpu.memory_space<hbm>>
    %dma_start3A_77 = tpu.memref_slice %arg8[%dma_start3A_69] : memref<2x!tpu.dma_semaphore, #tpu.memory_space<semaphore_mem>> -> memref<1x!tpu.dma_semaphore, #tpu.memory_space<semaphore_mem>>
    %dma_start3A_78 = tpu.memref_squeeze %dma_start3A_77 : memref<1x!tpu.dma_semaphore, #tpu.memory_space<semaphore_mem>> -> memref<!tpu.dma_semaphore, #tpu.memory_space<semaphore_mem>>
    %dma_start3A_79 = arith.constant 0 : i32
    %dma_start3A_80 = arith.constant 0 : i32
    %dma_start3A_81 = tpu.memref_slice %arg5[%dma_start3A_68, %dma_start3A_79, %dma_start3A_80] : memref<2x4x128xi32, #tpu.memory_space<vmem>> -> memref<1x4x128xi32, #tpu.memory_space<vmem>>
    %dma_start3A_82 = tpu.memref_squeeze %dma_start3A_81 : memref<1x4x128xi32, #tpu.memory_space<vmem>> -> memref<4x128xi32, #tpu.memory_space<vmem>>
    %dma_start3A_83 = arith.constant 0 : i32
    %dma_start3A_84 = tpu.memref_slice %arg2[%dma_start3A_67, %mul3A_2, %dma_start3A_83] : memref<200x128x128xi32, #tpu.memory_space<hbm>> -> memref<1x4x128xi32, #tpu.memory_space<hbm>>
    %dma_start3A_85 = tpu.memref_squeeze %dma_start3A_84 : memref<1x4x128xi32, #tpu.memory_space<hbm>> -> memref<4x128xi32, #tpu.memory_space<hbm>>
    tpu.enqueue_dma source(%dma_start3A_85 : memref<4x128xi32, #tpu.memory_space<hbm>>) target(%dma_start3A_82 : memref<4x128xi32, #tpu.memory_space<vmem>>) target_semaphore(%dma_start3A_78 : memref<!tpu.dma_semaphore, #tpu.memory_space<semaphore_mem>>)
    %iota3A = tpu.iota {dimensions = array<i32: 0>} : vector<16xi32>
    %scan3A = arith.constant 0 : i32
    %scan3A_86 = arith.constant 0 : i32
    %scan3A_87 = arith.constant 200 : i32
    %scan3A_88 = arith.addi %scan3A_86, %scan3A_87 : i32
    %scan3A_89 = arith.constant 1 : i32
    scf.for %scan3A_144 = %scan3A_86 to %scan3A_88 step %scan3A_89  : i32 {
      %rem3A = arith.constant 2 : i32
      %rem3A_145 = arith.remsi %scan3A_144, %rem3A : i32
      %add3A_146 = arith.constant 1 : i32
      %add3A_147 = arith.addi %scan3A_144, %add3A_146 : i32
      %rem3A_148 = arith.constant 2 : i32
      %rem3A_149 = arith.remsi %add3A_147, %rem3A_148 : i32
      %dma_wait3A_150 = arith.constant 0 : i32
      %dma_wait3A_151 = arith.constant 0 : i32
      %dma_wait3A_152 = tpu.memref_slice %arg6[%rem3A_145, %dma_wait3A_150, %dma_wait3A_151] : memref<2x512x64xf32, #tpu.memory_space<vmem>> -> memref<1x128x64xf32, #tpu.memory_space<vmem>>
      %dma_wait3A_153 = tpu.memref_squeeze %dma_wait3A_152 : memref<1x128x64xf32, #tpu.memory_space<vmem>> -> memref<128x64xf32, #tpu.memory_space<vmem>>
      %dma_wait3A_154 = arith.constant 0 : i32
      %dma_wait3A_155 = arith.constant 0 : i32
      %dma_wait3A_156 = tpu.memref_slice %arg3[%dma_wait3A_154, %dma_wait3A_155] : memref<1000000x64xf32, #tpu.memory_space<hbm>> -> memref<128x64xf32, #tpu.memory_space<hbm>>
      %dma_wait3A_157 = tpu.memref_slice %arg9[%rem3A_145] : memref<2x!tpu.dma_semaphore, #tpu.memory_space<semaphore_mem>> -> memref<1x!tpu.dma_semaphore, #tpu.memory_space<semaphore_mem>>
      %dma_wait3A_158 = tpu.memref_squeeze %dma_wait3A_157 : memref<1x!tpu.dma_semaphore, #tpu.memory_space<semaphore_mem>> -> memref<!tpu.dma_semaphore, #tpu.memory_space<semaphore_mem>>
      %dma_wait3A_159 = arith.constant 0 : i32
      %dma_wait3A_160 = arith.constant 0 : i32
      %dma_wait3A_161 = tpu.memref_slice %arg6[%rem3A_145, %dma_wait3A_159, %dma_wait3A_160] : memref<2x512x64xf32, #tpu.memory_space<vmem>> -> memref<1x128x64xf32, #tpu.memory_space<vmem>>
      %dma_wait3A_162 = tpu.memref_squeeze %dma_wait3A_161 : memref<1x128x64xf32, #tpu.memory_space<vmem>> -> memref<128x64xf32, #tpu.memory_space<vmem>>
      %dma_wait3A_163 = arith.constant 0 : i32
      %dma_wait3A_164 = arith.constant 0 : i32
      %dma_wait3A_165 = tpu.memref_slice %arg3[%dma_wait3A_163, %dma_wait3A_164] : memref<1000000x64xf32, #tpu.memory_space<hbm>> -> memref<128x64xf32, #tpu.memory_space<hbm>>
      tpu.wait_dma2 semaphore(%dma_wait3A_158 : memref<!tpu.dma_semaphore, #tpu.memory_space<semaphore_mem>>) src(%dma_wait3A_165 : memref<128x64xf32, #tpu.memory_space<hbm>>) dst(%dma_wait3A_162 : memref<128x64xf32, #tpu.memory_space<vmem>>)
      %dma_wait3A_166 = arith.constant 128 : i32
      %dma_wait3A_167 = arith.constant 0 : i32
      %dma_wait3A_168 = tpu.memref_slice %arg6[%rem3A_145, %dma_wait3A_166, %dma_wait3A_167] : memref<2x512x64xf32, #tpu.memory_space<vmem>> -> memref<1x128x64xf32, #tpu.memory_space<vmem>>
      %dma_wait3A_169 = tpu.memref_squeeze %dma_wait3A_168 : memref<1x128x64xf32, #tpu.memory_space<vmem>> -> memref<128x64xf32, #tpu.memory_space<vmem>>
      %dma_wait3A_170 = arith.constant 0 : i32
      %dma_wait3A_171 = arith.constant 0 : i32
      %dma_wait3A_172 = tpu.memref_slice %arg3[%dma_wait3A_170, %dma_wait3A_171] : memref<1000000x64xf32, #tpu.memory_space<hbm>> -> memref<128x64xf32, #tpu.memory_space<hbm>>
      %dma_wait3A_173 = tpu.memref_slice %arg9[%rem3A_145] : memref<2x!tpu.dma_semaphore, #tpu.memory_space<semaphore_mem>> -> memref<1x!tpu.dma_semaphore, #tpu.memory_space<semaphore_mem>>
      %dma_wait3A_174 = tpu.memref_squeeze %dma_wait3A_173 : memref<1x!tpu.dma_semaphore, #tpu.memory_space<semaphore_mem>> -> memref<!tpu.dma_semaphore, #tpu.memory_space<semaphore_mem>>
      %dma_wait3A_175 = arith.constant 128 : i32
      %dma_wait3A_176 = arith.constant 0 : i32
      %dma_wait3A_177 = tpu.memref_slice %arg6[%rem3A_145, %dma_wait3A_175, %dma_wait3A_176] : memref<2x512x64xf32, #tpu.memory_space<vmem>> -> memref<1x128x64xf32, #tpu.memory_space<vmem>>
      %dma_wait3A_178 = tpu.memref_squeeze %dma_wait3A_177 : memref<1x128x64xf32, #tpu.memory_space<vmem>> -> memref<128x64xf32, #tpu.memory_space<vmem>>
      %dma_wait3A_179 = arith.constant 0 : i32
      %dma_wait3A_180 = arith.constant 0 : i32
      %dma_wait3A_181 = tpu.memref_slice %arg3[%dma_wait3A_179, %dma_wait3A_180] : memref<1000000x64xf32, #tpu.memory_space<hbm>> -> memref<128x64xf32, #tpu.memory_space<hbm>>
      tpu.wait_dma2 semaphore(%dma_wait3A_174 : memref<!tpu.dma_semaphore, #tpu.memory_space<semaphore_mem>>) src(%dma_wait3A_181 : memref<128x64xf32, #tpu.memory_space<hbm>>) dst(%dma_wait3A_178 : memref<128x64xf32, #tpu.memory_space<vmem>>)
      %dma_wait3A_182 = arith.constant 256 : i32
      %dma_wait3A_183 = arith.constant 0 : i32
      %dma_wait3A_184 = tpu.memref_slice %arg6[%rem3A_145, %dma_wait3A_182, %dma_wait3A_183] : memref<2x512x64xf32, #tpu.memory_space<vmem>> -> memref<1x128x64xf32, #tpu.memory_space<vmem>>
      %dma_wait3A_185 = tpu.memref_squeeze %dma_wait3A_184 : memref<1x128x64xf32, #tpu.memory_space<vmem>> -> memref<128x64xf32, #tpu.memory_space<vmem>>
      %dma_wait3A_186 = arith.constant 0 : i32
      %dma_wait3A_187 = arith.constant 0 : i32
      %dma_wait3A_188 = tpu.memref_slice %arg3[%dma_wait3A_186, %dma_wait3A_187] : memref<1000000x64xf32, #tpu.memory_space<hbm>> -> memref<128x64xf32, #tpu.memory_space<hbm>>
      %dma_wait3A_189 = tpu.memref_slice %arg9[%rem3A_145] : memref<2x!tpu.dma_semaphore, #tpu.memory_space<semaphore_mem>> -> memref<1x!tpu.dma_semaphore, #tpu.memory_space<semaphore_mem>>
      %dma_wait3A_190 = tpu.memref_squeeze %dma_wait3A_189 : memref<1x!tpu.dma_semaphore, #tpu.memory_space<semaphore_mem>> -> memref<!tpu.dma_semaphore, #tpu.memory_space<semaphore_mem>>
      %dma_wait3A_191 = arith.constant 256 : i32
      %dma_wait3A_192 = arith.constant 0 : i32
      %dma_wait3A_193 = tpu.memref_slice %arg6[%rem3A_145, %dma_wait3A_191, %dma_wait3A_192] : memref<2x512x64xf32, #tpu.memory_space<vmem>> -> memref<1x128x64xf32, #tpu.memory_space<vmem>>
      %dma_wait3A_194 = tpu.memref_squeeze %dma_wait3A_193 : memref<1x128x64xf32, #tpu.memory_space<vmem>> -> memref<128x64xf32, #tpu.memory_space<vmem>>
      %dma_wait3A_195 = arith.constant 0 : i32
      %dma_wait3A_196 = arith.constant 0 : i32
      %dma_wait3A_197 = tpu.memref_slice %arg3[%dma_wait3A_195, %dma_wait3A_196] : memref<1000000x64xf32, #tpu.memory_space<hbm>> -> memref<128x64xf32, #tpu.memory_space<hbm>>
      tpu.wait_dma2 semaphore(%dma_wait3A_190 : memref<!tpu.dma_semaphore, #tpu.memory_space<semaphore_mem>>) src(%dma_wait3A_197 : memref<128x64xf32, #tpu.memory_space<hbm>>) dst(%dma_wait3A_194 : memref<128x64xf32, #tpu.memory_space<vmem>>)
      %dma_wait3A_198 = arith.constant 384 : i32
      %dma_wait3A_199 = arith.constant 0 : i32
      %dma_wait3A_200 = tpu.memref_slice %arg6[%rem3A_145, %dma_wait3A_198, %dma_wait3A_199] : memref<2x512x64xf32, #tpu.memory_space<vmem>> -> memref<1x128x64xf32, #tpu.memory_space<vmem>>
      %dma_wait3A_201 = tpu.memref_squeeze %dma_wait3A_200 : memref<1x128x64xf32, #tpu.memory_space<vmem>> -> memref<128x64xf32, #tpu.memory_space<vmem>>
      %dma_wait3A_202 = arith.constant 0 : i32
      %dma_wait3A_203 = arith.constant 0 : i32
      %dma_wait3A_204 = tpu.memref_slice %arg3[%dma_wait3A_202, %dma_wait3A_203] : memref<1000000x64xf32, #tpu.memory_space<hbm>> -> memref<128x64xf32, #tpu.memory_space<hbm>>
      %dma_wait3A_205 = tpu.memref_slice %arg9[%rem3A_145] : memref<2x!tpu.dma_semaphore, #tpu.memory_space<semaphore_mem>> -> memref<1x!tpu.dma_semaphore, #tpu.memory_space<semaphore_mem>>
      %dma_wait3A_206 = tpu.memref_squeeze %dma_wait3A_205 : memref<1x!tpu.dma_semaphore, #tpu.memory_space<semaphore_mem>> -> memref<!tpu.dma_semaphore, #tpu.memory_space<semaphore_mem>>
      %dma_wait3A_207 = arith.constant 384 : i32
      %dma_wait3A_208 = arith.constant 0 : i32
      %dma_wait3A_209 = tpu.memref_slice %arg6[%rem3A_145, %dma_wait3A_207, %dma_wait3A_208] : memref<2x512x64xf32, #tpu.memory_space<vmem>> -> memref<1x128x64xf32, #tpu.memory_space<vmem>>
      %dma_wait3A_210 = tpu.memref_squeeze %dma_wait3A_209 : memref<1x128x64xf32, #tpu.memory_space<vmem>> -> memref<128x64xf32, #tpu.memory_space<vmem>>
      %dma_wait3A_211 = arith.constant 0 : i32
      %dma_wait3A_212 = arith.constant 0 : i32
      %dma_wait3A_213 = tpu.memref_slice %arg3[%dma_wait3A_211, %dma_wait3A_212] : memref<1000000x64xf32, #tpu.memory_space<hbm>> -> memref<128x64xf32, #tpu.memory_space<hbm>>
      tpu.wait_dma2 semaphore(%dma_wait3A_206 : memref<!tpu.dma_semaphore, #tpu.memory_space<semaphore_mem>>) src(%dma_wait3A_213 : memref<128x64xf32, #tpu.memory_space<hbm>>) dst(%dma_wait3A_210 : memref<128x64xf32, #tpu.memory_space<vmem>>)
      %add3A_214 = arith.constant 2 : i32
      %add3A_215 = arith.addi %scan3A_144, %add3A_214 : i32
      %lt3A = arith.constant 200 : i32
      %lt3A_216 = arith.cmpi slt, %add3A_215, %lt3A : i32
      %convert_element_type3A = arith.extui %lt3A_216 : i1 to i32
      %cond3A = arith.constant 0 : i32
      %cond3A_217 = arith.cmpi ne, %convert_element_type3A, %cond3A : i32
      scf.if %cond3A_217 {
        %add3A_308 = arith.constant 2 : i32
        %add3A_309 = arith.addi %scan3A_144, %add3A_308 : i32
        %dma_start3A_310 = arith.constant 0 : i32
        %dma_start3A_311 = arith.constant 0 : i32
        %dma_start3A_312 = tpu.memref_slice %arg5[%rem3A_145, %dma_start3A_310, %dma_start3A_311] : memref<2x4x128xi32, #tpu.memory_space<vmem>> -> memref<1x4x128xi32, #tpu.memory_space<vmem>>
        %dma_start3A_313 = tpu.memref_squeeze %dma_start3A_312 : memref<1x4x128xi32, #tpu.memory_space<vmem>> -> memref<4x128xi32, #tpu.memory_space<vmem>>
        %dma_start3A_314 = arith.constant 0 : i32
        %dma_start3A_315 = tpu.memref_slice %arg2[%add3A_309, %mul3A_2, %dma_start3A_314] : memref<200x128x128xi32, #tpu.memory_space<hbm>> -> memref<1x4x128xi32, #tpu.memory_space<hbm>>
        %dma_start3A_316 = tpu.memref_squeeze %dma_start3A_315 : memref<1x4x128xi32, #tpu.memory_space<hbm>> -> memref<4x128xi32, #tpu.memory_space<hbm>>
        %dma_start3A_317 = tpu.memref_slice %arg8[%rem3A_145] : memref<2x!tpu.dma_semaphore, #tpu.memory_space<semaphore_mem>> -> memref<1x!tpu.dma_semaphore, #tpu.memory_space<semaphore_mem>>
        %dma_start3A_318 = tpu.memref_squeeze %dma_start3A_317 : memref<1x!tpu.dma_semaphore, #tpu.memory_space<semaphore_mem>> -> memref<!tpu.dma_semaphore, #tpu.memory_space<semaphore_mem>>
        %dma_start3A_319 = arith.constant 0 : i32
        %dma_start3A_320 = arith.constant 0 : i32
        %dma_start3A_321 = tpu.memref_slice %arg5[%rem3A_145, %dma_start3A_319, %dma_start3A_320] : memref<2x4x128xi32, #tpu.memory_space<vmem>> -> memref<1x4x128xi32, #tpu.memory_space<vmem>>
        %dma_start3A_322 = tpu.memref_squeeze %dma_start3A_321 : memref<1x4x128xi32, #tpu.memory_space<vmem>> -> memref<4x128xi32, #tpu.memory_space<vmem>>
        %dma_start3A_323 = arith.constant 0 : i32
        %dma_start3A_324 = tpu.memref_slice %arg2[%add3A_309, %mul3A_2, %dma_start3A_323] : memref<200x128x128xi32, #tpu.memory_space<hbm>> -> memref<1x4x128xi32, #tpu.memory_space<hbm>>
        %dma_start3A_325 = tpu.memref_squeeze %dma_start3A_324 : memref<1x4x128xi32, #tpu.memory_space<hbm>> -> memref<4x128xi32, #tpu.memory_space<hbm>>
        tpu.enqueue_dma source(%dma_start3A_325 : memref<4x128xi32, #tpu.memory_space<hbm>>) target(%dma_start3A_322 : memref<4x128xi32, #tpu.memory_space<vmem>>) target_semaphore(%dma_start3A_318 : memref<!tpu.dma_semaphore, #tpu.memory_space<semaphore_mem>>)
      } else {
      }
      %add3A_218 = arith.constant 1 : i32
      %add3A_219 = arith.addi %scan3A_144, %add3A_218 : i32
      %lt3A_220 = arith.constant 200 : i32
      %lt3A_221 = arith.cmpi slt, %add3A_219, %lt3A_220 : i32
      %convert_element_type3A_222 = arith.extui %lt3A_221 : i1 to i32
      %cond3A_223 = arith.constant 0 : i32
      %cond3A_224 = arith.cmpi ne, %convert_element_type3A_222, %cond3A_223 : i32
      scf.if %cond3A_224 {
        %dma_wait3A_308 = arith.constant 0 : i32
        %dma_wait3A_309 = arith.constant 0 : i32
        %dma_wait3A_310 = arith.constant 0 : i32
        %dma_wait3A_311 = tpu.memref_slice %arg5[%rem3A_149, %dma_wait3A_309, %dma_wait3A_310] : memref<2x4x128xi32, #tpu.memory_space<vmem>> -> memref<1x4x128xi32, #tpu.memory_space<vmem>>
        %dma_wait3A_312 = tpu.memref_squeeze %dma_wait3A_311 : memref<1x4x128xi32, #tpu.memory_space<vmem>> -> memref<4x128xi32, #tpu.memory_space<vmem>>
        %dma_wait3A_313 = arith.constant 0 : i32
        %dma_wait3A_314 = tpu.memref_slice %arg2[%dma_wait3A_308, %mul3A_2, %dma_wait3A_313] : memref<200x128x128xi32, #tpu.memory_space<hbm>> -> memref<1x4x128xi32, #tpu.memory_space<hbm>>
        %dma_wait3A_315 = tpu.memref_squeeze %dma_wait3A_314 : memref<1x4x128xi32, #tpu.memory_space<hbm>> -> memref<4x128xi32, #tpu.memory_space<hbm>>
        %dma_wait3A_316 = tpu.memref_slice %arg8[%rem3A_149] : memref<2x!tpu.dma_semaphore, #tpu.memory_space<semaphore_mem>> -> memref<1x!tpu.dma_semaphore, #tpu.memory_space<semaphore_mem>>
        %dma_wait3A_317 = tpu.memref_squeeze %dma_wait3A_316 : memref<1x!tpu.dma_semaphore, #tpu.memory_space<semaphore_mem>> -> memref<!tpu.dma_semaphore, #tpu.memory_space<semaphore_mem>>
        %dma_wait3A_318 = arith.constant 0 : i32
        %dma_wait3A_319 = arith.constant 0 : i32
        %dma_wait3A_320 = tpu.memref_slice %arg5[%rem3A_149, %dma_wait3A_318, %dma_wait3A_319] : memref<2x4x128xi32, #tpu.memory_space<vmem>> -> memref<1x4x128xi32, #tpu.memory_space<vmem>>
        %dma_wait3A_321 = tpu.memref_squeeze %dma_wait3A_320 : memref<1x4x128xi32, #tpu.memory_space<vmem>> -> memref<4x128xi32, #tpu.memory_space<vmem>>
        %dma_wait3A_322 = arith.constant 0 : i32
        %dma_wait3A_323 = tpu.memref_slice %arg2[%dma_wait3A_308, %mul3A_2, %dma_wait3A_322] : memref<200x128x128xi32, #tpu.memory_space<hbm>> -> memref<1x4x128xi32, #tpu.memory_space<hbm>>
        %dma_wait3A_324 = tpu.memref_squeeze %dma_wait3A_323 : memref<1x4x128xi32, #tpu.memory_space<hbm>> -> memref<4x128xi32, #tpu.memory_space<hbm>>
        tpu.wait_dma2 semaphore(%dma_wait3A_317 : memref<!tpu.dma_semaphore, #tpu.memory_space<semaphore_mem>>) src(%dma_wait3A_324 : memref<4x128xi32, #tpu.memory_space<hbm>>) dst(%dma_wait3A_321 : memref<4x128xi32, #tpu.memory_space<vmem>>)
        %dma_start3A_325 = arith.constant 0 : i32
        %dma_start3A_326 = arith.constant 0 : i32
        %dma_start3A_327 = arith.constant 0 : i32
        %dma_start3A_328 = tpu.memref_slice %arg6[%rem3A_149, %dma_start3A_326, %dma_start3A_327] : memref<2x512x64xf32, #tpu.memory_space<vmem>> -> memref<1x128x64xf32, #tpu.memory_space<vmem>>
        %dma_start3A_329 = tpu.memref_squeeze %dma_start3A_328 : memref<1x128x64xf32, #tpu.memory_space<vmem>> -> memref<128x64xf32, #tpu.memory_space<vmem>>
        %dma_start3A_330 = arith.constant 0 : i32
        %dma_start3A_331 = tpu.memref_slice %arg5[%rem3A_149, %dma_start3A_325, %dma_start3A_330] : memref<2x4x128xi32, #tpu.memory_space<vmem>> -> memref<1x1x128xi32, #tpu.memory_space<vmem>>
        %dma_start3A_332 = tpu.memref_squeeze %dma_start3A_331 : memref<1x1x128xi32, #tpu.memory_space<vmem>> -> memref<128xi32, #tpu.memory_space<vmem>>
        %dma_start3A_333 = arith.constant 0 : i32
        %dma_start3A_334 = arith.constant 0 : i32
        %dma_start3A_335 = tpu.memref_slice %arg3[%dma_start3A_333, %dma_start3A_334] : memref<1000000x64xf32, #tpu.memory_space<hbm>> -> memref<1000000x64xf32, #tpu.memory_space<hbm>>
        %dma_start3A_336 = tpu.memref_slice %arg9[%rem3A_149] : memref<2x!tpu.dma_semaphore, #tpu.memory_space<semaphore_mem>> -> memref<1x!tpu.dma_semaphore, #tpu.memory_space<semaphore_mem>>
        %dma_start3A_337 = tpu.memref_squeeze %dma_start3A_336 : memref<1x!tpu.dma_semaphore, #tpu.memory_space<semaphore_mem>> -> memref<!tpu.dma_semaphore, #tpu.memory_space<semaphore_mem>>
        tpu.enqueue_indirect_dma source(%dma_start3A_335 : memref<1000000x64xf32, #tpu.memory_space<hbm>>) target(%dma_start3A_329 : memref<128x64xf32, #tpu.memory_space<vmem>>) offsets(%dma_start3A_332 : memref<128xi32, #tpu.memory_space<vmem>>) semaphore(%dma_start3A_337 : memref<!tpu.dma_semaphore, #tpu.memory_space<semaphore_mem>>)
        %dma_start3A_338 = arith.constant 1 : i32
        %dma_start3A_339 = arith.constant 128 : i32
        %dma_start3A_340 = arith.constant 0 : i32
        %dma_start3A_341 = tpu.memref_slice %arg6[%rem3A_149, %dma_start3A_339, %dma_start3A_340] : memref<2x512x64xf32, #tpu.memory_space<vmem>> -> memref<1x128x64xf32, #tpu.memory_space<vmem>>
        %dma_start3A_342 = tpu.memref_squeeze %dma_start3A_341 : memref<1x128x64xf32, #tpu.memory_space<vmem>> -> memref<128x64xf32, #tpu.memory_space<vmem>>
        %dma_start3A_343 = arith.constant 0 : i32
        %dma_start3A_344 = tpu.memref_slice %arg5[%rem3A_149, %dma_start3A_338, %dma_start3A_343] : memref<2x4x128xi32, #tpu.memory_space<vmem>> -> memref<1x1x128xi32, #tpu.memory_space<vmem>>
        %dma_start3A_345 = tpu.memref_squeeze %dma_start3A_344 : memref<1x1x128xi32, #tpu.memory_space<vmem>> -> memref<128xi32, #tpu.memory_space<vmem>>
        %dma_start3A_346 = arith.constant 0 : i32
        %dma_start3A_347 = arith.constant 0 : i32
        %dma_start3A_348 = tpu.memref_slice %arg3[%dma_start3A_346, %dma_start3A_347] : memref<1000000x64xf32, #tpu.memory_space<hbm>> -> memref<1000000x64xf32, #tpu.memory_space<hbm>>
        %dma_start3A_349 = tpu.memref_slice %arg9[%rem3A_149] : memref<2x!tpu.dma_semaphore, #tpu.memory_space<semaphore_mem>> -> memref<1x!tpu.dma_semaphore, #tpu.memory_space<semaphore_mem>>
        %dma_start3A_350 = tpu.memref_squeeze %dma_start3A_349 : memref<1x!tpu.dma_semaphore, #tpu.memory_space<semaphore_mem>> -> memref<!tpu.dma_semaphore, #tpu.memory_space<semaphore_mem>>
        tpu.enqueue_indirect_dma source(%dma_start3A_348 : memref<1000000x64xf32, #tpu.memory_space<hbm>>) target(%dma_start3A_342 : memref<128x64xf32, #tpu.memory_space<vmem>>) offsets(%dma_start3A_345 : memref<128xi32, #tpu.memory_space<vmem>>) semaphore(%dma_start3A_350 : memref<!tpu.dma_semaphore, #tpu.memory_space<semaphore_mem>>)
        %dma_start3A_351 = arith.constant 2 : i32
        %dma_start3A_352 = arith.constant 256 : i32
        %dma_start3A_353 = arith.constant 0 : i32
        %dma_start3A_354 = tpu.memref_slice %arg6[%rem3A_149, %dma_start3A_352, %dma_start3A_353] : memref<2x512x64xf32, #tpu.memory_space<vmem>> -> memref<1x128x64xf32, #tpu.memory_space<vmem>>
        %dma_start3A_355 = tpu.memref_squeeze %dma_start3A_354 : memref<1x128x64xf32, #tpu.memory_space<vmem>> -> memref<128x64xf32, #tpu.memory_space<vmem>>
        %dma_start3A_356 = arith.constant 0 : i32
        %dma_start3A_357 = tpu.memref_slice %arg5[%rem3A_149, %dma_start3A_351, %dma_start3A_356] : memref<2x4x128xi32, #tpu.memory_space<vmem>> -> memref<1x1x128xi32, #tpu.memory_space<vmem>>
        %dma_start3A_358 = tpu.memref_squeeze %dma_start3A_357 : memref<1x1x128xi32, #tpu.memory_space<vmem>> -> memref<128xi32, #tpu.memory_space<vmem>>
        %dma_start3A_359 = arith.constant 0 : i32
        %dma_start3A_360 = arith.constant 0 : i32
        %dma_start3A_361 = tpu.memref_slice %arg3[%dma_start3A_359, %dma_start3A_360] : memref<1000000x64xf32, #tpu.memory_space<hbm>> -> memref<1000000x64xf32, #tpu.memory_space<hbm>>
        %dma_start3A_362 = tpu.memref_slice %arg9[%rem3A_149] : memref<2x!tpu.dma_semaphore, #tpu.memory_space<semaphore_mem>> -> memref<1x!tpu.dma_semaphore, #tpu.memory_space<semaphore_mem>>
        %dma_start3A_363 = tpu.memref_squeeze %dma_start3A_362 : memref<1x!tpu.dma_semaphore, #tpu.memory_space<semaphore_mem>> -> memref<!tpu.dma_semaphore, #tpu.memory_space<semaphore_mem>>
        tpu.enqueue_indirect_dma source(%dma_start3A_361 : memref<1000000x64xf32, #tpu.memory_space<hbm>>) target(%dma_start3A_355 : memref<128x64xf32, #tpu.memory_space<vmem>>) offsets(%dma_start3A_358 : memref<128xi32, #tpu.memory_space<vmem>>) semaphore(%dma_start3A_363 : memref<!tpu.dma_semaphore, #tpu.memory_space<semaphore_mem>>)
        %dma_start3A_364 = arith.constant 3 : i32
        %dma_start3A_365 = arith.constant 384 : i32
        %dma_start3A_366 = arith.constant 0 : i32
        %dma_start3A_367 = tpu.memref_slice %arg6[%rem3A_149, %dma_start3A_365, %dma_start3A_366] : memref<2x512x64xf32, #tpu.memory_space<vmem>> -> memref<1x128x64xf32, #tpu.memory_space<vmem>>
        %dma_start3A_368 = tpu.memref_squeeze %dma_start3A_367 : memref<1x128x64xf32, #tpu.memory_space<vmem>> -> memref<128x64xf32, #tpu.memory_space<vmem>>
        %dma_start3A_369 = arith.constant 0 : i32
        %dma_start3A_370 = tpu.memref_slice %arg5[%rem3A_149, %dma_start3A_364, %dma_start3A_369] : memref<2x4x128xi32, #tpu.memory_space<vmem>> -> memref<1x1x128xi32, #tpu.memory_space<vmem>>
        %dma_start3A_371 = tpu.memref_squeeze %dma_start3A_370 : memref<1x1x128xi32, #tpu.memory_space<vmem>> -> memref<128xi32, #tpu.memory_space<vmem>>
        %dma_start3A_372 = arith.constant 0 : i32
        %dma_start3A_373 = arith.constant 0 : i32
        %dma_start3A_374 = tpu.memref_slice %arg3[%dma_start3A_372, %dma_start3A_373] : memref<1000000x64xf32, #tpu.memory_space<hbm>> -> memref<1000000x64xf32, #tpu.memory_space<hbm>>
        %dma_start3A_375 = tpu.memref_slice %arg9[%rem3A_149] : memref<2x!tpu.dma_semaphore, #tpu.memory_space<semaphore_mem>> -> memref<1x!tpu.dma_semaphore, #tpu.memory_space<semaphore_mem>>
        %dma_start3A_376 = tpu.memref_squeeze %dma_start3A_375 : memref<1x!tpu.dma_semaphore, #tpu.memory_space<semaphore_mem>> -> memref<!tpu.dma_semaphore, #tpu.memory_space<semaphore_mem>>
        tpu.enqueue_indirect_dma source(%dma_start3A_374 : memref<1000000x64xf32, #tpu.memory_space<hbm>>) target(%dma_start3A_368 : memref<128x64xf32, #tpu.memory_space<vmem>>) offsets(%dma_start3A_371 : memref<128xi32, #tpu.memory_space<vmem>>) semaphore(%dma_start3A_376 : memref<!tpu.dma_semaphore, #tpu.memory_space<semaphore_mem>>)
      } else {
      }
      %ge3A = arith.constant 1 : i32
      %ge3A_225 = arith.cmpi sge, %scan3A_144, %ge3A : i32
      %convert_element_type3A_226 = arith.extui %ge3A_225 : i1 to i32
      %cond3A_227 = arith.constant 0 : i32
      %cond3A_228 = arith.cmpi ne, %convert_element_type3A_226, %cond3A_227 : i32
      scf.if %cond3A_228 {
        %dma_wait3A_308 = arith.constant 0 : i32
        %dma_wait3A_309 = arith.constant 0 : i32
        %dma_wait3A_310 = arith.constant 0 : i32
        %dma_wait3A_311 = arith.constant 0 : i32
        %dma_wait3A_312 = arith.constant 0 : i32
        %dma_wait3A_313 = arith.constant 0 : i32
        %dma_wait3A_314 = arith.constant 0 : i32
        %dma_wait3A_315 = tpu.memref_slice %arg7[%dma_wait3A_308, %dma_wait3A_311, %dma_wait3A_312, %dma_wait3A_313, %dma_wait3A_314] : memref<2x8x2x8x128xf32, #tpu.memory_space<vmem>> -> memref<1x8x2x8x128xf32, #tpu.memory_space<vmem>>
        %dma_wait3A_316 = tpu.memref_squeeze %dma_wait3A_315 : memref<1x8x2x8x128xf32, #tpu.memory_space<vmem>> -> memref<8x2x8x128xf32, #tpu.memory_space<vmem>>
        %dma_wait3A_317 = arith.constant 0 : i32
        %dma_wait3A_318 = arith.constant 0 : i32
        %dma_wait3A_319 = arith.constant 0 : i32
        %dma_wait3A_320 = tpu.memref_slice %arg4[%dma_wait3A_309, %dma_wait3A_317, %mul3A_2, %dma_wait3A_318, %dma_wait3A_319] : memref<200x8x128x8x128xf32, #tpu.memory_space<hbm>> -> memref<1x8x2x8x128xf32, #tpu.memory_space<hbm>>
        %dma_wait3A_321 = tpu.memref_squeeze %dma_wait3A_320 : memref<1x8x2x8x128xf32, #tpu.memory_space<hbm>> -> memref<8x2x8x128xf32, #tpu.memory_space<hbm>>
        %dma_wait3A_322 = tpu.memref_slice %arg10[%dma_wait3A_310] : memref<2x!tpu.dma_semaphore, #tpu.memory_space<semaphore_mem>> -> memref<1x!tpu.dma_semaphore, #tpu.memory_space<semaphore_mem>>
        %dma_wait3A_323 = tpu.memref_squeeze %dma_wait3A_322 : memref<1x!tpu.dma_semaphore, #tpu.memory_space<semaphore_mem>> -> memref<!tpu.dma_semaphore, #tpu.memory_space<semaphore_mem>>
        %dma_wait3A_324 = arith.constant 0 : i32
        %dma_wait3A_325 = arith.constant 0 : i32
        %dma_wait3A_326 = arith.constant 0 : i32
        %dma_wait3A_327 = tpu.memref_slice %arg4[%dma_wait3A_309, %dma_wait3A_324, %mul3A_2, %dma_wait3A_325, %dma_wait3A_326] : memref<200x8x128x8x128xf32, #tpu.memory_space<hbm>> -> memref<1x8x2x8x128xf32, #tpu.memory_space<hbm>>
        %dma_wait3A_328 = tpu.memref_squeeze %dma_wait3A_327 : memref<1x8x2x8x128xf32, #tpu.memory_space<hbm>> -> memref<8x2x8x128xf32, #tpu.memory_space<hbm>>
        %dma_wait3A_329 = arith.constant 0 : i32
        %dma_wait3A_330 = arith.constant 0 : i32
        %dma_wait3A_331 = arith.constant 0 : i32
        %dma_wait3A_332 = arith.constant 0 : i32
        %dma_wait3A_333 = tpu.memref_slice %arg7[%dma_wait3A_308, %dma_wait3A_329, %dma_wait3A_330, %dma_wait3A_331, %dma_wait3A_332] : memref<2x8x2x8x128xf32, #tpu.memory_space<vmem>> -> memref<1x8x2x8x128xf32, #tpu.memory_space<vmem>>
        %dma_wait3A_334 = tpu.memref_squeeze %dma_wait3A_333 : memref<1x8x2x8x128xf32, #tpu.memory_space<vmem>> -> memref<8x2x8x128xf32, #tpu.memory_space<vmem>>
        tpu.wait_dma2 semaphore(%dma_wait3A_323 : memref<!tpu.dma_semaphore, #tpu.memory_space<semaphore_mem>>) src(%dma_wait3A_334 : memref<8x2x8x128xf32, #tpu.memory_space<vmem>>) dst(%dma_wait3A_328 : memref<8x2x8x128xf32, #tpu.memory_space<hbm>>)
      } else {
      }
      %broadcast_in_dim3A = arith.constant 0 : i32
      %broadcast_in_dim3A_229 = vector.broadcast %broadcast_in_dim3A : i32 to vector<16xi32>
      %parallel_loop3A = arith.constant 0 : i32
      %parallel_loop3A_230 = arith.constant 8 : i32
      %parallel_loop3A_231 = arith.constant 1 : i32
      scf.for %parallel_loop3A_308 = %parallel_loop3A to %parallel_loop3A_230 step %parallel_loop3A_231  : i32 {
        %parallel_loop3A_309 = arith.constant 16 : i32
        %parallel_loop3A_310 = arith.muli %parallel_loop3A_308, %parallel_loop3A_309 : i32
        %parallel_loop3A_311 = arith.constant 0 : i32
        %parallel_loop3A_312 = arith.addi %parallel_loop3A_311, %parallel_loop3A_310 : i32
        %parallel_loop3A_313 = vector.broadcast %parallel_loop3A_312 : i32 to vector<16xi32>
        %parallel_loop3A_314 = arith.addi %parallel_loop3A_313, %iota3A : vector<16xi32>
        %parallel_loop3A_315 = arith.constant 16 : i32
        %parallel_loop3A_316 = arith.muli %parallel_loop3A_308, %parallel_loop3A_315 : i32
        %parallel_loop3A_317 = vector.broadcast %parallel_loop3A_316 : i32 to vector<16xi32>
        %parallel_loop3A_318 = arith.addi %parallel_loop3A_317, %iota3A : vector<16xi32>
        %parallel_loop3A_319 = arith.constant 0 : i32
        %parallel_loop3A_320 = arith.constant 16 : i32
        %parallel_loop3A_321 = arith.constant 1 : i32
        scf.for %parallel_loop3A_322 = %parallel_loop3A_319 to %parallel_loop3A_320 step %parallel_loop3A_321  : i32 {
          %parallel_loop3A_323 = vector.broadcast %parallel_loop3A_322 : i32 to vector<16xi32>
          %parallel_loop3A_324 = arith.addi %iota3A, %parallel_loop3A_323 : vector<16xi32>
          %parallel_loop3A_325 = arith.constant 16 : i32
          %parallel_loop3A_326 = arith.constant 0 : i32
          %parallel_loop3A_327 = arith.cmpi eq, %parallel_loop3A_325, %parallel_loop3A_326 : i32
          %parallel_loop3A_328 = arith.constant 1 : i32
          %parallel_loop3A_329 = arith.select %parallel_loop3A_327, %parallel_loop3A_328, %parallel_loop3A_325 : i32
          %parallel_loop3A_330 = vector.broadcast %parallel_loop3A_329 : i32 to vector<16xi32>
          %parallel_loop3A_331 = arith.remsi %parallel_loop3A_324, %parallel_loop3A_330 : vector<16xi32>
          %parallel_loop3A_332 = arith.constant 0 : i32
          %parallel_loop3A_333 = vector.broadcast %parallel_loop3A_332 : i32 to vector<16xi32>
          %parallel_loop3A_334 = arith.cmpi ne, %parallel_loop3A_331, %parallel_loop3A_333 : vector<16xi32>
          %parallel_loop3A_335 = arith.constant 0 : i32
          %parallel_loop3A_336 = vector.broadcast %parallel_loop3A_335 : i32 to vector<16xi32>
          %parallel_loop3A_337 = arith.cmpi slt, %parallel_loop3A_331, %parallel_loop3A_336 : vector<16xi32>
          %parallel_loop3A_338 = arith.constant 0 : i32
          %parallel_loop3A_339 = arith.cmpi slt, %parallel_loop3A_329, %parallel_loop3A_338 : i32
          %parallel_loop3A_340 = vector.broadcast %parallel_loop3A_339 : i1 to vector<16xi1>
          %parallel_loop3A_341 = vector.broadcast %parallel_loop3A_340 : vector<16xi1> to vector<16xi1>
          %parallel_loop3A_342 = arith.xori %parallel_loop3A_337, %parallel_loop3A_341 : vector<16xi1>
          %parallel_loop3A_343 = arith.andi %parallel_loop3A_342, %parallel_loop3A_334 : vector<16xi1>
          %parallel_loop3A_344 = vector.broadcast %parallel_loop3A_329 : i32 to vector<16xi32>
          %parallel_loop3A_345 = arith.addi %parallel_loop3A_331, %parallel_loop3A_344 : vector<16xi32>
          %parallel_loop3A_346 = arith.select %parallel_loop3A_343, %parallel_loop3A_345, %parallel_loop3A_331 : vector<16xi1>, vector<16xi32>
          %parallel_loop3A_347 = arith.constant 0 : i32
          %parallel_loop3A_348 = vector.broadcast %parallel_loop3A_347 : i32 to vector<16xi32>
          %parallel_loop3A_349 = arith.addi %parallel_loop3A_348, %parallel_loop3A_346 : vector<16xi32>
          %parallel_loop3A_350 = arith.constant 3 : i32
          %parallel_loop3A_351 = vector.broadcast %parallel_loop3A_350 : i32 to vector<16xi32>
          %parallel_loop3A_352 = arith.shrui %parallel_loop3A_349, %parallel_loop3A_351 : vector<16xi32>
          %parallel_loop3A_353 = arith.constant 8 : i32
          %parallel_loop3A_354 = arith.constant 0 : i32
          %parallel_loop3A_355 = arith.cmpi eq, %parallel_loop3A_353, %parallel_loop3A_354 : i32
          %parallel_loop3A_356 = arith.constant 1 : i32
          %parallel_loop3A_357 = arith.select %parallel_loop3A_355, %parallel_loop3A_356, %parallel_loop3A_353 : i32
          %parallel_loop3A_358 = vector.broadcast %parallel_loop3A_357 : i32 to vector<16xi32>
          %parallel_loop3A_359 = arith.remsi %parallel_loop3A_349, %parallel_loop3A_358 : vector<16xi32>
          %parallel_loop3A_360 = arith.constant 0 : i32
          %parallel_loop3A_361 = vector.broadcast %parallel_loop3A_360 : i32 to vector<16xi32>
          %parallel_loop3A_362 = arith.cmpi ne, %parallel_loop3A_359, %parallel_loop3A_361 : vector<16xi32>
          %parallel_loop3A_363 = arith.constant 0 : i32
          %parallel_loop3A_364 = vector.broadcast %parallel_loop3A_363 : i32 to vector<16xi32>
          %parallel_loop3A_365 = arith.cmpi slt, %parallel_loop3A_359, %parallel_loop3A_364 : vector<16xi32>
          %parallel_loop3A_366 = arith.constant 0 : i32
          %parallel_loop3A_367 = arith.cmpi slt, %parallel_loop3A_357, %parallel_loop3A_366 : i32
          %parallel_loop3A_368 = vector.broadcast %parallel_loop3A_367 : i1 to vector<16xi1>
          %parallel_loop3A_369 = vector.broadcast %parallel_loop3A_368 : vector<16xi1> to vector<16xi1>
          %parallel_loop3A_370 = arith.xori %parallel_loop3A_365, %parallel_loop3A_369 : vector<16xi1>
          %parallel_loop3A_371 = arith.andi %parallel_loop3A_370, %parallel_loop3A_362 : vector<16xi1>
          %parallel_loop3A_372 = vector.broadcast %parallel_loop3A_357 : i32 to vector<16xi32>
          %parallel_loop3A_373 = arith.addi %parallel_loop3A_359, %parallel_loop3A_372 : vector<16xi32>
          %parallel_loop3A_374 = arith.select %parallel_loop3A_371, %parallel_loop3A_373, %parallel_loop3A_359 : vector<16xi1>, vector<16xi32>
          %parallel_loop3A_375 = arith.constant 0 : i32
          %parallel_loop3A_376 = arith.constant 0 : i32
          %parallel_loop3A_377 = tpu.memref_slice %arg6[%rem3A_145, %parallel_loop3A_375, %parallel_loop3A_376] : memref<2x512x64xf32, #tpu.memory_space<vmem>> -> memref<1x512x64xf32, #tpu.memory_space<vmem>>
          %parallel_loop3A_378 = tpu.memref_squeeze %parallel_loop3A_377 : memref<1x512x64xf32, #tpu.memory_space<vmem>> -> memref<512x64xf32, #tpu.memory_space<vmem>>
          %parallel_loop3A_379 = tpu.vector_load_idx %parallel_loop3A_378[%parallel_loop3A_314, %parallel_loop3A_349] : memref<512x64xf32, #tpu.memory_space<vmem>>[vector<16xi32>, vector<16xi32>], vector<16xf32>,
          %parallel_loop3A_380 = arith.constant 8.000000e+00 : f32
          %parallel_loop3A_381 = vector.broadcast %parallel_loop3A_380 : f32 to vector<16xf32>
          %parallel_loop3A_382 = arith.mulf %parallel_loop3A_379, %parallel_loop3A_381 : vector<16xf32>
          %parallel_loop3A_383 = arith.constant 0 : i32
          %parallel_loop3A_384 = arith.constant 0 : i32
          %parallel_loop3A_385 = arith.constant 0 : i32
          %parallel_loop3A_386 = arith.constant 0 : i32
          %parallel_loop3A_387 = arith.constant 0 : i32
          %parallel_loop3A_388 = tpu.memref_slice %arg7[%parallel_loop3A_383, %parallel_loop3A_384, %parallel_loop3A_385, %parallel_loop3A_386, %parallel_loop3A_387] : memref<2x8x2x8x128xf32, #tpu.memory_space<vmem>> -> memref<1x8x2x8x128xf32, #tpu.memory_space<vmem>>
          %parallel_loop3A_389 = tpu.memref_squeeze %parallel_loop3A_388 : memref<1x8x2x8x128xf32, #tpu.memory_space<vmem>> -> memref<8x2x8x128xf32, #tpu.memory_space<vmem>>
          tpu.vector_store_idx %parallel_loop3A_389[%parallel_loop3A_352, %broadcast_in_dim3A_229, %parallel_loop3A_374, %parallel_loop3A_318], %parallel_loop3A_382 : memref<8x2x8x128xf32, #tpu.memory_space<vmem>>[vector<16xi32>, vector<16xi32>, vector<16xi32>, vector<16xi32>], vector<16xf32>,
          %parallel_loop3A_390 = arith.constant 16 : i32
          %parallel_loop3A_391 = vector.broadcast %parallel_loop3A_390 : i32 to vector<16xi32>
          %parallel_loop3A_392 = arith.addi %parallel_loop3A_391, %parallel_loop3A_346 : vector<16xi32>
          %parallel_loop3A_393 = arith.constant 3 : i32
          %parallel_loop3A_394 = vector.broadcast %parallel_loop3A_393 : i32 to vector<16xi32>
          %parallel_loop3A_395 = arith.shrui %parallel_loop3A_392, %parallel_loop3A_394 : vector<16xi32>
          %parallel_loop3A_396 = arith.constant 8 : i32
          %parallel_loop3A_397 = arith.constant 0 : i32
          %parallel_loop3A_398 = arith.cmpi eq, %parallel_loop3A_396, %parallel_loop3A_397 : i32
          %parallel_loop3A_399 = arith.constant 1 : i32
          %parallel_loop3A_400 = arith.select %parallel_loop3A_398, %parallel_loop3A_399, %parallel_loop3A_396 : i32
          %parallel_loop3A_401 = vector.broadcast %parallel_loop3A_400 : i32 to vector<16xi32>
          %parallel_loop3A_402 = arith.remsi %parallel_loop3A_392, %parallel_loop3A_401 : vector<16xi32>
          %parallel_loop3A_403 = arith.constant 0 : i32
          %parallel_loop3A_404 = vector.broadcast %parallel_loop3A_403 : i32 to vector<16xi32>
          %parallel_loop3A_405 = arith.cmpi ne, %parallel_loop3A_402, %parallel_loop3A_404 : vector<16xi32>
          %parallel_loop3A_406 = arith.constant 0 : i32
          %parallel_loop3A_407 = vector.broadcast %parallel_loop3A_406 : i32 to vector<16xi32>
          %parallel_loop3A_408 = arith.cmpi slt, %parallel_loop3A_402, %parallel_loop3A_407 : vector<16xi32>
          %parallel_loop3A_409 = arith.constant 0 : i32
          %parallel_loop3A_410 = arith.cmpi slt, %parallel_loop3A_400, %parallel_loop3A_409 : i32
          %parallel_loop3A_411 = vector.broadcast %parallel_loop3A_410 : i1 to vector<16xi1>
          %parallel_loop3A_412 = vector.broadcast %parallel_loop3A_411 : vector<16xi1> to vector<16xi1>
          %parallel_loop3A_413 = arith.xori %parallel_loop3A_408, %parallel_loop3A_412 : vector<16xi1>
          %parallel_loop3A_414 = arith.andi %parallel_loop3A_413, %parallel_loop3A_405 : vector<16xi1>
          %parallel_loop3A_415 = vector.broadcast %parallel_loop3A_400 : i32 to vector<16xi32>
          %parallel_loop3A_416 = arith.addi %parallel_loop3A_402, %parallel_loop3A_415 : vector<16xi32>
          %parallel_loop3A_417 = arith.select %parallel_loop3A_414, %parallel_loop3A_416, %parallel_loop3A_402 : vector<16xi1>, vector<16xi32>
          %parallel_loop3A_418 = arith.constant 0 : i32
          %parallel_loop3A_419 = arith.constant 0 : i32
          %parallel_loop3A_420 = tpu.memref_slice %arg6[%rem3A_145, %parallel_loop3A_418, %parallel_loop3A_419] : memref<2x512x64xf32, #tpu.memory_space<vmem>> -> memref<1x512x64xf32, #tpu.memory_space<vmem>>
          %parallel_loop3A_421 = tpu.memref_squeeze %parallel_loop3A_420 : memref<1x512x64xf32, #tpu.memory_space<vmem>> -> memref<512x64xf32, #tpu.memory_space<vmem>>
          %parallel_loop3A_422 = tpu.vector_load_idx %parallel_loop3A_421[%parallel_loop3A_314, %parallel_loop3A_392] : memref<512x64xf32, #tpu.memory_space<vmem>>[vector<16xi32>, vector<16xi32>], vector<16xf32>,
          %parallel_loop3A_423 = arith.constant 8.000000e+00 : f32
          %parallel_loop3A_424 = vector.broadcast %parallel_loop3A_423 : f32 to vector<16xf32>
          %parallel_loop3A_425 = arith.mulf %parallel_loop3A_422, %parallel_loop3A_424 : vector<16xf32>
          %parallel_loop3A_426 = arith.constant 0 : i32
          %parallel_loop3A_427 = arith.constant 0 : i32
          %parallel_loop3A_428 = arith.constant 0 : i32
          %parallel_loop3A_429 = arith.constant 0 : i32
          %parallel_loop3A_430 = arith.constant 0 : i32
          %parallel_loop3A_431 = tpu.memref_slice %arg7[%parallel_loop3A_426, %parallel_loop3A_427, %parallel_loop3A_428, %parallel_loop3A_429, %parallel_loop3A_430] : memref<2x8x2x8x128xf32, #tpu.memory_space<vmem>> -> memref<1x8x2x8x128xf32, #tpu.memory_space<vmem>>
          %parallel_loop3A_432 = tpu.memref_squeeze %parallel_loop3A_431 : memref<1x8x2x8x128xf32, #tpu.memory_space<vmem>> -> memref<8x2x8x128xf32, #tpu.memory_space<vmem>>
          tpu.vector_store_idx %parallel_loop3A_432[%parallel_loop3A_395, %broadcast_in_dim3A_229, %parallel_loop3A_417, %parallel_loop3A_318], %parallel_loop3A_425 : memref<8x2x8x128xf32, #tpu.memory_space<vmem>>[vector<16xi32>, vector<16xi32>, vector<16xi32>, vector<16xi32>], vector<16xf32>,
          %parallel_loop3A_433 = arith.constant 32 : i32
          %parallel_loop3A_434 = vector.broadcast %parallel_loop3A_433 : i32 to vector<16xi32>
          %parallel_loop3A_435 = arith.addi %parallel_loop3A_434, %parallel_loop3A_346 : vector<16xi32>
          %parallel_loop3A_436 = arith.constant 3 : i32
          %parallel_loop3A_437 = vector.broadcast %parallel_loop3A_436 : i32 to vector<16xi32>
          %parallel_loop3A_438 = arith.shrui %parallel_loop3A_435, %parallel_loop3A_437 : vector<16xi32>
          %parallel_loop3A_439 = arith.constant 8 : i32
          %parallel_loop3A_440 = arith.constant 0 : i32
          %parallel_loop3A_441 = arith.cmpi eq, %parallel_loop3A_439, %parallel_loop3A_440 : i32
          %parallel_loop3A_442 = arith.constant 1 : i32
          %parallel_loop3A_443 = arith.select %parallel_loop3A_441, %parallel_loop3A_442, %parallel_loop3A_439 : i32
          %parallel_loop3A_444 = vector.broadcast %parallel_loop3A_443 : i32 to vector<16xi32>
          %parallel_loop3A_445 = arith.remsi %parallel_loop3A_435, %parallel_loop3A_444 : vector<16xi32>
          %parallel_loop3A_446 = arith.constant 0 : i32
          %parallel_loop3A_447 = vector.broadcast %parallel_loop3A_446 : i32 to vector<16xi32>
          %parallel_loop3A_448 = arith.cmpi ne, %parallel_loop3A_445, %parallel_loop3A_447 : vector<16xi32>
          %parallel_loop3A_449 = arith.constant 0 : i32
          %parallel_loop3A_450 = vector.broadcast %parallel_loop3A_449 : i32 to vector<16xi32>
          %parallel_loop3A_451 = arith.cmpi slt, %parallel_loop3A_445, %parallel_loop3A_450 : vector<16xi32>
          %parallel_loop3A_452 = arith.constant 0 : i32
          %parallel_loop3A_453 = arith.cmpi slt, %parallel_loop3A_443, %parallel_loop3A_452 : i32
          %parallel_loop3A_454 = vector.broadcast %parallel_loop3A_453 : i1 to vector<16xi1>
          %parallel_loop3A_455 = vector.broadcast %parallel_loop3A_454 : vector<16xi1> to vector<16xi1>
          %parallel_loop3A_456 = arith.xori %parallel_loop3A_451, %parallel_loop3A_455 : vector<16xi1>
          %parallel_loop3A_457 = arith.andi %parallel_loop3A_456, %parallel_loop3A_448 : vector<16xi1>
          %parallel_loop3A_458 = vector.broadcast %parallel_loop3A_443 : i32 to vector<16xi32>
          %parallel_loop3A_459 = arith.addi %parallel_loop3A_445, %parallel_loop3A_458 : vector<16xi32>
          %parallel_loop3A_460 = arith.select %parallel_loop3A_457, %parallel_loop3A_459, %parallel_loop3A_445 : vector<16xi1>, vector<16xi32>
          %parallel_loop3A_461 = arith.constant 0 : i32
          %parallel_loop3A_462 = arith.constant 0 : i32
          %parallel_loop3A_463 = tpu.memref_slice %arg6[%rem3A_145, %parallel_loop3A_461, %parallel_loop3A_462] : memref<2x512x64xf32, #tpu.memory_space<vmem>> -> memref<1x512x64xf32, #tpu.memory_space<vmem>>
          %parallel_loop3A_464 = tpu.memref_squeeze %parallel_loop3A_463 : memref<1x512x64xf32, #tpu.memory_space<vmem>> -> memref<512x64xf32, #tpu.memory_space<vmem>>
          %parallel_loop3A_465 = tpu.vector_load_idx %parallel_loop3A_464[%parallel_loop3A_314, %parallel_loop3A_435] : memref<512x64xf32, #tpu.memory_space<vmem>>[vector<16xi32>, vector<16xi32>], vector<16xf32>,
          %parallel_loop3A_466 = arith.constant 8.000000e+00 : f32
          %parallel_loop3A_467 = vector.broadcast %parallel_loop3A_466 : f32 to vector<16xf32>
          %parallel_loop3A_468 = arith.mulf %parallel_loop3A_465, %parallel_loop3A_467 : vector<16xf32>
          %parallel_loop3A_469 = arith.constant 0 : i32
          %parallel_loop3A_470 = arith.constant 0 : i32
          %parallel_loop3A_471 = arith.constant 0 : i32
          %parallel_loop3A_472 = arith.constant 0 : i32
          %parallel_loop3A_473 = arith.constant 0 : i32
          %parallel_loop3A_474 = tpu.memref_slice %arg7[%parallel_loop3A_469, %parallel_loop3A_470, %parallel_loop3A_471, %parallel_loop3A_472, %parallel_loop3A_473] : memref<2x8x2x8x128xf32, #tpu.memory_space<vmem>> -> memref<1x8x2x8x128xf32, #tpu.memory_space<vmem>>
          %parallel_loop3A_475 = tpu.memref_squeeze %parallel_loop3A_474 : memref<1x8x2x8x128xf32, #tpu.memory_space<vmem>> -> memref<8x2x8x128xf32, #tpu.memory_space<vmem>>
          tpu.vector_store_idx %parallel_loop3A_475[%parallel_loop3A_438, %broadcast_in_dim3A_229, %parallel_loop3A_460, %parallel_loop3A_318], %parallel_loop3A_468 : memref<8x2x8x128xf32, #tpu.memory_space<vmem>>[vector<16xi32>, vector<16xi32>, vector<16xi32>, vector<16xi32>], vector<16xf32>,
          %parallel_loop3A_476 = arith.constant 48 : i32
          %parallel_loop3A_477 = vector.broadcast %parallel_loop3A_476 : i32 to vector<16xi32>
          %parallel_loop3A_478 = arith.addi %parallel_loop3A_477, %parallel_loop3A_346 : vector<16xi32>
          %parallel_loop3A_479 = arith.constant 3 : i32
          %parallel_loop3A_480 = vector.broadcast %parallel_loop3A_479 : i32 to vector<16xi32>
          %parallel_loop3A_481 = arith.shrui %parallel_loop3A_478, %parallel_loop3A_480 : vector<16xi32>
          %parallel_loop3A_482 = arith.constant 8 : i32
          %parallel_loop3A_483 = arith.constant 0 : i32
          %parallel_loop3A_484 = arith.cmpi eq, %parallel_loop3A_482, %parallel_loop3A_483 : i32
          %parallel_loop3A_485 = arith.constant 1 : i32
          %parallel_loop3A_486 = arith.select %parallel_loop3A_484, %parallel_loop3A_485, %parallel_loop3A_482 : i32
          %parallel_loop3A_487 = vector.broadcast %parallel_loop3A_486 : i32 to vector<16xi32>
          %parallel_loop3A_488 = arith.remsi %parallel_loop3A_478, %parallel_loop3A_487 : vector<16xi32>
          %parallel_loop3A_489 = arith.constant 0 : i32
          %parallel_loop3A_490 = vector.broadcast %parallel_loop3A_489 : i32 to vector<16xi32>
          %parallel_loop3A_491 = arith.cmpi ne, %parallel_loop3A_488, %parallel_loop3A_490 : vector<16xi32>
          %parallel_loop3A_492 = arith.constant 0 : i32
          %parallel_loop3A_493 = vector.broadcast %parallel_loop3A_492 : i32 to vector<16xi32>
          %parallel_loop3A_494 = arith.cmpi slt, %parallel_loop3A_488, %parallel_loop3A_493 : vector<16xi32>
          %parallel_loop3A_495 = arith.constant 0 : i32
          %parallel_loop3A_496 = arith.cmpi slt, %parallel_loop3A_486, %parallel_loop3A_495 : i32
          %parallel_loop3A_497 = vector.broadcast %parallel_loop3A_496 : i1 to vector<16xi1>
          %parallel_loop3A_498 = vector.broadcast %parallel_loop3A_497 : vector<16xi1> to vector<16xi1>
          %parallel_loop3A_499 = arith.xori %parallel_loop3A_494, %parallel_loop3A_498 : vector<16xi1>
          %parallel_loop3A_500 = arith.andi %parallel_loop3A_499, %parallel_loop3A_491 : vector<16xi1>
          %parallel_loop3A_501 = vector.broadcast %parallel_loop3A_486 : i32 to vector<16xi32>
          %parallel_loop3A_502 = arith.addi %parallel_loop3A_488, %parallel_loop3A_501 : vector<16xi32>
          %parallel_loop3A_503 = arith.select %parallel_loop3A_500, %parallel_loop3A_502, %parallel_loop3A_488 : vector<16xi1>, vector<16xi32>
          %parallel_loop3A_504 = arith.constant 0 : i32
          %parallel_loop3A_505 = arith.constant 0 : i32
          %parallel_loop3A_506 = tpu.memref_slice %arg6[%rem3A_145, %parallel_loop3A_504, %parallel_loop3A_505] : memref<2x512x64xf32, #tpu.memory_space<vmem>> -> memref<1x512x64xf32, #tpu.memory_space<vmem>>
          %parallel_loop3A_507 = tpu.memref_squeeze %parallel_loop3A_506 : memref<1x512x64xf32, #tpu.memory_space<vmem>> -> memref<512x64xf32, #tpu.memory_space<vmem>>
          %parallel_loop3A_508 = tpu.vector_load_idx %parallel_loop3A_507[%parallel_loop3A_314, %parallel_loop3A_478] : memref<512x64xf32, #tpu.memory_space<vmem>>[vector<16xi32>, vector<16xi32>], vector<16xf32>,
          %parallel_loop3A_509 = arith.constant 8.000000e+00 : f32
          %parallel_loop3A_510 = vector.broadcast %parallel_loop3A_509 : f32 to vector<16xf32>
          %parallel_loop3A_511 = arith.mulf %parallel_loop3A_508, %parallel_loop3A_510 : vector<16xf32>
          %parallel_loop3A_512 = arith.constant 0 : i32
          %parallel_loop3A_513 = arith.constant 0 : i32
          %parallel_loop3A_514 = arith.constant 0 : i32
          %parallel_loop3A_515 = arith.constant 0 : i32
          %parallel_loop3A_516 = arith.constant 0 : i32
          %parallel_loop3A_517 = tpu.memref_slice %arg7[%parallel_loop3A_512, %parallel_loop3A_513, %parallel_loop3A_514, %parallel_loop3A_515, %parallel_loop3A_516] : memref<2x8x2x8x128xf32, #tpu.memory_space<vmem>> -> memref<1x8x2x8x128xf32, #tpu.memory_space<vmem>>
          %parallel_loop3A_518 = tpu.memref_squeeze %parallel_loop3A_517 : memref<1x8x2x8x128xf32, #tpu.memory_space<vmem>> -> memref<8x2x8x128xf32, #tpu.memory_space<vmem>>
          tpu.vector_store_idx %parallel_loop3A_518[%parallel_loop3A_481, %broadcast_in_dim3A_229, %parallel_loop3A_503, %parallel_loop3A_318], %parallel_loop3A_511 : memref<8x2x8x128xf32, #tpu.memory_space<vmem>>[vector<16xi32>, vector<16xi32>, vector<16xi32>, vector<16xi32>], vector<16xf32>,
        } {sc.loop_unroll_factor = 4 : i64, sc.parallel_access}
      } {sc.loop_unroll_factor = 2 : i64, sc.parallel_access}
      %broadcast_in_dim3A_232 = arith.constant 1 : i32
      %broadcast_in_dim3A_233 = vector.broadcast %broadcast_in_dim3A_232 : i32 to vector<16xi32>
      %parallel_loop3A_234 = arith.constant 0 : i32
      %parallel_loop3A_235 = arith.constant 8 : i32
      %parallel_loop3A_236 = arith.constant 1 : i32
      scf.for %parallel_loop3A_308 = %parallel_loop3A_234 to %parallel_loop3A_235 step %parallel_loop3A_236  : i32 {
        %parallel_loop3A_309 = arith.constant 16 : i32
        %parallel_loop3A_310 = arith.muli %parallel_loop3A_308, %parallel_loop3A_309 : i32
        %parallel_loop3A_311 = arith.constant 128 : i32
        %parallel_loop3A_312 = arith.addi %parallel_loop3A_311, %parallel_loop3A_310 : i32
        %parallel_loop3A_313 = vector.broadcast %parallel_loop3A_312 : i32 to vector<16xi32>
        %parallel_loop3A_314 = arith.addi %parallel_loop3A_313, %iota3A : vector<16xi32>
        %parallel_loop3A_315 = arith.constant 16 : i32
        %parallel_loop3A_316 = arith.muli %parallel_loop3A_308, %parallel_loop3A_315 : i32
        %parallel_loop3A_317 = vector.broadcast %parallel_loop3A_316 : i32 to vector<16xi32>
        %parallel_loop3A_318 = arith.addi %parallel_loop3A_317, %iota3A : vector<16xi32>
        %parallel_loop3A_319 = arith.constant 0 : i32
        %parallel_loop3A_320 = arith.constant 16 : i32
        %parallel_loop3A_321 = arith.constant 1 : i32
        scf.for %parallel_loop3A_322 = %parallel_loop3A_319 to %parallel_loop3A_320 step %parallel_loop3A_321  : i32 {
          %parallel_loop3A_323 = vector.broadcast %parallel_loop3A_322 : i32 to vector<16xi32>
          %parallel_loop3A_324 = arith.addi %iota3A, %parallel_loop3A_323 : vector<16xi32>
          %parallel_loop3A_325 = arith.constant 16 : i32
          %parallel_loop3A_326 = arith.constant 0 : i32
          %parallel_loop3A_327 = arith.cmpi eq, %parallel_loop3A_325, %parallel_loop3A_326 : i32
          %parallel_loop3A_328 = arith.constant 1 : i32
          %parallel_loop3A_329 = arith.select %parallel_loop3A_327, %parallel_loop3A_328, %parallel_loop3A_325 : i32
          %parallel_loop3A_330 = vector.broadcast %parallel_loop3A_329 : i32 to vector<16xi32>
          %parallel_loop3A_331 = arith.remsi %parallel_loop3A_324, %parallel_loop3A_330 : vector<16xi32>
          %parallel_loop3A_332 = arith.constant 0 : i32
          %parallel_loop3A_333 = vector.broadcast %parallel_loop3A_332 : i32 to vector<16xi32>
          %parallel_loop3A_334 = arith.cmpi ne, %parallel_loop3A_331, %parallel_loop3A_333 : vector<16xi32>
          %parallel_loop3A_335 = arith.constant 0 : i32
          %parallel_loop3A_336 = vector.broadcast %parallel_loop3A_335 : i32 to vector<16xi32>
          %parallel_loop3A_337 = arith.cmpi slt, %parallel_loop3A_331, %parallel_loop3A_336 : vector<16xi32>
          %parallel_loop3A_338 = arith.constant 0 : i32
          %parallel_loop3A_339 = arith.cmpi slt, %parallel_loop3A_329, %parallel_loop3A_338 : i32
          %parallel_loop3A_340 = vector.broadcast %parallel_loop3A_339 : i1 to vector<16xi1>
          %parallel_loop3A_341 = vector.broadcast %parallel_loop3A_340 : vector<16xi1> to vector<16xi1>
          %parallel_loop3A_342 = arith.xori %parallel_loop3A_337, %parallel_loop3A_341 : vector<16xi1>
          %parallel_loop3A_343 = arith.andi %parallel_loop3A_342, %parallel_loop3A_334 : vector<16xi1>
          %parallel_loop3A_344 = vector.broadcast %parallel_loop3A_329 : i32 to vector<16xi32>
          %parallel_loop3A_345 = arith.addi %parallel_loop3A_331, %parallel_loop3A_344 : vector<16xi32>
          %parallel_loop3A_346 = arith.select %parallel_loop3A_343, %parallel_loop3A_345, %parallel_loop3A_331 : vector<16xi1>, vector<16xi32>
          %parallel_loop3A_347 = arith.constant 0 : i32
          %parallel_loop3A_348 = vector.broadcast %parallel_loop3A_347 : i32 to vector<16xi32>
          %parallel_loop3A_349 = arith.addi %parallel_loop3A_348, %parallel_loop3A_346 : vector<16xi32>
          %parallel_loop3A_350 = arith.constant 3 : i32
          %parallel_loop3A_351 = vector.broadcast %parallel_loop3A_350 : i32 to vector<16xi32>
          %parallel_loop3A_352 = arith.shrui %parallel_loop3A_349, %parallel_loop3A_351 : vector<16xi32>
          %parallel_loop3A_353 = arith.constant 8 : i32
          %parallel_loop3A_354 = arith.constant 0 : i32
          %parallel_loop3A_355 = arith.cmpi eq, %parallel_loop3A_353, %parallel_loop3A_354 : i32
          %parallel_loop3A_356 = arith.constant 1 : i32
          %parallel_loop3A_357 = arith.select %parallel_loop3A_355, %parallel_loop3A_356, %parallel_loop3A_353 : i32
          %parallel_loop3A_358 = vector.broadcast %parallel_loop3A_357 : i32 to vector<16xi32>
          %parallel_loop3A_359 = arith.remsi %parallel_loop3A_349, %parallel_loop3A_358 : vector<16xi32>
          %parallel_loop3A_360 = arith.constant 0 : i32
          %parallel_loop3A_361 = vector.broadcast %parallel_loop3A_360 : i32 to vector<16xi32>
          %parallel_loop3A_362 = arith.cmpi ne, %parallel_loop3A_359, %parallel_loop3A_361 : vector<16xi32>
          %parallel_loop3A_363 = arith.constant 0 : i32
          %parallel_loop3A_364 = vector.broadcast %parallel_loop3A_363 : i32 to vector<16xi32>
          %parallel_loop3A_365 = arith.cmpi slt, %parallel_loop3A_359, %parallel_loop3A_364 : vector<16xi32>
          %parallel_loop3A_366 = arith.constant 0 : i32
          %parallel_loop3A_367 = arith.cmpi slt, %parallel_loop3A_357, %parallel_loop3A_366 : i32
          %parallel_loop3A_368 = vector.broadcast %parallel_loop3A_367 : i1 to vector<16xi1>
          %parallel_loop3A_369 = vector.broadcast %parallel_loop3A_368 : vector<16xi1> to vector<16xi1>
          %parallel_loop3A_370 = arith.xori %parallel_loop3A_365, %parallel_loop3A_369 : vector<16xi1>
          %parallel_loop3A_371 = arith.andi %parallel_loop3A_370, %parallel_loop3A_362 : vector<16xi1>
          %parallel_loop3A_372 = vector.broadcast %parallel_loop3A_357 : i32 to vector<16xi32>
          %parallel_loop3A_373 = arith.addi %parallel_loop3A_359, %parallel_loop3A_372 : vector<16xi32>
          %parallel_loop3A_374 = arith.select %parallel_loop3A_371, %parallel_loop3A_373, %parallel_loop3A_359 : vector<16xi1>, vector<16xi32>
          %parallel_loop3A_375 = arith.constant 0 : i32
          %parallel_loop3A_376 = arith.constant 0 : i32
          %parallel_loop3A_377 = tpu.memref_slice %arg6[%rem3A_145, %parallel_loop3A_375, %parallel_loop3A_376] : memref<2x512x64xf32, #tpu.memory_space<vmem>> -> memref<1x512x64xf32, #tpu.memory_space<vmem>>
          %parallel_loop3A_378 = tpu.memref_squeeze %parallel_loop3A_377 : memref<1x512x64xf32, #tpu.memory_space<vmem>> -> memref<512x64xf32, #tpu.memory_space<vmem>>
          %parallel_loop3A_379 = tpu.vector_load_idx %parallel_loop3A_378[%parallel_loop3A_314, %parallel_loop3A_349] : memref<512x64xf32, #tpu.memory_space<vmem>>[vector<16xi32>, vector<16xi32>], vector<16xf32>,
          %parallel_loop3A_380 = arith.constant 8.000000e+00 : f32
          %parallel_loop3A_381 = vector.broadcast %parallel_loop3A_380 : f32 to vector<16xf32>
          %parallel_loop3A_382 = arith.mulf %parallel_loop3A_379, %parallel_loop3A_381 : vector<16xf32>
          %parallel_loop3A_383 = arith.constant 0 : i32
          %parallel_loop3A_384 = arith.constant 0 : i32
          %parallel_loop3A_385 = arith.constant 0 : i32
          %parallel_loop3A_386 = arith.constant 0 : i32
          %parallel_loop3A_387 = arith.constant 0 : i32
          %parallel_loop3A_388 = tpu.memref_slice %arg7[%parallel_loop3A_383, %parallel_loop3A_384, %parallel_loop3A_385, %parallel_loop3A_386, %parallel_loop3A_387] : memref<2x8x2x8x128xf32, #tpu.memory_space<vmem>> -> memref<1x8x2x8x128xf32, #tpu.memory_space<vmem>>
          %parallel_loop3A_389 = tpu.memref_squeeze %parallel_loop3A_388 : memref<1x8x2x8x128xf32, #tpu.memory_space<vmem>> -> memref<8x2x8x128xf32, #tpu.memory_space<vmem>>
          tpu.vector_store_idx %parallel_loop3A_389[%parallel_loop3A_352, %broadcast_in_dim3A_233, %parallel_loop3A_374, %parallel_loop3A_318], %parallel_loop3A_382 : memref<8x2x8x128xf32, #tpu.memory_space<vmem>>[vector<16xi32>, vector<16xi32>, vector<16xi32>, vector<16xi32>], vector<16xf32>,
          %parallel_loop3A_390 = arith.constant 16 : i32
          %parallel_loop3A_391 = vector.broadcast %parallel_loop3A_390 : i32 to vector<16xi32>
          %parallel_loop3A_392 = arith.addi %parallel_loop3A_391, %parallel_loop3A_346 : vector<16xi32>
          %parallel_loop3A_393 = arith.constant 3 : i32
          %parallel_loop3A_394 = vector.broadcast %parallel_loop3A_393 : i32 to vector<16xi32>
          %parallel_loop3A_395 = arith.shrui %parallel_loop3A_392, %parallel_loop3A_394 : vector<16xi32>
          %parallel_loop3A_396 = arith.constant 8 : i32
          %parallel_loop3A_397 = arith.constant 0 : i32
          %parallel_loop3A_398 = arith.cmpi eq, %parallel_loop3A_396, %parallel_loop3A_397 : i32
          %parallel_loop3A_399 = arith.constant 1 : i32
          %parallel_loop3A_400 = arith.select %parallel_loop3A_398, %parallel_loop3A_399, %parallel_loop3A_396 : i32
          %parallel_loop3A_401 = vector.broadcast %parallel_loop3A_400 : i32 to vector<16xi32>
          %parallel_loop3A_402 = arith.remsi %parallel_loop3A_392, %parallel_loop3A_401 : vector<16xi32>
          %parallel_loop3A_403 = arith.constant 0 : i32
          %parallel_loop3A_404 = vector.broadcast %parallel_loop3A_403 : i32 to vector<16xi32>
          %parallel_loop3A_405 = arith.cmpi ne, %parallel_loop3A_402, %parallel_loop3A_404 : vector<16xi32>
          %parallel_loop3A_406 = arith.constant 0 : i32
          %parallel_loop3A_407 = vector.broadcast %parallel_loop3A_406 : i32 to vector<16xi32>
          %parallel_loop3A_408 = arith.cmpi slt, %parallel_loop3A_402, %parallel_loop3A_407 : vector<16xi32>
          %parallel_loop3A_409 = arith.constant 0 : i32
          %parallel_loop3A_410 = arith.cmpi slt, %parallel_loop3A_400, %parallel_loop3A_409 : i32
          %parallel_loop3A_411 = vector.broadcast %parallel_loop3A_410 : i1 to vector<16xi1>
          %parallel_loop3A_412 = vector.broadcast %parallel_loop3A_411 : vector<16xi1> to vector<16xi1>
          %parallel_loop3A_413 = arith.xori %parallel_loop3A_408, %parallel_loop3A_412 : vector<16xi1>
          %parallel_loop3A_414 = arith.andi %parallel_loop3A_413, %parallel_loop3A_405 : vector<16xi1>
          %parallel_loop3A_415 = vector.broadcast %parallel_loop3A_400 : i32 to vector<16xi32>
          %parallel_loop3A_416 = arith.addi %parallel_loop3A_402, %parallel_loop3A_415 : vector<16xi32>
          %parallel_loop3A_417 = arith.select %parallel_loop3A_414, %parallel_loop3A_416, %parallel_loop3A_402 : vector<16xi1>, vector<16xi32>
          %parallel_loop3A_418 = arith.constant 0 : i32
          %parallel_loop3A_419 = arith.constant 0 : i32
          %parallel_loop3A_420 = tpu.memref_slice %arg6[%rem3A_145, %parallel_loop3A_418, %parallel_loop3A_419] : memref<2x512x64xf32, #tpu.memory_space<vmem>> -> memref<1x512x64xf32, #tpu.memory_space<vmem>>
          %parallel_loop3A_421 = tpu.memref_squeeze %parallel_loop3A_420 : memref<1x512x64xf32, #tpu.memory_space<vmem>> -> memref<512x64xf32, #tpu.memory_space<vmem>>
          %parallel_loop3A_422 = tpu.vector_load_idx %parallel_loop3A_421[%parallel_loop3A_314, %parallel_loop3A_392] : memref<512x64xf32, #tpu.memory_space<vmem>>[vector<16xi32>, vector<16xi32>], vector<16xf32>,
          %parallel_loop3A_423 = arith.constant 8.000000e+00 : f32
          %parallel_loop3A_424 = vector.broadcast %parallel_loop3A_423 : f32 to vector<16xf32>
          %parallel_loop3A_425 = arith.mulf %parallel_loop3A_422, %parallel_loop3A_424 : vector<16xf32>
          %parallel_loop3A_426 = arith.constant 0 : i32
          %parallel_loop3A_427 = arith.constant 0 : i32
          %parallel_loop3A_428 = arith.constant 0 : i32
          %parallel_loop3A_429 = arith.constant 0 : i32
          %parallel_loop3A_430 = arith.constant 0 : i32
          %parallel_loop3A_431 = tpu.memref_slice %arg7[%parallel_loop3A_426, %parallel_loop3A_427, %parallel_loop3A_428, %parallel_loop3A_429, %parallel_loop3A_430] : memref<2x8x2x8x128xf32, #tpu.memory_space<vmem>> -> memref<1x8x2x8x128xf32, #tpu.memory_space<vmem>>
          %parallel_loop3A_432 = tpu.memref_squeeze %parallel_loop3A_431 : memref<1x8x2x8x128xf32, #tpu.memory_space<vmem>> -> memref<8x2x8x128xf32, #tpu.memory_space<vmem>>
          tpu.vector_store_idx %parallel_loop3A_432[%parallel_loop3A_395, %broadcast_in_dim3A_233, %parallel_loop3A_417, %parallel_loop3A_318], %parallel_loop3A_425 : memref<8x2x8x128xf32, #tpu.memory_space<vmem>>[vector<16xi32>, vector<16xi32>, vector<16xi32>, vector<16xi32>], vector<16xf32>,
          %parallel_loop3A_433 = arith.constant 32 : i32
          %parallel_loop3A_434 = vector.broadcast %parallel_loop3A_433 : i32 to vector<16xi32>
          %parallel_loop3A_435 = arith.addi %parallel_loop3A_434, %parallel_loop3A_346 : vector<16xi32>
          %parallel_loop3A_436 = arith.constant 3 : i32
          %parallel_loop3A_437 = vector.broadcast %parallel_loop3A_436 : i32 to vector<16xi32>
          %parallel_loop3A_438 = arith.shrui %parallel_loop3A_435, %parallel_loop3A_437 : vector<16xi32>
          %parallel_loop3A_439 = arith.constant 8 : i32
          %parallel_loop3A_440 = arith.constant 0 : i32
          %parallel_loop3A_441 = arith.cmpi eq, %parallel_loop3A_439, %parallel_loop3A_440 : i32
          %parallel_loop3A_442 = arith.constant 1 : i32
          %parallel_loop3A_443 = arith.select %parallel_loop3A_441, %parallel_loop3A_442, %parallel_loop3A_439 : i32
          %parallel_loop3A_444 = vector.broadcast %parallel_loop3A_443 : i32 to vector<16xi32>
          %parallel_loop3A_445 = arith.remsi %parallel_loop3A_435, %parallel_loop3A_444 : vector<16xi32>
          %parallel_loop3A_446 = arith.constant 0 : i32
          %parallel_loop3A_447 = vector.broadcast %parallel_loop3A_446 : i32 to vector<16xi32>
          %parallel_loop3A_448 = arith.cmpi ne, %parallel_loop3A_445, %parallel_loop3A_447 : vector<16xi32>
          %parallel_loop3A_449 = arith.constant 0 : i32
          %parallel_loop3A_450 = vector.broadcast %parallel_loop3A_449 : i32 to vector<16xi32>
          %parallel_loop3A_451 = arith.cmpi slt, %parallel_loop3A_445, %parallel_loop3A_450 : vector<16xi32>
          %parallel_loop3A_452 = arith.constant 0 : i32
          %parallel_loop3A_453 = arith.cmpi slt, %parallel_loop3A_443, %parallel_loop3A_452 : i32
          %parallel_loop3A_454 = vector.broadcast %parallel_loop3A_453 : i1 to vector<16xi1>
          %parallel_loop3A_455 = vector.broadcast %parallel_loop3A_454 : vector<16xi1> to vector<16xi1>
          %parallel_loop3A_456 = arith.xori %parallel_loop3A_451, %parallel_loop3A_455 : vector<16xi1>
          %parallel_loop3A_457 = arith.andi %parallel_loop3A_456, %parallel_loop3A_448 : vector<16xi1>
          %parallel_loop3A_458 = vector.broadcast %parallel_loop3A_443 : i32 to vector<16xi32>
          %parallel_loop3A_459 = arith.addi %parallel_loop3A_445, %parallel_loop3A_458 : vector<16xi32>
          %parallel_loop3A_460 = arith.select %parallel_loop3A_457, %parallel_loop3A_459, %parallel_loop3A_445 : vector<16xi1>, vector<16xi32>
          %parallel_loop3A_461 = arith.constant 0 : i32
          %parallel_loop3A_462 = arith.constant 0 : i32
          %parallel_loop3A_463 = tpu.memref_slice %arg6[%rem3A_145, %parallel_loop3A_461, %parallel_loop3A_462] : memref<2x512x64xf32, #tpu.memory_space<vmem>> -> memref<1x512x64xf32, #tpu.memory_space<vmem>>
          %parallel_loop3A_464 = tpu.memref_squeeze %parallel_loop3A_463 : memref<1x512x64xf32, #tpu.memory_space<vmem>> -> memref<512x64xf32, #tpu.memory_space<vmem>>
          %parallel_loop3A_465 = tpu.vector_load_idx %parallel_loop3A_464[%parallel_loop3A_314, %parallel_loop3A_435] : memref<512x64xf32, #tpu.memory_space<vmem>>[vector<16xi32>, vector<16xi32>], vector<16xf32>,
          %parallel_loop3A_466 = arith.constant 8.000000e+00 : f32
          %parallel_loop3A_467 = vector.broadcast %parallel_loop3A_466 : f32 to vector<16xf32>
          %parallel_loop3A_468 = arith.mulf %parallel_loop3A_465, %parallel_loop3A_467 : vector<16xf32>
          %parallel_loop3A_469 = arith.constant 0 : i32
          %parallel_loop3A_470 = arith.constant 0 : i32
          %parallel_loop3A_471 = arith.constant 0 : i32
          %parallel_loop3A_472 = arith.constant 0 : i32
          %parallel_loop3A_473 = arith.constant 0 : i32
          %parallel_loop3A_474 = tpu.memref_slice %arg7[%parallel_loop3A_469, %parallel_loop3A_470, %parallel_loop3A_471, %parallel_loop3A_472, %parallel_loop3A_473] : memref<2x8x2x8x128xf32, #tpu.memory_space<vmem>> -> memref<1x8x2x8x128xf32, #tpu.memory_space<vmem>>
          %parallel_loop3A_475 = tpu.memref_squeeze %parallel_loop3A_474 : memref<1x8x2x8x128xf32, #tpu.memory_space<vmem>> -> memref<8x2x8x128xf32, #tpu.memory_space<vmem>>
          tpu.vector_store_idx %parallel_loop3A_475[%parallel_loop3A_438, %broadcast_in_dim3A_233, %parallel_loop3A_460, %parallel_loop3A_318], %parallel_loop3A_468 : memref<8x2x8x128xf32, #tpu.memory_space<vmem>>[vector<16xi32>, vector<16xi32>, vector<16xi32>, vector<16xi32>], vector<16xf32>,
          %parallel_loop3A_476 = arith.constant 48 : i32
          %parallel_loop3A_477 = vector.broadcast %parallel_loop3A_476 : i32 to vector<16xi32>
          %parallel_loop3A_478 = arith.addi %parallel_loop3A_477, %parallel_loop3A_346 : vector<16xi32>
          %parallel_loop3A_479 = arith.constant 3 : i32
          %parallel_loop3A_480 = vector.broadcast %parallel_loop3A_479 : i32 to vector<16xi32>
          %parallel_loop3A_481 = arith.shrui %parallel_loop3A_478, %parallel_loop3A_480 : vector<16xi32>
          %parallel_loop3A_482 = arith.constant 8 : i32
          %parallel_loop3A_483 = arith.constant 0 : i32
          %parallel_loop3A_484 = arith.cmpi eq, %parallel_loop3A_482, %parallel_loop3A_483 : i32
          %parallel_loop3A_485 = arith.constant 1 : i32
          %parallel_loop3A_486 = arith.select %parallel_loop3A_484, %parallel_loop3A_485, %parallel_loop3A_482 : i32
          %parallel_loop3A_487 = vector.broadcast %parallel_loop3A_486 : i32 to vector<16xi32>
          %parallel_loop3A_488 = arith.remsi %parallel_loop3A_478, %parallel_loop3A_487 : vector<16xi32>
          %parallel_loop3A_489 = arith.constant 0 : i32
          %parallel_loop3A_490 = vector.broadcast %parallel_loop3A_489 : i32 to vector<16xi32>
          %parallel_loop3A_491 = arith.cmpi ne, %parallel_loop3A_488, %parallel_loop3A_490 : vector<16xi32>
          %parallel_loop3A_492 = arith.constant 0 : i32
          %parallel_loop3A_493 = vector.broadcast %parallel_loop3A_492 : i32 to vector<16xi32>
          %parallel_loop3A_494 = arith.cmpi slt, %parallel_loop3A_488, %parallel_loop3A_493 : vector<16xi32>
          %parallel_loop3A_495 = arith.constant 0 : i32
          %parallel_loop3A_496 = arith.cmpi slt, %parallel_loop3A_486, %parallel_loop3A_495 : i32
          %parallel_loop3A_497 = vector.broadcast %parallel_loop3A_496 : i1 to vector<16xi1>
          %parallel_loop3A_498 = vector.broadcast %parallel_loop3A_497 : vector<16xi1> to vector<16xi1>
          %parallel_loop3A_499 = arith.xori %parallel_loop3A_494, %parallel_loop3A_498 : vector<16xi1>
          %parallel_loop3A_500 = arith.andi %parallel_loop3A_499, %parallel_loop3A_491 : vector<16xi1>
          %parallel_loop3A_501 = vector.broadcast %parallel_loop3A_486 : i32 to vector<16xi32>
          %parallel_loop3A_502 = arith.addi %parallel_loop3A_488, %parallel_loop3A_501 : vector<16xi32>
          %parallel_loop3A_503 = arith.select %parallel_loop3A_500, %parallel_loop3A_502, %parallel_loop3A_488 : vector<16xi1>, vector<16xi32>
          %parallel_loop3A_504 = arith.constant 0 : i32
          %parallel_loop3A_505 = arith.constant 0 : i32
          %parallel_loop3A_506 = tpu.memref_slice %arg6[%rem3A_145, %parallel_loop3A_504, %parallel_loop3A_505] : memref<2x512x64xf32, #tpu.memory_space<vmem>> -> memref<1x512x64xf32, #tpu.memory_space<vmem>>
          %parallel_loop3A_507 = tpu.memref_squeeze %parallel_loop3A_506 : memref<1x512x64xf32, #tpu.memory_space<vmem>> -> memref<512x64xf32, #tpu.memory_space<vmem>>
          %parallel_loop3A_508 = tpu.vector_load_idx %parallel_loop3A_507[%parallel_loop3A_314, %parallel_loop3A_478] : memref<512x64xf32, #tpu.memory_space<vmem>>[vector<16xi32>, vector<16xi32>], vector<16xf32>,
          %parallel_loop3A_509 = arith.constant 8.000000e+00 : f32
          %parallel_loop3A_510 = vector.broadcast %parallel_loop3A_509 : f32 to vector<16xf32>
          %parallel_loop3A_511 = arith.mulf %parallel_loop3A_508, %parallel_loop3A_510 : vector<16xf32>
          %parallel_loop3A_512 = arith.constant 0 : i32
          %parallel_loop3A_513 = arith.constant 0 : i32
          %parallel_loop3A_514 = arith.constant 0 : i32
          %parallel_loop3A_515 = arith.constant 0 : i32
          %parallel_loop3A_516 = arith.constant 0 : i32
          %parallel_loop3A_517 = tpu.memref_slice %arg7[%parallel_loop3A_512, %parallel_loop3A_513, %parallel_loop3A_514, %parallel_loop3A_515, %parallel_loop3A_516] : memref<2x8x2x8x128xf32, #tpu.memory_space<vmem>> -> memref<1x8x2x8x128xf32, #tpu.memory_space<vmem>>
          %parallel_loop3A_518 = tpu.memref_squeeze %parallel_loop3A_517 : memref<1x8x2x8x128xf32, #tpu.memory_space<vmem>> -> memref<8x2x8x128xf32, #tpu.memory_space<vmem>>
          tpu.vector_store_idx %parallel_loop3A_518[%parallel_loop3A_481, %broadcast_in_dim3A_233, %parallel_loop3A_503, %parallel_loop3A_318], %parallel_loop3A_511 : memref<8x2x8x128xf32, #tpu.memory_space<vmem>>[vector<16xi32>, vector<16xi32>, vector<16xi32>, vector<16xi32>], vector<16xf32>,
        } {sc.loop_unroll_factor = 4 : i64, sc.parallel_access}
      } {sc.loop_unroll_factor = 2 : i64, sc.parallel_access}
      %add3A_237 = arith.constant 0 : i32
      %add3A_238 = arith.addi %mul3A_2, %add3A_237 : i32
      %dma_start3A_239 = arith.constant 0 : i32
      %dma_start3A_240 = arith.constant 0 : i32
      %dma_start3A_241 = arith.constant 0 : i32
      %dma_start3A_242 = arith.constant 0 : i32
      %dma_start3A_243 = arith.constant 0 : i32
      %dma_start3A_244 = arith.constant 0 : i32
      %dma_start3A_245 = tpu.memref_slice %arg7[%dma_start3A_239, %dma_start3A_241, %dma_start3A_242, %dma_start3A_243, %dma_start3A_244] : memref<2x8x2x8x128xf32, #tpu.memory_space<vmem>> -> memref<1x8x2x8x128xf32, #tpu.memory_space<vmem>>
      %dma_start3A_246 = tpu.memref_squeeze %dma_start3A_245 : memref<1x8x2x8x128xf32, #tpu.memory_space<vmem>> -> memref<8x2x8x128xf32, #tpu.memory_space<vmem>>
      %dma_start3A_247 = arith.constant 0 : i32
      %dma_start3A_248 = arith.constant 0 : i32
      %dma_start3A_249 = arith.constant 0 : i32
      %dma_start3A_250 = tpu.memref_slice %arg4[%scan3A_144, %dma_start3A_247, %add3A_238, %dma_start3A_248, %dma_start3A_249] : memref<200x8x128x8x128xf32, #tpu.memory_space<hbm>> -> memref<1x8x2x8x128xf32, #tpu.memory_space<hbm>>
      %dma_start3A_251 = tpu.memref_squeeze %dma_start3A_250 : memref<1x8x2x8x128xf32, #tpu.memory_space<hbm>> -> memref<8x2x8x128xf32, #tpu.memory_space<hbm>>
      %dma_start3A_252 = tpu.memref_slice %arg10[%dma_start3A_240] : memref<2x!tpu.dma_semaphore, #tpu.memory_space<semaphore_mem>> -> memref<1x!tpu.dma_semaphore, #tpu.memory_space<semaphore_mem>>
      %dma_start3A_253 = tpu.memref_squeeze %dma_start3A_252 : memref<1x!tpu.dma_semaphore, #tpu.memory_space<semaphore_mem>> -> memref<!tpu.dma_semaphore, #tpu.memory_space<semaphore_mem>>
      %dma_start3A_254 = arith.constant 0 : i32
      %dma_start3A_255 = arith.constant 0 : i32
      %dma_start3A_256 = arith.constant 0 : i32
      %dma_start3A_257 = tpu.memref_slice %arg4[%scan3A_144, %dma_start3A_254, %add3A_238, %dma_start3A_255, %dma_start3A_256] : memref<200x8x128x8x128xf32, #tpu.memory_space<hbm>> -> memref<1x8x2x8x128xf32, #tpu.memory_space<hbm>>
      %dma_start3A_258 = tpu.memref_squeeze %dma_start3A_257 : memref<1x8x2x8x128xf32, #tpu.memory_space<hbm>> -> memref<8x2x8x128xf32, #tpu.memory_space<hbm>>
      %dma_start3A_259 = arith.constant 0 : i32
      %dma_start3A_260 = arith.constant 0 : i32
      %dma_start3A_261 = arith.constant 0 : i32
      %dma_start3A_262 = arith.constant 0 : i32
      %dma_start3A_263 = tpu.memref_slice %arg7[%dma_start3A_239, %dma_start3A_259, %dma_start3A_260, %dma_start3A_261, %dma_start3A_262] : memref<2x8x2x8x128xf32, #tpu.memory_space<vmem>> -> memref<1x8x2x8x128xf32, #tpu.memory_space<vmem>>
      %dma_start3A_264 = tpu.memref_squeeze %dma_start3A_263 : memref<1x8x2x8x128xf32, #tpu.memory_space<vmem>> -> memref<8x2x8x128xf32, #tpu.memory_space<vmem>>
      tpu.enqueue_dma source(%dma_start3A_264 : memref<8x2x8x128xf32, #tpu.memory_space<vmem>>) target(%dma_start3A_258 : memref<8x2x8x128xf32, #tpu.memory_space<hbm>>) target_semaphore(%dma_start3A_253 : memref<!tpu.dma_semaphore, #tpu.memory_space<semaphore_mem>>)
      %ge3A_265 = arith.constant 1 : i32
      %ge3A_266 = arith.cmpi sge, %scan3A_144, %ge3A_265 : i32
      %convert_element_type3A_267 = arith.extui %ge3A_266 : i1 to i32
      %cond3A_268 = arith.constant 0 : i32
      %cond3A_269 = arith.cmpi ne, %convert_element_type3A_267, %cond3A_268 : i32
      scf.if %cond3A_269 {
        %dma_wait3A_308 = arith.constant 1 : i32
        %dma_wait3A_309 = arith.constant 0 : i32
        %dma_wait3A_310 = arith.constant 1 : i32
        %dma_wait3A_311 = arith.constant 0 : i32
        %dma_wait3A_312 = arith.constant 0 : i32
        %dma_wait3A_313 = arith.constant 0 : i32
        %dma_wait3A_314 = arith.constant 0 : i32
        %dma_wait3A_315 = tpu.memref_slice %arg7[%dma_wait3A_308, %dma_wait3A_311, %dma_wait3A_312, %dma_wait3A_313, %dma_wait3A_314] : memref<2x8x2x8x128xf32, #tpu.memory_space<vmem>> -> memref<1x8x2x8x128xf32, #tpu.memory_space<vmem>>
        %dma_wait3A_316 = tpu.memref_squeeze %dma_wait3A_315 : memref<1x8x2x8x128xf32, #tpu.memory_space<vmem>> -> memref<8x2x8x128xf32, #tpu.memory_space<vmem>>
        %dma_wait3A_317 = arith.constant 0 : i32
        %dma_wait3A_318 = arith.constant 0 : i32
        %dma_wait3A_319 = arith.constant 0 : i32
        %dma_wait3A_320 = tpu.memref_slice %arg4[%dma_wait3A_309, %dma_wait3A_317, %mul3A_2, %dma_wait3A_318, %dma_wait3A_319] : memref<200x8x128x8x128xf32, #tpu.memory_space<hbm>> -> memref<1x8x2x8x128xf32, #tpu.memory_space<hbm>>
        %dma_wait3A_321 = tpu.memref_squeeze %dma_wait3A_320 : memref<1x8x2x8x128xf32, #tpu.memory_space<hbm>> -> memref<8x2x8x128xf32, #tpu.memory_space<hbm>>
        %dma_wait3A_322 = tpu.memref_slice %arg10[%dma_wait3A_310] : memref<2x!tpu.dma_semaphore, #tpu.memory_space<semaphore_mem>> -> memref<1x!tpu.dma_semaphore, #tpu.memory_space<semaphore_mem>>
        %dma_wait3A_323 = tpu.memref_squeeze %dma_wait3A_322 : memref<1x!tpu.dma_semaphore, #tpu.memory_space<semaphore_mem>> -> memref<!tpu.dma_semaphore, #tpu.memory_space<semaphore_mem>>
        %dma_wait3A_324 = arith.constant 0 : i32
        %dma_wait3A_325 = arith.constant 0 : i32
        %dma_wait3A_326 = arith.constant 0 : i32
        %dma_wait3A_327 = tpu.memref_slice %arg4[%dma_wait3A_309, %dma_wait3A_324, %mul3A_2, %dma_wait3A_325, %dma_wait3A_326] : memref<200x8x128x8x128xf32, #tpu.memory_space<hbm>> -> memref<1x8x2x8x128xf32, #tpu.memory_space<hbm>>
        %dma_wait3A_328 = tpu.memref_squeeze %dma_wait3A_327 : memref<1x8x2x8x128xf32, #tpu.memory_space<hbm>> -> memref<8x2x8x128xf32, #tpu.memory_space<hbm>>
        %dma_wait3A_329 = arith.constant 0 : i32
        %dma_wait3A_330 = arith.constant 0 : i32
        %dma_wait3A_331 = arith.constant 0 : i32
        %dma_wait3A_332 = arith.constant 0 : i32
        %dma_wait3A_333 = tpu.memref_slice %arg7[%dma_wait3A_308, %dma_wait3A_329, %dma_wait3A_330, %dma_wait3A_331, %dma_wait3A_332] : memref<2x8x2x8x128xf32, #tpu.memory_space<vmem>> -> memref<1x8x2x8x128xf32, #tpu.memory_space<vmem>>
        %dma_wait3A_334 = tpu.memref_squeeze %dma_wait3A_333 : memref<1x8x2x8x128xf32, #tpu.memory_space<vmem>> -> memref<8x2x8x128xf32, #tpu.memory_space<vmem>>
        tpu.wait_dma2 semaphore(%dma_wait3A_323 : memref<!tpu.dma_semaphore, #tpu.memory_space<semaphore_mem>>) src(%dma_wait3A_334 : memref<8x2x8x128xf32, #tpu.memory_space<vmem>>) dst(%dma_wait3A_328 : memref<8x2x8x128xf32, #tpu.memory_space<hbm>>)
      } else {
      }
      %broadcast_in_dim3A_270 = arith.constant 0 : i32
      %broadcast_in_dim3A_271 = vector.broadcast %broadcast_in_dim3A_270 : i32 to vector<16xi32>
      %parallel_loop3A_272 = arith.constant 0 : i32
      %parallel_loop3A_273 = arith.constant 8 : i32
      %parallel_loop3A_274 = arith.constant 1 : i32
      scf.for %parallel_loop3A_308 = %parallel_loop3A_272 to %parallel_loop3A_273 step %parallel_loop3A_274  : i32 {
        %parallel_loop3A_309 = arith.constant 16 : i32
        %parallel_loop3A_310 = arith.muli %parallel_loop3A_308, %parallel_loop3A_309 : i32
        %parallel_loop3A_311 = arith.constant 256 : i32
        %parallel_loop3A_312 = arith.addi %parallel_loop3A_311, %parallel_loop3A_310 : i32
        %parallel_loop3A_313 = vector.broadcast %parallel_loop3A_312 : i32 to vector<16xi32>
        %parallel_loop3A_314 = arith.addi %parallel_loop3A_313, %iota3A : vector<16xi32>
        %parallel_loop3A_315 = arith.constant 16 : i32
        %parallel_loop3A_316 = arith.muli %parallel_loop3A_308, %parallel_loop3A_315 : i32
        %parallel_loop3A_317 = vector.broadcast %parallel_loop3A_316 : i32 to vector<16xi32>
        %parallel_loop3A_318 = arith.addi %parallel_loop3A_317, %iota3A : vector<16xi32>
        %parallel_loop3A_319 = arith.constant 0 : i32
        %parallel_loop3A_320 = arith.constant 16 : i32
        %parallel_loop3A_321 = arith.constant 1 : i32
        scf.for %parallel_loop3A_322 = %parallel_loop3A_319 to %parallel_loop3A_320 step %parallel_loop3A_321  : i32 {
          %parallel_loop3A_323 = vector.broadcast %parallel_loop3A_322 : i32 to vector<16xi32>
          %parallel_loop3A_324 = arith.addi %iota3A, %parallel_loop3A_323 : vector<16xi32>
          %parallel_loop3A_325 = arith.constant 16 : i32
          %parallel_loop3A_326 = arith.constant 0 : i32
          %parallel_loop3A_327 = arith.cmpi eq, %parallel_loop3A_325, %parallel_loop3A_326 : i32
          %parallel_loop3A_328 = arith.constant 1 : i32
          %parallel_loop3A_329 = arith.select %parallel_loop3A_327, %parallel_loop3A_328, %parallel_loop3A_325 : i32
          %parallel_loop3A_330 = vector.broadcast %parallel_loop3A_329 : i32 to vector<16xi32>
          %parallel_loop3A_331 = arith.remsi %parallel_loop3A_324, %parallel_loop3A_330 : vector<16xi32>
          %parallel_loop3A_332 = arith.constant 0 : i32
          %parallel_loop3A_333 = vector.broadcast %parallel_loop3A_332 : i32 to vector<16xi32>
          %parallel_loop3A_334 = arith.cmpi ne, %parallel_loop3A_331, %parallel_loop3A_333 : vector<16xi32>
          %parallel_loop3A_335 = arith.constant 0 : i32
          %parallel_loop3A_336 = vector.broadcast %parallel_loop3A_335 : i32 to vector<16xi32>
          %parallel_loop3A_337 = arith.cmpi slt, %parallel_loop3A_331, %parallel_loop3A_336 : vector<16xi32>
          %parallel_loop3A_338 = arith.constant 0 : i32
          %parallel_loop3A_339 = arith.cmpi slt, %parallel_loop3A_329, %parallel_loop3A_338 : i32
          %parallel_loop3A_340 = vector.broadcast %parallel_loop3A_339 : i1 to vector<16xi1>
          %parallel_loop3A_341 = vector.broadcast %parallel_loop3A_340 : vector<16xi1> to vector<16xi1>
          %parallel_loop3A_342 = arith.xori %parallel_loop3A_337, %parallel_loop3A_341 : vector<16xi1>
          %parallel_loop3A_343 = arith.andi %parallel_loop3A_342, %parallel_loop3A_334 : vector<16xi1>
          %parallel_loop3A_344 = vector.broadcast %parallel_loop3A_329 : i32 to vector<16xi32>
          %parallel_loop3A_345 = arith.addi %parallel_loop3A_331, %parallel_loop3A_344 : vector<16xi32>
          %parallel_loop3A_346 = arith.select %parallel_loop3A_343, %parallel_loop3A_345, %parallel_loop3A_331 : vector<16xi1>, vector<16xi32>
          %parallel_loop3A_347 = arith.constant 0 : i32
          %parallel_loop3A_348 = vector.broadcast %parallel_loop3A_347 : i32 to vector<16xi32>
          %parallel_loop3A_349 = arith.addi %parallel_loop3A_348, %parallel_loop3A_346 : vector<16xi32>
          %parallel_loop3A_350 = arith.constant 3 : i32
          %parallel_loop3A_351 = vector.broadcast %parallel_loop3A_350 : i32 to vector<16xi32>
          %parallel_loop3A_352 = arith.shrui %parallel_loop3A_349, %parallel_loop3A_351 : vector<16xi32>
          %parallel_loop3A_353 = arith.constant 8 : i32
          %parallel_loop3A_354 = arith.constant 0 : i32
          %parallel_loop3A_355 = arith.cmpi eq, %parallel_loop3A_353, %parallel_loop3A_354 : i32
          %parallel_loop3A_356 = arith.constant 1 : i32
          %parallel_loop3A_357 = arith.select %parallel_loop3A_355, %parallel_loop3A_356, %parallel_loop3A_353 : i32
          %parallel_loop3A_358 = vector.broadcast %parallel_loop3A_357 : i32 to vector<16xi32>
          %parallel_loop3A_359 = arith.remsi %parallel_loop3A_349, %parallel_loop3A_358 : vector<16xi32>
          %parallel_loop3A_360 = arith.constant 0 : i32
          %parallel_loop3A_361 = vector.broadcast %parallel_loop3A_360 : i32 to vector<16xi32>
          %parallel_loop3A_362 = arith.cmpi ne, %parallel_loop3A_359, %parallel_loop3A_361 : vector<16xi32>
          %parallel_loop3A_363 = arith.constant 0 : i32
          %parallel_loop3A_364 = vector.broadcast %parallel_loop3A_363 : i32 to vector<16xi32>
          %parallel_loop3A_365 = arith.cmpi slt, %parallel_loop3A_359, %parallel_loop3A_364 : vector<16xi32>
          %parallel_loop3A_366 = arith.constant 0 : i32
          %parallel_loop3A_367 = arith.cmpi slt, %parallel_loop3A_357, %parallel_loop3A_366 : i32
          %parallel_loop3A_368 = vector.broadcast %parallel_loop3A_367 : i1 to vector<16xi1>
          %parallel_loop3A_369 = vector.broadcast %parallel_loop3A_368 : vector<16xi1> to vector<16xi1>
          %parallel_loop3A_370 = arith.xori %parallel_loop3A_365, %parallel_loop3A_369 : vector<16xi1>
          %parallel_loop3A_371 = arith.andi %parallel_loop3A_370, %parallel_loop3A_362 : vector<16xi1>
          %parallel_loop3A_372 = vector.broadcast %parallel_loop3A_357 : i32 to vector<16xi32>
          %parallel_loop3A_373 = arith.addi %parallel_loop3A_359, %parallel_loop3A_372 : vector<16xi32>
          %parallel_loop3A_374 = arith.select %parallel_loop3A_371, %parallel_loop3A_373, %parallel_loop3A_359 : vector<16xi1>, vector<16xi32>
          %parallel_loop3A_375 = arith.constant 0 : i32
          %parallel_loop3A_376 = arith.constant 0 : i32
          %parallel_loop3A_377 = tpu.memref_slice %arg6[%rem3A_145, %parallel_loop3A_375, %parallel_loop3A_376] : memref<2x512x64xf32, #tpu.memory_space<vmem>> -> memref<1x512x64xf32, #tpu.memory_space<vmem>>
          %parallel_loop3A_378 = tpu.memref_squeeze %parallel_loop3A_377 : memref<1x512x64xf32, #tpu.memory_space<vmem>> -> memref<512x64xf32, #tpu.memory_space<vmem>>
          %parallel_loop3A_379 = tpu.vector_load_idx %parallel_loop3A_378[%parallel_loop3A_314, %parallel_loop3A_349] : memref<512x64xf32, #tpu.memory_space<vmem>>[vector<16xi32>, vector<16xi32>], vector<16xf32>,
          %parallel_loop3A_380 = arith.constant 8.000000e+00 : f32
          %parallel_loop3A_381 = vector.broadcast %parallel_loop3A_380 : f32 to vector<16xf32>
          %parallel_loop3A_382 = arith.mulf %parallel_loop3A_379, %parallel_loop3A_381 : vector<16xf32>
          %parallel_loop3A_383 = arith.constant 1 : i32
          %parallel_loop3A_384 = arith.constant 0 : i32
          %parallel_loop3A_385 = arith.constant 0 : i32
          %parallel_loop3A_386 = arith.constant 0 : i32
          %parallel_loop3A_387 = arith.constant 0 : i32
          %parallel_loop3A_388 = tpu.memref_slice %arg7[%parallel_loop3A_383, %parallel_loop3A_384, %parallel_loop3A_385, %parallel_loop3A_386, %parallel_loop3A_387] : memref<2x8x2x8x128xf32, #tpu.memory_space<vmem>> -> memref<1x8x2x8x128xf32, #tpu.memory_space<vmem>>
          %parallel_loop3A_389 = tpu.memref_squeeze %parallel_loop3A_388 : memref<1x8x2x8x128xf32, #tpu.memory_space<vmem>> -> memref<8x2x8x128xf32, #tpu.memory_space<vmem>>
          tpu.vector_store_idx %parallel_loop3A_389[%parallel_loop3A_352, %broadcast_in_dim3A_271, %parallel_loop3A_374, %parallel_loop3A_318], %parallel_loop3A_382 : memref<8x2x8x128xf32, #tpu.memory_space<vmem>>[vector<16xi32>, vector<16xi32>, vector<16xi32>, vector<16xi32>], vector<16xf32>,
          %parallel_loop3A_390 = arith.constant 16 : i32
          %parallel_loop3A_391 = vector.broadcast %parallel_loop3A_390 : i32 to vector<16xi32>
          %parallel_loop3A_392 = arith.addi %parallel_loop3A_391, %parallel_loop3A_346 : vector<16xi32>
          %parallel_loop3A_393 = arith.constant 3 : i32
          %parallel_loop3A_394 = vector.broadcast %parallel_loop3A_393 : i32 to vector<16xi32>
          %parallel_loop3A_395 = arith.shrui %parallel_loop3A_392, %parallel_loop3A_394 : vector<16xi32>
          %parallel_loop3A_396 = arith.constant 8 : i32
          %parallel_loop3A_397 = arith.constant 0 : i32
          %parallel_loop3A_398 = arith.cmpi eq, %parallel_loop3A_396, %parallel_loop3A_397 : i32
          %parallel_loop3A_399 = arith.constant 1 : i32
          %parallel_loop3A_400 = arith.select %parallel_loop3A_398, %parallel_loop3A_399, %parallel_loop3A_396 : i32
          %parallel_loop3A_401 = vector.broadcast %parallel_loop3A_400 : i32 to vector<16xi32>
          %parallel_loop3A_402 = arith.remsi %parallel_loop3A_392, %parallel_loop3A_401 : vector<16xi32>
          %parallel_loop3A_403 = arith.constant 0 : i32
          %parallel_loop3A_404 = vector.broadcast %parallel_loop3A_403 : i32 to vector<16xi32>
          %parallel_loop3A_405 = arith.cmpi ne, %parallel_loop3A_402, %parallel_loop3A_404 : vector<16xi32>
          %parallel_loop3A_406 = arith.constant 0 : i32
          %parallel_loop3A_407 = vector.broadcast %parallel_loop3A_406 : i32 to vector<16xi32>
          %parallel_loop3A_408 = arith.cmpi slt, %parallel_loop3A_402, %parallel_loop3A_407 : vector<16xi32>
          %parallel_loop3A_409 = arith.constant 0 : i32
          %parallel_loop3A_410 = arith.cmpi slt, %parallel_loop3A_400, %parallel_loop3A_409 : i32
          %parallel_loop3A_411 = vector.broadcast %parallel_loop3A_410 : i1 to vector<16xi1>
          %parallel_loop3A_412 = vector.broadcast %parallel_loop3A_411 : vector<16xi1> to vector<16xi1>
          %parallel_loop3A_413 = arith.xori %parallel_loop3A_408, %parallel_loop3A_412 : vector<16xi1>
          %parallel_loop3A_414 = arith.andi %parallel_loop3A_413, %parallel_loop3A_405 : vector<16xi1>
          %parallel_loop3A_415 = vector.broadcast %parallel_loop3A_400 : i32 to vector<16xi32>
          %parallel_loop3A_416 = arith.addi %parallel_loop3A_402, %parallel_loop3A_415 : vector<16xi32>
          %parallel_loop3A_417 = arith.select %parallel_loop3A_414, %parallel_loop3A_416, %parallel_loop3A_402 : vector<16xi1>, vector<16xi32>
          %parallel_loop3A_418 = arith.constant 0 : i32
          %parallel_loop3A_419 = arith.constant 0 : i32
          %parallel_loop3A_420 = tpu.memref_slice %arg6[%rem3A_145, %parallel_loop3A_418, %parallel_loop3A_419] : memref<2x512x64xf32, #tpu.memory_space<vmem>> -> memref<1x512x64xf32, #tpu.memory_space<vmem>>
          %parallel_loop3A_421 = tpu.memref_squeeze %parallel_loop3A_420 : memref<1x512x64xf32, #tpu.memory_space<vmem>> -> memref<512x64xf32, #tpu.memory_space<vmem>>
          %parallel_loop3A_422 = tpu.vector_load_idx %parallel_loop3A_421[%parallel_loop3A_314, %parallel_loop3A_392] : memref<512x64xf32, #tpu.memory_space<vmem>>[vector<16xi32>, vector<16xi32>], vector<16xf32>,
          %parallel_loop3A_423 = arith.constant 8.000000e+00 : f32
          %parallel_loop3A_424 = vector.broadcast %parallel_loop3A_423 : f32 to vector<16xf32>
          %parallel_loop3A_425 = arith.mulf %parallel_loop3A_422, %parallel_loop3A_424 : vector<16xf32>
          %parallel_loop3A_426 = arith.constant 1 : i32
          %parallel_loop3A_427 = arith.constant 0 : i32
          %parallel_loop3A_428 = arith.constant 0 : i32
          %parallel_loop3A_429 = arith.constant 0 : i32
          %parallel_loop3A_430 = arith.constant 0 : i32
          %parallel_loop3A_431 = tpu.memref_slice %arg7[%parallel_loop3A_426, %parallel_loop3A_427, %parallel_loop3A_428, %parallel_loop3A_429, %parallel_loop3A_430] : memref<2x8x2x8x128xf32, #tpu.memory_space<vmem>> -> memref<1x8x2x8x128xf32, #tpu.memory_space<vmem>>
          %parallel_loop3A_432 = tpu.memref_squeeze %parallel_loop3A_431 : memref<1x8x2x8x128xf32, #tpu.memory_space<vmem>> -> memref<8x2x8x128xf32, #tpu.memory_space<vmem>>
          tpu.vector_store_idx %parallel_loop3A_432[%parallel_loop3A_395, %broadcast_in_dim3A_271, %parallel_loop3A_417, %parallel_loop3A_318], %parallel_loop3A_425 : memref<8x2x8x128xf32, #tpu.memory_space<vmem>>[vector<16xi32>, vector<16xi32>, vector<16xi32>, vector<16xi32>], vector<16xf32>,
          %parallel_loop3A_433 = arith.constant 32 : i32
          %parallel_loop3A_434 = vector.broadcast %parallel_loop3A_433 : i32 to vector<16xi32>
          %parallel_loop3A_435 = arith.addi %parallel_loop3A_434, %parallel_loop3A_346 : vector<16xi32>
          %parallel_loop3A_436 = arith.constant 3 : i32
          %parallel_loop3A_437 = vector.broadcast %parallel_loop3A_436 : i32 to vector<16xi32>
          %parallel_loop3A_438 = arith.shrui %parallel_loop3A_435, %parallel_loop3A_437 : vector<16xi32>
          %parallel_loop3A_439 = arith.constant 8 : i32
          %parallel_loop3A_440 = arith.constant 0 : i32
          %parallel_loop3A_441 = arith.cmpi eq, %parallel_loop3A_439, %parallel_loop3A_440 : i32
          %parallel_loop3A_442 = arith.constant 1 : i32
          %parallel_loop3A_443 = arith.select %parallel_loop3A_441, %parallel_loop3A_442, %parallel_loop3A_439 : i32
          %parallel_loop3A_444 = vector.broadcast %parallel_loop3A_443 : i32 to vector<16xi32>
          %parallel_loop3A_445 = arith.remsi %parallel_loop3A_435, %parallel_loop3A_444 : vector<16xi32>
          %parallel_loop3A_446 = arith.constant 0 : i32
          %parallel_loop3A_447 = vector.broadcast %parallel_loop3A_446 : i32 to vector<16xi32>
          %parallel_loop3A_448 = arith.cmpi ne, %parallel_loop3A_445, %parallel_loop3A_447 : vector<16xi32>
          %parallel_loop3A_449 = arith.constant 0 : i32
          %parallel_loop3A_450 = vector.broadcast %parallel_loop3A_449 : i32 to vector<16xi32>
          %parallel_loop3A_451 = arith.cmpi slt, %parallel_loop3A_445, %parallel_loop3A_450 : vector<16xi32>
          %parallel_loop3A_452 = arith.constant 0 : i32
          %parallel_loop3A_453 = arith.cmpi slt, %parallel_loop3A_443, %parallel_loop3A_452 : i32
          %parallel_loop3A_454 = vector.broadcast %parallel_loop3A_453 : i1 to vector<16xi1>
          %parallel_loop3A_455 = vector.broadcast %parallel_loop3A_454 : vector<16xi1> to vector<16xi1>
          %parallel_loop3A_456 = arith.xori %parallel_loop3A_451, %parallel_loop3A_455 : vector<16xi1>
          %parallel_loop3A_457 = arith.andi %parallel_loop3A_456, %parallel_loop3A_448 : vector<16xi1>
          %parallel_loop3A_458 = vector.broadcast %parallel_loop3A_443 : i32 to vector<16xi32>
          %parallel_loop3A_459 = arith.addi %parallel_loop3A_445, %parallel_loop3A_458 : vector<16xi32>
          %parallel_loop3A_460 = arith.select %parallel_loop3A_457, %parallel_loop3A_459, %parallel_loop3A_445 : vector<16xi1>, vector<16xi32>
          %parallel_loop3A_461 = arith.constant 0 : i32
          %parallel_loop3A_462 = arith.constant 0 : i32
          %parallel_loop3A_463 = tpu.memref_slice %arg6[%rem3A_145, %parallel_loop3A_461, %parallel_loop3A_462] : memref<2x512x64xf32, #tpu.memory_space<vmem>> -> memref<1x512x64xf32, #tpu.memory_space<vmem>>
          %parallel_loop3A_464 = tpu.memref_squeeze %parallel_loop3A_463 : memref<1x512x64xf32, #tpu.memory_space<vmem>> -> memref<512x64xf32, #tpu.memory_space<vmem>>
          %parallel_loop3A_465 = tpu.vector_load_idx %parallel_loop3A_464[%parallel_loop3A_314, %parallel_loop3A_435] : memref<512x64xf32, #tpu.memory_space<vmem>>[vector<16xi32>, vector<16xi32>], vector<16xf32>,
          %parallel_loop3A_466 = arith.constant 8.000000e+00 : f32
          %parallel_loop3A_467 = vector.broadcast %parallel_loop3A_466 : f32 to vector<16xf32>
          %parallel_loop3A_468 = arith.mulf %parallel_loop3A_465, %parallel_loop3A_467 : vector<16xf32>
          %parallel_loop3A_469 = arith.constant 1 : i32
          %parallel_loop3A_470 = arith.constant 0 : i32
          %parallel_loop3A_471 = arith.constant 0 : i32
          %parallel_loop3A_472 = arith.constant 0 : i32
          %parallel_loop3A_473 = arith.constant 0 : i32
          %parallel_loop3A_474 = tpu.memref_slice %arg7[%parallel_loop3A_469, %parallel_loop3A_470, %parallel_loop3A_471, %parallel_loop3A_472, %parallel_loop3A_473] : memref<2x8x2x8x128xf32, #tpu.memory_space<vmem>> -> memref<1x8x2x8x128xf32, #tpu.memory_space<vmem>>
          %parallel_loop3A_475 = tpu.memref_squeeze %parallel_loop3A_474 : memref<1x8x2x8x128xf32, #tpu.memory_space<vmem>> -> memref<8x2x8x128xf32, #tpu.memory_space<vmem>>
          tpu.vector_store_idx %parallel_loop3A_475[%parallel_loop3A_438, %broadcast_in_dim3A_271, %parallel_loop3A_460, %parallel_loop3A_318], %parallel_loop3A_468 : memref<8x2x8x128xf32, #tpu.memory_space<vmem>>[vector<16xi32>, vector<16xi32>, vector<16xi32>, vector<16xi32>], vector<16xf32>,
          %parallel_loop3A_476 = arith.constant 48 : i32
          %parallel_loop3A_477 = vector.broadcast %parallel_loop3A_476 : i32 to vector<16xi32>
          %parallel_loop3A_478 = arith.addi %parallel_loop3A_477, %parallel_loop3A_346 : vector<16xi32>
          %parallel_loop3A_479 = arith.constant 3 : i32
          %parallel_loop3A_480 = vector.broadcast %parallel_loop3A_479 : i32 to vector<16xi32>
          %parallel_loop3A_481 = arith.shrui %parallel_loop3A_478, %parallel_loop3A_480 : vector<16xi32>
          %parallel_loop3A_482 = arith.constant 8 : i32
          %parallel_loop3A_483 = arith.constant 0 : i32
          %parallel_loop3A_484 = arith.cmpi eq, %parallel_loop3A_482, %parallel_loop3A_483 : i32
          %parallel_loop3A_485 = arith.constant 1 : i32
          %parallel_loop3A_486 = arith.select %parallel_loop3A_484, %parallel_loop3A_485, %parallel_loop3A_482 : i32
          %parallel_loop3A_487 = vector.broadcast %parallel_loop3A_486 : i32 to vector<16xi32>
          %parallel_loop3A_488 = arith.remsi %parallel_loop3A_478, %parallel_loop3A_487 : vector<16xi32>
          %parallel_loop3A_489 = arith.constant 0 : i32
          %parallel_loop3A_490 = vector.broadcast %parallel_loop3A_489 : i32 to vector<16xi32>
          %parallel_loop3A_491 = arith.cmpi ne, %parallel_loop3A_488, %parallel_loop3A_490 : vector<16xi32>
          %parallel_loop3A_492 = arith.constant 0 : i32
          %parallel_loop3A_493 = vector.broadcast %parallel_loop3A_492 : i32 to vector<16xi32>
          %parallel_loop3A_494 = arith.cmpi slt, %parallel_loop3A_488, %parallel_loop3A_493 : vector<16xi32>
          %parallel_loop3A_495 = arith.constant 0 : i32
          %parallel_loop3A_496 = arith.cmpi slt, %parallel_loop3A_486, %parallel_loop3A_495 : i32
          %parallel_loop3A_497 = vector.broadcast %parallel_loop3A_496 : i1 to vector<16xi1>
          %parallel_loop3A_498 = vector.broadcast %parallel_loop3A_497 : vector<16xi1> to vector<16xi1>
          %parallel_loop3A_499 = arith.xori %parallel_loop3A_494, %parallel_loop3A_498 : vector<16xi1>
          %parallel_loop3A_500 = arith.andi %parallel_loop3A_499, %parallel_loop3A_491 : vector<16xi1>
          %parallel_loop3A_501 = vector.broadcast %parallel_loop3A_486 : i32 to vector<16xi32>
          %parallel_loop3A_502 = arith.addi %parallel_loop3A_488, %parallel_loop3A_501 : vector<16xi32>
          %parallel_loop3A_503 = arith.select %parallel_loop3A_500, %parallel_loop3A_502, %parallel_loop3A_488 : vector<16xi1>, vector<16xi32>
          %parallel_loop3A_504 = arith.constant 0 : i32
          %parallel_loop3A_505 = arith.constant 0 : i32
          %parallel_loop3A_506 = tpu.memref_slice %arg6[%rem3A_145, %parallel_loop3A_504, %parallel_loop3A_505] : memref<2x512x64xf32, #tpu.memory_space<vmem>> -> memref<1x512x64xf32, #tpu.memory_space<vmem>>
          %parallel_loop3A_507 = tpu.memref_squeeze %parallel_loop3A_506 : memref<1x512x64xf32, #tpu.memory_space<vmem>> -> memref<512x64xf32, #tpu.memory_space<vmem>>
          %parallel_loop3A_508 = tpu.vector_load_idx %parallel_loop3A_507[%parallel_loop3A_314, %parallel_loop3A_478] : memref<512x64xf32, #tpu.memory_space<vmem>>[vector<16xi32>, vector<16xi32>], vector<16xf32>,
          %parallel_loop3A_509 = arith.constant 8.000000e+00 : f32
          %parallel_loop3A_510 = vector.broadcast %parallel_loop3A_509 : f32 to vector<16xf32>
          %parallel_loop3A_511 = arith.mulf %parallel_loop3A_508, %parallel_loop3A_510 : vector<16xf32>
          %parallel_loop3A_512 = arith.constant 1 : i32
          %parallel_loop3A_513 = arith.constant 0 : i32
          %parallel_loop3A_514 = arith.constant 0 : i32
          %parallel_loop3A_515 = arith.constant 0 : i32
          %parallel_loop3A_516 = arith.constant 0 : i32
          %parallel_loop3A_517 = tpu.memref_slice %arg7[%parallel_loop3A_512, %parallel_loop3A_513, %parallel_loop3A_514, %parallel_loop3A_515, %parallel_loop3A_516] : memref<2x8x2x8x128xf32, #tpu.memory_space<vmem>> -> memref<1x8x2x8x128xf32, #tpu.memory_space<vmem>>
          %parallel_loop3A_518 = tpu.memref_squeeze %parallel_loop3A_517 : memref<1x8x2x8x128xf32, #tpu.memory_space<vmem>> -> memref<8x2x8x128xf32, #tpu.memory_space<vmem>>
          tpu.vector_store_idx %parallel_loop3A_518[%parallel_loop3A_481, %broadcast_in_dim3A_271, %parallel_loop3A_503, %parallel_loop3A_318], %parallel_loop3A_511 : memref<8x2x8x128xf32, #tpu.memory_space<vmem>>[vector<16xi32>, vector<16xi32>, vector<16xi32>, vector<16xi32>], vector<16xf32>,
        } {sc.loop_unroll_factor = 4 : i64, sc.parallel_access}
      } {sc.loop_unroll_factor = 2 : i64, sc.parallel_access}
      %broadcast_in_dim3A_275 = arith.constant 1 : i32
      %broadcast_in_dim3A_276 = vector.broadcast %broadcast_in_dim3A_275 : i32 to vector<16xi32>
      %parallel_loop3A_277 = arith.constant 0 : i32
      %parallel_loop3A_278 = arith.constant 8 : i32
      %parallel_loop3A_279 = arith.constant 1 : i32
      scf.for %parallel_loop3A_308 = %parallel_loop3A_277 to %parallel_loop3A_278 step %parallel_loop3A_279  : i32 {
        %parallel_loop3A_309 = arith.constant 16 : i32
        %parallel_loop3A_310 = arith.muli %parallel_loop3A_308, %parallel_loop3A_309 : i32
        %parallel_loop3A_311 = arith.constant 384 : i32
        %parallel_loop3A_312 = arith.addi %parallel_loop3A_311, %parallel_loop3A_310 : i32
        %parallel_loop3A_313 = vector.broadcast %parallel_loop3A_312 : i32 to vector<16xi32>
        %parallel_loop3A_314 = arith.addi %parallel_loop3A_313, %iota3A : vector<16xi32>
        %parallel_loop3A_315 = arith.constant 16 : i32
        %parallel_loop3A_316 = arith.muli %parallel_loop3A_308, %parallel_loop3A_315 : i32
        %parallel_loop3A_317 = vector.broadcast %parallel_loop3A_316 : i32 to vector<16xi32>
        %parallel_loop3A_318 = arith.addi %parallel_loop3A_317, %iota3A : vector<16xi32>
        %parallel_loop3A_319 = arith.constant 0 : i32
        %parallel_loop3A_320 = arith.constant 16 : i32
        %parallel_loop3A_321 = arith.constant 1 : i32
        scf.for %parallel_loop3A_322 = %parallel_loop3A_319 to %parallel_loop3A_320 step %parallel_loop3A_321  : i32 {
          %parallel_loop3A_323 = vector.broadcast %parallel_loop3A_322 : i32 to vector<16xi32>
          %parallel_loop3A_324 = arith.addi %iota3A, %parallel_loop3A_323 : vector<16xi32>
          %parallel_loop3A_325 = arith.constant 16 : i32
          %parallel_loop3A_326 = arith.constant 0 : i32
          %parallel_loop3A_327 = arith.cmpi eq, %parallel_loop3A_325, %parallel_loop3A_326 : i32
          %parallel_loop3A_328 = arith.constant 1 : i32
          %parallel_loop3A_329 = arith.select %parallel_loop3A_327, %parallel_loop3A_328, %parallel_loop3A_325 : i32
          %parallel_loop3A_330 = vector.broadcast %parallel_loop3A_329 : i32 to vector<16xi32>
          %parallel_loop3A_331 = arith.remsi %parallel_loop3A_324, %parallel_loop3A_330 : vector<16xi32>
          %parallel_loop3A_332 = arith.constant 0 : i32
          %parallel_loop3A_333 = vector.broadcast %parallel_loop3A_332 : i32 to vector<16xi32>
          %parallel_loop3A_334 = arith.cmpi ne, %parallel_loop3A_331, %parallel_loop3A_333 : vector<16xi32>
          %parallel_loop3A_335 = arith.constant 0 : i32
          %parallel_loop3A_336 = vector.broadcast %parallel_loop3A_335 : i32 to vector<16xi32>
          %parallel_loop3A_337 = arith.cmpi slt, %parallel_loop3A_331, %parallel_loop3A_336 : vector<16xi32>
          %parallel_loop3A_338 = arith.constant 0 : i32
          %parallel_loop3A_339 = arith.cmpi slt, %parallel_loop3A_329, %parallel_loop3A_338 : i32
          %parallel_loop3A_340 = vector.broadcast %parallel_loop3A_339 : i1 to vector<16xi1>
          %parallel_loop3A_341 = vector.broadcast %parallel_loop3A_340 : vector<16xi1> to vector<16xi1>
          %parallel_loop3A_342 = arith.xori %parallel_loop3A_337, %parallel_loop3A_341 : vector<16xi1>
          %parallel_loop3A_343 = arith.andi %parallel_loop3A_342, %parallel_loop3A_334 : vector<16xi1>
          %parallel_loop3A_344 = vector.broadcast %parallel_loop3A_329 : i32 to vector<16xi32>
          %parallel_loop3A_345 = arith.addi %parallel_loop3A_331, %parallel_loop3A_344 : vector<16xi32>
          %parallel_loop3A_346 = arith.select %parallel_loop3A_343, %parallel_loop3A_345, %parallel_loop3A_331 : vector<16xi1>, vector<16xi32>
          %parallel_loop3A_347 = arith.constant 0 : i32
          %parallel_loop3A_348 = vector.broadcast %parallel_loop3A_347 : i32 to vector<16xi32>
          %parallel_loop3A_349 = arith.addi %parallel_loop3A_348, %parallel_loop3A_346 : vector<16xi32>
          %parallel_loop3A_350 = arith.constant 3 : i32
          %parallel_loop3A_351 = vector.broadcast %parallel_loop3A_350 : i32 to vector<16xi32>
          %parallel_loop3A_352 = arith.shrui %parallel_loop3A_349, %parallel_loop3A_351 : vector<16xi32>
          %parallel_loop3A_353 = arith.constant 8 : i32
          %parallel_loop3A_354 = arith.constant 0 : i32
          %parallel_loop3A_355 = arith.cmpi eq, %parallel_loop3A_353, %parallel_loop3A_354 : i32
          %parallel_loop3A_356 = arith.constant 1 : i32
          %parallel_loop3A_357 = arith.select %parallel_loop3A_355, %parallel_loop3A_356, %parallel_loop3A_353 : i32
          %parallel_loop3A_358 = vector.broadcast %parallel_loop3A_357 : i32 to vector<16xi32>
          %parallel_loop3A_359 = arith.remsi %parallel_loop3A_349, %parallel_loop3A_358 : vector<16xi32>
          %parallel_loop3A_360 = arith.constant 0 : i32
          %parallel_loop3A_361 = vector.broadcast %parallel_loop3A_360 : i32 to vector<16xi32>
          %parallel_loop3A_362 = arith.cmpi ne, %parallel_loop3A_359, %parallel_loop3A_361 : vector<16xi32>
          %parallel_loop3A_363 = arith.constant 0 : i32
          %parallel_loop3A_364 = vector.broadcast %parallel_loop3A_363 : i32 to vector<16xi32>
          %parallel_loop3A_365 = arith.cmpi slt, %parallel_loop3A_359, %parallel_loop3A_364 : vector<16xi32>
          %parallel_loop3A_366 = arith.constant 0 : i32
          %parallel_loop3A_367 = arith.cmpi slt, %parallel_loop3A_357, %parallel_loop3A_366 : i32
          %parallel_loop3A_368 = vector.broadcast %parallel_loop3A_367 : i1 to vector<16xi1>
          %parallel_loop3A_369 = vector.broadcast %parallel_loop3A_368 : vector<16xi1> to vector<16xi1>
          %parallel_loop3A_370 = arith.xori %parallel_loop3A_365, %parallel_loop3A_369 : vector<16xi1>
          %parallel_loop3A_371 = arith.andi %parallel_loop3A_370, %parallel_loop3A_362 : vector<16xi1>
          %parallel_loop3A_372 = vector.broadcast %parallel_loop3A_357 : i32 to vector<16xi32>
          %parallel_loop3A_373 = arith.addi %parallel_loop3A_359, %parallel_loop3A_372 : vector<16xi32>
          %parallel_loop3A_374 = arith.select %parallel_loop3A_371, %parallel_loop3A_373, %parallel_loop3A_359 : vector<16xi1>, vector<16xi32>
          %parallel_loop3A_375 = arith.constant 0 : i32
          %parallel_loop3A_376 = arith.constant 0 : i32
          %parallel_loop3A_377 = tpu.memref_slice %arg6[%rem3A_145, %parallel_loop3A_375, %parallel_loop3A_376] : memref<2x512x64xf32, #tpu.memory_space<vmem>> -> memref<1x512x64xf32, #tpu.memory_space<vmem>>
          %parallel_loop3A_378 = tpu.memref_squeeze %parallel_loop3A_377 : memref<1x512x64xf32, #tpu.memory_space<vmem>> -> memref<512x64xf32, #tpu.memory_space<vmem>>
          %parallel_loop3A_379 = tpu.vector_load_idx %parallel_loop3A_378[%parallel_loop3A_314, %parallel_loop3A_349] : memref<512x64xf32, #tpu.memory_space<vmem>>[vector<16xi32>, vector<16xi32>], vector<16xf32>,
          %parallel_loop3A_380 = arith.constant 8.000000e+00 : f32
          %parallel_loop3A_381 = vector.broadcast %parallel_loop3A_380 : f32 to vector<16xf32>
          %parallel_loop3A_382 = arith.mulf %parallel_loop3A_379, %parallel_loop3A_381 : vector<16xf32>
          %parallel_loop3A_383 = arith.constant 1 : i32
          %parallel_loop3A_384 = arith.constant 0 : i32
          %parallel_loop3A_385 = arith.constant 0 : i32
          %parallel_loop3A_386 = arith.constant 0 : i32
          %parallel_loop3A_387 = arith.constant 0 : i32
          %parallel_loop3A_388 = tpu.memref_slice %arg7[%parallel_loop3A_383, %parallel_loop3A_384, %parallel_loop3A_385, %parallel_loop3A_386, %parallel_loop3A_387] : memref<2x8x2x8x128xf32, #tpu.memory_space<vmem>> -> memref<1x8x2x8x128xf32, #tpu.memory_space<vmem>>
          %parallel_loop3A_389 = tpu.memref_squeeze %parallel_loop3A_388 : memref<1x8x2x8x128xf32, #tpu.memory_space<vmem>> -> memref<8x2x8x128xf32, #tpu.memory_space<vmem>>
          tpu.vector_store_idx %parallel_loop3A_389[%parallel_loop3A_352, %broadcast_in_dim3A_276, %parallel_loop3A_374, %parallel_loop3A_318], %parallel_loop3A_382 : memref<8x2x8x128xf32, #tpu.memory_space<vmem>>[vector<16xi32>, vector<16xi32>, vector<16xi32>, vector<16xi32>], vector<16xf32>,
          %parallel_loop3A_390 = arith.constant 16 : i32
          %parallel_loop3A_391 = vector.broadcast %parallel_loop3A_390 : i32 to vector<16xi32>
          %parallel_loop3A_392 = arith.addi %parallel_loop3A_391, %parallel_loop3A_346 : vector<16xi32>
          %parallel_loop3A_393 = arith.constant 3 : i32
          %parallel_loop3A_394 = vector.broadcast %parallel_loop3A_393 : i32 to vector<16xi32>
          %parallel_loop3A_395 = arith.shrui %parallel_loop3A_392, %parallel_loop3A_394 : vector<16xi32>
          %parallel_loop3A_396 = arith.constant 8 : i32
          %parallel_loop3A_397 = arith.constant 0 : i32
          %parallel_loop3A_398 = arith.cmpi eq, %parallel_loop3A_396, %parallel_loop3A_397 : i32
          %parallel_loop3A_399 = arith.constant 1 : i32
          %parallel_loop3A_400 = arith.select %parallel_loop3A_398, %parallel_loop3A_399, %parallel_loop3A_396 : i32
          %parallel_loop3A_401 = vector.broadcast %parallel_loop3A_400 : i32 to vector<16xi32>
          %parallel_loop3A_402 = arith.remsi %parallel_loop3A_392, %parallel_loop3A_401 : vector<16xi32>
          %parallel_loop3A_403 = arith.constant 0 : i32
          %parallel_loop3A_404 = vector.broadcast %parallel_loop3A_403 : i32 to vector<16xi32>
          %parallel_loop3A_405 = arith.cmpi ne, %parallel_loop3A_402, %parallel_loop3A_404 : vector<16xi32>
          %parallel_loop3A_406 = arith.constant 0 : i32
          %parallel_loop3A_407 = vector.broadcast %parallel_loop3A_406 : i32 to vector<16xi32>
          %parallel_loop3A_408 = arith.cmpi slt, %parallel_loop3A_402, %parallel_loop3A_407 : vector<16xi32>
          %parallel_loop3A_409 = arith.constant 0 : i32
          %parallel_loop3A_410 = arith.cmpi slt, %parallel_loop3A_400, %parallel_loop3A_409 : i32
          %parallel_loop3A_411 = vector.broadcast %parallel_loop3A_410 : i1 to vector<16xi1>
          %parallel_loop3A_412 = vector.broadcast %parallel_loop3A_411 : vector<16xi1> to vector<16xi1>
          %parallel_loop3A_413 = arith.xori %parallel_loop3A_408, %parallel_loop3A_412 : vector<16xi1>
          %parallel_loop3A_414 = arith.andi %parallel_loop3A_413, %parallel_loop3A_405 : vector<16xi1>
          %parallel_loop3A_415 = vector.broadcast %parallel_loop3A_400 : i32 to vector<16xi32>
          %parallel_loop3A_416 = arith.addi %parallel_loop3A_402, %parallel_loop3A_415 : vector<16xi32>
          %parallel_loop3A_417 = arith.select %parallel_loop3A_414, %parallel_loop3A_416, %parallel_loop3A_402 : vector<16xi1>, vector<16xi32>
          %parallel_loop3A_418 = arith.constant 0 : i32
          %parallel_loop3A_419 = arith.constant 0 : i32
          %parallel_loop3A_420 = tpu.memref_slice %arg6[%rem3A_145, %parallel_loop3A_418, %parallel_loop3A_419] : memref<2x512x64xf32, #tpu.memory_space<vmem>> -> memref<1x512x64xf32, #tpu.memory_space<vmem>>
          %parallel_loop3A_421 = tpu.memref_squeeze %parallel_loop3A_420 : memref<1x512x64xf32, #tpu.memory_space<vmem>> -> memref<512x64xf32, #tpu.memory_space<vmem>>
          %parallel_loop3A_422 = tpu.vector_load_idx %parallel_loop3A_421[%parallel_loop3A_314, %parallel_loop3A_392] : memref<512x64xf32, #tpu.memory_space<vmem>>[vector<16xi32>, vector<16xi32>], vector<16xf32>,
          %parallel_loop3A_423 = arith.constant 8.000000e+00 : f32
          %parallel_loop3A_424 = vector.broadcast %parallel_loop3A_423 : f32 to vector<16xf32>
          %parallel_loop3A_425 = arith.mulf %parallel_loop3A_422, %parallel_loop3A_424 : vector<16xf32>
          %parallel_loop3A_426 = arith.constant 1 : i32
          %parallel_loop3A_427 = arith.constant 0 : i32
          %parallel_loop3A_428 = arith.constant 0 : i32
          %parallel_loop3A_429 = arith.constant 0 : i32
          %parallel_loop3A_430 = arith.constant 0 : i32
          %parallel_loop3A_431 = tpu.memref_slice %arg7[%parallel_loop3A_426, %parallel_loop3A_427, %parallel_loop3A_428, %parallel_loop3A_429, %parallel_loop3A_430] : memref<2x8x2x8x128xf32, #tpu.memory_space<vmem>> -> memref<1x8x2x8x128xf32, #tpu.memory_space<vmem>>
          %parallel_loop3A_432 = tpu.memref_squeeze %parallel_loop3A_431 : memref<1x8x2x8x128xf32, #tpu.memory_space<vmem>> -> memref<8x2x8x128xf32, #tpu.memory_space<vmem>>
          tpu.vector_store_idx %parallel_loop3A_432[%parallel_loop3A_395, %broadcast_in_dim3A_276, %parallel_loop3A_417, %parallel_loop3A_318], %parallel_loop3A_425 : memref<8x2x8x128xf32, #tpu.memory_space<vmem>>[vector<16xi32>, vector<16xi32>, vector<16xi32>, vector<16xi32>], vector<16xf32>,
          %parallel_loop3A_433 = arith.constant 32 : i32
          %parallel_loop3A_434 = vector.broadcast %parallel_loop3A_433 : i32 to vector<16xi32>
          %parallel_loop3A_435 = arith.addi %parallel_loop3A_434, %parallel_loop3A_346 : vector<16xi32>
          %parallel_loop3A_436 = arith.constant 3 : i32
          %parallel_loop3A_437 = vector.broadcast %parallel_loop3A_436 : i32 to vector<16xi32>
          %parallel_loop3A_438 = arith.shrui %parallel_loop3A_435, %parallel_loop3A_437 : vector<16xi32>
          %parallel_loop3A_439 = arith.constant 8 : i32
          %parallel_loop3A_440 = arith.constant 0 : i32
          %parallel_loop3A_441 = arith.cmpi eq, %parallel_loop3A_439, %parallel_loop3A_440 : i32
          %parallel_loop3A_442 = arith.constant 1 : i32
          %parallel_loop3A_443 = arith.select %parallel_loop3A_441, %parallel_loop3A_442, %parallel_loop3A_439 : i32
          %parallel_loop3A_444 = vector.broadcast %parallel_loop3A_443 : i32 to vector<16xi32>
          %parallel_loop3A_445 = arith.remsi %parallel_loop3A_435, %parallel_loop3A_444 : vector<16xi32>
          %parallel_loop3A_446 = arith.constant 0 : i32
          %parallel_loop3A_447 = vector.broadcast %parallel_loop3A_446 : i32 to vector<16xi32>
          %parallel_loop3A_448 = arith.cmpi ne, %parallel_loop3A_445, %parallel_loop3A_447 : vector<16xi32>
          %parallel_loop3A_449 = arith.constant 0 : i32
          %parallel_loop3A_450 = vector.broadcast %parallel_loop3A_449 : i32 to vector<16xi32>
          %parallel_loop3A_451 = arith.cmpi slt, %parallel_loop3A_445, %parallel_loop3A_450 : vector<16xi32>
          %parallel_loop3A_452 = arith.constant 0 : i32
          %parallel_loop3A_453 = arith.cmpi slt, %parallel_loop3A_443, %parallel_loop3A_452 : i32
          %parallel_loop3A_454 = vector.broadcast %parallel_loop3A_453 : i1 to vector<16xi1>
          %parallel_loop3A_455 = vector.broadcast %parallel_loop3A_454 : vector<16xi1> to vector<16xi1>
          %parallel_loop3A_456 = arith.xori %parallel_loop3A_451, %parallel_loop3A_455 : vector<16xi1>
          %parallel_loop3A_457 = arith.andi %parallel_loop3A_456, %parallel_loop3A_448 : vector<16xi1>
          %parallel_loop3A_458 = vector.broadcast %parallel_loop3A_443 : i32 to vector<16xi32>
          %parallel_loop3A_459 = arith.addi %parallel_loop3A_445, %parallel_loop3A_458 : vector<16xi32>
          %parallel_loop3A_460 = arith.select %parallel_loop3A_457, %parallel_loop3A_459, %parallel_loop3A_445 : vector<16xi1>, vector<16xi32>
          %parallel_loop3A_461 = arith.constant 0 : i32
          %parallel_loop3A_462 = arith.constant 0 : i32
          %parallel_loop3A_463 = tpu.memref_slice %arg6[%rem3A_145, %parallel_loop3A_461, %parallel_loop3A_462] : memref<2x512x64xf32, #tpu.memory_space<vmem>> -> memref<1x512x64xf32, #tpu.memory_space<vmem>>
          %parallel_loop3A_464 = tpu.memref_squeeze %parallel_loop3A_463 : memref<1x512x64xf32, #tpu.memory_space<vmem>> -> memref<512x64xf32, #tpu.memory_space<vmem>>
          %parallel_loop3A_465 = tpu.vector_load_idx %parallel_loop3A_464[%parallel_loop3A_314, %parallel_loop3A_435] : memref<512x64xf32, #tpu.memory_space<vmem>>[vector<16xi32>, vector<16xi32>], vector<16xf32>,
          %parallel_loop3A_466 = arith.constant 8.000000e+00 : f32
          %parallel_loop3A_467 = vector.broadcast %parallel_loop3A_466 : f32 to vector<16xf32>
          %parallel_loop3A_468 = arith.mulf %parallel_loop3A_465, %parallel_loop3A_467 : vector<16xf32>
          %parallel_loop3A_469 = arith.constant 1 : i32
          %parallel_loop3A_470 = arith.constant 0 : i32
          %parallel_loop3A_471 = arith.constant 0 : i32
          %parallel_loop3A_472 = arith.constant 0 : i32
          %parallel_loop3A_473 = arith.constant 0 : i32
          %parallel_loop3A_474 = tpu.memref_slice %arg7[%parallel_loop3A_469, %parallel_loop3A_470, %parallel_loop3A_471, %parallel_loop3A_472, %parallel_loop3A_473] : memref<2x8x2x8x128xf32, #tpu.memory_space<vmem>> -> memref<1x8x2x8x128xf32, #tpu.memory_space<vmem>>
          %parallel_loop3A_475 = tpu.memref_squeeze %parallel_loop3A_474 : memref<1x8x2x8x128xf32, #tpu.memory_space<vmem>> -> memref<8x2x8x128xf32, #tpu.memory_space<vmem>>
          tpu.vector_store_idx %parallel_loop3A_475[%parallel_loop3A_438, %broadcast_in_dim3A_276, %parallel_loop3A_460, %parallel_loop3A_318], %parallel_loop3A_468 : memref<8x2x8x128xf32, #tpu.memory_space<vmem>>[vector<16xi32>, vector<16xi32>, vector<16xi32>, vector<16xi32>], vector<16xf32>,
          %parallel_loop3A_476 = arith.constant 48 : i32
          %parallel_loop3A_477 = vector.broadcast %parallel_loop3A_476 : i32 to vector<16xi32>
          %parallel_loop3A_478 = arith.addi %parallel_loop3A_477, %parallel_loop3A_346 : vector<16xi32>
          %parallel_loop3A_479 = arith.constant 3 : i32
          %parallel_loop3A_480 = vector.broadcast %parallel_loop3A_479 : i32 to vector<16xi32>
          %parallel_loop3A_481 = arith.shrui %parallel_loop3A_478, %parallel_loop3A_480 : vector<16xi32>
          %parallel_loop3A_482 = arith.constant 8 : i32
          %parallel_loop3A_483 = arith.constant 0 : i32
          %parallel_loop3A_484 = arith.cmpi eq, %parallel_loop3A_482, %parallel_loop3A_483 : i32
          %parallel_loop3A_485 = arith.constant 1 : i32
          %parallel_loop3A_486 = arith.select %parallel_loop3A_484, %parallel_loop3A_485, %parallel_loop3A_482 : i32
          %parallel_loop3A_487 = vector.broadcast %parallel_loop3A_486 : i32 to vector<16xi32>
          %parallel_loop3A_488 = arith.remsi %parallel_loop3A_478, %parallel_loop3A_487 : vector<16xi32>
          %parallel_loop3A_489 = arith.constant 0 : i32
          %parallel_loop3A_490 = vector.broadcast %parallel_loop3A_489 : i32 to vector<16xi32>
          %parallel_loop3A_491 = arith.cmpi ne, %parallel_loop3A_488, %parallel_loop3A_490 : vector<16xi32>
          %parallel_loop3A_492 = arith.constant 0 : i32
          %parallel_loop3A_493 = vector.broadcast %parallel_loop3A_492 : i32 to vector<16xi32>
          %parallel_loop3A_494 = arith.cmpi slt, %parallel_loop3A_488, %parallel_loop3A_493 : vector<16xi32>
          %parallel_loop3A_495 = arith.constant 0 : i32
          %parallel_loop3A_496 = arith.cmpi slt, %parallel_loop3A_486, %parallel_loop3A_495 : i32
          %parallel_loop3A_497 = vector.broadcast %parallel_loop3A_496 : i1 to vector<16xi1>
          %parallel_loop3A_498 = vector.broadcast %parallel_loop3A_497 : vector<16xi1> to vector<16xi1>
          %parallel_loop3A_499 = arith.xori %parallel_loop3A_494, %parallel_loop3A_498 : vector<16xi1>
          %parallel_loop3A_500 = arith.andi %parallel_loop3A_499, %parallel_loop3A_491 : vector<16xi1>
          %parallel_loop3A_501 = vector.broadcast %parallel_loop3A_486 : i32 to vector<16xi32>
          %parallel_loop3A_502 = arith.addi %parallel_loop3A_488, %parallel_loop3A_501 : vector<16xi32>
          %parallel_loop3A_503 = arith.select %parallel_loop3A_500, %parallel_loop3A_502, %parallel_loop3A_488 : vector<16xi1>, vector<16xi32>
          %parallel_loop3A_504 = arith.constant 0 : i32
          %parallel_loop3A_505 = arith.constant 0 : i32
          %parallel_loop3A_506 = tpu.memref_slice %arg6[%rem3A_145, %parallel_loop3A_504, %parallel_loop3A_505] : memref<2x512x64xf32, #tpu.memory_space<vmem>> -> memref<1x512x64xf32, #tpu.memory_space<vmem>>
          %parallel_loop3A_507 = tpu.memref_squeeze %parallel_loop3A_506 : memref<1x512x64xf32, #tpu.memory_space<vmem>> -> memref<512x64xf32, #tpu.memory_space<vmem>>
          %parallel_loop3A_508 = tpu.vector_load_idx %parallel_loop3A_507[%parallel_loop3A_314, %parallel_loop3A_478] : memref<512x64xf32, #tpu.memory_space<vmem>>[vector<16xi32>, vector<16xi32>], vector<16xf32>,
          %parallel_loop3A_509 = arith.constant 8.000000e+00 : f32
          %parallel_loop3A_510 = vector.broadcast %parallel_loop3A_509 : f32 to vector<16xf32>
          %parallel_loop3A_511 = arith.mulf %parallel_loop3A_508, %parallel_loop3A_510 : vector<16xf32>
          %parallel_loop3A_512 = arith.constant 1 : i32
          %parallel_loop3A_513 = arith.constant 0 : i32
          %parallel_loop3A_514 = arith.constant 0 : i32
          %parallel_loop3A_515 = arith.constant 0 : i32
          %parallel_loop3A_516 = arith.constant 0 : i32
          %parallel_loop3A_517 = tpu.memref_slice %arg7[%parallel_loop3A_512, %parallel_loop3A_513, %parallel_loop3A_514, %parallel_loop3A_515, %parallel_loop3A_516] : memref<2x8x2x8x128xf32, #tpu.memory_space<vmem>> -> memref<1x8x2x8x128xf32, #tpu.memory_space<vmem>>
          %parallel_loop3A_518 = tpu.memref_squeeze %parallel_loop3A_517 : memref<1x8x2x8x128xf32, #tpu.memory_space<vmem>> -> memref<8x2x8x128xf32, #tpu.memory_space<vmem>>
          tpu.vector_store_idx %parallel_loop3A_518[%parallel_loop3A_481, %broadcast_in_dim3A_276, %parallel_loop3A_503, %parallel_loop3A_318], %parallel_loop3A_511 : memref<8x2x8x128xf32, #tpu.memory_space<vmem>>[vector<16xi32>, vector<16xi32>, vector<16xi32>, vector<16xi32>], vector<16xf32>,
        } {sc.loop_unroll_factor = 4 : i64, sc.parallel_access}
      } {sc.loop_unroll_factor = 2 : i64, sc.parallel_access}
      %add3A_280 = arith.constant 2 : i32
      %add3A_281 = arith.addi %mul3A_2, %add3A_280 : i32
      %dma_start3A_282 = arith.constant 1 : i32
      %dma_start3A_283 = arith.constant 1 : i32
      %dma_start3A_284 = arith.constant 0 : i32
      %dma_start3A_285 = arith.constant 0 : i32
      %dma_start3A_286 = arith.constant 0 : i32
      %dma_start3A_287 = arith.constant 0 : i32
      %dma_start3A_288 = tpu.memref_slice %arg7[%dma_start3A_282, %dma_start3A_284, %dma_start3A_285, %dma_start3A_286, %dma_start3A_287] : memref<2x8x2x8x128xf32, #tpu.memory_space<vmem>> -> memref<1x8x2x8x128xf32, #tpu.memory_space<vmem>>
      %dma_start3A_289 = tpu.memref_squeeze %dma_start3A_288 : memref<1x8x2x8x128xf32, #tpu.memory_space<vmem>> -> memref<8x2x8x128xf32, #tpu.memory_space<vmem>>
      %dma_start3A_290 = arith.constant 0 : i32
      %dma_start3A_291 = arith.constant 0 : i32
      %dma_start3A_292 = arith.constant 0 : i32
      %dma_start3A_293 = tpu.memref_slice %arg4[%scan3A_144, %dma_start3A_290, %add3A_281, %dma_start3A_291, %dma_start3A_292] : memref<200x8x128x8x128xf32, #tpu.memory_space<hbm>> -> memref<1x8x2x8x128xf32, #tpu.memory_space<hbm>>
      %dma_start3A_294 = tpu.memref_squeeze %dma_start3A_293 : memref<1x8x2x8x128xf32, #tpu.memory_space<hbm>> -> memref<8x2x8x128xf32, #tpu.memory_space<hbm>>
      %dma_start3A_295 = tpu.memref_slice %arg10[%dma_start3A_283] : memref<2x!tpu.dma_semaphore, #tpu.memory_space<semaphore_mem>> -> memref<1x!tpu.dma_semaphore, #tpu.memory_space<semaphore_mem>>
      %dma_start3A_296 = tpu.memref_squeeze %dma_start3A_295 : memref<1x!tpu.dma_semaphore, #tpu.memory_space<semaphore_mem>> -> memref<!tpu.dma_semaphore, #tpu.memory_space<semaphore_mem>>
      %dma_start3A_297 = arith.constant 0 : i32
      %dma_start3A_298 = arith.constant 0 : i32
      %dma_start3A_299 = arith.constant 0 : i32
      %dma_start3A_300 = tpu.memref_slice %arg4[%scan3A_144, %dma_start3A_297, %add3A_281, %dma_start3A_298, %dma_start3A_299] : memref<200x8x128x8x128xf32, #tpu.memory_space<hbm>> -> memref<1x8x2x8x128xf32, #tpu.memory_space<hbm>>
      %dma_start3A_301 = tpu.memref_squeeze %dma_start3A_300 : memref<1x8x2x8x128xf32, #tpu.memory_space<hbm>> -> memref<8x2x8x128xf32, #tpu.memory_space<hbm>>
      %dma_start3A_302 = arith.constant 0 : i32
      %dma_start3A_303 = arith.constant 0 : i32
      %dma_start3A_304 = arith.constant 0 : i32
      %dma_start3A_305 = arith.constant 0 : i32
      %dma_start3A_306 = tpu.memref_slice %arg7[%dma_start3A_282, %dma_start3A_302, %dma_start3A_303, %dma_start3A_304, %dma_start3A_305] : memref<2x8x2x8x128xf32, #tpu.memory_space<vmem>> -> memref<1x8x2x8x128xf32, #tpu.memory_space<vmem>>
      %dma_start3A_307 = tpu.memref_squeeze %dma_start3A_306 : memref<1x8x2x8x128xf32, #tpu.memory_space<vmem>> -> memref<8x2x8x128xf32, #tpu.memory_space<vmem>>
      tpu.enqueue_dma source(%dma_start3A_307 : memref<8x2x8x128xf32, #tpu.memory_space<vmem>>) target(%dma_start3A_301 : memref<8x2x8x128xf32, #tpu.memory_space<hbm>>) target_semaphore(%dma_start3A_296 : memref<!tpu.dma_semaphore, #tpu.memory_space<semaphore_mem>>)
    }
    %scan3A_90 = arith.constant 200 : i32
    %dma_wait3A = arith.constant 0 : i32
    %dma_wait3A_91 = arith.constant 0 : i32
    %dma_wait3A_92 = arith.constant 0 : i32
    %dma_wait3A_93 = arith.constant 0 : i32
    %dma_wait3A_94 = arith.constant 0 : i32
    %dma_wait3A_95 = arith.constant 0 : i32
    %dma_wait3A_96 = arith.constant 0 : i32
    %dma_wait3A_97 = tpu.memref_slice %arg7[%dma_wait3A, %dma_wait3A_93, %dma_wait3A_94, %dma_wait3A_95, %dma_wait3A_96] : memref<2x8x2x8x128xf32, #tpu.memory_space<vmem>> -> memref<1x8x2x8x128xf32, #tpu.memory_space<vmem>>
    %dma_wait3A_98 = tpu.memref_squeeze %dma_wait3A_97 : memref<1x8x2x8x128xf32, #tpu.memory_space<vmem>> -> memref<8x2x8x128xf32, #tpu.memory_space<vmem>>
    %dma_wait3A_99 = arith.constant 0 : i32
    %dma_wait3A_100 = arith.constant 0 : i32
    %dma_wait3A_101 = arith.constant 0 : i32
    %dma_wait3A_102 = tpu.memref_slice %arg4[%dma_wait3A_91, %dma_wait3A_99, %mul3A_2, %dma_wait3A_100, %dma_wait3A_101] : memref<200x8x128x8x128xf32, #tpu.memory_space<hbm>> -> memref<1x8x2x8x128xf32, #tpu.memory_space<hbm>>
    %dma_wait3A_103 = tpu.memref_squeeze %dma_wait3A_102 : memref<1x8x2x8x128xf32, #tpu.memory_space<hbm>> -> memref<8x2x8x128xf32, #tpu.memory_space<hbm>>
    %dma_wait3A_104 = tpu.memref_slice %arg10[%dma_wait3A_92] : memref<2x!tpu.dma_semaphore, #tpu.memory_space<semaphore_mem>> -> memref<1x!tpu.dma_semaphore, #tpu.memory_space<semaphore_mem>>
    %dma_wait3A_105 = tpu.memref_squeeze %dma_wait3A_104 : memref<1x!tpu.dma_semaphore, #tpu.memory_space<semaphore_mem>> -> memref<!tpu.dma_semaphore, #tpu.memory_space<semaphore_mem>>
    %dma_wait3A_106 = arith.constant 0 : i32
    %dma_wait3A_107 = arith.constant 0 : i32
    %dma_wait3A_108 = arith.constant 0 : i32
    %dma_wait3A_109 = tpu.memref_slice %arg4[%dma_wait3A_91, %dma_wait3A_106, %mul3A_2, %dma_wait3A_107, %dma_wait3A_108] : memref<200x8x128x8x128xf32, #tpu.memory_space<hbm>> -> memref<1x8x2x8x128xf32, #tpu.memory_space<hbm>>
    %dma_wait3A_110 = tpu.memref_squeeze %dma_wait3A_109 : memref<1x8x2x8x128xf32, #tpu.memory_space<hbm>> -> memref<8x2x8x128xf32, #tpu.memory_space<hbm>>
    %dma_wait3A_111 = arith.constant 0 : i32
    %dma_wait3A_112 = arith.constant 0 : i32
    %dma_wait3A_113 = arith.constant 0 : i32
    %dma_wait3A_114 = arith.constant 0 : i32
    %dma_wait3A_115 = tpu.memref_slice %arg7[%dma_wait3A, %dma_wait3A_111, %dma_wait3A_112, %dma_wait3A_113, %dma_wait3A_114] : memref<2x8x2x8x128xf32, #tpu.memory_space<vmem>> -> memref<1x8x2x8x128xf32, #tpu.memory_space<vmem>>
    %dma_wait3A_116 = tpu.memref_squeeze %dma_wait3A_115 : memref<1x8x2x8x128xf32, #tpu.memory_space<vmem>> -> memref<8x2x8x128xf32, #tpu.memory_space<vmem>>
    tpu.wait_dma2 semaphore(%dma_wait3A_105 : memref<!tpu.dma_semaphore, #tpu.memory_space<semaphore_mem>>) src(%dma_wait3A_116 : memref<8x2x8x128xf32, #tpu.memory_space<vmem>>) dst(%dma_wait3A_110 : memref<8x2x8x128xf32, #tpu.memory_space<hbm>>)
    %dma_wait3A_117 = arith.constant 1 : i32
    %dma_wait3A_118 = arith.constant 0 : i32
    %dma_wait3A_119 = arith.constant 1 : i32
    %dma_wait3A_120 = arith.constant 0 : i32
    %dma_wait3A_121 = arith.constant 0 : i32
    %dma_wait3A_122 = arith.constant 0 : i32
    %dma_wait3A_123 = arith.constant 0 : i32
    %dma_wait3A_124 = tpu.memref_slice %arg7[%dma_wait3A_117, %dma_wait3A_120, %dma_wait3A_121, %dma_wait3A_122, %dma_wait3A_123] : memref<2x8x2x8x128xf32, #tpu.memory_space<vmem>> -> memref<1x8x2x8x128xf32, #tpu.memory_space<vmem>>
    %dma_wait3A_125 = tpu.memref_squeeze %dma_wait3A_124 : memref<1x8x2x8x128xf32, #tpu.memory_space<vmem>> -> memref<8x2x8x128xf32, #tpu.memory_space<vmem>>
    %dma_wait3A_126 = arith.constant 0 : i32
    %dma_wait3A_127 = arith.constant 0 : i32
    %dma_wait3A_128 = arith.constant 0 : i32
    %dma_wait3A_129 = tpu.memref_slice %arg4[%dma_wait3A_118, %dma_wait3A_126, %mul3A_2, %dma_wait3A_127, %dma_wait3A_128] : memref<200x8x128x8x128xf32, #tpu.memory_space<hbm>> -> memref<1x8x2x8x128xf32, #tpu.memory_space<hbm>>
    %dma_wait3A_130 = tpu.memref_squeeze %dma_wait3A_129 : memref<1x8x2x8x128xf32, #tpu.memory_space<hbm>> -> memref<8x2x8x128xf32, #tpu.memory_space<hbm>>
    %dma_wait3A_131 = tpu.memref_slice %arg10[%dma_wait3A_119] : memref<2x!tpu.dma_semaphore, #tpu.memory_space<semaphore_mem>> -> memref<1x!tpu.dma_semaphore, #tpu.memory_space<semaphore_mem>>
    %dma_wait3A_132 = tpu.memref_squeeze %dma_wait3A_131 : memref<1x!tpu.dma_semaphore, #tpu.memory_space<semaphore_mem>> -> memref<!tpu.dma_semaphore, #tpu.memory_space<semaphore_mem>>
    %dma_wait3A_133 = arith.constant 0 : i32
    %dma_wait3A_134 = arith.constant 0 : i32
    %dma_wait3A_135 = arith.constant 0 : i32
    %dma_wait3A_136 = tpu.memref_slice %arg4[%dma_wait3A_118, %dma_wait3A_133, %mul3A_2, %dma_wait3A_134, %dma_wait3A_135] : memref<200x8x128x8x128xf32, #tpu.memory_space<hbm>> -> memref<1x8x2x8x128xf32, #tpu.memory_space<hbm>>
    %dma_wait3A_137 = tpu.memref_squeeze %dma_wait3A_136 : memref<1x8x2x8x128xf32, #tpu.memory_space<hbm>> -> memref<8x2x8x128xf32, #tpu.memory_space<hbm>>
    %dma_wait3A_138 = arith.constant 0 : i32
    %dma_wait3A_139 = arith.constant 0 : i32
    %dma_wait3A_140 = arith.constant 0 : i32
    %dma_wait3A_141 = arith.constant 0 : i32
    %dma_wait3A_142 = tpu.memref_slice %arg7[%dma_wait3A_117, %dma_wait3A_138, %dma_wait3A_139, %dma_wait3A_140, %dma_wait3A_141] : memref<2x8x2x8x128xf32, #tpu.memory_space<vmem>> -> memref<1x8x2x8x128xf32, #tpu.memory_space<vmem>>
    %dma_wait3A_143 = tpu.memref_squeeze %dma_wait3A_142 : memref<1x8x2x8x128xf32, #tpu.memory_space<vmem>> -> memref<8x2x8x128xf32, #tpu.memory_space<vmem>>
    tpu.wait_dma2 semaphore(%dma_wait3A_132 : memref<!tpu.dma_semaphore, #tpu.memory_space<semaphore_mem>>) src(%dma_wait3A_143 : memref<8x2x8x128xf32, #tpu.memory_space<vmem>>) dst(%dma_wait3A_137 : memref<8x2x8x128xf32, #tpu.memory_space<hbm>>)
    return
  }
}

</mosaic_0001>

<sc_bundles>
// kernel: kernel.3.cloned.1.call-start
scs
__scs_entry_jumppad:
0x0: {  	(pc) =	sbr.rel $0x88, $3  }
0x1: {  	(tag) =	ssettag $0x0;
	lr =	simm.s32 $0x1  }
0x2: {  	[smem:$0x3F9F] =	sst lr;
	_ =	strace $0xD0000000  }
0x3: {  	_ = 	snop  }
0x4: {  	_ = 	snop  }
0x5: {  	_ = 	snop  }
0x6: {  	_ = 	snop  }
0x7: {  	_ = 	snop  }
__scs_overlays_trampoline_lowered:
0x8: {  	[smem:$0x3FAE] =	sst s0  }
0x9: {  	[smem:$0x3FAF] =	sst s1  }
0xa: {  	[smem:$0x3FB0] =	sst s2  }
0xb: {  	[smem:$0x3FB1] =	sst s3  }
0xc: {  	[smem:$0x3FB2] =	sst s4  }
0xd: {  	[smem:$0x3FB3] =	sst s5  }
0xe: {  	[smem:$0x3FB4] =	sst s6  }
0xf: {  	[smem:$0x3FB5] =	sst s7  }
0x10: {  	[smem:$0x3FB6] =	sst s8  }
0x11: {  	[smem:$0x3FB7] =	sst s9;
	s0 =	simm.s32 @!p0 $0x0  }
0x12: {  	s1 =	sld [smem:$0x3F9D];
	s0 =	simm.s32 @p0 $0x1  }
0x13: {  	[smem:$0x3FB8] =	sst s0;
	s0 =	simm.s32 @!p1 $0x0  }
0x14: {  	s2 =	sld [smem:$0x3F9C];
	s0 =	simm.s32 @p1 $0x1  }
0x15: {  	[smem:$0x3FB9] =	sst s0;
	s0 =	simm.s32 @!p2 $0x0  }
0x16: {  	s3 =	sld [smem:$0x3FDB];
	s0 =	simm.s32 @p2 $0x1  }
0x17: {  	s4 =	simm.s32 $0x1BF5;
	[smem:$0x3FBB] =	sst s0  }
0x18: {  	s0 =	sld [smem:$0x3F9E];
	_ =	swait.ge [sflag:s4], $0x0  }
0x19: {  	s7 =	sld [smem:$0x3F9F]  }
0x1a: {  	s8 =	sadd.s32 $0xFFFFE003, lr  }
0x1b: {  	s9 =	sadd.s32 $0xFFFFFEF7, lr;
	s5 =	simm.s32 $0xFFFFFFFF;
	p2 =	slt.u32 s8, $0xFFFFF086  }
0x1c: {  	p1 =	slt.u32 s9, $0xF7A;
	s5 =	simm.s32 @!p2 $0x0  }
0x1d: {  	s5 =	simm.s32 @p1 $0x1;
	p0 =	seq.s32 s7, s2  }
0x1e: {  	s7 =	smul.u32 @!p0 $0xF7A, s2;
	p2 =	seq.s32 @!p0 s5, $0x0  }
0x1f: {  	s9 =	smul.u32 $0xF7A, s1;
	s8 =	simm.s32 @!p0 $0x1BF5;
	p2 =	por !p2, p0  }
0x20: {  	[sflag:s8] =	ssyncset.s32 @!p0 $0xFFFFF086;
	s6 =	sadd.s32 @!p0 s3, s7;
	s7 =	simm.s32 @!p0 $0x108  }
0x21: {  	s3 =	sadd.s32 s3, s9;
	s6 =	sadd.s32 @!p0 $0x88, s6;
	s7 =	simm.s32 @p2 $0x1082  }
0x22: {  	[simem:s7], [sflag:s8] =	dma.local @!p0 [hbm:s6], $0xF7A  }
0x23: {  	s9 =	sor.u32 $0xD0000000, s2;
	s6 =	simm.s32 $0x108;
	_ =	swait.ge @!p0 [sflag:s8], $0x0  }
0x24: {  	s3 =	sadd.s32 $0x88, s3;
	s6 =	simm.s32 @!p1 $0x1082;
	[sflag:s4] =	ssyncset.s32 $0xFFFFF086  }
0x25: {  	[simem:s6], [sflag:s4] =	dma.local [hbm:s3], $0xF7A  }
0x26: {  	[smem:$0x3F9F] =	sst s1;
	(tag) =	ssettag s2;
	_ =	strace s9  }
0x27: {  	s1 =	sld [smem:$0x3FAF]  }
0x28: {  	s2 =	sld [smem:$0x3FB0]  }
0x29: {  	s4 =	sld [smem:$0x3FB2]  }
0x2a: {  	p0 =	seq.s32 s5, $0x0;
	s5 =	sld [smem:$0x3FB3]  }
0x2b: {  	s6 =	sld [smem:$0x3FB4]  }
0x2c: {  	s7 =	sld [smem:$0x3FB5]  }
0x2d: {  	s3 =	simm.s32 $0x108;
	s8 =	sld [smem:$0x3FB6]  }
0x2e: {  	s3 =	simm.s32 @!p0 $0x1082;
	s9 =	sld [smem:$0x3FB7]  }
0x2f: {  	lr =	sadd.s32 s0, s3;
	s0 =	sld [smem:$0x3FAE]  }
0x30: {  	s3 =	sld [smem:$0x3FB1]  }
0x31: {  	[smem:$0x3FBA] =	sst s10  }
0x32: {  	s10 =	sld [smem:$0x3FB8];
	_ =	sdelay $0x3  }
0x33: {  	p0 =	seq.s32 s10, $0x1;
	s10 =	sld [smem:$0x3FBA];
	_ =	sdelay $0x3  }
0x34: {  	[smem:$0x3FBA] =	sst s10  }
0x35: {  	s10 =	sld [smem:$0x3FB9];
	_ =	sdelay $0x3  }
0x36: {  	p1 =	seq.s32 s10, $0x1;
	s10 =	sld [smem:$0x3FBA];
	_ =	sdelay $0x3  }
0x37: {  	[smem:$0x3FBA] =	sst s10  }
0x38: {  	s10 =	sld [smem:$0x3FBB]  }
0x39: {  	_ = 	snop;
	(pc) =	sbr.ind lr, $3  }
0x3a: {  	_ = 	snop  }
0x3b: {  	_ = 	snop  }
0x3c: {  	p2 =	seq.s32 s10, $0x1;
	s10 =	sld [smem:$0x3FBA]  }
0x3d: {  	_ =	shalt  }
0x3e: {  	_ =	shalt  }
0x3f: {  	_ =	shalt  }
0x40: {  	_ =	shalt  }
0x41: {  	_ =	shalt  }
0x42: {  	_ =	shalt  }
0x43: {  	_ =	shalt  }
0x44: {  	_ =	shalt  }
0x45: {  	_ =	shalt  }
0x46: {  	_ =	shalt  }
0x47: {  	_ =	shalt  }
0x48: {  	_ =	shalt  }
0x49: {  	_ =	shalt  }
0x4a: {  	_ =	shalt  }
0x4b: {  	_ =	shalt  }
0x4c: {  	_ =	shalt  }
0x4d: {  	_ =	shalt  }
0x4e: {  	_ =	shalt  }
0x4f: {  	_ =	shalt  }
0x50: {  	_ =	shalt  }
0x51: {  	_ =	shalt  }
0x52: {  	_ =	shalt  }
0x53: {  	_ =	shalt  }
0x54: {  	_ =	shalt  }
0x55: {  	_ =	shalt  }
0x56: {  	_ =	shalt  }
0x57: {  	_ =	shalt  }
0x58: {  	_ =	shalt  }
0x59: {  	_ =	shalt  }
0x5a: {  	_ =	shalt  }
0x5b: {  	_ =	shalt  }
0x5c: {  	_ =	shalt  }
0x5d: {  	_ =	shalt  }
0x5e: {  	_ =	shalt  }
0x5f: {  	_ =	shalt  }
0x60: {  	_ =	shalt  }
0x61: {  	_ =	shalt  }
0x62: {  	_ =	shalt  }
0x63: {  	_ =	shalt  }
0x64: {  	_ =	shalt  }
0x65: {  	_ =	shalt  }
0x66: {  	_ =	shalt  }
0x67: {  	_ =	shalt  }
0x68: {  	_ =	shalt  }
0x69: {  	_ =	shalt  }
0x6a: {  	_ =	shalt  }
0x6b: {  	_ =	shalt  }
0x6c: {  	_ =	shalt  }
0x6d: {  	_ =	shalt  }
0x6e: {  	_ =	shalt  }
0x6f: {  	_ =	shalt  }
0x70: {  	_ =	shalt  }
0x71: {  	_ =	shalt  }
0x72: {  	_ =	shalt  }
0x73: {  	_ =	shalt  }
0x74: {  	_ =	shalt  }
0x75: {  	_ =	shalt  }
0x76: {  	_ =	shalt  }
0x77: {  	_ =	shalt  }
0x78: {  	_ =	shalt  }
0x79: {  	_ =	shalt  }
0x7a: {  	_ =	shalt  }
0x7b: {  	_ =	shalt  }
0x7c: {  	_ =	shalt  }
0x7d: {  	_ =	shalt  }
0x7e: {  	_ =	shalt  }
0x7f: {  	_ =	shalt  }
0x80: {  	_ =	shalt  }
0x81: {  	_ =	shalt  }
0x82: {  	_ =	shalt  }
0x83: {  	_ =	shalt  }
0x84: {  	_ =	shalt  }
0x85: {  	_ =	shalt  }
0x86: {  	_ =	shalt  }
0x87: {  	_ =	shalt  }
.Lfunc_end0:
.L_simem_size_0:
called_computation_lowered:
.L_overlay_start_0:
0x88: {  	s2 =	sld [smem:$0x3FD9]  }
0x89: {  	s3 =	sld [smem:$0x3FFE];
	_ =	sdelay $0x1  }
0x8a: {  	s1 =	srdreg.scid  }
0x8b: {  	s0 =	sand.u32 $0x1, s1  }
0x8c: {  	s17 =	sshll.u32 s0, $0xA;
	s2 =	sadd.s32 s3, s2  }
0x8d: {  	s2 =	sadd.s32 s2, s17  }
0x8e: {  	[smem:$0x3FC6] =	sst s2  }
0x8f: {  	_ = 	snop  }
0x90: {  	s2 =	sld [smem:$0x3FD0];
	(tm) =	ssettm $0x1  }
0x91: {  	s18 =	sld [smem:$0x3FFB];
	_ =	sdelay $0x3  }
0x92: {  	_ =	strace s18  }
0x93: {  	s3 =	sld [smem:$0x3FFC];
	_ =	sdelay $0x3  }
0x94: {  	_ =	strace s3  }
0x95: {  	s3 =	sld [smem:$0x3FFD];
	_ =	sdelay $0x3  }
0x96: {  	_ =	strace s3  }
0x97: {  	_ =	strace $0x8FFFFFFF  }
0x98: {  	s19 =	sld [smem:$0x3FDB];
	_ =	sdelay $0x1  }
0x99: {  	s4 =	simm.s32 $_scs_section_size  }
0x9a: {  	s5 =	simm.s32 $_size__tile_overlayer_lowered;
	s6 =	simm.s32 $_tile_overlayer_lowered  }
0x9b: {  	s22 =	simm.s32 $0x1BFF;
	s21 =	sshll.u32 s6, $0x1;
	s3 =	sadd.s32 s4, s19  }
0x9c: {  	s7 =	simm.s32 $0x0;
	s20 =	sshll.u32 s5, $0x1;
	s5 =	sadd.s32 s21, s3  }
0x9d: {  	[timem:s7], [sflag:s22] =	dma.local [hbm:s5], s20  }
0x9e: {  	_ =	swait.ge [sflag:s22], s20  }
0x9f: {  	s4 =	ssub.s32 $0x0, s20;
	[sflag:s22] =	ssyncset.done $0x0  }
0xa0: {  	[sflag:s22] =	ssyncadd.s32 s4;
	_ =	sdelay $0x1  }
0xa1: {  	s23 =	simm.s32 $0x1B8B  }
0xa2: {  	_ =	swait.ge [sflag:s23], $0x1  }
0xa3: {  	[sflag:s23] =	ssyncset.done $0x0  }
0xa4: {  	s25 =	simm.s32 $0x1B8E;
	s24 =	sld [smem:$0x3FFE];
	[sflag:s23] =	ssyncadd.s32 $0xFFFFFFFF  }
0xa5: {  	s26 =	simm.s32 $execute0_lowered;
	[smem:$0x3FD2] =	sst s25  }
0xa6: {  	s5 =	sshll.u32 s26, $0x1;
	_ =	strace $0x80000046;
	[dreg:$0x1] =	wrdreg $0xFFFFFFFF  }
0xa7: {  	s28 =	simm.s32 $_size_execute0_lowered;
	s3 =	sadd.s32 s3, s5;
	[dreg:$0x0] =	wrdreg $0x0  }
0xa8: {  	s5 =	sshll.u32 s28, $0x1;
	[dreg:$0x2] =	wrdreg s3  }
0xa9: {  	[dreg:$0x3] =	wrdreg s5  }
0xaa: {  	[dreg:$0x4] =	wrdreg $0xC0  }
0xab: {  	_ =	task [dreg:s7], $0x5FFFF  }
0xac: {  	[dreg:$0x1] =	wrdreg $0xFFFFFFFF  }
0xad: {  	[dreg:$0x0] =	wrdreg $0x60  }
0xae: {  	[dreg:$0x2] =	wrdreg s24  }
0xaf: {  	[dreg:$0x3] =	wrdreg s2  }
0xb0: {  	[dreg:$0x4] =	wrdreg $0x9  }
0xb1: {  	_ =	task.clear_ibuf [dreg:s7], $0x5FFFF;
	_ =	strace $0x90000046  }
0xb2: {  	s29 =	simm.s32 $0x9;
	_ =	strace $0x80000048  }
0xb3: {  	_ =	swait.ge [sflag:s29], $0x1  }
0xb4: {  	[sflag:s29] =	ssyncadd.s32 $0xFFFFFFFF  }
0xb5: {  	_ =	strace $0x90000048  }
0xb6: {  	_ =	sfence  }
0xb7: {  	s30 =	sld [smem:$0x0];
	_ =	sdelay $0x2  }
0xb8: {  	s31 =	sshll.u32 s1, $0xD;
	s1 =	sshrl.u32 s1, $0x2  }
0xb9: {  	s3 =	sand.u32 $0x4000, s31;
	s1 =	sadd.s32 s1, s30  }
0xba: {  	s0 =	sor.u32 s3, s0;
	s1 =	sshll.u32 s1, $0x11  }
0xbb: {  	s0 =	sor.u32 s1, s0  }
0xbc: {  	s0 =	sadd.s32 $0x8F2B, s0  }
0xbd: {  	[sflag:s0] =	ssyncadd.remote.s32 $0x1  }
0xbe: {  	_ =	sfence.sel $0xFFFF  }
0xbf: {  	[dreg:$0x0] =	wrdreg $0xFFFFFFFF;
	(pc) =	sbr.abs _section_cstart, $3  }
0xc0: {  	[dreg:$0x1] =	wrdreg $0xFFFFFFFF  }
0xc1: {  	_ =	task.clear_ibuf [dreg:s7], $0x2FFFF;
	_ =	strace $0x9FFFFFFF  }
0xc2: {  	(tm) =	ssettm $0x7FFFFFFF  }
0xc3: {  	_ =	shalt  }
tec
execute0_lowered:
.L_overlay_start_1:
0x0: {  	(tag) =	ssettag $0x1  }
0x1: {  	s0 =	srdreg.scid  }
0x2: {  	s1 =	rddreg [dreg:$0x0];
	s3 =	stileid.u32  }
0x3: {  	s2 =	rddreg [dreg:$0x1];
	s11 =	simm.s32 $0x7;
	s12 =	simm.s32 $0x80  }
0x4: {  	s16 =	simm.s32 $0x4400;
	s17 =	simm.s32 $0x180;
	s18 =	simm.s32 $0x6400  }
0x5: {  	s19 =	simm.s32 $0x200;
	s20 =	simm.s32 $0x10400;
	s21 =	simm.s32 $0x800  }
0x6: {  	s22 =	simm.s32 $0x20000;
	s23 =	simm.s32 $0x14400;
	s24 =	simm.s32 $0x5  }
0x7: {  	s25 =	simm.s32 $0x6;
	s26 =	simm.s32 $0x0;
	s0 =	sand.u32 $0x1, s0  }
0x8: {  	s4 =	sshll.u32 s3, $0x3;
	s3 =	simm.s32 $0x0;
	s5 =	sshll.u32 s0, $0x2  }
0x9: {  	[smem:$0x7FF] =	sst s3;
	s0 =	ssub.s32 $0x2, s0;
	s8 =	sor.u32 s5, s4  }
0xa: {  	_ =	strace $0x80000047;
	s31 =	sshrl.u32 s0, $0x1;
	s4 =	sshll.u32 s8, $0x4  }
0xb: {  	v0 =	vlaneseq.u32;
	s0 =	ssub.s32 s0, s31;
	s8 =	sshll.u32 s8, $0xA;
	s7 =	sadd.s32 s4, s1  }
0xc: {  	v1 =	vor.u32 $0x68, v0;
	v2 =	vor.u32 $0x78, v0;
	v3 =	vmul.u32 $0x40, v0;
	s4 =	sadd.s32 $0x64400, s1;
	s9 =	sor.u32 $0x800, s8;
	s10 =	smax.u32 s0, $0x1  }
0xd: {  	v4 =	vor.u32 $0x400, v0;
	v5 =	vor.u32 $0x1400, v0;
	v6 =	vor.u32 $0x3400, v0;
	s5 =	sadd.s32 $0x400, s7;
	s6 =	sadd.s32 $0xC00, s7;
	s7 =	sadd.s32 $0x1400, s7  }
.LBB2_1:
0xe: {  	[tilespmem:s3], [sflag:$0x7] =	stream.linear.gather [hbm4b:s5+s3], $0x200, $0x38;
	[tilespmem:$0x18400] =	vst v63  }
0xf: {  	_ =	swait.ge [sflag:s11], $0x200  }
0x10: {  	[sflag:s11] =	ssyncset.done $0x0  }
0x11: {  	s0 =	simm.s32 $0x400;
	[sflag:s11] =	ssyncadd.s32 $0xFFFFFE00  }
0x12: {  	[tilespmem:s0], [sflag:$0x3] =	stream.indirect.gather [hbm4b:s4+s12], $0x40, s3, s12, $0xb8;
	[tilespmem:$0x18400] =	vst v63  }
0x13: {  	s29 =	simm.s32 $0x2400  }
0x14: {  	[tilespmem:s29], [sflag:$0x3] =	stream.indirect.gather [hbm4b:s4+s12], $0x40, s12, s12, $0xb8;
	[tilespmem:$0x18400] =	vst v63  }
0x15: {  	s31 =	simm.s32 $0x100  }
0x16: {  	[tilespmem:s16], [sflag:$0x3] =	stream.indirect.gather [hbm4b:s4+s12], $0x40, s31, s12, $0xb8;
	[tilespmem:$0x18400] =	vst v63  }
0x17: {  	_ = 	snop  }
0x18: {  	[tilespmem:s18], [sflag:$0x3] =	stream.indirect.gather [hbm4b:s4+s12], $0x40, s17, s12, $0xb8;
	[tilespmem:$0x18400] =	vst v63  }
0x19: {  	s30 =	simm.s32 $0x0  }
0x1a: {  	[tilespmem:s19], [sflag:$0x2] =	stream.linear.gather [hbm4b:s6+s3], $0x200, $0x38;
	[tilespmem:$0x18400] =	vst v63  }
.LBB2_2:
0x1b: {  	s0 =	sand.u32 $0x1, s30  }
0x1c: {  	s1 =	sadd.s32 $0x3, s0  }
0x1d: {  	_ =	swait.ge [sflag:s1], $0x2000  }
0x1e: {  	[sflag:s1] =	ssyncset.done $0x0  }
0x1f: {  	[sflag:s1] =	ssyncadd.s32 $0xFFFFE000  }
0x20: {  	_ =	swait.ge [sflag:s1], $0x2000  }
0x21: {  	[sflag:s1] =	ssyncset.done $0x0  }
0x22: {  	[sflag:s1] =	ssyncadd.s32 $0xFFFFE000  }
0x23: {  	p0 =	sgt.u32 s30, $0xC5;
	_ =	swait.ge [sflag:s1], $0x2000  }
.Ltmp0:
0x24: {  	[sflag:s1] =	ssyncset.done $0x0;
	(pc) =	sbr.rel @p0 .LBB2_4-.Ltmp0, $4  }
0x25: {  	[sflag:s1] =	ssyncadd.s32 $0xFFFFE000  }
0x26: {  	_ =	swait.ge [sflag:s1], $0x2000  }
0x27: {  	[sflag:s1] =	ssyncset.done $0x0  }
0x28: {  	s28 =	sadd.s32 $0x1, s30;
	[sflag:s1] =	ssyncadd.s32 $0xFFFFE000  }
.Ltmp1:
0x29: {  	(pc) =	sbr.rel .LBB2_5-.Ltmp1, $4  }
0x2a: {  	_ = 	snop  }
0x2b: {  	s1 =	sshll.u32 s30, $0xB  }
0x2c: {  	s13 =	sshll.u32 s0, $0x9;
	s14 =	sadd.s32 $0x1, s0;
	s1 =	sadd.s32 s1, s7  }
0x2d: {  	[tilespmem:s13], [sflag:s14] =	stream.linear.gather [hbm4b:s1+s3], $0x200, $0x38;
	[tilespmem:$0x18400] =	vst v63  }
.LBB2_4:
0x2e: {  	p0 =	seq.s32 s30, $0xC7  }
.Ltmp2:
0x2f: {  	_ = 	snop;
	(pc) =	sbr.rel @p0 .LBB2_7-.Ltmp2, $1  }
0x30: {  	_ =	sdelay $0x3  }
.LBB2_5:
0x31: {  	s1 =	sand.u32 $0x1, s28  }
0x32: {  	s13 =	sadd.s32 $0x1, s1  }
0x33: {  	_ =	swait.ge [sflag:s13], $0x200  }
0x34: {  	[sflag:s13] =	ssyncset.done $0x0  }
0x35: {  	[sflag:s13] =	ssyncadd.s32 $0xFFFFFE00;
	s13 =	sshll.u32 s1, $0xF  }
0x36: {  	s29 =	sshll.u32 s1, $0x9;
	s1 =	sadd.s32 $0x3, s1;
	s14 =	sor.u32 $0x400, s13  }
0x37: {  	[tilespmem:s14], [sflag:s1] =	stream.indirect.gather [hbm4b:s4+s12], $0x40, s29, s12, $0xb8;
	[tilespmem:$0x18400] =	vst v63  }
0x38: {  	p0 =	seq.s32 s30, $0x0;
	s31 =	sor.u32 $0x80, s29;
	s15 =	sor.u32 $0x2400, s13  }
0x39: {  	[tilespmem:s15], [sflag:s1] =	stream.indirect.gather [hbm4b:s4+s12], $0x40, s31, s12, $0xb8;
	[tilespmem:$0x18400] =	vst v63  }
.Ltmp3:
0x3a: {  	_ = 	snop;
	(pc) =	sbr.rel @p0 .LBB2_6-.Ltmp3, $4  }
0x3b: {  	s14 =	sor.u32 $0x4400, s13;
	s15 =	sor.u32 $0x100, s29  }
0x3c: {  	[tilespmem:s14], [sflag:s1] =	stream.indirect.gather [hbm4b:s4+s12], $0x40, s15, s12, $0xb8;
	[tilespmem:$0x18400] =	vst v63  }
0x3d: {  	s13 =	sor.u32 $0x6400, s13;
	s31 =	sor.u32 $0x180, s29  }
0x3e: {  	[tilespmem:s13], [sflag:s1] =	stream.indirect.gather [hbm4b:s4+s12], $0x40, s31, s12, $0xb8;
	[tilespmem:$0x18400] =	vst v63  }
.LBB2_7:
.Ltmp4:
0x3f: {  	(pc) =	sbr.rel .LBB2_8-.Ltmp4, $4  }
0x40: {  	_ = 	snop  }
0x41: {  	_ =	swait.ge [sflag:s24], $0x4000  }
0x42: {  	[sflag:s24] =	ssyncset.done $0x0  }
0x43: {  	p0 =	por $0x0, $0x0;
	[sflag:s24] =	ssyncadd.s32 $0xFFFFC000  }
.LBB2_6:
0x44: {  	p0 =	por $0x1, $0x1  }
.LBB2_8:
0x45: {  	s0 =	sshll.u32 s0, $0xF  }
0x46: {  	s1 =	simm.s32 $0x0;
	s29 =	sor.u32 $0x400, s0;
	s0 =	simm.s32 $0x0  }
.LBB2_9:
0x47: {  	s31 =	sshll.u32 s1, $0x4  }
0x48: {  	v13 =	vadd.s32 s0, v0;
	v7 =	vor.u32 s31, v0  }
0x49: {  	s13 =	simm.s32 $0x3;
	s15 =	simm.s32 $0x2;
	v14 =	vand.u32 $0xF, v13;
	v18 =	vand.u32 $0x7, v13;
	v16 =	vshll.u32 v13, $0x7  }
0x4a: {  	s14 =	simm.s32 $0x1;
	v17 =	vshll.u32 v13, $0x8;
	v22 =	vadd.s32 s13, v0;
	v25 =	vadd.s32 s15, v0  }
0x4b: {  	v27 =	vadd.s32 s14, v0;
	v10 =	vshll.u32 v7, $0x6;
	v9 =	vand.u32 v1, v7  }
0x4c: {  	v16 =	vand.u32 $0x380, v16;
	v17 =	vand.u32 $0x800, v17;
	v24 =	vand.u32 $0xF, v22  }
0x4d: {  	v28 =	vand.u32 $0xF, v25;
	v29 =	vand.u32 $0xF, v27;
	v32 =	vshll.u32 v22, $0x8  }
0x4e: {  	v33 =	vshll.u32 v22, $0x7;
	v36 =	vshll.u32 v25, $0x7;
	v15 =	vor.u32 v10, v14  }
0x4f: {  	v37 =	vshll.u32 v25, $0x8;
	v38 =	vshll.u32 v27, $0x8;
	v57 =	vshll.u32 v27, $0x7  }
0x50: {  	v60 =	vand.u32 $0x7, v27;
	v12 =	vor.u32 $0x10, v10;
	v8 =	vor.u32 $0x30, v10  }
0x51: {  	v11 =	vor.u32 $0x1000, v9;
	v7 =	vor.u32 $0x3000, v9;
	v14 =	vor.u32 $0x20, v14  }
0x52: {  	v21 =	vor.u32 v17, v9;
	v26 =	vor.u32 v10, v24;
	v30 =	vor.u32 v10, v28  }
0x53: {  	v31 =	vor.u32 v10, v29;
	v32 =	vand.u32 $0x800, v32;
	v33 =	vand.u32 $0x380, v33;
	v15 =	vld.idx.msk [tilespmem:v15+s29+$0x0], $0xffff  }
0x54: {  	v39 =	vand.u32 $0x380, v36;
	v37 =	vand.u32 $0x800, v37;
	v38 =	vand.u32 $0x800, v38  }
0x55: {  	v40 =	vand.u32 $0x380, v57;
	v41 =	vor.u32 $0x20, v24;
	v21 =	vor.u32 v16, v21  }
0x56: {  	v24 =	vand.u32 $0x7, v22;
	v28 =	vor.u32 $0x20, v28;
	v19 =	vor.u32 v12, v13  }
0x57: {  	v20 =	vor.u32 v11, v17;
	v23 =	vand.u32 $0x28, v14;
	v14 =	vshll.u32 v14, $0x8  }
0x58: {  	v34 =	vor.u32 v32, v9;
	v35 =	vor.u32 v12, v22;
	v26 =	vld.idx.msk [tilespmem:v26+s29+$0x0], $0xffff;
	v15 =	vmul.f32 $8.000000000e+00, v15  }
0x59: {  	v58 =	vor.u32 v12, v27;
	v42 =	vor.u32 v11, v32;
	v13 =	vor.u32 v8, v13;
	v30 =	vld.idx.msk [tilespmem:v30+s29+$0x0], $0xffff  }
0x5a: {  	v34 =	vor.u32 v33, v34;
	v31 =	vld.idx.msk [tilespmem:v31+s29+$0x0], $0xffff;
	[tilespmem:v21+s20+$0x0] =	vst.idx.msk $0xffff, v15;
	v15 =	vor.u32 v37, v9  }
0x5b: {  	v22 =	vor.u32 v8, v22;
	v21 =	vor.u32 v38, v9;
	v15 =	vor.u32 v39, v15  }
0x5c: {  	v18 =	vor.u32 v23, v18;
	v23 =	vor.u32 v12, v25;
	v19 =	vld.idx.msk [tilespmem:v19+s29+$0x0], $0xffff;
	v21 =	vor.u32 v40, v21  }
0x5d: {  	v27 =	vor.u32 v8, v27;
	v17 =	vor.u32 v7, v17;
	v26 =	vmul.f32 $8.000000000e+00, v26  }
0x5e: {  	v14 =	vand.u32 $0x2800, v14;
	v20 =	vor.u32 v16, v20;
	v30 =	vmul.f32 $8.000000000e+00, v30  }
0x5f: {  	v18 =	vor.u32 v10, v18;
	[tilespmem:v34+s20+$0x0] =	vst.idx.msk $0xffff, v26;
	v26 =	vmul.f32 $8.000000000e+00, v31;
	v31 =	vand.u32 $0x28, v41  }
0x60: {  	v59 =	vor.u32 v33, v42;
	[tilespmem:v15+s20+$0x0] =	vst.idx.msk $0xffff, v30;
	v15 =	vor.u32 v31, v24;
	v24 =	vld.idx.msk [tilespmem:v35+s29+$0x0], $0xffff  }
0x61: {  	v19 =	vmul.f32 $8.000000000e+00, v19;
	v30 =	vor.u32 v11, v37;
	v31 =	vand.u32 $0x28, v28;
	[tilespmem:v21+s20+$0x0] =	vst.idx.msk $0xffff, v26;
	v21 =	vld.idx.msk [tilespmem:v23+s29+$0x0], $0xffff  }
0x62: {  	v26 =	vor.u32 $0x20, v29;
	v28 =	vshll.u32 v28, $0x8;
	v29 =	vor.u32 v39, v30;
	v30 =	vld.idx.msk [tilespmem:v58+s29+$0x0], $0xffff  }
0x63: {  	v15 =	vor.u32 v10, v15;
	v23 =	vand.u32 $0x7, v25;
	[tilespmem:v20+s20+$0x0] =	vst.idx.msk $0xffff, v19;
	v19 =	vor.u32 v11, v38  }
0x64: {  	v20 =	vand.u32 $0x28, v26;
	v23 =	vor.u32 v31, v23;
	v31 =	vld.idx.msk [tilespmem:v18+s29+$0x0], $0xffff;
	v19 =	vor.u32 v40, v19  }
0x65: {  	v18 =	vor.u32 v20, v60;
	v20 =	vor.u32 v10, v23;
	v24 =	vmul.f32 $8.000000000e+00, v24  }
0x66: {  	s15 =	simm.s32 $0x4;
	v23 =	vor.u32 v14, v9;
	v35 =	vor.u32 v10, v18;
	v21 =	vmul.f32 $8.000000000e+00, v21  }
0x67: {  	v14 =	vadd.s32 s15, v0;
	v23 =	vor.u32 v16, v23;
	v30 =	vmul.f32 $8.000000000e+00, v30;
	[tilespmem:v59+s20+$0x0] =	vst.idx.msk $0xffff, v24  }
0x68: {  	v18 =	vand.u32 $0x7, v14;
	v61 =	vshll.u32 v14, $0x7;
	[tilespmem:v29+s20+$0x0] =	vst.idx.msk $0xffff, v21;
	v21 =	vshll.u32 v41, $0x8  }
0x69: {  	v29 =	vmul.f32 $8.000000000e+00, v31;
	v15 =	vld.idx.msk [tilespmem:v15+s29+$0x0], $0xffff;
	[tilespmem:v19+s20+$0x0] =	vst.idx.msk $0xffff, v30;
	v30 =	vor.u32 v8, v25;
	v19 =	vand.u32 $0x2800, v21  }
0x6a: {  	v21 =	vshll.u32 v26, $0x8;
	v26 =	vand.u32 $0x2800, v28;
	v20 =	vld.idx.msk [tilespmem:v20+s29+$0x0], $0xffff;
	v19 =	vor.u32 v19, v9  }
0x6b: {  	v28 =	vld.idx.msk [tilespmem:v35+s29+$0x0], $0xffff;
	v21 =	vand.u32 $0x2800, v21;
	v26 =	vor.u32 v26, v9;
	v19 =	vor.u32 v33, v19  }
0x6c: {  	v25 =	vand.u32 $0xF, v14;
	v21 =	vor.u32 v21, v9;
	v26 =	vor.u32 v39, v26  }
0x6d: {  	v24 =	vor.u32 v12, v14;
	v62 =	vor.u32 $0x20, v25;
	v21 =	vor.u32 v40, v21  }
0x6e: {  	v63 =	vor.u32 v10, v25;
	[tilespmem:v23+s20+$0x0] =	vst.idx.msk $0xffff, v29;
	v23 =	vshll.u32 v14, $0x8;
	v31 =	vmul.f32 $8.000000000e+00, v15  }
0x6f: {  	v36 =	vshll.u32 v62, $0x8;
	v29 =	vld.idx.msk [tilespmem:v13+s29+$0x0], $0xffff;
	v15 =	vand.u32 $0x800, v23;
	v20 =	vmul.f32 $8.000000000e+00, v20  }
0x70: {  	v23 =	vmul.f32 $8.000000000e+00, v28;
	v34 =	vor.u32 v11, v15;
	v35 =	vor.u32 v15, v9;
	[tilespmem:v19+s20+$0x0] =	vst.idx.msk $0xffff, v31  }
0x71: {  	v13 =	vand.u32 $0x380, v61;
	[tilespmem:v26+s20+$0x0] =	vst.idx.msk $0xffff, v20;
	v31 =	vand.u32 $0x28, v62;
	v19 =	vor.u32 v7, v37;
	v25 =	vld.idx.msk [tilespmem:v22+s29+$0x0], $0xffff  }
0x72: {  	s14 =	simm.s32 $0x7;
	[tilespmem:v21+s20+$0x0] =	vst.idx.msk $0xffff, v23;
	v22 =	vor.u32 v16, v17;
	v17 =	vor.u32 v7, v32;
	v26 =	vld.idx.msk [tilespmem:v30+s29+$0x0], $0xffff  }
0x73: {  	v20 =	vor.u32 v7, v38;
	v16 =	vadd.s32 s14, v0;
	v23 =	vor.u32 v33, v17;
	v27 =	vld.idx.msk [tilespmem:v27+s29+$0x0], $0xffff  }
0x74: {  	s15 =	simm.s32 $0x6;
	v21 =	vmul.f32 $8.000000000e+00, v29;
	v19 =	vor.u32 v39, v19;
	v33 =	vand.u32 $0xF, v16  }
0x75: {  	s13 =	simm.s32 $0x8;
	v32 =	vld.idx.msk [tilespmem:v63+s29+$0x0], $0xffff;
	s14 =	simm.s32 $0x5;
	v20 =	vor.u32 v40, v20;
	v17 =	vadd.s32 s15, v0;
	v30 =	vor.u32 v10, v33  }
.LBB2_10:
0x76: {  	p1 =	slt.u32 s13, $0xC;
	v28 =	vadd.s32 s14, v0;
	v37 =	vand.u32 $0xF, v17;
	v25 =	vmul.f32 $8.000000000e+00, v25  }
0x77: {  	v38 =	vand.u32 $0xF, v28;
	v29 =	vor.u32 v10, v37;
	[tilespmem:v22+s20+$0x0] =	vst.idx.msk $0xffff, v21;
	v21 =	vmul.f32 $8.000000000e+00, v26  }
0x78: {  	v22 =	vand.u32 $0x2800, v36;
	v27 =	vmul.f32 $8.000000000e+00, v27;
	v26 =	vor.u32 v10, v38;
	[tilespmem:v23+s20+$0x0] =	vst.idx.msk $0xffff, v25  }
0x79: {  	v34 =	vor.u32 v13, v34;
	v25 =	vor.u32 v13, v35;
	v23 =	vshll.u32 v16, $0x8;
	[tilespmem:v19+s20+$0x0] =	vst.idx.msk $0xffff, v21  }
0x7a: {  	v21 =	vmul.f32 $8.000000000e+00, v32;
	v19 =	vshll.u32 v16, $0x7;
	v23 =	vand.u32 $0x800, v23;
	[tilespmem:v20+s20+$0x0] =	vst.idx.msk $0xffff, v27  }
0x7b: {  	v35 =	vor.u32 v12, v16;
	v19 =	vand.u32 $0x380, v19;
	v20 =	vor.u32 v23, v9;
	v27 =	vld.idx.msk [tilespmem:v30+s29+$0x0], $0xffff  }
0x7c: {  	v30 =	vshll.u32 v17, $0x8;
	v39 =	vor.u32 v19, v20;
	v36 =	vld.idx.msk [tilespmem:v29+s29+$0x0], $0xffff;
	v29 =	vshll.u32 v17, $0x7  }
0x7d: {  	v40 =	vshll.u32 v28, $0x8;
	v32 =	vand.u32 $0x800, v30;
	v26 =	vld.idx.msk [tilespmem:v26+s29+$0x0], $0xffff;
	v20 =	vand.u32 $0x380, v29  }
0x7e: {  	v30 =	vand.u32 $0x800, v40;
	[tilespmem:v25+s20+$0x0] =	vst.idx.msk $0xffff, v21;
	v21 =	vshll.u32 v28, $0x7;
	v25 =	vor.u32 v32, v9  }
0x7f: {  	v24 =	vld.idx.msk [tilespmem:v24+s29+$0x0], $0xffff;
	v29 =	vand.u32 $0x380, v21;
	v21 =	vor.u32 v30, v9;
	v25 =	vor.u32 v20, v25  }
0x80: {  	v18 =	vor.u32 v31, v18;
	v31 =	vor.u32 v12, v17;
	v21 =	vor.u32 v29, v21  }
0x81: {  	v18 =	vor.u32 v10, v18;
	v40 =	vor.u32 v12, v28;
	v27 =	vmul.f32 $8.000000000e+00, v27  }
0x82: {  	v33 =	vor.u32 $0x20, v33;
	v41 =	vand.u32 $0x7, v16;
	v36 =	vmul.f32 $8.000000000e+00, v36  }
0x83: {  	v26 =	vmul.f32 $8.000000000e+00, v26;
	[tilespmem:v39+s20+$0x0] =	vst.idx.msk $0xffff, v27;
	v27 =	vor.u32 v11, v23;
	v39 =	vand.u32 $0x28, v33  }
0x84: {  	[tilespmem:v25+s20+$0x0] =	vst.idx.msk $0xffff, v36;
	v25 =	vld.idx.msk [tilespmem:v35+s29+$0x0], $0xffff;
	v27 =	vor.u32 v19, v27;
	v35 =	vor.u32 v39, v41  }
0x85: {  	v24 =	vmul.f32 $8.000000000e+00, v24;
	[tilespmem:v21+s20+$0x0] =	vst.idx.msk $0xffff, v26;
	v21 =	vld.idx.msk [tilespmem:v31+s29+$0x0], $0xffff;
	v26 =	vor.u32 $0x20, v37;
	v31 =	vor.u32 v10, v35  }
0x86: {  	v36 =	vor.u32 v11, v32;
	v39 =	vand.u32 $0x7, v17;
	v35 =	vld.idx.msk [tilespmem:v40+s29+$0x0], $0xffff;
	v37 =	vand.u32 $0x28, v26  }
0x87: {  	v36 =	vor.u32 v20, v36;
	[tilespmem:v34+s20+$0x0] =	vst.idx.msk $0xffff, v24;
	v34 =	vor.u32 $0x20, v38;
	v24 =	vor.u32 v37, v39  }
0x88: {  	v39 =	vand.u32 $0x7, v28;
	v37 =	vld.idx.msk [tilespmem:v18+s29+$0x0], $0xffff;
	v18 =	vor.u32 v11, v30;
	v38 =	vand.u32 $0x28, v34  }
0x89: {  	v40 =	vor.u32 v29, v18;
	v18 =	vor.u32 v38, v39;
	v38 =	vor.u32 v10, v24  }
0x8a: {  	v22 =	vor.u32 v22, v9;
	v24 =	vmul.f32 $8.000000000e+00, v25;
	v39 =	vor.u32 v10, v18  }
0x8b: {  	v22 =	vor.u32 v13, v22;
	v25 =	vadd.s32 s13, v0;
	v21 =	vmul.f32 $8.000000000e+00, v21  }
0x8c: {  	v41 =	vor.u32 v8, v14;
	v18 =	vand.u32 $0x7, v25;
	v14 =	vmovc v25;
	v35 =	vmul.f32 $8.000000000e+00, v35;
	[tilespmem:v27+s20+$0x0] =	vst.idx.msk $0xffff, v24  }
0x8d: {  	v25 =	vshll.u32 v14, $0x7;
	v24 =	vor.u32 v12, v14;
	v27 =	vshll.u32 v33, $0x8;
	[tilespmem:v36+s20+$0x0] =	vst.idx.msk $0xffff, v21;
	v21 =	vld.idx.msk [tilespmem:v31+s29+$0x0], $0xffff  }
0x8e: {  	v26 =	vshll.u32 v26, $0x8;
	v31 =	vmul.f32 $8.000000000e+00, v37;
	v27 =	vand.u32 $0x2800, v27;
	[tilespmem:v40+s20+$0x0] =	vst.idx.msk $0xffff, v35;
	v33 =	vld.idx.msk [tilespmem:v38+s29+$0x0], $0xffff  }
0x8f: {  	v26 =	vand.u32 $0x2800, v26;
	v34 =	vshll.u32 v34, $0x8;
	v27 =	vor.u32 v27, v9;
	v35 =	vld.idx.msk [tilespmem:v39+s29+$0x0], $0xffff  }
0x90: {  	v26 =	vor.u32 v26, v9;
	v27 =	vor.u32 v19, v27;
	[tilespmem:v22+s20+$0x0] =	vst.idx.msk $0xffff, v31;
	v22 =	vand.u32 $0x2800, v34  }
0x91: {  	v16 =	vor.u32 v8, v16;
	v26 =	vor.u32 v20, v26;
	v22 =	vor.u32 v22, v9  }
0x92: {  	v17 =	vor.u32 v8, v17;
	v31 =	vshll.u32 v14, $0x8;
	v37 =	vld.idx.msk [tilespmem:v41+s29+$0x0], $0xffff;
	v22 =	vor.u32 v29, v22  }
0x93: {  	v28 =	vor.u32 v8, v28;
	v34 =	vand.u32 $0xF, v14;
	v21 =	vmul.f32 $8.000000000e+00, v21  }
0x94: {  	v38 =	vand.u32 $0x380, v25;
	v36 =	vor.u32 $0x20, v34;
	v25 =	vmul.f32 $8.000000000e+00, v33  }
0x95: {  	v39 =	vand.u32 $0x800, v31;
	v33 =	vor.u32 v10, v34;
	v40 =	vmul.f32 $8.000000000e+00, v35;
	[tilespmem:v27+s20+$0x0] =	vst.idx.msk $0xffff, v21  }
0x96: {  	v15 =	vor.u32 v7, v15;
	v34 =	vor.u32 v11, v39;
	[tilespmem:v26+s20+$0x0] =	vst.idx.msk $0xffff, v25;
	v25 =	vld.idx.msk [tilespmem:v16+s29+$0x0], $0xffff  }
.Ltmp5:
0x97: {  	v31 =	vand.u32 $0x28, v36;
	v36 =	vshll.u32 v36, $0x8;
	v35 =	vor.u32 v39, v9;
	[tilespmem:v22+s20+$0x0] =	vst.idx.msk $0xffff, v40;
	v26 =	vld.idx.msk [tilespmem:v17+s29+$0x0], $0xffff;
	(pc) =	sbr.rel @p1 .LBB2_10-.Ltmp5, $4  }
0x98: {  	s14 =	sadd.s32 $0x3, s13;
	v21 =	vmul.f32 $8.000000000e+00, v37;
	v22 =	vor.u32 v13, v15;
	v13 =	vmovc v38;
	v27 =	vld.idx.msk [tilespmem:v28+s29+$0x0], $0xffff;
	v28 =	vor.u32 v7, v23  }
0x99: {  	v16 =	vadd.s32 s14, v0;
	v17 =	vor.u32 v7, v32;
	v15 =	vmovc v39;
	v23 =	vor.u32 v19, v28  }
0x9a: {  	s15 =	sadd.s32 $0x2, s13;
	v28 =	vor.u32 v7, v30;
	v19 =	vor.u32 v20, v17;
	v32 =	vld.idx.msk [tilespmem:v33+s29+$0x0], $0xffff;
	v33 =	vand.u32 $0xF, v16  }
0x9b: {  	s14 =	sadd.s32 $0x1, s13;
	s13 =	sadd.s32 $0x4, s13;
	v17 =	vadd.s32 s15, v0;
	v20 =	vor.u32 v29, v28;
	v30 =	vor.u32 v10, v33  }
0x9c: {  	v28 =	vadd.s32 s14, v0;
	v29 =	vand.u32 $0xF, v17;
	v36 =	vand.u32 $0x2800, v36  }
0x9d: {  	v35 =	vor.u32 v13, v35;
	v34 =	vor.u32 v13, v34;
	v38 =	vor.u32 v10, v29  }
0x9e: {  	v40 =	vshll.u32 v16, $0x8;
	v41 =	vshll.u32 v16, $0x7;
	v37 =	vand.u32 $0xF, v28  }
0x9f: {  	v43 =	vor.u32 v12, v16;
	v44 =	vshll.u32 v17, $0x7;
	v39 =	vor.u32 v10, v37  }
0xa0: {  	v45 =	vshll.u32 v17, $0x8;
	v18 =	vor.u32 v31, v18;
	v32 =	vmul.f32 $8.000000000e+00, v32  }
0xa1: {  	v30 =	vld.idx.msk [tilespmem:v30+s29+$0x0], $0xffff;
	v62 =	vor.u32 v12, v17;
	v40 =	vand.u32 $0x800, v40;
	v41 =	vand.u32 $0x380, v41  }
0xa2: {  	v46 =	vshll.u32 v28, $0x8;
	v45 =	vand.u32 $0x800, v45;
	v42 =	vor.u32 v40, v9;
	[tilespmem:v35+s20+$0x0] =	vst.idx.msk $0xffff, v32;
	v38 =	vld.idx.msk [tilespmem:v38+s29+$0x0], $0xffff  }
0xa3: {  	v44 =	vand.u32 $0x380, v44;
	v48 =	vor.u32 v45, v9;
	v42 =	vor.u32 v41, v42;
	v24 =	vld.idx.msk [tilespmem:v24+s29+$0x0], $0xffff  }
0xa4: {  	v47 =	vshll.u32 v28, $0x7;
	v46 =	vand.u32 $0x800, v46;
	v61 =	vor.u32 v44, v48;
	v39 =	vld.idx.msk [tilespmem:v39+s29+$0x0], $0xffff  }
0xa5: {  	v33 =	vor.u32 $0x20, v33;
	v59 =	vand.u32 $0x380, v47;
	v60 =	vor.u32 v46, v9  }
0xa6: {  	v63 =	vand.u32 $0x7, v16;
	v31 =	vor.u32 v59, v60;
	v30 =	vmul.f32 $8.000000000e+00, v30  }
0xa7: {  	v54 =	vand.u32 $0x7, v17;
	v18 =	vor.u32 v10, v18;
	v38 =	vmul.f32 $8.000000000e+00, v38  }
0xa8: {  	v14 =	vor.u32 v8, v14;
	v12 =	vor.u32 v12, v28;
	[tilespmem:v42+s20+$0x0] =	vst.idx.msk $0xffff, v30;
	v24 =	vmul.f32 $8.000000000e+00, v24  }
0xa9: {  	v49 =	vand.u32 $0x28, v33;
	v29 =	vor.u32 $0x20, v29;
	v39 =	vmul.f32 $8.000000000e+00, v39;
	[tilespmem:v61+s20+$0x0] =	vst.idx.msk $0xffff, v38  }
0xaa: {  	v36 =	vor.u32 v36, v9;
	v52 =	vor.u32 v11, v45;
	v50 =	vld.idx.msk [tilespmem:v43+s29+$0x0], $0xffff;
	[tilespmem:v34+s20+$0x0] =	vst.idx.msk $0xffff, v24  }
0xab: {  	v58 =	vand.u32 $0x7, v28;
	v53 =	vand.u32 $0x28, v29;
	v30 =	vor.u32 v11, v40;
	[tilespmem:v31+s20+$0x0] =	vst.idx.msk $0xffff, v39;
	v31 =	vld.idx.msk [tilespmem:v62+s29+$0x0], $0xffff  }
0xac: {  	v36 =	vor.u32 v13, v36;
	v55 =	vor.u32 v44, v52;
	v30 =	vor.u32 v41, v30;
	v18 =	vld.idx.msk [tilespmem:v18+s29+$0x0], $0xffff  }
0xad: {  	v56 =	vor.u32 v53, v54;
	v42 =	vor.u32 v49, v63;
	v11 =	vor.u32 v11, v46;
	v12 =	vld.idx.msk [tilespmem:v12+s29+$0x0], $0xffff  }
0xae: {  	v51 =	vor.u32 v10, v42;
	v11 =	vor.u32 v59, v11;
	v24 =	vor.u32 $0x20, v37  }
0xaf: {  	v37 =	vor.u32 v10, v56;
	v57 =	vand.u32 $0x28, v24;
	v38 =	vmul.f32 $8.000000000e+00, v50  }
0xb0: {  	v16 =	vor.u32 v8, v16;
	v39 =	vor.u32 v57, v58;
	v31 =	vmul.f32 $8.000000000e+00, v31  }
0xb1: {  	v17 =	vor.u32 v8, v17;
	v10 =	vor.u32 v10, v39;
	[tilespmem:v30+s20+$0x0] =	vst.idx.msk $0xffff, v38;
	v18 =	vmul.f32 $8.000000000e+00, v18  }
0xb2: {  	v26 =	vmul.f32 $8.000000000e+00, v26;
	s14 =	simm.s32 $0x3;
	v8 =	vor.u32 v8, v28;
	v12 =	vmul.f32 $8.000000000e+00, v12;
	[tilespmem:v55+s20+$0x0] =	vst.idx.msk $0xffff, v31  }
0xb3: {  	v27 =	vmul.f32 $8.000000000e+00, v27;
	v30 =	vshll.u32 v33, $0x8;
	v39 =	vadd.s32 s14, v0;
	v31 =	vld.idx.msk [tilespmem:v51+s29+$0x0], $0xffff;
	[tilespmem:v36+s20+$0x0] =	vst.idx.msk $0xffff, v18  }
0xb4: {  	v29 =	vshll.u32 v29, $0x8;
	v30 =	vand.u32 $0x2800, v30;
	v58 =	vshll.u32 v39, $0x8;
	[tilespmem:v11+s20+$0x0] =	vst.idx.msk $0xffff, v12;
	v11 =	vld.idx.msk [tilespmem:v37+s29+$0x0], $0xffff  }
0xb5: {  	[tilespmem:v20+s20+$0x0] =	vst.idx.msk $0xffff, v27;
	v49 =	vshll.u32 v39, $0x7;
	v20 =	vand.u32 $0x7, v39;
	v48 =	vand.u32 $0x800, v58;
	v14 =	vld.idx.msk [tilespmem:v14+s29+$0x0], $0xffff  }
0xb6: {  	v12 =	vshll.u32 v24, $0x8;
	v24 =	vand.u32 $0x2800, v29;
	v29 =	vor.u32 v30, v9;
	v10 =	vld.idx.msk [tilespmem:v10+s29+$0x0], $0xffff  }
0xb7: {  	v12 =	vand.u32 $0x2800, v12;
	v24 =	vor.u32 v24, v9;
	v29 =	vor.u32 v41, v29  }
0xb8: {  	s13 =	sor.u32 $0x10, s31;
	s31 =	simm.s32 $0x0;
	v49 =	vand.u32 $0x380, v49;
	v9 =	vor.u32 v12, v9;
	v12 =	vor.u32 v44, v24  }
0xb9: {  	v9 =	vor.u32 v59, v9;
	v18 =	vmul.f32 $8.000000000e+00, v31;
	v31 =	vadd.s32 s31, v0  }
0xba: {  	s31 =	simm.s32 $0x1;
	v11 =	vmul.f32 $8.000000000e+00, v11;
	v28 =	vmul.f32 $8.000000000e+00, v14;
	v33 =	vand.u32 $0x7, v31  }
0xbb: {  	v60 =	vshll.u32 v31, $0x8;
	v42 =	vadd.s32 s31, v0;
	v10 =	vmul.f32 $8.000000000e+00, v10  }
0xbc: {  	[tilespmem:v29+s20+$0x0] =	vst.idx.msk $0xffff, v18;
	v18 =	vmul.f32 $8.000000000e+00, v25;
	v25 =	vand.u32 $0xF, v31;
	v55 =	vand.u32 $0x7, v42  }
0xbd: {  	[tilespmem:v12+s20+$0x0] =	vst.idx.msk $0xffff, v11;
	v11 =	vld.idx.msk [tilespmem:v16+s29+$0x0], $0xffff;
	v12 =	vor.u32 v7, v45;
	v16 =	vshll.u32 v31, $0x7;
	v61 =	vor.u32 $0x20, v25  }
0xbe: {  	v45 =	vand.u32 $0xF, v42;
	[tilespmem:v9+s20+$0x0] =	vst.idx.msk $0xffff, v10;
	v10 =	vor.u32 v7, v15;
	v14 =	vor.u32 v44, v12  }
0xbf: {  	v16 =	vand.u32 $0x380, v16;
	v38 =	vand.u32 $0x28, v61;
	v36 =	vshll.u32 v61, $0x8  }
0xc0: {  	v13 =	vor.u32 v13, v10;
	v10 =	vor.u32 v7, v40;
	v7 =	vor.u32 v7, v46  }
0xc1: {  	[tilespmem:v23+s20+$0x0] =	vst.idx.msk $0xffff, v18;
	v23 =	vshll.u32 v42, $0x7;
	v15 =	vor.u32 v59, v7;
	v7 =	vor.u32 s13, v0  }
0xc2: {  	s15 =	simm.s32 $0x2;
	v54 =	vor.u32 $0x20, v45;
	v29 =	vor.u32 v41, v10;
	v10 =	vshll.u32 v7, $0x6  }
0xc3: {  	v9 =	vld.idx.msk [tilespmem:v17+s29+$0x0], $0xffff;
	v40 =	vadd.s32 s15, v0;
	v36 =	vand.u32 $0x2800, v36;
	v59 =	vor.u32 v10, v25  }
0xc4: {  	v33 =	vor.u32 v38, v33;
	v41 =	vand.u32 $0xF, v39;
	v43 =	vand.u32 $0xF, v40  }
0xc5: {  	[tilespmem:v22+s20+$0x0] =	vst.idx.msk $0xffff, v21;
	v52 =	vshll.u32 v40, $0x7;
	v22 =	vshll.u32 v40, $0x8;
	v53 =	vand.u32 $0x7, v40  }
0xc6: {  	[tilespmem:v19+s20+$0x0] =	vst.idx.msk $0xffff, v26;
	v46 =	vand.u32 $0x380, v52;
	v22 =	vand.u32 $0x800, v22;
	v26 =	vor.u32 $0x20, v41  }
0xc7: {  	v8 =	vld.idx.msk [tilespmem:v8+s29+$0x0], $0xffff;
	v30 =	vmul.f32 $8.000000000e+00, v11;
	v12 =	vor.u32 $0x10, v10;
	v25 =	vand.u32 $0x800, v60  }
0xc8: {  	v63 =	vor.u32 v10, v41;
	v24 =	vmul.f32 $8.000000000e+00, v9;
	v9 =	vand.u32 v2, v7;
	v32 =	vld.idx.msk [tilespmem:v59+s29+$0x0], $0xffff  }
0xc9: {  	v56 =	vor.u32 v10, v43;
	v57 =	vor.u32 v10, v45;
	v62 =	vor.u32 v25, v9  }
0xca: {  	v60 =	vshll.u32 v42, $0x8;
	v33 =	vor.u32 v10, v33;
	v37 =	vor.u32 v16, v62  }
0xcb: {  	v27 =	vand.u32 $0x28, v26;
	v26 =	vshll.u32 v26, $0x8;
	v34 =	vor.u32 v12, v31  }
0xcc: {  	v51 =	vor.u32 v12, v39;
	v19 =	vor.u32 v12, v42;
	v20 =	vor.u32 v27, v20  }
0xcd: {  	v26 =	vand.u32 $0x2800, v26;
	v17 =	vmul.f32 $8.000000000e+00, v8;
	v21 =	vld.idx.msk [tilespmem:v63+s29+$0x0], $0xffff;
	v32 =	vmul.f32 $8.000000000e+00, v32  }
0xce: {  	v8 =	vor.u32 $0x30, v10;
	v50 =	vor.u32 v48, v9;
	v61 =	vor.u32 v22, v9;
	v18 =	vld.idx.msk [tilespmem:v56+s29+$0x0], $0xffff  }
0xcf: {  	v11 =	vor.u32 $0x1000, v9;
	v59 =	vor.u32 v49, v50;
	v47 =	vld.idx.msk [tilespmem:v57+s29+$0x0], $0xffff;
	[tilespmem:v37+s20+$0x0] =	vst.idx.msk $0xffff, v32;
	v37 =	vand.u32 $0x800, v60  }
0xd0: {  	v50 =	vand.u32 $0x380, v23;
	v32 =	vor.u32 v46, v61;
	v62 =	vor.u32 v37, v9  }
0xd1: {  	v7 =	vor.u32 $0x3000, v9;
	v63 =	vor.u32 v12, v40;
	v23 =	vld.idx.msk [tilespmem:v34+s29+$0x0], $0xffff;
	v34 =	vor.u32 v50, v62  }
0xd2: {  	s14 =	simm.s32 $0x4;
	v20 =	vor.u32 v10, v20;
	[tilespmem:v13+s20+$0x0] =	vst.idx.msk $0xffff, v28;
	v35 =	vor.u32 v11, v25;
	v21 =	vmul.f32 $8.000000000e+00, v21  }
0xd3: {  	v13 =	vadd.s32 s14, v0;
	[tilespmem:v29+s20+$0x0] =	vst.idx.msk $0xffff, v30;
	v35 =	vor.u32 v16, v35;
	v18 =	vmul.f32 $8.000000000e+00, v18  }
0xd4: {  	v26 =	vor.u32 v26, v9;
	v27 =	vor.u32 v11, v48;
	[tilespmem:v59+s20+$0x0] =	vst.idx.msk $0xffff, v21;
	v21 =	vmul.f32 $8.000000000e+00, v47  }
0xd5: {  	v30 =	vor.u32 v8, v31;
	v26 =	vor.u32 v49, v26;
	v52 =	vld.idx.msk [tilespmem:v51+s29+$0x0], $0xffff;
	[tilespmem:v32+s20+$0x0] =	vst.idx.msk $0xffff, v18  }
0xd6: {  	v27 =	vor.u32 v49, v27;
	v18 =	vmul.f32 $8.000000000e+00, v23;
	v23 =	vor.u32 $0x20, v43;
	v38 =	vld.idx.msk [tilespmem:v63+s29+$0x0], $0xffff;
	[tilespmem:v34+s20+$0x0] =	vst.idx.msk $0xffff, v21  }
0xd7: {  	v56 =	vor.u32 v11, v22;
	v57 =	vor.u32 v11, v37;
	v21 =	vand.u32 $0x28, v23;
	v19 =	vld.idx.msk [tilespmem:v19+s29+$0x0], $0xffff  }
0xd8: {  	[tilespmem:v35+s20+$0x0] =	vst.idx.msk $0xffff, v18;
	v18 =	vor.u32 v21, v53;
	v21 =	vand.u32 $0x28, v54;
	v35 =	vor.u32 v46, v56  }
0xd9: {  	v34 =	vor.u32 v50, v57;
	v21 =	vor.u32 v21, v55;
	v33 =	vld.idx.msk [tilespmem:v33+s29+$0x0], $0xffff;
	v58 =	vor.u32 v10, v18  }
0xda: {  	v28 =	vmul.f32 $8.000000000e+00, v52;
	v18 =	vor.u32 v36, v9;
	v21 =	vor.u32 v10, v21  }
0xdb: {  	v25 =	vor.u32 v7, v25;
	[tilespmem:v15+s20+$0x0] =	vst.idx.msk $0xffff, v17;
	v59 =	vor.u32 v16, v18;
	v29 =	vmul.f32 $8.000000000e+00, v38  }
0xdc: {  	v60 =	vshll.u32 v13, $0x8;
	v23 =	vshll.u32 v23, $0x8;
	[tilespmem:v27+s20+$0x0] =	vst.idx.msk $0xffff, v28;
	v31 =	vmul.f32 $8.000000000e+00, v19  }
0xdd: {  	v61 =	vor.u32 v8, v40;
	v15 =	vand.u32 $0x800, v60;
	v23 =	vand.u32 $0x2800, v23;
	v20 =	vld.idx.msk [tilespmem:v20+s29+$0x0], $0xffff;
	[tilespmem:v35+s20+$0x0] =	vst.idx.msk $0xffff, v29  }
0xde: {  	v23 =	vor.u32 v23, v9;
	v29 =	vshll.u32 v54, $0x8;
	v28 =	vmul.f32 $8.000000000e+00, v33;
	[tilespmem:v34+s20+$0x0] =	vst.idx.msk $0xffff, v31;
	v31 =	vld.idx.msk [tilespmem:v58+s29+$0x0], $0xffff  }
0xdf: {  	[tilespmem:v14+s20+$0x0] =	vst.idx.msk $0xffff, v24;
	v62 =	vand.u32 $0xF, v13;
	v23 =	vor.u32 v46, v23;
	v29 =	vand.u32 $0x2800, v29;
	v21 =	vld.idx.msk [tilespmem:v21+s29+$0x0], $0xffff  }
0xe0: {  	v24 =	vor.u32 $0x20, v62;
	v29 =	vor.u32 v29, v9;
	[tilespmem:v59+s20+$0x0] =	vst.idx.msk $0xffff, v28;
	v28 =	vor.u32 v8, v39  }
0xe1: {  	v63 =	vor.u32 v8, v42;
	v27 =	vshll.u32 v13, $0x7;
	v29 =	vor.u32 v50, v29  }
0xe2: {  	v14 =	vand.u32 $0x380, v27;
	v36 =	vor.u32 v15, v9;
	v20 =	vmul.f32 $8.000000000e+00, v20  }
0xe3: {  	v27 =	vor.u32 v16, v25;
	v25 =	vor.u32 v7, v37;
	v17 =	vmul.f32 $8.000000000e+00, v31  }
0xe4: {  	s15 =	simm.s32 $0x7;
	v32 =	vand.u32 $0x28, v24;
	[tilespmem:v26+s20+$0x0] =	vst.idx.msk $0xffff, v20;
	v30 =	vld.idx.msk [tilespmem:v30+s29+$0x0], $0xffff;
	v31 =	vor.u32 v10, v62;
	v21 =	vmul.f32 $8.000000000e+00, v21  }
0xe5: {  	v18 =	vand.u32 $0x7, v13;
	v16 =	vadd.s32 s15, v0;
	v25 =	vor.u32 v50, v25;
	v20 =	vld.idx.msk [tilespmem:v28+s29+$0x0], $0xffff;
	[tilespmem:v23+s20+$0x0] =	vst.idx.msk $0xffff, v17  }
0xe6: {  	v19 =	vor.u32 v12, v13;
	v17 =	vor.u32 v7, v48;
	[tilespmem:v29+s20+$0x0] =	vst.idx.msk $0xffff, v21;
	v21 =	vld.idx.msk [tilespmem:v61+s29+$0x0], $0xffff  }
0xe7: {  	v33 =	vshll.u32 v24, $0x8;
	v24 =	vor.u32 v7, v22;
	v23 =	vor.u32 v49, v17;
	v22 =	vld.idx.msk [tilespmem:v63+s29+$0x0], $0xffff  }
0xe8: {  	s31 =	simm.s32 $0x6;
	v35 =	vor.u32 v11, v15;
	v34 =	vand.u32 $0xF, v16;
	v24 =	vor.u32 v46, v24  }
0xe9: {  	s13 =	simm.s32 $0x8;
	s14 =	simm.s32 $0x5;
	v26 =	vmul.f32 $8.000000000e+00, v30;
	v30 =	vor.u32 v10, v34;
	v17 =	vadd.s32 s31, v0;
	v31 =	vld.idx.msk [tilespmem:v31+s29+$0x0], $0xffff  }
.LBB2_12:
0xea: {  	p1 =	slt.u32 s13, $0xC;
	v28 =	vadd.s32 s14, v0;
	v37 =	vand.u32 $0xF, v17;
	v20 =	vmul.f32 $8.000000000e+00, v20  }
0xeb: {  	v21 =	vmul.f32 $8.000000000e+00, v21;
	v38 =	vand.u32 $0xF, v28;
	v29 =	vor.u32 v10, v37;
	[tilespmem:v27+s20+$0x0] =	vst.idx.msk $0xffff, v26  }
0xec: {  	v26 =	vand.u32 $0x2800, v33;
	v22 =	vmul.f32 $8.000000000e+00, v22;
	v27 =	vor.u32 v10, v38;
	[tilespmem:v23+s20+$0x0] =	vst.idx.msk $0xffff, v20  }
0xed: {  	v33 =	vor.u32 v14, v35;
	v20 =	vor.u32 v14, v36;
	v23 =	vshll.u32 v16, $0x8;
	[tilespmem:v24+s20+$0x0] =	vst.idx.msk $0xffff, v21  }
0xee: {  	v21 =	vmul.f32 $8.000000000e+00, v31;
	v31 =	vshll.u32 v16, $0x7;
	v24 =	vand.u32 $0x800, v23;
	[tilespmem:v25+s20+$0x0] =	vst.idx.msk $0xffff, v22  }
0xef: {  	v35 =	vor.u32 v12, v16;
	v23 =	vand.u32 $0x380, v31;
	v25 =	vor.u32 v24, v9;
	v22 =	vld.idx.msk [tilespmem:v30+s29+$0x0], $0xffff  }
0xf0: {  	v30 =	vshll.u32 v17, $0x8;
	v39 =	vor.u32 v23, v25;
	v36 =	vld.idx.msk [tilespmem:v29+s29+$0x0], $0xffff;
	v29 =	vshll.u32 v17, $0x7  }
0xf1: {  	v40 =	vshll.u32 v28, $0x8;
	v31 =	vand.u32 $0x800, v30;
	v27 =	vld.idx.msk [tilespmem:v27+s29+$0x0], $0xffff;
	v25 =	vand.u32 $0x380, v29  }
0xf2: {  	v30 =	vand.u32 $0x800, v40;
	[tilespmem:v20+s20+$0x0] =	vst.idx.msk $0xffff, v21;
	v20 =	vshll.u32 v28, $0x7;
	v21 =	vor.u32 v31, v9  }
0xf3: {  	v19 =	vld.idx.msk [tilespmem:v19+s29+$0x0], $0xffff;
	v29 =	vand.u32 $0x380, v20;
	v20 =	vor.u32 v30, v9;
	v21 =	vor.u32 v25, v21  }
0xf4: {  	v18 =	vor.u32 v32, v18;
	v32 =	vor.u32 v12, v17;
	v20 =	vor.u32 v29, v20  }
0xf5: {  	v18 =	vor.u32 v10, v18;
	v40 =	vor.u32 v12, v28;
	v22 =	vmul.f32 $8.000000000e+00, v22  }
0xf6: {  	v34 =	vor.u32 $0x20, v34;
	v41 =	vand.u32 $0x7, v16;
	v36 =	vmul.f32 $8.000000000e+00, v36  }
0xf7: {  	v27 =	vmul.f32 $8.000000000e+00, v27;
	[tilespmem:v39+s20+$0x0] =	vst.idx.msk $0xffff, v22;
	v22 =	vor.u32 v11, v24;
	v39 =	vand.u32 $0x28, v34  }
0xf8: {  	[tilespmem:v21+s20+$0x0] =	vst.idx.msk $0xffff, v36;
	v21 =	vld.idx.msk [tilespmem:v35+s29+$0x0], $0xffff;
	v22 =	vor.u32 v23, v22;
	v35 =	vor.u32 v39, v41  }
0xf9: {  	v19 =	vmul.f32 $8.000000000e+00, v19;
	[tilespmem:v20+s20+$0x0] =	vst.idx.msk $0xffff, v27;
	v20 =	vld.idx.msk [tilespmem:v32+s29+$0x0], $0xffff;
	v27 =	vor.u32 $0x20, v37;
	v32 =	vor.u32 v10, v35  }
0xfa: {  	v36 =	vor.u32 v11, v31;
	v39 =	vand.u32 $0x7, v17;
	v35 =	vld.idx.msk [tilespmem:v40+s29+$0x0], $0xffff;
	v37 =	vand.u32 $0x28, v27  }
0xfb: {  	v36 =	vor.u32 v25, v36;
	[tilespmem:v33+s20+$0x0] =	vst.idx.msk $0xffff, v19;
	v33 =	vor.u32 $0x20, v38;
	v19 =	vor.u32 v37, v39  }
0xfc: {  	v39 =	vand.u32 $0x7, v28;
	v37 =	vld.idx.msk [tilespmem:v18+s29+$0x0], $0xffff;
	v18 =	vor.u32 v11, v30;
	v38 =	vand.u32 $0x28, v33  }
0xfd: {  	v40 =	vor.u32 v29, v18;
	v18 =	vor.u32 v38, v39;
	v38 =	vor.u32 v10, v19  }
0xfe: {  	v19 =	vor.u32 v26, v9;
	v21 =	vmul.f32 $8.000000000e+00, v21;
	v26 =	vor.u32 v10, v18  }
0xff: {  	v39 =	vadd.s32 s13, v0;
	v41 =	vor.u32 v14, v19;
	v20 =	vmul.f32 $8.000000000e+00, v20  }
0x100: {  	v42 =	vor.u32 v8, v13;
	v18 =	vand.u32 $0x7, v39;
	v13 =	vmovc v39;
	v35 =	vmul.f32 $8.000000000e+00, v35;
	[tilespmem:v22+s20+$0x0] =	vst.idx.msk $0xffff, v21  }
0x101: {  	v19 =	vor.u32 v12, v13;
	v21 =	vshll.u32 v13, $0x7;
	v22 =	vshll.u32 v34, $0x8;
	[tilespmem:v36+s20+$0x0] =	vst.idx.msk $0xffff, v20;
	v20 =	vld.idx.msk [tilespmem:v32+s29+$0x0], $0xffff  }
0x102: {  	v27 =	vshll.u32 v27, $0x8;
	v32 =	vmul.f32 $8.000000000e+00, v37;
	v22 =	vand.u32 $0x2800, v22;
	[tilespmem:v40+s20+$0x0] =	vst.idx.msk $0xffff, v35;
	v34 =	vld.idx.msk [tilespmem:v38+s29+$0x0], $0xffff  }
0x103: {  	v27 =	vand.u32 $0x2800, v27;
	v33 =	vshll.u32 v33, $0x8;
	v22 =	vor.u32 v22, v9;
	v26 =	vld.idx.msk [tilespmem:v26+s29+$0x0], $0xffff  }
0x104: {  	v27 =	vor.u32 v27, v9;
	v22 =	vor.u32 v23, v22;
	[tilespmem:v41+s20+$0x0] =	vst.idx.msk $0xffff, v32;
	v32 =	vand.u32 $0x2800, v33  }
0x105: {  	v16 =	vor.u32 v8, v16;
	v27 =	vor.u32 v25, v27;
	v32 =	vor.u32 v32, v9  }
0x106: {  	v17 =	vor.u32 v8, v17;
	v33 =	vshll.u32 v13, $0x8;
	v37 =	vld.idx.msk [tilespmem:v42+s29+$0x0], $0xffff;
	v38 =	vor.u32 v29, v32  }
0x107: {  	v28 =	vor.u32 v8, v28;
	v32 =	vand.u32 $0xF, v13;
	v20 =	vmul.f32 $8.000000000e+00, v20  }
0x108: {  	v39 =	vand.u32 $0x380, v21;
	v21 =	vor.u32 $0x20, v32;
	v34 =	vmul.f32 $8.000000000e+00, v34  }
0x109: {  	v41 =	vand.u32 $0x800, v33;
	v40 =	vor.u32 v10, v32;
	v26 =	vmul.f32 $8.000000000e+00, v26;
	[tilespmem:v22+s20+$0x0] =	vst.idx.msk $0xffff, v20  }
0x10a: {  	v15 =	vor.u32 v7, v15;
	v35 =	vor.u32 v11, v41;
	[tilespmem:v27+s20+$0x0] =	vst.idx.msk $0xffff, v34;
	v20 =	vld.idx.msk [tilespmem:v16+s29+$0x0], $0xffff  }
.Ltmp6:
0x10b: {  	v36 =	vor.u32 v41, v9;
	v32 =	vand.u32 $0x28, v21;
	v33 =	vshll.u32 v21, $0x8;
	[tilespmem:v38+s20+$0x0] =	vst.idx.msk $0xffff, v26;
	v21 =	vld.idx.msk [tilespmem:v17+s29+$0x0], $0xffff;
	(pc) =	sbr.rel @p1 .LBB2_12-.Ltmp6, $4  }
0x10c: {  	s14 =	sadd.s32 $0x3, s13;
	v24 =	vor.u32 v7, v24;
	v27 =	vor.u32 v14, v15;
	v14 =	vmovc v39;
	v26 =	vmul.f32 $8.000000000e+00, v37;
	v22 =	vld.idx.msk [tilespmem:v28+s29+$0x0], $0xffff  }
0x10d: {  	v23 =	vor.u32 v23, v24;
	v16 =	vadd.s32 s14, v0;
	v15 =	vmovc v41;
	v17 =	vor.u32 v7, v31  }
0x10e: {  	s15 =	sadd.s32 $0x2, s13;
	v34 =	vand.u32 $0xF, v16;
	v28 =	vor.u32 v7, v30;
	v24 =	vor.u32 v25, v17;
	v31 =	vld.idx.msk [tilespmem:v40+s29+$0x0], $0xffff  }
0x10f: {  	s14 =	sadd.s32 $0x1, s13;
	s13 =	sadd.s32 $0x4, s13;
	v17 =	vadd.s32 s15, v0;
	v30 =	vor.u32 v10, v34;
	v25 =	vor.u32 v29, v28  }
0x110: {  	v28 =	vadd.s32 s14, v0;
	v29 =	vand.u32 $0xF, v17  }
0x111: {  	v36 =	vor.u32 v14, v36;
	v40 =	vshll.u32 v16, $0x8;
	v35 =	vor.u32 v14, v35  }
0x112: {  	v41 =	vshll.u32 v16, $0x7;
	v37 =	vand.u32 $0xF, v28;
	v38 =	vor.u32 v10, v29  }
0x113: {  	v43 =	vor.u32 v12, v16;
	v44 =	vshll.u32 v17, $0x7;
	v39 =	vor.u32 v10, v37  }
0x114: {  	v45 =	vshll.u32 v17, $0x8;
	v18 =	vor.u32 v32, v18;
	v62 =	vor.u32 v12, v17  }
0x115: {  	v34 =	vor.u32 $0x20, v34;
	v51 =	vand.u32 $0x7, v16;
	v40 =	vand.u32 $0x800, v40  }
0x116: {  	v30 =	vld.idx.msk [tilespmem:v30+s29+$0x0], $0xffff;
	v41 =	vand.u32 $0x380, v41;
	v46 =	vshll.u32 v28, $0x8;
	v44 =	vand.u32 $0x380, v44  }
0x117: {  	v45 =	vand.u32 $0x800, v45;
	v47 =	vshll.u32 v28, $0x7;
	v42 =	vor.u32 v40, v9;
	v38 =	vld.idx.msk [tilespmem:v38+s29+$0x0], $0xffff  }
0x118: {  	v46 =	vand.u32 $0x800, v46;
	v48 =	vor.u32 v45, v9;
	v42 =	vor.u32 v41, v42;
	v39 =	vld.idx.msk [tilespmem:v39+s29+$0x0], $0xffff  }
0x119: {  	v47 =	vand.u32 $0x380, v47;
	v49 =	vor.u32 v46, v9;
	v48 =	vor.u32 v44, v48  }
0x11a: {  	v57 =	vand.u32 $0x7, v17;
	v31 =	vmul.f32 $8.000000000e+00, v31;
	v61 =	vor.u32 v47, v49  }
0x11b: {  	v18 =	vor.u32 v10, v18;
	v63 =	vor.u32 v12, v28;
	v30 =	vmul.f32 $8.000000000e+00, v30  }
0x11c: {  	v29 =	vor.u32 $0x20, v29;
	v54 =	vor.u32 v11, v40;
	[tilespmem:v36+s20+$0x0] =	vst.idx.msk $0xffff, v31;
	v50 =	vmul.f32 $8.000000000e+00, v38  }
0x11d: {  	v56 =	vand.u32 $0x28, v29;
	v37 =	vor.u32 $0x20, v37;
	v19 =	vld.idx.msk [tilespmem:v19+s29+$0x0], $0xffff;
	[tilespmem:v42+s20+$0x0] =	vst.idx.msk $0xffff, v30;
	v52 =	vmul.f32 $8.000000000e+00, v39  }
0x11e: {  	v53 =	vand.u32 $0x28, v34;
	v59 =	vor.u32 v56, v57;
	v60 =	vand.u32 $0x28, v37;
	v55 =	vld.idx.msk [tilespmem:v43+s29+$0x0], $0xffff;
	[tilespmem:v48+s20+$0x0] =	vst.idx.msk $0xffff, v50  }
0x11f: {  	v36 =	vor.u32 v10, v59;
	v30 =	vor.u32 v53, v51;
	[tilespmem:v61+s20+$0x0] =	vst.idx.msk $0xffff, v52;
	v58 =	vld.idx.msk [tilespmem:v62+s29+$0x0], $0xffff  }
0x120: {  	v30 =	vor.u32 v10, v30;
	v38 =	vor.u32 v41, v54;
	v62 =	vor.u32 v11, v45;
	v12 =	vld.idx.msk [tilespmem:v63+s29+$0x0], $0xffff  }
0x121: {  	v61 =	vand.u32 $0x7, v28;
	v42 =	vor.u32 v44, v62;
	v63 =	vor.u32 v11, v46  }
0x122: {  	v19 =	vmul.f32 $8.000000000e+00, v19;
	v39 =	vor.u32 v60, v61;
	v11 =	vor.u32 v47, v63  }
0x123: {  	v31 =	vmul.f32 $8.000000000e+00, v55;
	v39 =	vor.u32 v10, v39  }
0x124: {  	v33 =	vand.u32 $0x2800, v33;
	v13 =	vor.u32 v8, v13;
	[tilespmem:v35+s20+$0x0] =	vst.idx.msk $0xffff, v19;
	v32 =	vmul.f32 $8.000000000e+00, v58  }
0x125: {  	v43 =	vor.u32 v33, v9;
	v48 =	vshll.u32 v34, $0x8;
	v18 =	vld.idx.msk [tilespmem:v18+s29+$0x0], $0xffff;
	[tilespmem:v38+s20+$0x0] =	vst.idx.msk $0xffff, v31;
	v12 =	vmul.f32 $8.000000000e+00, v12  }
0x126: {  	v29 =	vshll.u32 v29, $0x8;
	v19 =	vor.u32 v14, v43;
	v31 =	vand.u32 $0x2800, v48;
	v30 =	vld.idx.msk [tilespmem:v30+s29+$0x0], $0xffff;
	[tilespmem:v42+s20+$0x0] =	vst.idx.msk $0xffff, v32  }
0x127: {  	v29 =	vand.u32 $0x2800, v29;
	v50 =	vshll.u32 v37, $0x8;
	v31 =	vor.u32 v31, v9;
	[tilespmem:v11+s20+$0x0] =	vst.idx.msk $0xffff, v12;
	v49 =	vld.idx.msk [tilespmem:v36+s29+$0x0], $0xffff  }
0x128: {  	v29 =	vor.u32 v29, v9;
	v31 =	vor.u32 v41, v31;
	v12 =	vand.u32 $0x2800, v50;
	v10 =	vld.idx.msk [tilespmem:v39+s29+$0x0], $0xffff  }
0x129: {  	v53 =	vor.u32 v8, v16;
	v52 =	vor.u32 v44, v29;
	v51 =	vor.u32 v12, v9  }
0x12a: {  	v54 =	vor.u32 v8, v17;
	v18 =	vmul.f32 $8.000000000e+00, v18;
	v9 =	vor.u32 v47, v51  }
0x12b: {  	[tilespmem:v27+s20+$0x0] =	vst.idx.msk $0xffff, v26;
	v8 =	vor.u32 v8, v28;
	v55 =	vmul.f32 $8.000000000e+00, v30  }
0x12c: {  	[tilespmem:v19+s20+$0x0] =	vst.idx.msk $0xffff, v18;
	v11 =	vmul.f32 $8.000000000e+00, v49  }
0x12d: {  	v13 =	vld.idx.msk [tilespmem:v13+s29+$0x0], $0xffff;
	[tilespmem:v31+s20+$0x0] =	vst.idx.msk $0xffff, v55;
	v10 =	vmul.f32 $8.000000000e+00, v10  }
0x12e: {  	v15 =	vor.u32 v7, v15;
	v56 =	vmul.f32 $8.000000000e+00, v20;
	v57 =	vld.idx.msk [tilespmem:v53+s29+$0x0], $0xffff;
	[tilespmem:v52+s20+$0x0] =	vst.idx.msk $0xffff, v11  }
0x12f: {  	v59 =	vor.u32 v14, v15;
	v60 =	vor.u32 v7, v40;
	[tilespmem:v9+s20+$0x0] =	vst.idx.msk $0xffff, v10;
	v58 =	vld.idx.msk [tilespmem:v54+s29+$0x0], $0xffff  }
0x130: {  	v61 =	vmul.f32 $8.000000000e+00, v21;
	v62 =	vor.u32 v7, v45;
	v12 =	vor.u32 v41, v60;
	v8 =	vld.idx.msk [tilespmem:v8+s29+$0x0], $0xffff  }
0x131: {  	[tilespmem:v23+s20+$0x0] =	vst.idx.msk $0xffff, v56;
	v7 =	vor.u32 v7, v46;
	v63 =	vmul.f32 $8.000000000e+00, v22;
	v15 =	vor.u32 v44, v62  }
0x132: {  	p1 =	slt.u32 s1, $0x6;
	v7 =	vor.u32 v47, v7;
	[tilespmem:v24+s20+$0x0] =	vst.idx.msk $0xffff, v61;
	v13 =	vmul.f32 $8.000000000e+00, v13  }
.Ltmp7:
0x133: {  	[tilespmem:v25+s20+$0x0] =	vst.idx.msk $0xffff, v63;
	v11 =	vmul.f32 $8.000000000e+00, v57;
	(pc) =	sbr.rel @p1 .LBB2_9-.Ltmp7, $4  }
0x134: {  	[tilespmem:v59+s20+$0x0] =	vst.idx.msk $0xffff, v13;
	v9 =	vmul.f32 $8.000000000e+00, v58  }
0x135: {  	[tilespmem:v12+s20+$0x0] =	vst.idx.msk $0xffff, v11;
	v8 =	vmul.f32 $8.000000000e+00, v8  }
0x136: {  	s13 =	sadd.s32 $0x2, s1;
	[tilespmem:v15+s20+$0x0] =	vst.idx.msk $0xffff, v9  }
0x137: {  	s31 =	simm.s32 $0x0;
	s1 =	smov.u32 s13;
	[tilespmem:v7+s20+$0x0] =	vst.idx.msk $0xffff, v8  }
0x138: {  	s0 =	simm.s32 $0x0  }
.LBB2_15:
0x139: {  	s1 =	sshll.u32 s0, $0x4;
	v13 =	vadd.s32 s31, v0  }
0x13a: {  	v14 =	vand.u32 $0xF, v13;
	v9 =	vor.u32 s1, v4;
	v11 =	vor.u32 s1, v5  }
0x13b: {  	s14 =	simm.s32 $0x3;
	s15 =	simm.s32 $0x2;
	s13 =	sor.u32 $0x80, s1;
	v18 =	vand.u32 $0x7, v13;
	v16 =	vshll.u32 v13, $0x7;
	v17 =	vshll.u32 v13, $0x8  }
0x13c: {  	v22 =	vadd.s32 s14, v0;
	v25 =	vadd.s32 s15, v0;
	v7 =	vmov s13  }
0x13d: {  	s14 =	simm.s32 $0x1;
	v16 =	vand.u32 $0x380, v16;
	v17 =	vand.u32 $0x800, v17;
	v7 =	vshll.u32 v7, $0x6  }
0x13e: {  	v24 =	vand.u32 $0xF, v22;
	v27 =	vadd.s32 s14, v0;
	v10 =	vor.u32 v3, v7  }
0x13f: {  	v28 =	vand.u32 $0xF, v25;
	v32 =	vshll.u32 v22, $0x8;
	v15 =	vor.u32 v10, v14  }
0x140: {  	v33 =	vshll.u32 v22, $0x7;
	v36 =	vshll.u32 v25, $0x7;
	v37 =	vshll.u32 v25, $0x8  }
0x141: {  	v20 =	vor.u32 v11, v17;
	v21 =	vor.u32 v17, v9;
	v29 =	vand.u32 $0xF, v27  }
0x142: {  	v32 =	vand.u32 $0x800, v32;
	v33 =	vand.u32 $0x380, v33;
	v38 =	vshll.u32 v27, $0x8  }
0x143: {  	v39 =	vand.u32 $0x380, v36;
	v37 =	vand.u32 $0x800, v37;
	v57 =	vshll.u32 v27, $0x7  }
0x144: {  	v41 =	vor.u32 $0x20, v24;
	v60 =	vand.u32 $0x7, v27;
	v26 =	vor.u32 v10, v24;
	v15 =	vld.idx.msk [tilespmem:v15+s29+$0x0], $0xffff  }
0x145: {  	v7 =	vor.u32 s1, v6;
	v21 =	vor.u32 v16, v21;
	v30 =	vor.u32 v10, v28  }
0x146: {  	v20 =	vor.u32 v16, v20;
	v34 =	vor.u32 v32, v9;
	v31 =	vor.u32 v10, v29  }
0x147: {  	v38 =	vand.u32 $0x800, v38;
	v40 =	vand.u32 $0x380, v57;
	v12 =	vor.u32 $0x10, v10  }
0x148: {  	v42 =	vor.u32 v11, v32;
	v8 =	vor.u32 $0x30, v10;
	v19 =	vor.u32 v12, v13  }
0x149: {  	v14 =	vor.u32 $0x20, v14;
	v34 =	vor.u32 v33, v34;
	v26 =	vld.idx.msk [tilespmem:v26+s29+$0x0], $0xffff;
	v15 =	vmul.f32 $8.000000000e+00, v15  }
0x14a: {  	v24 =	vand.u32 $0x7, v22;
	v59 =	vor.u32 v33, v42;
	v17 =	vor.u32 v7, v17;
	v30 =	vld.idx.msk [tilespmem:v30+s29+$0x0], $0xffff  }
0x14b: {  	v23 =	vand.u32 $0x28, v14;
	v14 =	vshll.u32 v14, $0x8;
	v31 =	vld.idx.msk [tilespmem:v31+s29+$0x0], $0xffff;
	[tilespmem:v21+s20+$0x0] =	vst.idx.msk $0xffff, v15;
	v15 =	vor.u32 v37, v9  }
0x14c: {  	v35 =	vor.u32 v12, v22;
	v21 =	vor.u32 v38, v9;
	v15 =	vor.u32 v39, v15  }
0x14d: {  	v18 =	vor.u32 v23, v18;
	v23 =	vor.u32 v12, v25;
	v19 =	vld.idx.msk [tilespmem:v19+s29+$0x0], $0xffff;
	v21 =	vor.u32 v40, v21  }
0x14e: {  	v58 =	vor.u32 v12, v27;
	v13 =	vor.u32 v8, v13;
	v26 =	vmul.f32 $8.000000000e+00, v26  }
0x14f: {  	v22 =	vor.u32 v8, v22;
	v27 =	vor.u32 v8, v27;
	v30 =	vmul.f32 $8.000000000e+00, v30  }
0x150: {  	v18 =	vor.u32 v10, v18;
	[tilespmem:v34+s20+$0x0] =	vst.idx.msk $0xffff, v26;
	v26 =	vmul.f32 $8.000000000e+00, v31;
	v31 =	vand.u32 $0x28, v41  }
0x151: {  	v28 =	vor.u32 $0x20, v28;
	v14 =	vand.u32 $0x2800, v14;
	[tilespmem:v15+s20+$0x0] =	vst.idx.msk $0xffff, v30;
	v15 =	vor.u32 v31, v24;
	v24 =	vld.idx.msk [tilespmem:v35+s29+$0x0], $0xffff  }
0x152: {  	v19 =	vmul.f32 $8.000000000e+00, v19;
	v30 =	vor.u32 v11, v37;
	v31 =	vand.u32 $0x28, v28;
	[tilespmem:v21+s20+$0x0] =	vst.idx.msk $0xffff, v26;
	v21 =	vld.idx.msk [tilespmem:v23+s29+$0x0], $0xffff  }
0x153: {  	v26 =	vor.u32 $0x20, v29;
	v28 =	vshll.u32 v28, $0x8;
	v29 =	vor.u32 v39, v30;
	v30 =	vld.idx.msk [tilespmem:v58+s29+$0x0], $0xffff  }
0x154: {  	v15 =	vor.u32 v10, v15;
	v23 =	vand.u32 $0x7, v25;
	[tilespmem:v20+s20+$0x0] =	vst.idx.msk $0xffff, v19;
	v19 =	vor.u32 v11, v38  }
0x155: {  	v20 =	vand.u32 $0x28, v26;
	v23 =	vor.u32 v31, v23;
	v31 =	vld.idx.msk [tilespmem:v18+s29+$0x0], $0xffff;
	v19 =	vor.u32 v40, v19  }
0x156: {  	v18 =	vor.u32 v20, v60;
	v20 =	vor.u32 v10, v23;
	v24 =	vmul.f32 $8.000000000e+00, v24  }
0x157: {  	s15 =	simm.s32 $0x4;
	v23 =	vor.u32 v14, v9;
	v35 =	vor.u32 v10, v18;
	v21 =	vmul.f32 $8.000000000e+00, v21  }
0x158: {  	v14 =	vadd.s32 s15, v0;
	v23 =	vor.u32 v16, v23;
	v30 =	vmul.f32 $8.000000000e+00, v30;
	[tilespmem:v59+s20+$0x0] =	vst.idx.msk $0xffff, v24  }
0x159: {  	v18 =	vand.u32 $0x7, v14;
	v61 =	vshll.u32 v14, $0x7;
	[tilespmem:v29+s20+$0x0] =	vst.idx.msk $0xffff, v21;
	v21 =	vshll.u32 v41, $0x8  }
0x15a: {  	v29 =	vmul.f32 $8.000000000e+00, v31;
	v15 =	vld.idx.msk [tilespmem:v15+s29+$0x0], $0xffff;
	[tilespmem:v19+s20+$0x0] =	vst.idx.msk $0xffff, v30;
	v30 =	vor.u32 v8, v25;
	v19 =	vand.u32 $0x2800, v21  }
0x15b: {  	v21 =	vshll.u32 v26, $0x8;
	v26 =	vand.u32 $0x2800, v28;
	v20 =	vld.idx.msk [tilespmem:v20+s29+$0x0], $0xffff;
	v19 =	vor.u32 v19, v9  }
0x15c: {  	v28 =	vld.idx.msk [tilespmem:v35+s29+$0x0], $0xffff;
	v21 =	vand.u32 $0x2800, v21;
	v26 =	vor.u32 v26, v9;
	v19 =	vor.u32 v33, v19  }
0x15d: {  	v25 =	vand.u32 $0xF, v14;
	v21 =	vor.u32 v21, v9;
	v26 =	vor.u32 v39, v26  }
0x15e: {  	v24 =	vor.u32 v12, v14;
	v62 =	vor.u32 $0x20, v25;
	v21 =	vor.u32 v40, v21  }
0x15f: {  	v63 =	vor.u32 v10, v25;
	[tilespmem:v23+s20+$0x0] =	vst.idx.msk $0xffff, v29;
	v23 =	vshll.u32 v14, $0x8;
	v31 =	vmul.f32 $8.000000000e+00, v15  }
0x160: {  	v36 =	vshll.u32 v62, $0x8;
	v29 =	vld.idx.msk [tilespmem:v13+s29+$0x0], $0xffff;
	v15 =	vand.u32 $0x800, v23;
	v20 =	vmul.f32 $8.000000000e+00, v20  }
0x161: {  	v23 =	vmul.f32 $8.000000000e+00, v28;
	v34 =	vor.u32 v11, v15;
	v35 =	vor.u32 v15, v9;
	[tilespmem:v19+s20+$0x0] =	vst.idx.msk $0xffff, v31  }
0x162: {  	v13 =	vand.u32 $0x380, v61;
	[tilespmem:v26+s20+$0x0] =	vst.idx.msk $0xffff, v20;
	v31 =	vand.u32 $0x28, v62;
	v19 =	vor.u32 v7, v37;
	v25 =	vld.idx.msk [tilespmem:v22+s29+$0x0], $0xffff  }
0x163: {  	s14 =	simm.s32 $0x7;
	[tilespmem:v21+s20+$0x0] =	vst.idx.msk $0xffff, v23;
	v22 =	vor.u32 v16, v17;
	v17 =	vor.u32 v7, v32;
	v26 =	vld.idx.msk [tilespmem:v30+s29+$0x0], $0xffff  }
0x164: {  	v20 =	vor.u32 v7, v38;
	v16 =	vadd.s32 s14, v0;
	v23 =	vor.u32 v33, v17;
	v27 =	vld.idx.msk [tilespmem:v27+s29+$0x0], $0xffff  }
0x165: {  	s15 =	simm.s32 $0x6;
	v21 =	vmul.f32 $8.000000000e+00, v29;
	v19 =	vor.u32 v39, v19;
	v33 =	vand.u32 $0xF, v16  }
0x166: {  	s13 =	simm.s32 $0x8;
	v32 =	vld.idx.msk [tilespmem:v63+s29+$0x0], $0xffff;
	s14 =	simm.s32 $0x5;
	v20 =	vor.u32 v40, v20;
	v17 =	vadd.s32 s15, v0;
	v30 =	vor.u32 v10, v33  }
.LBB2_16:
0x167: {  	p1 =	slt.u32 s13, $0xC;
	v28 =	vadd.s32 s14, v0;
	v37 =	vand.u32 $0xF, v17;
	v25 =	vmul.f32 $8.000000000e+00, v25  }
0x168: {  	v38 =	vand.u32 $0xF, v28;
	v29 =	vor.u32 v10, v37;
	[tilespmem:v22+s20+$0x0] =	vst.idx.msk $0xffff, v21;
	v21 =	vmul.f32 $8.000000000e+00, v26  }
0x169: {  	v22 =	vand.u32 $0x2800, v36;
	v27 =	vmul.f32 $8.000000000e+00, v27;
	v26 =	vor.u32 v10, v38;
	[tilespmem:v23+s20+$0x0] =	vst.idx.msk $0xffff, v25  }
0x16a: {  	v34 =	vor.u32 v13, v34;
	v25 =	vor.u32 v13, v35;
	v23 =	vshll.u32 v16, $0x8;
	[tilespmem:v19+s20+$0x0] =	vst.idx.msk $0xffff, v21  }
0x16b: {  	v21 =	vmul.f32 $8.000000000e+00, v32;
	v19 =	vshll.u32 v16, $0x7;
	v23 =	vand.u32 $0x800, v23;
	[tilespmem:v20+s20+$0x0] =	vst.idx.msk $0xffff, v27  }
0x16c: {  	v35 =	vor.u32 v12, v16;
	v19 =	vand.u32 $0x380, v19;
	v20 =	vor.u32 v23, v9;
	v27 =	vld.idx.msk [tilespmem:v30+s29+$0x0], $0xffff  }
0x16d: {  	v30 =	vshll.u32 v17, $0x8;
	v39 =	vor.u32 v19, v20;
	v36 =	vld.idx.msk [tilespmem:v29+s29+$0x0], $0xffff;
	v29 =	vshll.u32 v17, $0x7  }
0x16e: {  	v40 =	vshll.u32 v28, $0x8;
	v32 =	vand.u32 $0x800, v30;
	v26 =	vld.idx.msk [tilespmem:v26+s29+$0x0], $0xffff;
	v20 =	vand.u32 $0x380, v29  }
0x16f: {  	v30 =	vand.u32 $0x800, v40;
	[tilespmem:v25+s20+$0x0] =	vst.idx.msk $0xffff, v21;
	v21 =	vshll.u32 v28, $0x7;
	v25 =	vor.u32 v32, v9  }
0x170: {  	v24 =	vld.idx.msk [tilespmem:v24+s29+$0x0], $0xffff;
	v29 =	vand.u32 $0x380, v21;
	v21 =	vor.u32 v30, v9;
	v25 =	vor.u32 v20, v25  }
0x171: {  	v18 =	vor.u32 v31, v18;
	v31 =	vor.u32 v12, v17;
	v21 =	vor.u32 v29, v21  }
0x172: {  	v18 =	vor.u32 v10, v18;
	v40 =	vor.u32 v12, v28;
	v27 =	vmul.f32 $8.000000000e+00, v27  }
0x173: {  	v33 =	vor.u32 $0x20, v33;
	v41 =	vand.u32 $0x7, v16;
	v36 =	vmul.f32 $8.000000000e+00, v36  }
0x174: {  	v26 =	vmul.f32 $8.000000000e+00, v26;
	[tilespmem:v39+s20+$0x0] =	vst.idx.msk $0xffff, v27;
	v27 =	vor.u32 v11, v23;
	v39 =	vand.u32 $0x28, v33  }
0x175: {  	[tilespmem:v25+s20+$0x0] =	vst.idx.msk $0xffff, v36;
	v25 =	vld.idx.msk [tilespmem:v35+s29+$0x0], $0xffff;
	v27 =	vor.u32 v19, v27;
	v35 =	vor.u32 v39, v41  }
0x176: {  	v24 =	vmul.f32 $8.000000000e+00, v24;
	[tilespmem:v21+s20+$0x0] =	vst.idx.msk $0xffff, v26;
	v21 =	vld.idx.msk [tilespmem:v31+s29+$0x0], $0xffff;
	v26 =	vor.u32 $0x20, v37;
	v31 =	vor.u32 v10, v35  }
0x177: {  	v36 =	vor.u32 v11, v32;
	v39 =	vand.u32 $0x7, v17;
	v35 =	vld.idx.msk [tilespmem:v40+s29+$0x0], $0xffff;
	v37 =	vand.u32 $0x28, v26  }
0x178: {  	v36 =	vor.u32 v20, v36;
	[tilespmem:v34+s20+$0x0] =	vst.idx.msk $0xffff, v24;
	v34 =	vor.u32 $0x20, v38;
	v24 =	vor.u32 v37, v39  }
0x179: {  	v39 =	vand.u32 $0x7, v28;
	v37 =	vld.idx.msk [tilespmem:v18+s29+$0x0], $0xffff;
	v18 =	vor.u32 v11, v30;
	v38 =	vand.u32 $0x28, v34  }
0x17a: {  	v40 =	vor.u32 v29, v18;
	v18 =	vor.u32 v38, v39;
	v38 =	vor.u32 v10, v24  }
0x17b: {  	v22 =	vor.u32 v22, v9;
	v24 =	vmul.f32 $8.000000000e+00, v25;
	v39 =	vor.u32 v10, v18  }
0x17c: {  	v22 =	vor.u32 v13, v22;
	v25 =	vadd.s32 s13, v0;
	v21 =	vmul.f32 $8.000000000e+00, v21  }
0x17d: {  	v41 =	vor.u32 v8, v14;
	v18 =	vand.u32 $0x7, v25;
	v14 =	vmovc v25;
	v35 =	vmul.f32 $8.000000000e+00, v35;
	[tilespmem:v27+s20+$0x0] =	vst.idx.msk $0xffff, v24  }
0x17e: {  	v25 =	vshll.u32 v14, $0x7;
	v24 =	vor.u32 v12, v14;
	v27 =	vshll.u32 v33, $0x8;
	[tilespmem:v36+s20+$0x0] =	vst.idx.msk $0xffff, v21;
	v21 =	vld.idx.msk [tilespmem:v31+s29+$0x0], $0xffff  }
0x17f: {  	v26 =	vshll.u32 v26, $0x8;
	v31 =	vmul.f32 $8.000000000e+00, v37;
	v27 =	vand.u32 $0x2800, v27;
	[tilespmem:v40+s20+$0x0] =	vst.idx.msk $0xffff, v35;
	v33 =	vld.idx.msk [tilespmem:v38+s29+$0x0], $0xffff  }
0x180: {  	v26 =	vand.u32 $0x2800, v26;
	v34 =	vshll.u32 v34, $0x8;
	v27 =	vor.u32 v27, v9;
	v35 =	vld.idx.msk [tilespmem:v39+s29+$0x0], $0xffff  }
0x181: {  	v26 =	vor.u32 v26, v9;
	v27 =	vor.u32 v19, v27;
	[tilespmem:v22+s20+$0x0] =	vst.idx.msk $0xffff, v31;
	v22 =	vand.u32 $0x2800, v34  }
0x182: {  	v16 =	vor.u32 v8, v16;
	v26 =	vor.u32 v20, v26;
	v22 =	vor.u32 v22, v9  }
0x183: {  	v17 =	vor.u32 v8, v17;
	v31 =	vshll.u32 v14, $0x8;
	v37 =	vld.idx.msk [tilespmem:v41+s29+$0x0], $0xffff;
	v22 =	vor.u32 v29, v22  }
0x184: {  	v28 =	vor.u32 v8, v28;
	v34 =	vand.u32 $0xF, v14;
	v21 =	vmul.f32 $8.000000000e+00, v21  }
0x185: {  	v38 =	vand.u32 $0x380, v25;
	v36 =	vor.u32 $0x20, v34;
	v25 =	vmul.f32 $8.000000000e+00, v33  }
0x186: {  	v39 =	vand.u32 $0x800, v31;
	v33 =	vor.u32 v10, v34;
	v40 =	vmul.f32 $8.000000000e+00, v35;
	[tilespmem:v27+s20+$0x0] =	vst.idx.msk $0xffff, v21  }
0x187: {  	v15 =	vor.u32 v7, v15;
	v34 =	vor.u32 v11, v39;
	[tilespmem:v26+s20+$0x0] =	vst.idx.msk $0xffff, v25;
	v25 =	vld.idx.msk [tilespmem:v16+s29+$0x0], $0xffff  }
.Ltmp8:
0x188: {  	v31 =	vand.u32 $0x28, v36;
	v36 =	vshll.u32 v36, $0x8;
	v35 =	vor.u32 v39, v9;
	[tilespmem:v22+s20+$0x0] =	vst.idx.msk $0xffff, v40;
	v26 =	vld.idx.msk [tilespmem:v17+s29+$0x0], $0xffff;
	(pc) =	sbr.rel @p1 .LBB2_16-.Ltmp8, $4  }
0x189: {  	s14 =	sadd.s32 $0x3, s13;
	v21 =	vmul.f32 $8.000000000e+00, v37;
	v22 =	vor.u32 v13, v15;
	v13 =	vmovc v38;
	v27 =	vld.idx.msk [tilespmem:v28+s29+$0x0], $0xffff;
	v28 =	vor.u32 v7, v23  }
0x18a: {  	v16 =	vadd.s32 s14, v0;
	v17 =	vor.u32 v7, v32;
	v15 =	vmovc v39;
	v23 =	vor.u32 v19, v28  }
0x18b: {  	s15 =	sadd.s32 $0x2, s13;
	v28 =	vor.u32 v7, v30;
	v19 =	vor.u32 v20, v17;
	v32 =	vld.idx.msk [tilespmem:v33+s29+$0x0], $0xffff;
	v33 =	vand.u32 $0xF, v16  }
0x18c: {  	s14 =	sadd.s32 $0x1, s13;
	s13 =	sadd.s32 $0x4, s13;
	v17 =	vadd.s32 s15, v0;
	v20 =	vor.u32 v29, v28;
	v30 =	vor.u32 v10, v33  }
0x18d: {  	v28 =	vadd.s32 s14, v0;
	v29 =	vand.u32 $0xF, v17  }
0x18e: {  	v36 =	vand.u32 $0x2800, v36;
	v35 =	vor.u32 v13, v35;
	v38 =	vor.u32 v10, v29  }
0x18f: {  	v34 =	vor.u32 v13, v34;
	v40 =	vshll.u32 v16, $0x8;
	v37 =	vand.u32 $0xF, v28  }
0x190: {  	v41 =	vshll.u32 v16, $0x7;
	v43 =	vor.u32 v12, v16;
	v39 =	vor.u32 v10, v37  }
0x191: {  	v44 =	vshll.u32 v17, $0x7;
	v45 =	vshll.u32 v17, $0x8;
	v32 =	vmul.f32 $8.000000000e+00, v32  }
0x192: {  	v30 =	vld.idx.msk [tilespmem:v30+s29+$0x0], $0xffff;
	v18 =	vor.u32 v31, v18;
	v40 =	vand.u32 $0x800, v40;
	v41 =	vand.u32 $0x380, v41  }
0x193: {  	v46 =	vshll.u32 v28, $0x8;
	v45 =	vand.u32 $0x800, v45;
	v42 =	vor.u32 v40, v9;
	[tilespmem:v35+s20+$0x0] =	vst.idx.msk $0xffff, v32;
	v38 =	vld.idx.msk [tilespmem:v38+s29+$0x0], $0xffff  }
0x194: {  	v44 =	vand.u32 $0x380, v44;
	v48 =	vor.u32 v45, v9;
	v42 =	vor.u32 v41, v42;
	v24 =	vld.idx.msk [tilespmem:v24+s29+$0x0], $0xffff  }
0x195: {  	v47 =	vshll.u32 v28, $0x7;
	v46 =	vand.u32 $0x800, v46;
	v61 =	vor.u32 v44, v48;
	v39 =	vld.idx.msk [tilespmem:v39+s29+$0x0], $0xffff  }
0x196: {  	v62 =	vor.u32 v12, v17;
	v59 =	vand.u32 $0x380, v47;
	v60 =	vor.u32 v46, v9  }
0x197: {  	v33 =	vor.u32 $0x20, v33;
	v31 =	vor.u32 v59, v60;
	v30 =	vmul.f32 $8.000000000e+00, v30  }
0x198: {  	v63 =	vand.u32 $0x7, v16;
	v18 =	vor.u32 v10, v18;
	v38 =	vmul.f32 $8.000000000e+00, v38  }
0x199: {  	v54 =	vand.u32 $0x7, v17;
	v12 =	vor.u32 v12, v28;
	[tilespmem:v42+s20+$0x0] =	vst.idx.msk $0xffff, v30;
	v24 =	vmul.f32 $8.000000000e+00, v24  }
0x19a: {  	v49 =	vand.u32 $0x28, v33;
	v29 =	vor.u32 $0x20, v29;
	v39 =	vmul.f32 $8.000000000e+00, v39;
	[tilespmem:v61+s20+$0x0] =	vst.idx.msk $0xffff, v38  }
0x19b: {  	v36 =	vor.u32 v36, v9;
	v52 =	vor.u32 v11, v45;
	v50 =	vld.idx.msk [tilespmem:v43+s29+$0x0], $0xffff;
	[tilespmem:v34+s20+$0x0] =	vst.idx.msk $0xffff, v24  }
0x19c: {  	v58 =	vand.u32 $0x7, v28;
	v53 =	vand.u32 $0x28, v29;
	v30 =	vor.u32 v11, v40;
	[tilespmem:v31+s20+$0x0] =	vst.idx.msk $0xffff, v39;
	v31 =	vld.idx.msk [tilespmem:v62+s29+$0x0], $0xffff  }
0x19d: {  	v36 =	vor.u32 v13, v36;
	v55 =	vor.u32 v44, v52;
	v30 =	vor.u32 v41, v30;
	v18 =	vld.idx.msk [tilespmem:v18+s29+$0x0], $0xffff  }
0x19e: {  	v56 =	vor.u32 v53, v54;
	v42 =	vor.u32 v49, v63;
	v11 =	vor.u32 v11, v46;
	v12 =	vld.idx.msk [tilespmem:v12+s29+$0x0], $0xffff  }
0x19f: {  	v51 =	vor.u32 v10, v42;
	v11 =	vor.u32 v59, v11;
	v24 =	vor.u32 $0x20, v37  }
0x1a0: {  	v37 =	vor.u32 v10, v56;
	v57 =	vand.u32 $0x28, v24;
	v38 =	vmul.f32 $8.000000000e+00, v50  }
0x1a1: {  	v14 =	vor.u32 v8, v14;
	v39 =	vor.u32 v57, v58;
	v31 =	vmul.f32 $8.000000000e+00, v31  }
0x1a2: {  	v10 =	vor.u32 v10, v39;
	[tilespmem:v30+s20+$0x0] =	vst.idx.msk $0xffff, v38;
	v18 =	vmul.f32 $8.000000000e+00, v18  }
0x1a3: {  	v12 =	vmul.f32 $8.000000000e+00, v12;
	[tilespmem:v55+s20+$0x0] =	vst.idx.msk $0xffff, v31  }
0x1a4: {  	v30 =	vshll.u32 v33, $0x8;
	v31 =	vld.idx.msk [tilespmem:v51+s29+$0x0], $0xffff;
	[tilespmem:v36+s20+$0x0] =	vst.idx.msk $0xffff, v18  }
0x1a5: {  	v16 =	vor.u32 v8, v16;
	v29 =	vshll.u32 v29, $0x8;
	v30 =	vand.u32 $0x2800, v30;
	[tilespmem:v11+s20+$0x0] =	vst.idx.msk $0xffff, v12;
	v11 =	vld.idx.msk [tilespmem:v37+s29+$0x0], $0xffff  }
0x1a6: {  	v12 =	vshll.u32 v24, $0x8;
	v24 =	vand.u32 $0x2800, v29;
	v29 =	vor.u32 v30, v9;
	v14 =	vld.idx.msk [tilespmem:v14+s29+$0x0], $0xffff  }
0x1a7: {  	v10 =	vld.idx.msk [tilespmem:v10+s29+$0x0], $0xffff;
	v12 =	vand.u32 $0x2800, v12;
	v24 =	vor.u32 v24, v9;
	v29 =	vor.u32 v41, v29  }
0x1a8: {  	v17 =	vor.u32 v8, v17;
	v9 =	vor.u32 v12, v9;
	v12 =	vor.u32 v44, v24  }
0x1a9: {  	v26 =	vmul.f32 $8.000000000e+00, v26;
	s14 =	simm.s32 $0x0;
	v8 =	vor.u32 v8, v28;
	v9 =	vor.u32 v59, v9  }
0x1aa: {  	v27 =	vmul.f32 $8.000000000e+00, v27;
	v18 =	vmul.f32 $8.000000000e+00, v31;
	v31 =	vadd.s32 s14, v0  }
0x1ab: {  	v11 =	vmul.f32 $8.000000000e+00, v11;
	v28 =	vmul.f32 $8.000000000e+00, v14;
	v33 =	vand.u32 $0x7, v31  }
0x1ac: {  	v60 =	vshll.u32 v31, $0x8;
	v10 =	vmul.f32 $8.000000000e+00, v10;
	[tilespmem:v29+s20+$0x0] =	vst.idx.msk $0xffff, v18;
	v18 =	vmul.f32 $8.000000000e+00, v25  }
0x1ad: {  	s14 =	simm.s32 $0x2;
	v25 =	vand.u32 $0xF, v31;
	[tilespmem:v12+s20+$0x0] =	vst.idx.msk $0xffff, v11;
	v11 =	vld.idx.msk [tilespmem:v16+s29+$0x0], $0xffff;
	v12 =	vor.u32 v7, v40;
	v16 =	vshll.u32 v31, $0x7  }
0x1ae: {  	v61 =	vor.u32 $0x20, v25;
	v40 =	vadd.s32 s14, v0;
	[tilespmem:v9+s20+$0x0] =	vst.idx.msk $0xffff, v10;
	v10 =	vor.u32 v7, v15  }
0x1af: {  	v29 =	vor.u32 v41, v12;
	v16 =	vand.u32 $0x380, v16;
	v38 =	vand.u32 $0x28, v61  }
0x1b0: {  	v36 =	vshll.u32 v61, $0x8;
	v43 =	vand.u32 $0xF, v40;
	v52 =	vshll.u32 v40, $0x7  }
0x1b1: {  	[tilespmem:v22+s20+$0x0] =	vst.idx.msk $0xffff, v21;
	v22 =	vshll.u32 v40, $0x8;
	v53 =	vand.u32 $0x7, v40;
	v13 =	vor.u32 v13, v10  }
0x1b2: {  	s13 =	sor.u32 $0x90, s1;
	v10 =	vor.u32 v7, v45;
	v7 =	vor.u32 v7, v46;
	v36 =	vand.u32 $0x2800, v36  }
0x1b3: {  	v9 =	vld.idx.msk [tilespmem:v17+s29+$0x0], $0xffff;
	v46 =	vand.u32 $0x380, v52;
	v14 =	vor.u32 v44, v10;
	v10 =	vmov s13  }
0x1b4: {  	v22 =	vand.u32 $0x800, v22;
	v15 =	vor.u32 v59, v7;
	s13 =	simm.s32 $0x3;
	v7 =	vshll.u32 v10, $0x6  }
0x1b5: {  	s15 =	sor.u32 $0x10, s1;
	v33 =	vor.u32 v38, v33;
	v39 =	vadd.s32 s13, v0;
	v10 =	vor.u32 v3, v7  }
0x1b6: {  	v30 =	vmul.f32 $8.000000000e+00, v11;
	v11 =	vor.u32 s15, v5;
	v59 =	vor.u32 v10, v25  }
0x1b7: {  	v7 =	vor.u32 s15, v6;
	v41 =	vand.u32 $0xF, v39;
	v58 =	vshll.u32 v39, $0x8  }
0x1b8: {  	[tilespmem:v20+s20+$0x0] =	vst.idx.msk $0xffff, v27;
	v8 =	vld.idx.msk [tilespmem:v8+s29+$0x0], $0xffff;
	v49 =	vshll.u32 v39, $0x7;
	v20 =	vand.u32 $0x7, v39;
	v24 =	vmul.f32 $8.000000000e+00, v9  }
0x1b9: {  	v12 =	vor.u32 $0x10, v10;
	v9 =	vor.u32 s15, v4;
	v25 =	vand.u32 $0x800, v60  }
0x1ba: {  	s15 =	simm.s32 $0x1;
	v63 =	vor.u32 v10, v41;
	v56 =	vor.u32 v10, v43;
	v48 =	vand.u32 $0x800, v58  }
0x1bb: {  	v49 =	vand.u32 $0x380, v49;
	v33 =	vor.u32 v10, v33;
	v42 =	vadd.s32 s15, v0;
	v32 =	vld.idx.msk [tilespmem:v59+s29+$0x0], $0xffff  }
0x1bc: {  	[tilespmem:v19+s20+$0x0] =	vst.idx.msk $0xffff, v26;
	v26 =	vor.u32 $0x20, v41;
	v62 =	vor.u32 v25, v9;
	v45 =	vand.u32 $0xF, v42  }
0x1bd: {  	v17 =	vmul.f32 $8.000000000e+00, v8;
	v37 =	vor.u32 v16, v62;
	v57 =	vor.u32 v10, v45  }
0x1be: {  	v8 =	vor.u32 $0x30, v10;
	v34 =	vor.u32 v12, v31;
	v35 =	vor.u32 v11, v25  }
0x1bf: {  	s13 =	simm.s32 $0x4;
	v50 =	vor.u32 v48, v9;
	v51 =	vor.u32 v12, v39;
	v61 =	vor.u32 v22, v9  }
0x1c0: {  	v27 =	vand.u32 $0x28, v26;
	[tilespmem:v13+s20+$0x0] =	vst.idx.msk $0xffff, v28;
	v13 =	vadd.s32 s13, v0;
	v21 =	vld.idx.msk [tilespmem:v63+s29+$0x0], $0xffff;
	v32 =	vmul.f32 $8.000000000e+00, v32  }
0x1c1: {  	[tilespmem:v23+s20+$0x0] =	vst.idx.msk $0xffff, v18;
	v26 =	vshll.u32 v26, $0x8;
	v25 =	vor.u32 v7, v25;
	v60 =	vshll.u32 v42, $0x8;
	v18 =	vld.idx.msk [tilespmem:v56+s29+$0x0], $0xffff  }
0x1c2: {  	v23 =	vshll.u32 v42, $0x7;
	v59 =	vor.u32 v49, v50;
	v47 =	vld.idx.msk [tilespmem:v57+s29+$0x0], $0xffff;
	[tilespmem:v37+s20+$0x0] =	vst.idx.msk $0xffff, v32;
	v37 =	vand.u32 $0x800, v60  }
0x1c3: {  	v50 =	vand.u32 $0x380, v23;
	v32 =	vor.u32 v46, v61;
	v62 =	vor.u32 v37, v9  }
0x1c4: {  	v35 =	vor.u32 v16, v35;
	v63 =	vor.u32 v12, v40;
	v23 =	vld.idx.msk [tilespmem:v34+s29+$0x0], $0xffff;
	v34 =	vor.u32 v50, v62  }
0x1c5: {  	v19 =	vor.u32 v12, v42;
	v20 =	vor.u32 v27, v20;
	v21 =	vmul.f32 $8.000000000e+00, v21  }
0x1c6: {  	[tilespmem:v29+s20+$0x0] =	vst.idx.msk $0xffff, v30;
	v27 =	vor.u32 v11, v48;
	v55 =	vand.u32 $0x7, v42;
	v18 =	vmul.f32 $8.000000000e+00, v18  }
0x1c7: {  	v30 =	vor.u32 v8, v31;
	v27 =	vor.u32 v49, v27;
	[tilespmem:v59+s20+$0x0] =	vst.idx.msk $0xffff, v21;
	v21 =	vmul.f32 $8.000000000e+00, v47  }
0x1c8: {  	v26 =	vand.u32 $0x2800, v26;
	v54 =	vor.u32 $0x20, v45;
	v20 =	vor.u32 v10, v20;
	v52 =	vld.idx.msk [tilespmem:v51+s29+$0x0], $0xffff;
	[tilespmem:v32+s20+$0x0] =	vst.idx.msk $0xffff, v18  }
0x1c9: {  	v26 =	vor.u32 v26, v9;
	v18 =	vmul.f32 $8.000000000e+00, v23;
	v23 =	vor.u32 $0x20, v43;
	v38 =	vld.idx.msk [tilespmem:v63+s29+$0x0], $0xffff;
	[tilespmem:v34+s20+$0x0] =	vst.idx.msk $0xffff, v21  }
0x1ca: {  	v56 =	vor.u32 v11, v22;
	v57 =	vor.u32 v11, v37;
	v21 =	vand.u32 $0x28, v23;
	v19 =	vld.idx.msk [tilespmem:v19+s29+$0x0], $0xffff  }
0x1cb: {  	[tilespmem:v35+s20+$0x0] =	vst.idx.msk $0xffff, v18;
	v18 =	vor.u32 v21, v53;
	v21 =	vand.u32 $0x28, v54;
	v35 =	vor.u32 v46, v56  }
0x1cc: {  	v34 =	vor.u32 v50, v57;
	v21 =	vor.u32 v21, v55;
	v33 =	vld.idx.msk [tilespmem:v33+s29+$0x0], $0xffff;
	v58 =	vor.u32 v10, v18  }
0x1cd: {  	v28 =	vmul.f32 $8.000000000e+00, v52;
	v18 =	vor.u32 v36, v9;
	v21 =	vor.u32 v10, v21  }
0x1ce: {  	[tilespmem:v15+s20+$0x0] =	vst.idx.msk $0xffff, v17;
	v26 =	vor.u32 v49, v26;
	v59 =	vor.u32 v16, v18;
	v29 =	vmul.f32 $8.000000000e+00, v38  }
0x1cf: {  	v60 =	vshll.u32 v13, $0x8;
	v23 =	vshll.u32 v23, $0x8;
	[tilespmem:v27+s20+$0x0] =	vst.idx.msk $0xffff, v28;
	v31 =	vmul.f32 $8.000000000e+00, v19  }
0x1d0: {  	v61 =	vor.u32 v8, v40;
	v15 =	vand.u32 $0x800, v60;
	v23 =	vand.u32 $0x2800, v23;
	v20 =	vld.idx.msk [tilespmem:v20+s29+$0x0], $0xffff;
	[tilespmem:v35+s20+$0x0] =	vst.idx.msk $0xffff, v29  }
0x1d1: {  	v23 =	vor.u32 v23, v9;
	v29 =	vshll.u32 v54, $0x8;
	v28 =	vmul.f32 $8.000000000e+00, v33;
	[tilespmem:v34+s20+$0x0] =	vst.idx.msk $0xffff, v31;
	v31 =	vld.idx.msk [tilespmem:v58+s29+$0x0], $0xffff  }
0x1d2: {  	[tilespmem:v14+s20+$0x0] =	vst.idx.msk $0xffff, v24;
	v62 =	vand.u32 $0xF, v13;
	v23 =	vor.u32 v46, v23;
	v29 =	vand.u32 $0x2800, v29;
	v21 =	vld.idx.msk [tilespmem:v21+s29+$0x0], $0xffff  }
0x1d3: {  	v24 =	vor.u32 $0x20, v62;
	v29 =	vor.u32 v29, v9;
	[tilespmem:v59+s20+$0x0] =	vst.idx.msk $0xffff, v28;
	v28 =	vor.u32 v8, v39  }
0x1d4: {  	v63 =	vor.u32 v8, v42;
	v27 =	vshll.u32 v13, $0x7;
	v29 =	vor.u32 v50, v29  }
0x1d5: {  	v14 =	vand.u32 $0x380, v27;
	v36 =	vor.u32 v15, v9;
	v20 =	vmul.f32 $8.000000000e+00, v20  }
0x1d6: {  	v27 =	vor.u32 v16, v25;
	v25 =	vor.u32 v7, v37;
	v17 =	vmul.f32 $8.000000000e+00, v31  }
0x1d7: {  	s14 =	simm.s32 $0x7;
	v32 =	vand.u32 $0x28, v24;
	[tilespmem:v26+s20+$0x0] =	vst.idx.msk $0xffff, v20;
	v30 =	vld.idx.msk [tilespmem:v30+s29+$0x0], $0xffff;
	v31 =	vor.u32 v10, v62;
	v21 =	vmul.f32 $8.000000000e+00, v21  }
0x1d8: {  	v18 =	vand.u32 $0x7, v13;
	v16 =	vadd.s32 s14, v0;
	v25 =	vor.u32 v50, v25;
	v20 =	vld.idx.msk [tilespmem:v28+s29+$0x0], $0xffff;
	[tilespmem:v23+s20+$0x0] =	vst.idx.msk $0xffff, v17  }
0x1d9: {  	v19 =	vor.u32 v12, v13;
	v17 =	vor.u32 v7, v48;
	[tilespmem:v29+s20+$0x0] =	vst.idx.msk $0xffff, v21;
	v21 =	vld.idx.msk [tilespmem:v61+s29+$0x0], $0xffff  }
0x1da: {  	v33 =	vshll.u32 v24, $0x8;
	v24 =	vor.u32 v7, v22;
	v23 =	vor.u32 v49, v17;
	v22 =	vld.idx.msk [tilespmem:v63+s29+$0x0], $0xffff  }
0x1db: {  	s15 =	simm.s32 $0x6;
	v35 =	vor.u32 v11, v15;
	v34 =	vand.u32 $0xF, v16;
	v24 =	vor.u32 v46, v24  }
0x1dc: {  	s1 =	simm.s32 $0x8;
	s13 =	simm.s32 $0x5;
	v26 =	vmul.f32 $8.000000000e+00, v30;
	v30 =	vor.u32 v10, v34;
	v17 =	vadd.s32 s15, v0;
	v31 =	vld.idx.msk [tilespmem:v31+s29+$0x0], $0xffff  }
.LBB2_18:
0x1dd: {  	p1 =	slt.u32 s1, $0xC;
	v28 =	vadd.s32 s13, v0;
	v37 =	vand.u32 $0xF, v17;
	v20 =	vmul.f32 $8.000000000e+00, v20  }
0x1de: {  	v21 =	vmul.f32 $8.000000000e+00, v21;
	v38 =	vand.u32 $0xF, v28;
	v29 =	vor.u32 v10, v37;
	[tilespmem:v27+s20+$0x0] =	vst.idx.msk $0xffff, v26  }
0x1df: {  	v26 =	vand.u32 $0x2800, v33;
	v22 =	vmul.f32 $8.000000000e+00, v22;
	v27 =	vor.u32 v10, v38;
	[tilespmem:v23+s20+$0x0] =	vst.idx.msk $0xffff, v20  }
0x1e0: {  	v33 =	vor.u32 v14, v35;
	v20 =	vor.u32 v14, v36;
	v23 =	vshll.u32 v16, $0x8;
	[tilespmem:v24+s20+$0x0] =	vst.idx.msk $0xffff, v21  }
0x1e1: {  	v21 =	vmul.f32 $8.000000000e+00, v31;
	v31 =	vshll.u32 v16, $0x7;
	v24 =	vand.u32 $0x800, v23;
	[tilespmem:v25+s20+$0x0] =	vst.idx.msk $0xffff, v22  }
0x1e2: {  	v35 =	vor.u32 v12, v16;
	v23 =	vand.u32 $0x380, v31;
	v25 =	vor.u32 v24, v9;
	v22 =	vld.idx.msk [tilespmem:v30+s29+$0x0], $0xffff  }
0x1e3: {  	v30 =	vshll.u32 v17, $0x8;
	v39 =	vor.u32 v23, v25;
	v36 =	vld.idx.msk [tilespmem:v29+s29+$0x0], $0xffff;
	v29 =	vshll.u32 v17, $0x7  }
0x1e4: {  	v40 =	vshll.u32 v28, $0x8;
	v31 =	vand.u32 $0x800, v30;
	v27 =	vld.idx.msk [tilespmem:v27+s29+$0x0], $0xffff;
	v25 =	vand.u32 $0x380, v29  }
0x1e5: {  	v30 =	vand.u32 $0x800, v40;
	[tilespmem:v20+s20+$0x0] =	vst.idx.msk $0xffff, v21;
	v20 =	vshll.u32 v28, $0x7;
	v21 =	vor.u32 v31, v9  }
0x1e6: {  	v19 =	vld.idx.msk [tilespmem:v19+s29+$0x0], $0xffff;
	v29 =	vand.u32 $0x380, v20;
	v20 =	vor.u32 v30, v9;
	v21 =	vor.u32 v25, v21  }
0x1e7: {  	v18 =	vor.u32 v32, v18;
	v32 =	vor.u32 v12, v17;
	v20 =	vor.u32 v29, v20  }
0x1e8: {  	v18 =	vor.u32 v10, v18;
	v40 =	vor.u32 v12, v28;
	v22 =	vmul.f32 $8.000000000e+00, v22  }
0x1e9: {  	v34 =	vor.u32 $0x20, v34;
	v41 =	vand.u32 $0x7, v16;
	v36 =	vmul.f32 $8.000000000e+00, v36  }
0x1ea: {  	v27 =	vmul.f32 $8.000000000e+00, v27;
	[tilespmem:v39+s20+$0x0] =	vst.idx.msk $0xffff, v22;
	v22 =	vor.u32 v11, v24;
	v39 =	vand.u32 $0x28, v34  }
0x1eb: {  	[tilespmem:v21+s20+$0x0] =	vst.idx.msk $0xffff, v36;
	v21 =	vld.idx.msk [tilespmem:v35+s29+$0x0], $0xffff;
	v22 =	vor.u32 v23, v22;
	v35 =	vor.u32 v39, v41  }
0x1ec: {  	v19 =	vmul.f32 $8.000000000e+00, v19;
	[tilespmem:v20+s20+$0x0] =	vst.idx.msk $0xffff, v27;
	v20 =	vld.idx.msk [tilespmem:v32+s29+$0x0], $0xffff;
	v27 =	vor.u32 $0x20, v37;
	v32 =	vor.u32 v10, v35  }
0x1ed: {  	v36 =	vor.u32 v11, v31;
	v39 =	vand.u32 $0x7, v17;
	v35 =	vld.idx.msk [tilespmem:v40+s29+$0x0], $0xffff;
	v37 =	vand.u32 $0x28, v27  }
0x1ee: {  	v36 =	vor.u32 v25, v36;
	[tilespmem:v33+s20+$0x0] =	vst.idx.msk $0xffff, v19;
	v33 =	vor.u32 $0x20, v38;
	v19 =	vor.u32 v37, v39  }
0x1ef: {  	v39 =	vand.u32 $0x7, v28;
	v37 =	vld.idx.msk [tilespmem:v18+s29+$0x0], $0xffff;
	v18 =	vor.u32 v11, v30;
	v38 =	vand.u32 $0x28, v33  }
0x1f0: {  	v40 =	vor.u32 v29, v18;
	v18 =	vor.u32 v38, v39;
	v38 =	vor.u32 v10, v19  }
0x1f1: {  	v19 =	vor.u32 v26, v9;
	v21 =	vmul.f32 $8.000000000e+00, v21;
	v26 =	vor.u32 v10, v18  }
0x1f2: {  	v39 =	vadd.s32 s1, v0;
	v41 =	vor.u32 v14, v19;
	v20 =	vmul.f32 $8.000000000e+00, v20  }
0x1f3: {  	v42 =	vor.u32 v8, v13;
	v18 =	vand.u32 $0x7, v39;
	v13 =	vmovc v39;
	v35 =	vmul.f32 $8.000000000e+00, v35;
	[tilespmem:v22+s20+$0x0] =	vst.idx.msk $0xffff, v21  }
0x1f4: {  	v19 =	vor.u32 v12, v13;
	v21 =	vshll.u32 v13, $0x7;
	v22 =	vshll.u32 v34, $0x8;
	[tilespmem:v36+s20+$0x0] =	vst.idx.msk $0xffff, v20;
	v20 =	vld.idx.msk [tilespmem:v32+s29+$0x0], $0xffff  }
0x1f5: {  	v27 =	vshll.u32 v27, $0x8;
	v32 =	vmul.f32 $8.000000000e+00, v37;
	v22 =	vand.u32 $0x2800, v22;
	[tilespmem:v40+s20+$0x0] =	vst.idx.msk $0xffff, v35;
	v34 =	vld.idx.msk [tilespmem:v38+s29+$0x0], $0xffff  }
0x1f6: {  	v27 =	vand.u32 $0x2800, v27;
	v33 =	vshll.u32 v33, $0x8;
	v22 =	vor.u32 v22, v9;
	v26 =	vld.idx.msk [tilespmem:v26+s29+$0x0], $0xffff  }
0x1f7: {  	v27 =	vor.u32 v27, v9;
	v22 =	vor.u32 v23, v22;
	[tilespmem:v41+s20+$0x0] =	vst.idx.msk $0xffff, v32;
	v32 =	vand.u32 $0x2800, v33  }
0x1f8: {  	v16 =	vor.u32 v8, v16;
	v27 =	vor.u32 v25, v27;
	v32 =	vor.u32 v32, v9  }
0x1f9: {  	v17 =	vor.u32 v8, v17;
	v33 =	vshll.u32 v13, $0x8;
	v37 =	vld.idx.msk [tilespmem:v42+s29+$0x0], $0xffff;
	v38 =	vor.u32 v29, v32  }
0x1fa: {  	v28 =	vor.u32 v8, v28;
	v32 =	vand.u32 $0xF, v13;
	v20 =	vmul.f32 $8.000000000e+00, v20  }
0x1fb: {  	v39 =	vand.u32 $0x380, v21;
	v21 =	vor.u32 $0x20, v32;
	v34 =	vmul.f32 $8.000000000e+00, v34  }
0x1fc: {  	v41 =	vand.u32 $0x800, v33;
	v40 =	vor.u32 v10, v32;
	v26 =	vmul.f32 $8.000000000e+00, v26;
	[tilespmem:v22+s20+$0x0] =	vst.idx.msk $0xffff, v20  }
0x1fd: {  	v15 =	vor.u32 v7, v15;
	v35 =	vor.u32 v11, v41;
	[tilespmem:v27+s20+$0x0] =	vst.idx.msk $0xffff, v34;
	v20 =	vld.idx.msk [tilespmem:v16+s29+$0x0], $0xffff  }
.Ltmp9:
0x1fe: {  	v36 =	vor.u32 v41, v9;
	v32 =	vand.u32 $0x28, v21;
	v33 =	vshll.u32 v21, $0x8;
	[tilespmem:v38+s20+$0x0] =	vst.idx.msk $0xffff, v26;
	v21 =	vld.idx.msk [tilespmem:v17+s29+$0x0], $0xffff;
	(pc) =	sbr.rel @p1 .LBB2_18-.Ltmp9, $4  }
0x1ff: {  	s13 =	sadd.s32 $0x3, s1;
	v24 =	vor.u32 v7, v24;
	v27 =	vor.u32 v14, v15;
	v14 =	vmovc v39;
	v26 =	vmul.f32 $8.000000000e+00, v37;
	v22 =	vld.idx.msk [tilespmem:v28+s29+$0x0], $0xffff  }
0x200: {  	v23 =	vor.u32 v23, v24;
	v16 =	vadd.s32 s13, v0;
	v15 =	vmovc v41;
	v17 =	vor.u32 v7, v31  }
0x201: {  	s14 =	sadd.s32 $0x2, s1;
	v34 =	vand.u32 $0xF, v16;
	v28 =	vor.u32 v7, v30;
	v24 =	vor.u32 v25, v17;
	v31 =	vld.idx.msk [tilespmem:v40+s29+$0x0], $0xffff  }
0x202: {  	s13 =	sadd.s32 $0x1, s1;
	s1 =	sadd.s32 $0x4, s1;
	v17 =	vadd.s32 s14, v0;
	v30 =	vor.u32 v10, v34;
	v25 =	vor.u32 v29, v28  }
0x203: {  	v28 =	vadd.s32 s13, v0;
	v29 =	vand.u32 $0xF, v17  }
0x204: {  	v36 =	vor.u32 v14, v36;
	v40 =	vshll.u32 v16, $0x8;
	v35 =	vor.u32 v14, v35  }
0x205: {  	v41 =	vshll.u32 v16, $0x7;
	v37 =	vand.u32 $0xF, v28;
	v38 =	vor.u32 v10, v29  }
0x206: {  	v43 =	vor.u32 v12, v16;
	v44 =	vshll.u32 v17, $0x7;
	v39 =	vor.u32 v10, v37  }
0x207: {  	v45 =	vshll.u32 v17, $0x8;
	v18 =	vor.u32 v32, v18;
	v62 =	vor.u32 v12, v17  }
0x208: {  	v34 =	vor.u32 $0x20, v34;
	v51 =	vand.u32 $0x7, v16;
	v40 =	vand.u32 $0x800, v40  }
0x209: {  	v30 =	vld.idx.msk [tilespmem:v30+s29+$0x0], $0xffff;
	v41 =	vand.u32 $0x380, v41;
	v46 =	vshll.u32 v28, $0x8;
	v44 =	vand.u32 $0x380, v44  }
0x20a: {  	v45 =	vand.u32 $0x800, v45;
	v47 =	vshll.u32 v28, $0x7;
	v42 =	vor.u32 v40, v9;
	v38 =	vld.idx.msk [tilespmem:v38+s29+$0x0], $0xffff  }
0x20b: {  	v46 =	vand.u32 $0x800, v46;
	v48 =	vor.u32 v45, v9;
	v42 =	vor.u32 v41, v42;
	v39 =	vld.idx.msk [tilespmem:v39+s29+$0x0], $0xffff  }
0x20c: {  	v47 =	vand.u32 $0x380, v47;
	v49 =	vor.u32 v46, v9;
	v48 =	vor.u32 v44, v48  }
0x20d: {  	v57 =	vand.u32 $0x7, v17;
	v31 =	vmul.f32 $8.000000000e+00, v31;
	v61 =	vor.u32 v47, v49  }
0x20e: {  	v18 =	vor.u32 v10, v18;
	v63 =	vor.u32 v12, v28;
	v30 =	vmul.f32 $8.000000000e+00, v30  }
0x20f: {  	v29 =	vor.u32 $0x20, v29;
	v54 =	vor.u32 v11, v40;
	[tilespmem:v36+s20+$0x0] =	vst.idx.msk $0xffff, v31;
	v50 =	vmul.f32 $8.000000000e+00, v38  }
0x210: {  	v56 =	vand.u32 $0x28, v29;
	v37 =	vor.u32 $0x20, v37;
	v19 =	vld.idx.msk [tilespmem:v19+s29+$0x0], $0xffff;
	[tilespmem:v42+s20+$0x0] =	vst.idx.msk $0xffff, v30;
	v52 =	vmul.f32 $8.000000000e+00, v39  }
0x211: {  	v53 =	vand.u32 $0x28, v34;
	v59 =	vor.u32 v56, v57;
	v60 =	vand.u32 $0x28, v37;
	v55 =	vld.idx.msk [tilespmem:v43+s29+$0x0], $0xffff;
	[tilespmem:v48+s20+$0x0] =	vst.idx.msk $0xffff, v50  }
0x212: {  	v36 =	vor.u32 v10, v59;
	v30 =	vor.u32 v53, v51;
	[tilespmem:v61+s20+$0x0] =	vst.idx.msk $0xffff, v52;
	v58 =	vld.idx.msk [tilespmem:v62+s29+$0x0], $0xffff  }
0x213: {  	v30 =	vor.u32 v10, v30;
	v38 =	vor.u32 v41, v54;
	v62 =	vor.u32 v11, v45;
	v12 =	vld.idx.msk [tilespmem:v63+s29+$0x0], $0xffff  }
0x214: {  	v61 =	vand.u32 $0x7, v28;
	v42 =	vor.u32 v44, v62;
	v63 =	vor.u32 v11, v46  }
0x215: {  	v19 =	vmul.f32 $8.000000000e+00, v19;
	v39 =	vor.u32 v60, v61;
	v11 =	vor.u32 v47, v63  }
0x216: {  	v31 =	vmul.f32 $8.000000000e+00, v55;
	v39 =	vor.u32 v10, v39  }
0x217: {  	v33 =	vand.u32 $0x2800, v33;
	v13 =	vor.u32 v8, v13;
	[tilespmem:v35+s20+$0x0] =	vst.idx.msk $0xffff, v19;
	v32 =	vmul.f32 $8.000000000e+00, v58  }
0x218: {  	v43 =	vor.u32 v33, v9;
	v48 =	vshll.u32 v34, $0x8;
	v18 =	vld.idx.msk [tilespmem:v18+s29+$0x0], $0xffff;
	[tilespmem:v38+s20+$0x0] =	vst.idx.msk $0xffff, v31;
	v12 =	vmul.f32 $8.000000000e+00, v12  }
0x219: {  	v29 =	vshll.u32 v29, $0x8;
	v19 =	vor.u32 v14, v43;
	v31 =	vand.u32 $0x2800, v48;
	v30 =	vld.idx.msk [tilespmem:v30+s29+$0x0], $0xffff;
	[tilespmem:v42+s20+$0x0] =	vst.idx.msk $0xffff, v32  }
0x21a: {  	v29 =	vand.u32 $0x2800, v29;
	v50 =	vshll.u32 v37, $0x8;
	v31 =	vor.u32 v31, v9;
	[tilespmem:v11+s20+$0x0] =	vst.idx.msk $0xffff, v12;
	v49 =	vld.idx.msk [tilespmem:v36+s29+$0x0], $0xffff  }
0x21b: {  	v29 =	vor.u32 v29, v9;
	v31 =	vor.u32 v41, v31;
	v12 =	vand.u32 $0x2800, v50;
	v10 =	vld.idx.msk [tilespmem:v39+s29+$0x0], $0xffff  }
0x21c: {  	v53 =	vor.u32 v8, v16;
	v52 =	vor.u32 v44, v29;
	v51 =	vor.u32 v12, v9  }
0x21d: {  	v54 =	vor.u32 v8, v17;
	v18 =	vmul.f32 $8.000000000e+00, v18;
	v9 =	vor.u32 v47, v51  }
0x21e: {  	[tilespmem:v27+s20+$0x0] =	vst.idx.msk $0xffff, v26;
	v8 =	vor.u32 v8, v28;
	v55 =	vmul.f32 $8.000000000e+00, v30  }
0x21f: {  	[tilespmem:v19+s20+$0x0] =	vst.idx.msk $0xffff, v18;
	v11 =	vmul.f32 $8.000000000e+00, v49  }
0x220: {  	v13 =	vld.idx.msk [tilespmem:v13+s29+$0x0], $0xffff;
	[tilespmem:v31+s20+$0x0] =	vst.idx.msk $0xffff, v55;
	v10 =	vmul.f32 $8.000000000e+00, v10  }
0x221: {  	v15 =	vor.u32 v7, v15;
	v56 =	vmul.f32 $8.000000000e+00, v20;
	v57 =	vld.idx.msk [tilespmem:v53+s29+$0x0], $0xffff;
	[tilespmem:v52+s20+$0x0] =	vst.idx.msk $0xffff, v11  }
0x222: {  	v59 =	vor.u32 v14, v15;
	v60 =	vor.u32 v7, v40;
	[tilespmem:v9+s20+$0x0] =	vst.idx.msk $0xffff, v10;
	v58 =	vld.idx.msk [tilespmem:v54+s29+$0x0], $0xffff  }
0x223: {  	v61 =	vmul.f32 $8.000000000e+00, v21;
	v62 =	vor.u32 v7, v45;
	v12 =	vor.u32 v41, v60;
	v8 =	vld.idx.msk [tilespmem:v8+s29+$0x0], $0xffff  }
0x224: {  	[tilespmem:v23+s20+$0x0] =	vst.idx.msk $0xffff, v56;
	v7 =	vor.u32 v7, v46;
	v63 =	vmul.f32 $8.000000000e+00, v22;
	v15 =	vor.u32 v44, v62  }
0x225: {  	p1 =	slt.u32 s0, $0x6;
	v7 =	vor.u32 v47, v7;
	[tilespmem:v24+s20+$0x0] =	vst.idx.msk $0xffff, v61;
	v13 =	vmul.f32 $8.000000000e+00, v13  }
.Ltmp10:
0x226: {  	[tilespmem:v25+s20+$0x0] =	vst.idx.msk $0xffff, v63;
	v11 =	vmul.f32 $8.000000000e+00, v57;
	(pc) =	sbr.rel @p1 .LBB2_15-.Ltmp10, $4  }
0x227: {  	[tilespmem:v59+s20+$0x0] =	vst.idx.msk $0xffff, v13;
	v9 =	vmul.f32 $8.000000000e+00, v58  }
0x228: {  	[tilespmem:v12+s20+$0x0] =	vst.idx.msk $0xffff, v11;
	v8 =	vmul.f32 $8.000000000e+00, v8  }
0x229: {  	s1 =	sadd.s32 $0x2, s0;
	[tilespmem:v15+s20+$0x0] =	vst.idx.msk $0xffff, v9  }
0x22a: {  	s0 =	smov.u32 s1;
	[tilespmem:v7+s20+$0x0] =	vst.idx.msk $0xffff, v8  }
0x22b: {  	s30 =	sshll.u32 s30, $0x14  }
0x22c: {  	s0 =	sor.u32 s8, s30  }
0x22d: {  	s0 =	sshrl.u32 s0, $0x3  }
0x22e: {  	s0 =	sadd.s32 s2, s0  }
0x22f: {  	[hbm4b:s0+s21] =	stream.strided.scatter [tilespmem:s20], [sflag:$0x5], $0x4000, s22, s21, $0x38;
	[tilespmem:$0x18400] =	vst v63  }
0x230: {  	s0 =	simm.s32 @!p0 $0x6  }
0x231: {  	_ =	swait.ge @!p0 [sflag:s0], $0x4000  }
0x232: {  	[sflag:s0] =	ssyncset.done @!p0 $0x0  }
0x233: {  	s1 =	simm.s32 $0x0;
	[sflag:s0] =	ssyncadd.s32 @!p0 $0xFFFFC000;
	s0 =	simm.s32 $0x0  }
.LBB2_21:
0x234: {  	s31 =	sshll.u32 s0, $0x4  }
0x235: {  	v15 =	vadd.s32 s1, v0;
	v8 =	vor.u32 $0x3000, v0;
	v11 =	vor.u32 s31, v0  }
0x236: {  	s14 =	simm.s32 $0x3;
	v16 =	vand.u32 $0xF, v15;
	v9 =	vor.u32 s31, v8;
	v20 =	vand.u32 $0x7, v15  }
0x237: {  	s15 =	simm.s32 $0x2;
	s13 =	sor.u32 $0x100, s31;
	v18 =	vshll.u32 v15, $0x7;
	v19 =	vshll.u32 v15, $0x8;
	v24 =	vadd.s32 s14, v0  }
0x238: {  	s14 =	simm.s32 $0x1;
	v27 =	vadd.s32 s15, v0;
	v7 =	vmov s13;
	v18 =	vand.u32 $0x380, v18  }
0x239: {  	v19 =	vand.u32 $0x800, v19;
	v26 =	vand.u32 $0xF, v24;
	v29 =	vadd.s32 s14, v0  }
0x23a: {  	v30 =	vand.u32 $0xF, v27;
	v34 =	vshll.u32 v24, $0x8;
	v7 =	vshll.u32 v7, $0x6  }
0x23b: {  	v35 =	vshll.u32 v24, $0x7;
	v38 =	vshll.u32 v27, $0x7;
	v12 =	vor.u32 v3, v7  }
0x23c: {  	v39 =	vshll.u32 v27, $0x8;
	v23 =	vor.u32 v19, v11;
	v17 =	vor.u32 v12, v16  }
0x23d: {  	v31 =	vand.u32 $0xF, v29;
	v34 =	vand.u32 $0x800, v34;
	v35 =	vand.u32 $0x380, v35  }
0x23e: {  	v40 =	vshll.u32 v29, $0x8;
	v41 =	vand.u32 $0x380, v38;
	v39 =	vand.u32 $0x800, v39  }
0x23f: {  	v50 =	vshll.u32 v29, $0x7;
	v43 =	vor.u32 $0x20, v26;
	v57 =	vand.u32 $0x7, v29  }
0x240: {  	v7 =	vor.u32 $0x1000, v0;
	v23 =	vor.u32 v18, v23;
	v36 =	vor.u32 v34, v11  }
0x241: {  	v40 =	vand.u32 $0x800, v40;
	v42 =	vand.u32 $0x380, v50;
	v28 =	vor.u32 v12, v26;
	v17 =	vld.idx.msk [tilespmem:v17+s29+$0x0], $0xffff  }
0x242: {  	v52 =	vand.u32 $0x28, v43;
	v14 =	vor.u32 $0x10, v12;
	v32 =	vor.u32 v12, v30  }
0x243: {  	v10 =	vor.u32 $0x30, v12;
	v13 =	vor.u32 s31, v7;
	v33 =	vor.u32 v12, v31  }
0x244: {  	v16 =	vor.u32 $0x20, v16;
	v36 =	vor.u32 v35, v36;
	v26 =	vand.u32 $0x7, v24  }
0x245: {  	v30 =	vor.u32 $0x20, v30;
	v21 =	vor.u32 v14, v15;
	v22 =	vor.u32 v13, v19  }
0x246: {  	v25 =	vand.u32 $0x28, v16;
	v16 =	vshll.u32 v16, $0x8;
	v28 =	vld.idx.msk [tilespmem:v28+s29+$0x0], $0xffff;
	v17 =	vmul.f32 $8.000000000e+00, v17  }
0x247: {  	v37 =	vor.u32 v14, v24;
	v51 =	vor.u32 v14, v29;
	v44 =	vor.u32 v13, v34;
	v32 =	vld.idx.msk [tilespmem:v32+s29+$0x0], $0xffff  }
0x248: {  	v54 =	vor.u32 v13, v39;
	v33 =	vld.idx.msk [tilespmem:v33+s29+$0x0], $0xffff;
	[tilespmem:v23+s23+$0x0] =	vst.idx.msk $0xffff, v17;
	v17 =	vor.u32 v39, v11  }
0x249: {  	v55 =	vand.u32 $0x28, v30;
	v23 =	vor.u32 v40, v11;
	v17 =	vor.u32 v41, v17  }
0x24a: {  	v20 =	vor.u32 v25, v20;
	v25 =	vor.u32 v14, v27;
	v21 =	vld.idx.msk [tilespmem:v21+s29+$0x0], $0xffff;
	v23 =	vor.u32 v42, v23  }
0x24b: {  	v15 =	vor.u32 v10, v15;
	v30 =	vshll.u32 v30, $0x8;
	v28 =	vmul.f32 $8.000000000e+00, v28  }
0x24c: {  	v24 =	vor.u32 v10, v24;
	v22 =	vor.u32 v18, v22;
	v32 =	vmul.f32 $8.000000000e+00, v32  }
0x24d: {  	v60 =	vor.u32 v10, v27;
	v29 =	vor.u32 v10, v29;
	[tilespmem:v36+s23+$0x0] =	vst.idx.msk $0xffff, v28;
	v28 =	vmul.f32 $8.000000000e+00, v33  }
0x24e: {  	v20 =	vor.u32 v12, v20;
	[tilespmem:v17+s23+$0x0] =	vst.idx.msk $0xffff, v32;
	v17 =	vor.u32 v52, v26;
	v26 =	vld.idx.msk [tilespmem:v37+s29+$0x0], $0xffff  }
0x24f: {  	v19 =	vor.u32 v9, v19;
	v16 =	vand.u32 $0x2800, v16;
	v21 =	vmul.f32 $8.000000000e+00, v21;
	[tilespmem:v23+s23+$0x0] =	vst.idx.msk $0xffff, v28;
	v23 =	vld.idx.msk [tilespmem:v25+s29+$0x0], $0xffff  }
0x250: {  	v53 =	vor.u32 v35, v44;
	v28 =	vor.u32 $0x20, v31;
	v31 =	vor.u32 v41, v54;
	v56 =	vld.idx.msk [tilespmem:v51+s29+$0x0], $0xffff  }
0x251: {  	v17 =	vor.u32 v12, v17;
	v25 =	vand.u32 $0x7, v27;
	[tilespmem:v22+s23+$0x0] =	vst.idx.msk $0xffff, v21;
	v21 =	vor.u32 v13, v40  }
0x252: {  	v22 =	vand.u32 $0x28, v28;
	v25 =	vor.u32 v55, v25;
	v21 =	vor.u32 v42, v21  }
0x253: {  	v58 =	vld.idx.msk [tilespmem:v20+s29+$0x0], $0xffff;
	v20 =	vor.u32 v22, v57;
	v22 =	vor.u32 v12, v25;
	v26 =	vmul.f32 $8.000000000e+00, v26  }
0x254: {  	s15 =	simm.s32 $0x4;
	v25 =	vor.u32 v16, v11;
	v37 =	vor.u32 v12, v20;
	v23 =	vmul.f32 $8.000000000e+00, v23  }
0x255: {  	v16 =	vadd.s32 s15, v0;
	v25 =	vor.u32 v18, v25;
	v32 =	vmul.f32 $8.000000000e+00, v56;
	[tilespmem:v53+s23+$0x0] =	vst.idx.msk $0xffff, v26  }
0x256: {  	v20 =	vand.u32 $0x7, v16;
	v27 =	vand.u32 $0xF, v16;
	[tilespmem:v31+s23+$0x0] =	vst.idx.msk $0xffff, v23;
	v23 =	vshll.u32 v43, $0x8  }
0x257: {  	v59 =	vshll.u32 v16, $0x7;
	v62 =	vor.u32 $0x20, v27;
	v17 =	vld.idx.msk [tilespmem:v17+s29+$0x0], $0xffff;
	[tilespmem:v21+s23+$0x0] =	vst.idx.msk $0xffff, v32;
	v21 =	vand.u32 $0x2800, v23  }
0x258: {  	v23 =	vshll.u32 v28, $0x8;
	v28 =	vand.u32 $0x2800, v30;
	v22 =	vld.idx.msk [tilespmem:v22+s29+$0x0], $0xffff;
	v21 =	vor.u32 v21, v11  }
0x259: {  	v30 =	vld.idx.msk [tilespmem:v37+s29+$0x0], $0xffff;
	v23 =	vand.u32 $0x2800, v23;
	v28 =	vor.u32 v28, v11;
	v21 =	vor.u32 v35, v21  }
0x25a: {  	v31 =	vmul.f32 $8.000000000e+00, v58;
	v23 =	vor.u32 v23, v11;
	v28 =	vor.u32 v41, v28  }
0x25b: {  	v63 =	vor.u32 v12, v27;
	v33 =	vand.u32 $0x28, v62;
	v23 =	vor.u32 v42, v23  }
0x25c: {  	v38 =	vshll.u32 v62, $0x8;
	[tilespmem:v25+s23+$0x0] =	vst.idx.msk $0xffff, v31;
	v25 =	vshll.u32 v16, $0x8;
	v61 =	vmul.f32 $8.000000000e+00, v17  }
0x25d: {  	v26 =	vor.u32 v14, v16;
	v31 =	vld.idx.msk [tilespmem:v15+s29+$0x0], $0xffff;
	v17 =	vand.u32 $0x800, v25;
	v22 =	vmul.f32 $8.000000000e+00, v22  }
0x25e: {  	v15 =	vand.u32 $0x380, v59;
	v25 =	vmul.f32 $8.000000000e+00, v30;
	v36 =	vor.u32 v13, v17;
	[tilespmem:v21+s23+$0x0] =	vst.idx.msk $0xffff, v61  }
0x25f: {  	v37 =	vor.u32 v17, v11;
	[tilespmem:v28+s23+$0x0] =	vst.idx.msk $0xffff, v22;
	v21 =	vor.u32 v9, v39;
	v27 =	vld.idx.msk [tilespmem:v24+s29+$0x0], $0xffff  }
0x260: {  	s14 =	simm.s32 $0x7;
	[tilespmem:v23+s23+$0x0] =	vst.idx.msk $0xffff, v25;
	v24 =	vor.u32 v18, v19;
	v19 =	vor.u32 v9, v34;
	v28 =	vld.idx.msk [tilespmem:v60+s29+$0x0], $0xffff  }
0x261: {  	v22 =	vor.u32 v9, v40;
	v18 =	vadd.s32 s14, v0;
	v25 =	vor.u32 v35, v19;
	v29 =	vld.idx.msk [tilespmem:v29+s29+$0x0], $0xffff  }
0x262: {  	s15 =	simm.s32 $0x6;
	v23 =	vmul.f32 $8.000000000e+00, v31;
	v21 =	vor.u32 v41, v21;
	v35 =	vand.u32 $0xF, v18  }
0x263: {  	s13 =	simm.s32 $0x8;
	v34 =	vld.idx.msk [tilespmem:v63+s29+$0x0], $0xffff;
	s14 =	simm.s32 $0x5;
	v22 =	vor.u32 v42, v22;
	v19 =	vadd.s32 s15, v0;
	v32 =	vor.u32 v12, v35  }
.LBB2_22:
0x264: {  	p0 =	slt.u32 s13, $0xC;
	v30 =	vadd.s32 s14, v0;
	v39 =	vand.u32 $0xF, v19;
	v27 =	vmul.f32 $8.000000000e+00, v27  }
0x265: {  	v40 =	vand.u32 $0xF, v30;
	v31 =	vor.u32 v12, v39;
	[tilespmem:v24+s23+$0x0] =	vst.idx.msk $0xffff, v23;
	v23 =	vmul.f32 $8.000000000e+00, v28  }
0x266: {  	v24 =	vand.u32 $0x2800, v38;
	v29 =	vmul.f32 $8.000000000e+00, v29;
	v28 =	vor.u32 v12, v40;
	[tilespmem:v25+s23+$0x0] =	vst.idx.msk $0xffff, v27  }
0x267: {  	v36 =	vor.u32 v15, v36;
	v27 =	vor.u32 v15, v37;
	v25 =	vshll.u32 v18, $0x8;
	[tilespmem:v21+s23+$0x0] =	vst.idx.msk $0xffff, v23  }
0x268: {  	v23 =	vmul.f32 $8.000000000e+00, v34;
	v21 =	vshll.u32 v18, $0x7;
	v25 =	vand.u32 $0x800, v25;
	[tilespmem:v22+s23+$0x0] =	vst.idx.msk $0xffff, v29  }
0x269: {  	v37 =	vor.u32 v14, v18;
	v21 =	vand.u32 $0x380, v21;
	v22 =	vor.u32 v25, v11;
	v29 =	vld.idx.msk [tilespmem:v32+s29+$0x0], $0xffff  }
0x26a: {  	v32 =	vshll.u32 v19, $0x8;
	v41 =	vor.u32 v21, v22;
	v38 =	vld.idx.msk [tilespmem:v31+s29+$0x0], $0xffff;
	v31 =	vshll.u32 v19, $0x7  }
0x26b: {  	v42 =	vshll.u32 v30, $0x8;
	v34 =	vand.u32 $0x800, v32;
	v28 =	vld.idx.msk [tilespmem:v28+s29+$0x0], $0xffff;
	v22 =	vand.u32 $0x380, v31  }
0x26c: {  	v32 =	vand.u32 $0x800, v42;
	[tilespmem:v27+s23+$0x0] =	vst.idx.msk $0xffff, v23;
	v23 =	vshll.u32 v30, $0x7;
	v27 =	vor.u32 v34, v11  }
0x26d: {  	v26 =	vld.idx.msk [tilespmem:v26+s29+$0x0], $0xffff;
	v31 =	vand.u32 $0x380, v23;
	v23 =	vor.u32 v32, v11;
	v27 =	vor.u32 v22, v27  }
0x26e: {  	v20 =	vor.u32 v33, v20;
	v33 =	vor.u32 v14, v19;
	v23 =	vor.u32 v31, v23  }
0x26f: {  	v20 =	vor.u32 v12, v20;
	v42 =	vor.u32 v14, v30;
	v29 =	vmul.f32 $8.000000000e+00, v29  }
0x270: {  	v35 =	vor.u32 $0x20, v35;
	v43 =	vand.u32 $0x7, v18;
	v38 =	vmul.f32 $8.000000000e+00, v38  }
0x271: {  	v28 =	vmul.f32 $8.000000000e+00, v28;
	[tilespmem:v41+s23+$0x0] =	vst.idx.msk $0xffff, v29;
	v29 =	vor.u32 v13, v25;
	v41 =	vand.u32 $0x28, v35  }
0x272: {  	[tilespmem:v27+s23+$0x0] =	vst.idx.msk $0xffff, v38;
	v27 =	vld.idx.msk [tilespmem:v37+s29+$0x0], $0xffff;
	v29 =	vor.u32 v21, v29;
	v37 =	vor.u32 v41, v43  }
0x273: {  	v26 =	vmul.f32 $8.000000000e+00, v26;
	[tilespmem:v23+s23+$0x0] =	vst.idx.msk $0xffff, v28;
	v23 =	vld.idx.msk [tilespmem:v33+s29+$0x0], $0xffff;
	v28 =	vor.u32 $0x20, v39;
	v33 =	vor.u32 v12, v37  }
0x274: {  	v38 =	vor.u32 v13, v34;
	v41 =	vand.u32 $0x7, v19;
	v37 =	vld.idx.msk [tilespmem:v42+s29+$0x0], $0xffff;
	v39 =	vand.u32 $0x28, v28  }
0x275: {  	v38 =	vor.u32 v22, v38;
	[tilespmem:v36+s23+$0x0] =	vst.idx.msk $0xffff, v26;
	v36 =	vor.u32 $0x20, v40;
	v26 =	vor.u32 v39, v41  }
0x276: {  	v41 =	vand.u32 $0x7, v30;
	v39 =	vld.idx.msk [tilespmem:v20+s29+$0x0], $0xffff;
	v20 =	vor.u32 v13, v32;
	v40 =	vand.u32 $0x28, v36  }
0x277: {  	v42 =	vor.u32 v31, v20;
	v20 =	vor.u32 v40, v41;
	v40 =	vor.u32 v12, v26  }
0x278: {  	v24 =	vor.u32 v24, v11;
	v26 =	vmul.f32 $8.000000000e+00, v27;
	v41 =	vor.u32 v12, v20  }
0x279: {  	v24 =	vor.u32 v15, v24;
	v27 =	vadd.s32 s13, v0;
	v23 =	vmul.f32 $8.000000000e+00, v23  }
0x27a: {  	v43 =	vor.u32 v10, v16;
	v20 =	vand.u32 $0x7, v27;
	v16 =	vmovc v27;
	v37 =	vmul.f32 $8.000000000e+00, v37;
	[tilespmem:v29+s23+$0x0] =	vst.idx.msk $0xffff, v26  }
0x27b: {  	v27 =	vshll.u32 v16, $0x7;
	v26 =	vor.u32 v14, v16;
	v29 =	vshll.u32 v35, $0x8;
	[tilespmem:v38+s23+$0x0] =	vst.idx.msk $0xffff, v23;
	v23 =	vld.idx.msk [tilespmem:v33+s29+$0x0], $0xffff  }
0x27c: {  	v28 =	vshll.u32 v28, $0x8;
	v33 =	vmul.f32 $8.000000000e+00, v39;
	v29 =	vand.u32 $0x2800, v29;
	[tilespmem:v42+s23+$0x0] =	vst.idx.msk $0xffff, v37;
	v35 =	vld.idx.msk [tilespmem:v40+s29+$0x0], $0xffff  }
0x27d: {  	v28 =	vand.u32 $0x2800, v28;
	v36 =	vshll.u32 v36, $0x8;
	v29 =	vor.u32 v29, v11;
	v37 =	vld.idx.msk [tilespmem:v41+s29+$0x0], $0xffff  }
0x27e: {  	v28 =	vor.u32 v28, v11;
	v29 =	vor.u32 v21, v29;
	[tilespmem:v24+s23+$0x0] =	vst.idx.msk $0xffff, v33;
	v24 =	vand.u32 $0x2800, v36  }
0x27f: {  	v18 =	vor.u32 v10, v18;
	v28 =	vor.u32 v22, v28;
	v24 =	vor.u32 v24, v11  }
0x280: {  	v19 =	vor.u32 v10, v19;
	v33 =	vshll.u32 v16, $0x8;
	v39 =	vld.idx.msk [tilespmem:v43+s29+$0x0], $0xffff;
	v24 =	vor.u32 v31, v24  }
0x281: {  	v30 =	vor.u32 v10, v30;
	v36 =	vand.u32 $0xF, v16;
	v23 =	vmul.f32 $8.000000000e+00, v23  }
0x282: {  	v40 =	vand.u32 $0x380, v27;
	v38 =	vor.u32 $0x20, v36;
	v27 =	vmul.f32 $8.000000000e+00, v35  }
0x283: {  	v41 =	vand.u32 $0x800, v33;
	v35 =	vor.u32 v12, v36;
	v42 =	vmul.f32 $8.000000000e+00, v37;
	[tilespmem:v29+s23+$0x0] =	vst.idx.msk $0xffff, v23  }
0x284: {  	v17 =	vor.u32 v9, v17;
	v36 =	vor.u32 v13, v41;
	[tilespmem:v28+s23+$0x0] =	vst.idx.msk $0xffff, v27;
	v27 =	vld.idx.msk [tilespmem:v18+s29+$0x0], $0xffff  }
.Ltmp11:
0x285: {  	v33 =	vand.u32 $0x28, v38;
	v38 =	vshll.u32 v38, $0x8;
	v37 =	vor.u32 v41, v11;
	[tilespmem:v24+s23+$0x0] =	vst.idx.msk $0xffff, v42;
	v28 =	vld.idx.msk [tilespmem:v19+s29+$0x0], $0xffff;
	(pc) =	sbr.rel @p0 .LBB2_22-.Ltmp11, $4  }
0x286: {  	s14 =	sadd.s32 $0x3, s13;
	v23 =	vmul.f32 $8.000000000e+00, v39;
	v24 =	vor.u32 v15, v17;
	v15 =	vmovc v40;
	v29 =	vld.idx.msk [tilespmem:v30+s29+$0x0], $0xffff;
	v30 =	vor.u32 v9, v25  }
0x287: {  	v18 =	vadd.s32 s14, v0;
	v19 =	vor.u32 v9, v34;
	v17 =	vmovc v41;
	v25 =	vor.u32 v21, v30  }
0x288: {  	s15 =	sadd.s32 $0x2, s13;
	v30 =	vor.u32 v9, v32;
	v21 =	vor.u32 v22, v19;
	v34 =	vld.idx.msk [tilespmem:v35+s29+$0x0], $0xffff;
	v35 =	vand.u32 $0xF, v18  }
0x289: {  	s14 =	sadd.s32 $0x1, s13;
	s13 =	sadd.s32 $0x4, s13;
	v19 =	vadd.s32 s15, v0;
	v22 =	vor.u32 v31, v30;
	v32 =	vor.u32 v12, v35  }
0x28a: {  	v30 =	vadd.s32 s14, v0;
	v31 =	vand.u32 $0xF, v19;
	v38 =	vand.u32 $0x2800, v38  }
0x28b: {  	v37 =	vor.u32 v15, v37;
	v36 =	vor.u32 v15, v36;
	v42 =	vshll.u32 v18, $0x8  }
0x28c: {  	v43 =	vshll.u32 v18, $0x7;
	v45 =	vor.u32 v14, v18;
	v46 =	vshll.u32 v19, $0x7  }
0x28d: {  	v47 =	vshll.u32 v19, $0x8;
	v39 =	vand.u32 $0xF, v30;
	v40 =	vor.u32 v12, v31  }
0x28e: {  	v32 =	vld.idx.msk [tilespmem:v32+s29+$0x0], $0xffff;
	v20 =	vor.u32 v33, v20;
	v42 =	vand.u32 $0x800, v42;
	v41 =	vor.u32 v12, v39  }
0x28f: {  	v56 =	vor.u32 v14, v19;
	v43 =	vand.u32 $0x380, v43;
	v44 =	vor.u32 v42, v11  }
0x290: {  	v35 =	vor.u32 $0x20, v35;
	v57 =	vand.u32 $0x7, v18;
	v44 =	vor.u32 v43, v44  }
0x291: {  	v16 =	vor.u32 v10, v16;
	v48 =	vshll.u32 v30, $0x8;
	v34 =	vmul.f32 $8.000000000e+00, v34  }
0x292: {  	v46 =	vand.u32 $0x380, v46;
	v47 =	vand.u32 $0x800, v47;
	v49 =	vshll.u32 v30, $0x7;
	v40 =	vld.idx.msk [tilespmem:v40+s29+$0x0], $0xffff  }
0x293: {  	v48 =	vand.u32 $0x800, v48;
	v50 =	vor.u32 v47, v11;
	[tilespmem:v37+s23+$0x0] =	vst.idx.msk $0xffff, v34;
	v32 =	vmul.f32 $8.000000000e+00, v32;
	v41 =	vld.idx.msk [tilespmem:v41+s29+$0x0], $0xffff  }
0x294: {  	v53 =	vor.u32 v48, v11;
	v54 =	vor.u32 v46, v50;
	v34 =	vand.u32 $0x380, v49;
	v26 =	vld.idx.msk [tilespmem:v26+s29+$0x0], $0xffff  }
0x295: {  	v18 =	vor.u32 v10, v18;
	v27 =	vmul.f32 $8.000000000e+00, v27;
	v55 =	vor.u32 v34, v53;
	[tilespmem:v44+s23+$0x0] =	vst.idx.msk $0xffff, v32  }
0x296: {  	v20 =	vor.u32 v12, v20;
	v14 =	vor.u32 v14, v30;
	v59 =	vand.u32 $0x28, v35;
	v60 =	vld.idx.msk [tilespmem:v45+s29+$0x0], $0xffff  }
0x297: {  	v31 =	vor.u32 $0x20, v31;
	v58 =	vor.u32 v13, v42;
	v40 =	vmul.f32 $8.000000000e+00, v40  }
0x298: {  	v32 =	vor.u32 v43, v58;
	v44 =	vor.u32 v59, v57;
	v41 =	vmul.f32 $8.000000000e+00, v41  }
0x299: {  	v38 =	vor.u32 v38, v11;
	v62 =	vor.u32 v12, v44;
	v26 =	vmul.f32 $8.000000000e+00, v26;
	[tilespmem:v54+s23+$0x0] =	vst.idx.msk $0xffff, v40  }
0x29a: {  	v63 =	vor.u32 v13, v47;
	v38 =	vor.u32 v15, v38;
	[tilespmem:v55+s23+$0x0] =	vst.idx.msk $0xffff, v41;
	v61 =	vld.idx.msk [tilespmem:v56+s29+$0x0], $0xffff  }
0x29b: {  	v50 =	vand.u32 $0x7, v19;
	v51 =	vor.u32 v46, v63;
	[tilespmem:v36+s23+$0x0] =	vst.idx.msk $0xffff, v26;
	v40 =	vmul.f32 $8.000000000e+00, v60;
	v14 =	vld.idx.msk [tilespmem:v14+s29+$0x0], $0xffff  }
0x29c: {  	v13 =	vor.u32 v13, v48;
	v19 =	vor.u32 v10, v19;
	v49 =	vand.u32 $0x28, v31;
	v20 =	vld.idx.msk [tilespmem:v20+s29+$0x0], $0xffff  }
0x29d: {  	v52 =	vor.u32 v49, v50;
	v13 =	vor.u32 v34, v13;
	v26 =	vor.u32 $0x20, v39;
	[tilespmem:v32+s23+$0x0] =	vst.idx.msk $0xffff, v40  }
0x29e: {  	v54 =	vand.u32 $0x7, v30;
	v39 =	vor.u32 v12, v52;
	v53 =	vand.u32 $0x28, v26;
	v56 =	vld.idx.msk [tilespmem:v62+s29+$0x0], $0xffff  }
0x29f: {  	v10 =	vor.u32 v10, v30;
	v41 =	vor.u32 v53, v54;
	v33 =	vmul.f32 $8.000000000e+00, v61  }
0x2a0: {  	v55 =	vshll.u32 v35, $0x8;
	v12 =	vor.u32 v12, v41;
	v14 =	vmul.f32 $8.000000000e+00, v14  }
0x2a1: {  	v31 =	vshll.u32 v31, $0x8;
	v32 =	vand.u32 $0x2800, v55;
	v20 =	vmul.f32 $8.000000000e+00, v20;
	[tilespmem:v51+s23+$0x0] =	vst.idx.msk $0xffff, v33  }
0x2a2: {  	s15 =	simm.s32 $0x0;
	s14 =	simm.s32 $0x3;
	[tilespmem:v13+s23+$0x0] =	vst.idx.msk $0xffff, v14;
	v14 =	vshll.u32 v26, $0x8;
	v26 =	vand.u32 $0x2800, v31;
	v31 =	vor.u32 v32, v11  }
0x2a3: {  	[tilespmem:v38+s23+$0x0] =	vst.idx.msk $0xffff, v20;
	v13 =	vld.idx.msk [tilespmem:v39+s29+$0x0], $0xffff;
	v20 =	vmul.f32 $8.000000000e+00, v56;
	v32 =	vadd.s32 s15, v0;
	v39 =	vadd.s32 s14, v0  }
0x2a4: {  	s15 =	simm.s32 $0x2;
	v14 =	vand.u32 $0x2800, v14;
	v26 =	vor.u32 v26, v11;
	v31 =	vor.u32 v43, v31  }
0x2a5: {  	v12 =	vld.idx.msk [tilespmem:v12+s29+$0x0], $0xffff;
	v58 =	vshll.u32 v32, $0x8;
	v40 =	vadd.s32 s15, v0;
	v41 =	vand.u32 $0xF, v39  }
0x2a6: {  	v55 =	vshll.u32 v39, $0x8;
	v11 =	vor.u32 v14, v11;
	v14 =	vor.u32 v46, v26  }
0x2a7: {  	v56 =	vshll.u32 v39, $0x7;
	v26 =	vand.u32 $0xF, v32;
	v11 =	vor.u32 v34, v11  }
0x2a8: {  	[tilespmem:v24+s23+$0x0] =	vst.idx.msk $0xffff, v23;
	v16 =	vld.idx.msk [tilespmem:v16+s29+$0x0], $0xffff;
	v49 =	vand.u32 $0x380, v56;
	v52 =	vshll.u32 v40, $0x7;
	v24 =	vshll.u32 v40, $0x8  }
0x2a9: {  	v59 =	vor.u32 $0x20, v26;
	v24 =	vand.u32 $0x800, v24;
	v13 =	vmul.f32 $8.000000000e+00, v13  }
0x2aa: {  	v38 =	vand.u32 $0x28, v59;
	v36 =	vshll.u32 v59, $0x8;
	v12 =	vmul.f32 $8.000000000e+00, v12;
	[tilespmem:v31+s23+$0x0] =	vst.idx.msk $0xffff, v20  }
0x2ab: {  	v36 =	vand.u32 $0x2800, v36;
	[tilespmem:v14+s23+$0x0] =	vst.idx.msk $0xffff, v13;
	v13 =	vld.idx.msk [tilespmem:v18+s29+$0x0], $0xffff;
	v18 =	vmul.f32 $8.000000000e+00, v28;
	v28 =	vmul.f32 $8.000000000e+00, v29  }
0x2ac: {  	v14 =	vor.u32 v9, v42;
	[tilespmem:v11+s23+$0x0] =	vst.idx.msk $0xffff, v12;
	v11 =	vld.idx.msk [tilespmem:v19+s29+$0x0], $0xffff;
	v12 =	vor.u32 v9, v17  }
0x2ad: {  	v19 =	vmul.f32 $8.000000000e+00, v16;
	v30 =	vor.u32 v43, v14;
	v16 =	vshll.u32 v32, $0x7  }
0x2ae: {  	s13 =	sor.u32 $0x110, s31;
	v43 =	vand.u32 $0xF, v40;
	v29 =	vor.u32 v15, v12;
	v12 =	vor.u32 v9, v47  }
0x2af: {  	v10 =	vld.idx.msk [tilespmem:v10+s29+$0x0], $0xffff;
	v9 =	vor.u32 v9, v48;
	v14 =	vor.u32 v46, v12;
	v12 =	vmov s13  }
0x2b0: {  	v16 =	vand.u32 $0x380, v16;
	v15 =	vor.u32 v34, v9;
	v9 =	vshll.u32 v12, $0x6  }
0x2b1: {  	s31 =	sor.u32 $0x10, s31;
	v48 =	vand.u32 $0x800, v55;
	v20 =	vmul.f32 $8.000000000e+00, v11;
	v11 =	vor.u32 v3, v9  }
0x2b2: {  	v46 =	vand.u32 $0x380, v52;
	v12 =	vor.u32 s31, v7;
	v57 =	vor.u32 v11, v26  }
0x2b3: {  	v7 =	vor.u32 s31, v8;
	v8 =	vand.u32 $0x7, v32;
	v31 =	vmul.f32 $8.000000000e+00, v13  }
0x2b4: {  	v8 =	vor.u32 v38, v8;
	v17 =	vmul.f32 $8.000000000e+00, v10;
	v61 =	vor.u32 v11, v41  }
0x2b5: {  	v13 =	vor.u32 $0x10, v11;
	v10 =	vor.u32 s31, v0;
	s31 =	simm.s32 $0x1;
	v62 =	vor.u32 v11, v43  }
0x2b6: {  	v9 =	vor.u32 $0x30, v11;
	v8 =	vor.u32 v11, v8;
	v42 =	vadd.s32 s31, v0  }
0x2b7: {  	v26 =	vand.u32 $0x800, v58;
	[tilespmem:v30+s23+$0x0] =	vst.idx.msk $0xffff, v31;
	v34 =	vor.u32 v13, v32;
	v45 =	vand.u32 $0xF, v42;
	v33 =	vld.idx.msk [tilespmem:v57+s29+$0x0], $0xffff  }
0x2b8: {  	v35 =	vor.u32 v12, v26;
	v60 =	vor.u32 v26, v10;
	v63 =	vor.u32 v11, v45  }
0x2b9: {  	v51 =	vor.u32 v13, v39;
	v31 =	vor.u32 v9, v32;
	v37 =	vor.u32 v16, v60;
	v23 =	vld.idx.msk [tilespmem:v61+s29+$0x0], $0xffff  }
0x2ba: {  	[tilespmem:v25+s23+$0x0] =	vst.idx.msk $0xffff, v27;
	v35 =	vor.u32 v16, v35;
	v59 =	vshll.u32 v42, $0x8;
	v27 =	vshll.u32 v42, $0x7;
	v25 =	vld.idx.msk [tilespmem:v62+s29+$0x0], $0xffff  }
0x2bb: {  	[tilespmem:v21+s23+$0x0] =	vst.idx.msk $0xffff, v18;
	v60 =	vor.u32 v24, v10;
	v18 =	vor.u32 v13, v42;
	v53 =	vand.u32 $0x7, v42  }
0x2bc: {  	v50 =	vand.u32 $0x380, v27;
	v57 =	vor.u32 v48, v10;
	v33 =	vmul.f32 $8.000000000e+00, v33  }
0x2bd: {  	v52 =	vor.u32 $0x20, v45;
	v62 =	vor.u32 v13, v40;
	v58 =	vor.u32 v49, v57;
	v47 =	vld.idx.msk [tilespmem:v63+s29+$0x0], $0xffff  }
0x2be: {  	v21 =	vmul.f32 $8.000000000e+00, v23;
	v23 =	vor.u32 $0x20, v41;
	[tilespmem:v37+s23+$0x0] =	vst.idx.msk $0xffff, v33;
	v37 =	vand.u32 $0x800, v59  }
0x2bf: {  	[tilespmem:v22+s23+$0x0] =	vst.idx.msk $0xffff, v28;
	v22 =	vmul.f32 $8.000000000e+00, v25;
	v33 =	vor.u32 v46, v60;
	v61 =	vor.u32 v37, v10  }
0x2c0: {  	v25 =	vand.u32 $0x7, v39;
	v28 =	vand.u32 $0x28, v23;
	v27 =	vld.idx.msk [tilespmem:v34+s29+$0x0], $0xffff;
	v34 =	vor.u32 v50, v61  }
0x2c1: {  	v23 =	vshll.u32 v23, $0x8;
	v25 =	vor.u32 v28, v25;
	v28 =	vor.u32 v12, v48  }
0x2c2: {  	[tilespmem:v58+s23+$0x0] =	vst.idx.msk $0xffff, v21;
	v23 =	vand.u32 $0x2800, v23;
	v59 =	vshll.u32 v52, $0x8;
	v21 =	vmul.f32 $8.000000000e+00, v47  }
0x2c3: {  	v63 =	vld.idx.msk [tilespmem:v51+s29+$0x0], $0xffff;
	v51 =	vand.u32 $0x7, v40;
	v55 =	vor.u32 v12, v37;
	v23 =	vor.u32 v23, v10  }
0x2c4: {  	v25 =	vor.u32 v11, v25;
	v32 =	vand.u32 $0x2800, v59;
	v23 =	vor.u32 v49, v23;
	[tilespmem:v33+s23+$0x0] =	vst.idx.msk $0xffff, v22  }
0x2c5: {  	v22 =	vor.u32 v49, v28;
	v28 =	vor.u32 $0x20, v43;
	v27 =	vmul.f32 $8.000000000e+00, v27;
	v38 =	vld.idx.msk [tilespmem:v62+s29+$0x0], $0xffff;
	[tilespmem:v34+s23+$0x0] =	vst.idx.msk $0xffff, v21  }
0x2c6: {  	v32 =	vor.u32 v32, v10;
	v21 =	vand.u32 $0x28, v28;
	v54 =	vld.idx.msk [tilespmem:v18+s29+$0x0], $0xffff;
	v18 =	vor.u32 v12, v24  }
0x2c7: {  	[tilespmem:v35+s23+$0x0] =	vst.idx.msk $0xffff, v27;
	v21 =	vor.u32 v21, v51;
	v27 =	vand.u32 $0x28, v52;
	v56 =	vor.u32 v46, v18  }
0x2c8: {  	v34 =	vor.u32 v50, v55;
	v27 =	vor.u32 v27, v53;
	v57 =	vld.idx.msk [tilespmem:v8+s29+$0x0], $0xffff;
	v21 =	vor.u32 v11, v21  }
0x2c9: {  	[tilespmem:v29+s23+$0x0] =	vst.idx.msk $0xffff, v19;
	v19 =	vmul.f32 $8.000000000e+00, v63;
	v18 =	vor.u32 v36, v10;
	v27 =	vor.u32 v11, v27  }
0x2ca: {  	v61 =	vor.u32 v9, v40;
	v29 =	vor.u32 v16, v18;
	v30 =	vmul.f32 $8.000000000e+00, v38  }
0x2cb: {  	v60 =	vor.u32 v50, v32;
	v28 =	vshll.u32 v28, $0x8;
	[tilespmem:v22+s23+$0x0] =	vst.idx.msk $0xffff, v19;
	v58 =	vmul.f32 $8.000000000e+00, v54  }
0x2cc: {  	s14 =	simm.s32 $0x4;
	v63 =	vor.u32 v9, v42;
	v28 =	vand.u32 $0x2800, v28;
	v25 =	vld.idx.msk [tilespmem:v25+s29+$0x0], $0xffff;
	[tilespmem:v56+s23+$0x0] =	vst.idx.msk $0xffff, v30  }
0x2cd: {  	v24 =	vor.u32 v7, v24;
	v8 =	vadd.s32 s14, v0;
	v30 =	vmul.f32 $8.000000000e+00, v57;
	[tilespmem:v34+s23+$0x0] =	vst.idx.msk $0xffff, v58;
	v21 =	vld.idx.msk [tilespmem:v21+s29+$0x0], $0xffff  }
0x2ce: {  	v28 =	vor.u32 v28, v10;
	v24 =	vor.u32 v46, v24;
	v22 =	vshll.u32 v8, $0x7;
	v27 =	vld.idx.msk [tilespmem:v27+s29+$0x0], $0xffff  }
0x2cf: {  	v28 =	vor.u32 v46, v28;
	v62 =	vand.u32 $0xF, v8;
	[tilespmem:v29+s23+$0x0] =	vst.idx.msk $0xffff, v30;
	v29 =	vor.u32 v9, v39  }
0x2d0: {  	[tilespmem:v14+s23+$0x0] =	vst.idx.msk $0xffff, v20;
	v18 =	vand.u32 $0x7, v8;
	v14 =	vand.u32 $0x380, v22;
	v22 =	vor.u32 $0x20, v62  }
0x2d1: {  	v19 =	vor.u32 v13, v8;
	v32 =	vand.u32 $0x28, v22;
	v20 =	vmul.f32 $8.000000000e+00, v25  }
0x2d2: {  	[tilespmem:v15+s23+$0x0] =	vst.idx.msk $0xffff, v17;
	v33 =	vshll.u32 v22, $0x8;
	v30 =	vshll.u32 v8, $0x8;
	v31 =	vld.idx.msk [tilespmem:v31+s29+$0x0], $0xffff;
	v17 =	vmul.f32 $8.000000000e+00, v21  }
0x2d3: {  	v25 =	vor.u32 v11, v62;
	v15 =	vand.u32 $0x800, v30;
	[tilespmem:v23+s23+$0x0] =	vst.idx.msk $0xffff, v20;
	v21 =	vmul.f32 $8.000000000e+00, v27  }
0x2d4: {  	v35 =	vor.u32 v12, v15;
	v23 =	vor.u32 v7, v26;
	v20 =	vld.idx.msk [tilespmem:v29+s29+$0x0], $0xffff;
	[tilespmem:v28+s23+$0x0] =	vst.idx.msk $0xffff, v17  }
0x2d5: {  	s15 =	simm.s32 $0x7;
	v27 =	vor.u32 v16, v23;
	v17 =	vor.u32 v7, v48;
	[tilespmem:v60+s23+$0x0] =	vst.idx.msk $0xffff, v21;
	v21 =	vld.idx.msk [tilespmem:v61+s29+$0x0], $0xffff  }
0x2d6: {  	v36 =	vor.u32 v15, v10;
	v16 =	vadd.s32 s15, v0;
	v23 =	vor.u32 v49, v17;
	v22 =	vld.idx.msk [tilespmem:v63+s29+$0x0], $0xffff  }
0x2d7: {  	s31 =	simm.s32 $0x6;
	v26 =	vmul.f32 $8.000000000e+00, v31;
	v34 =	vand.u32 $0xF, v16;
	v28 =	vor.u32 v7, v37  }
0x2d8: {  	s13 =	simm.s32 $0x8;
	s14 =	simm.s32 $0x5;
	v31 =	vld.idx.msk [tilespmem:v25+s29+$0x0], $0xffff;
	v17 =	vadd.s32 s31, v0;
	v30 =	vor.u32 v11, v34;
	v25 =	vor.u32 v50, v28  }
.LBB2_24:
0x2d9: {  	p0 =	slt.u32 s13, $0xC;
	v28 =	vadd.s32 s14, v0;
	v37 =	vand.u32 $0xF, v17;
	v20 =	vmul.f32 $8.000000000e+00, v20  }
0x2da: {  	v21 =	vmul.f32 $8.000000000e+00, v21;
	v38 =	vand.u32 $0xF, v28;
	v29 =	vor.u32 v11, v37;
	[tilespmem:v27+s23+$0x0] =	vst.idx.msk $0xffff, v26  }
0x2db: {  	v26 =	vand.u32 $0x2800, v33;
	v22 =	vmul.f32 $8.000000000e+00, v22;
	v27 =	vor.u32 v11, v38;
	[tilespmem:v23+s23+$0x0] =	vst.idx.msk $0xffff, v20  }
0x2dc: {  	v33 =	vor.u32 v14, v35;
	v20 =	vor.u32 v14, v36;
	v23 =	vshll.u32 v16, $0x8;
	[tilespmem:v24+s23+$0x0] =	vst.idx.msk $0xffff, v21  }
0x2dd: {  	v21 =	vmul.f32 $8.000000000e+00, v31;
	v31 =	vshll.u32 v16, $0x7;
	v24 =	vand.u32 $0x800, v23;
	[tilespmem:v25+s23+$0x0] =	vst.idx.msk $0xffff, v22  }
0x2de: {  	v35 =	vor.u32 v13, v16;
	v23 =	vand.u32 $0x380, v31;
	v25 =	vor.u32 v24, v10;
	v22 =	vld.idx.msk [tilespmem:v30+s29+$0x0], $0xffff  }
0x2df: {  	v30 =	vshll.u32 v17, $0x8;
	v39 =	vor.u32 v23, v25;
	v36 =	vld.idx.msk [tilespmem:v29+s29+$0x0], $0xffff;
	v29 =	vshll.u32 v17, $0x7  }
0x2e0: {  	v40 =	vshll.u32 v28, $0x8;
	v31 =	vand.u32 $0x800, v30;
	v27 =	vld.idx.msk [tilespmem:v27+s29+$0x0], $0xffff;
	v25 =	vand.u32 $0x380, v29  }
0x2e1: {  	v30 =	vand.u32 $0x800, v40;
	[tilespmem:v20+s23+$0x0] =	vst.idx.msk $0xffff, v21;
	v20 =	vshll.u32 v28, $0x7;
	v21 =	vor.u32 v31, v10  }
0x2e2: {  	v19 =	vld.idx.msk [tilespmem:v19+s29+$0x0], $0xffff;
	v29 =	vand.u32 $0x380, v20;
	v20 =	vor.u32 v30, v10;
	v21 =	vor.u32 v25, v21  }
0x2e3: {  	v18 =	vor.u32 v32, v18;
	v32 =	vor.u32 v13, v17;
	v20 =	vor.u32 v29, v20  }
0x2e4: {  	v18 =	vor.u32 v11, v18;
	v40 =	vor.u32 v13, v28;
	v22 =	vmul.f32 $8.000000000e+00, v22  }
0x2e5: {  	v34 =	vor.u32 $0x20, v34;
	v41 =	vand.u32 $0x7, v16;
	v36 =	vmul.f32 $8.000000000e+00, v36  }
0x2e6: {  	v27 =	vmul.f32 $8.000000000e+00, v27;
	[tilespmem:v39+s23+$0x0] =	vst.idx.msk $0xffff, v22;
	v22 =	vor.u32 v12, v24;
	v39 =	vand.u32 $0x28, v34  }
0x2e7: {  	[tilespmem:v21+s23+$0x0] =	vst.idx.msk $0xffff, v36;
	v21 =	vld.idx.msk [tilespmem:v35+s29+$0x0], $0xffff;
	v22 =	vor.u32 v23, v22;
	v35 =	vor.u32 v39, v41  }
0x2e8: {  	v19 =	vmul.f32 $8.000000000e+00, v19;
	[tilespmem:v20+s23+$0x0] =	vst.idx.msk $0xffff, v27;
	v20 =	vld.idx.msk [tilespmem:v32+s29+$0x0], $0xffff;
	v27 =	vor.u32 $0x20, v37;
	v32 =	vor.u32 v11, v35  }
0x2e9: {  	v36 =	vor.u32 v12, v31;
	v39 =	vand.u32 $0x7, v17;
	v35 =	vld.idx.msk [tilespmem:v40+s29+$0x0], $0xffff;
	v37 =	vand.u32 $0x28, v27  }
0x2ea: {  	v36 =	vor.u32 v25, v36;
	[tilespmem:v33+s23+$0x0] =	vst.idx.msk $0xffff, v19;
	v33 =	vor.u32 $0x20, v38;
	v19 =	vor.u32 v37, v39  }
0x2eb: {  	v39 =	vand.u32 $0x7, v28;
	v37 =	vld.idx.msk [tilespmem:v18+s29+$0x0], $0xffff;
	v18 =	vor.u32 v12, v30;
	v38 =	vand.u32 $0x28, v33  }
0x2ec: {  	v40 =	vor.u32 v29, v18;
	v18 =	vor.u32 v38, v39;
	v38 =	vor.u32 v11, v19  }
0x2ed: {  	v19 =	vor.u32 v26, v10;
	v21 =	vmul.f32 $8.000000000e+00, v21;
	v26 =	vor.u32 v11, v18  }
0x2ee: {  	v39 =	vadd.s32 s13, v0;
	v41 =	vor.u32 v14, v19;
	v20 =	vmul.f32 $8.000000000e+00, v20  }
0x2ef: {  	v42 =	vor.u32 v9, v8;
	v18 =	vand.u32 $0x7, v39;
	v8 =	vmovc v39;
	v35 =	vmul.f32 $8.000000000e+00, v35;
	[tilespmem:v22+s23+$0x0] =	vst.idx.msk $0xffff, v21  }
0x2f0: {  	v19 =	vor.u32 v13, v8;
	v21 =	vshll.u32 v8, $0x7;
	v22 =	vshll.u32 v34, $0x8;
	[tilespmem:v36+s23+$0x0] =	vst.idx.msk $0xffff, v20;
	v20 =	vld.idx.msk [tilespmem:v32+s29+$0x0], $0xffff  }
0x2f1: {  	v27 =	vshll.u32 v27, $0x8;
	v32 =	vmul.f32 $8.000000000e+00, v37;
	v22 =	vand.u32 $0x2800, v22;
	[tilespmem:v40+s23+$0x0] =	vst.idx.msk $0xffff, v35;
	v34 =	vld.idx.msk [tilespmem:v38+s29+$0x0], $0xffff  }
0x2f2: {  	v27 =	vand.u32 $0x2800, v27;
	v33 =	vshll.u32 v33, $0x8;
	v22 =	vor.u32 v22, v10;
	v26 =	vld.idx.msk [tilespmem:v26+s29+$0x0], $0xffff  }
0x2f3: {  	v27 =	vor.u32 v27, v10;
	v22 =	vor.u32 v23, v22;
	[tilespmem:v41+s23+$0x0] =	vst.idx.msk $0xffff, v32;
	v32 =	vand.u32 $0x2800, v33  }
0x2f4: {  	v16 =	vor.u32 v9, v16;
	v27 =	vor.u32 v25, v27;
	v32 =	vor.u32 v32, v10  }
0x2f5: {  	v17 =	vor.u32 v9, v17;
	v33 =	vshll.u32 v8, $0x8;
	v37 =	vld.idx.msk [tilespmem:v42+s29+$0x0], $0xffff;
	v38 =	vor.u32 v29, v32  }
0x2f6: {  	v28 =	vor.u32 v9, v28;
	v32 =	vand.u32 $0xF, v8;
	v20 =	vmul.f32 $8.000000000e+00, v20  }
0x2f7: {  	v39 =	vand.u32 $0x380, v21;
	v21 =	vor.u32 $0x20, v32;
	v34 =	vmul.f32 $8.000000000e+00, v34  }
0x2f8: {  	v41 =	vand.u32 $0x800, v33;
	v40 =	vor.u32 v11, v32;
	v26 =	vmul.f32 $8.000000000e+00, v26;
	[tilespmem:v22+s23+$0x0] =	vst.idx.msk $0xffff, v20  }
0x2f9: {  	v15 =	vor.u32 v7, v15;
	v35 =	vor.u32 v12, v41;
	[tilespmem:v27+s23+$0x0] =	vst.idx.msk $0xffff, v34;
	v20 =	vld.idx.msk [tilespmem:v16+s29+$0x0], $0xffff  }
.Ltmp12:
0x2fa: {  	v36 =	vor.u32 v41, v10;
	v32 =	vand.u32 $0x28, v21;
	v33 =	vshll.u32 v21, $0x8;
	[tilespmem:v38+s23+$0x0] =	vst.idx.msk $0xffff, v26;
	v21 =	vld.idx.msk [tilespmem:v17+s29+$0x0], $0xffff;
	(pc) =	sbr.rel @p0 .LBB2_24-.Ltmp12, $4  }
0x2fb: {  	s14 =	sadd.s32 $0x3, s13;
	v24 =	vor.u32 v7, v24;
	v27 =	vor.u32 v14, v15;
	v14 =	vmovc v39;
	v26 =	vmul.f32 $8.000000000e+00, v37;
	v22 =	vld.idx.msk [tilespmem:v28+s29+$0x0], $0xffff  }
0x2fc: {  	v23 =	vor.u32 v23, v24;
	v16 =	vadd.s32 s14, v0;
	v15 =	vmovc v41;
	v17 =	vor.u32 v7, v31  }
0x2fd: {  	s15 =	sadd.s32 $0x2, s13;
	v34 =	vand.u32 $0xF, v16;
	v28 =	vor.u32 v7, v30;
	v24 =	vor.u32 v25, v17;
	v31 =	vld.idx.msk [tilespmem:v40+s29+$0x0], $0xffff  }
0x2fe: {  	s14 =	sadd.s32 $0x1, s13;
	s13 =	sadd.s32 $0x4, s13;
	v17 =	vadd.s32 s15, v0;
	v30 =	vor.u32 v11, v34;
	v25 =	vor.u32 v29, v28  }
0x2ff: {  	v28 =	vadd.s32 s14, v0;
	v29 =	vand.u32 $0xF, v17  }
0x300: {  	v36 =	vor.u32 v14, v36;
	v40 =	vshll.u32 v16, $0x8;
	v35 =	vor.u32 v14, v35  }
0x301: {  	v41 =	vshll.u32 v16, $0x7;
	v37 =	vand.u32 $0xF, v28;
	v38 =	vor.u32 v11, v29  }
0x302: {  	v43 =	vor.u32 v13, v16;
	v44 =	vshll.u32 v17, $0x7;
	v39 =	vor.u32 v11, v37  }
0x303: {  	v45 =	vshll.u32 v17, $0x8;
	v18 =	vor.u32 v32, v18;
	v61 =	vor.u32 v13, v17  }
0x304: {  	v34 =	vor.u32 $0x20, v34;
	v50 =	vand.u32 $0x7, v16;
	v40 =	vand.u32 $0x800, v40  }
0x305: {  	v30 =	vld.idx.msk [tilespmem:v30+s29+$0x0], $0xffff;
	v41 =	vand.u32 $0x380, v41;
	v46 =	vshll.u32 v28, $0x8;
	v44 =	vand.u32 $0x380, v44  }
0x306: {  	v45 =	vand.u32 $0x800, v45;
	v47 =	vshll.u32 v28, $0x7;
	v42 =	vor.u32 v40, v10;
	v38 =	vld.idx.msk [tilespmem:v38+s29+$0x0], $0xffff  }
0x307: {  	v46 =	vand.u32 $0x800, v46;
	v48 =	vor.u32 v45, v10;
	v42 =	vor.u32 v41, v42;
	v39 =	vld.idx.msk [tilespmem:v39+s29+$0x0], $0xffff  }
0x308: {  	v47 =	vand.u32 $0x380, v47;
	v49 =	vor.u32 v46, v10;
	v48 =	vor.u32 v44, v48  }
0x309: {  	v56 =	vand.u32 $0x7, v17;
	v31 =	vmul.f32 $8.000000000e+00, v31;
	v60 =	vor.u32 v47, v49  }
0x30a: {  	v18 =	vor.u32 v11, v18;
	v62 =	vor.u32 v13, v28;
	v30 =	vmul.f32 $8.000000000e+00, v30  }
0x30b: {  	v29 =	vor.u32 $0x20, v29;
	v53 =	vor.u32 v12, v40;
	[tilespmem:v36+s23+$0x0] =	vst.idx.msk $0xffff, v31;
	v63 =	vmul.f32 $8.000000000e+00, v38  }
0x30c: {  	v55 =	vand.u32 $0x28, v29;
	v37 =	vor.u32 $0x20, v37;
	v19 =	vld.idx.msk [tilespmem:v19+s29+$0x0], $0xffff;
	[tilespmem:v42+s23+$0x0] =	vst.idx.msk $0xffff, v30;
	v51 =	vmul.f32 $8.000000000e+00, v39  }
0x30d: {  	v52 =	vand.u32 $0x28, v34;
	v58 =	vor.u32 v55, v56;
	v59 =	vand.u32 $0x28, v37;
	v54 =	vld.idx.msk [tilespmem:v43+s29+$0x0], $0xffff;
	[tilespmem:v48+s23+$0x0] =	vst.idx.msk $0xffff, v63  }
0x30e: {  	v36 =	vor.u32 v11, v58;
	v30 =	vor.u32 v52, v50;
	[tilespmem:v60+s23+$0x0] =	vst.idx.msk $0xffff, v51;
	v57 =	vld.idx.msk [tilespmem:v61+s29+$0x0], $0xffff  }
0x30f: {  	v30 =	vor.u32 v11, v30;
	v38 =	vor.u32 v41, v53;
	v61 =	vor.u32 v12, v45;
	v13 =	vld.idx.msk [tilespmem:v62+s29+$0x0], $0xffff  }
0x310: {  	v60 =	vand.u32 $0x7, v28;
	v42 =	vor.u32 v44, v61;
	v62 =	vor.u32 v12, v46  }
0x311: {  	v19 =	vmul.f32 $8.000000000e+00, v19;
	v39 =	vor.u32 v59, v60;
	v12 =	vor.u32 v47, v62  }
0x312: {  	v33 =	vand.u32 $0x2800, v33;
	v31 =	vmul.f32 $8.000000000e+00, v54;
	v63 =	vor.u32 v11, v39  }
0x313: {  	v8 =	vor.u32 v9, v8;
	v29 =	vshll.u32 v29, $0x8;
	[tilespmem:v35+s23+$0x0] =	vst.idx.msk $0xffff, v19;
	v32 =	vmul.f32 $8.000000000e+00, v57  }
0x314: {  	v29 =	vand.u32 $0x2800, v29;
	v43 =	vshll.u32 v34, $0x8;
	v18 =	vld.idx.msk [tilespmem:v18+s29+$0x0], $0xffff;
	[tilespmem:v38+s23+$0x0] =	vst.idx.msk $0xffff, v31;
	v13 =	vmul.f32 $8.000000000e+00, v13  }
0x315: {  	v49 =	vshll.u32 v37, $0x8;
	v39 =	vor.u32 v33, v10;
	v31 =	vand.u32 $0x2800, v43;
	v30 =	vld.idx.msk [tilespmem:v30+s29+$0x0], $0xffff;
	[tilespmem:v42+s23+$0x0] =	vst.idx.msk $0xffff, v32  }
0x316: {  	v19 =	vor.u32 v14, v39;
	v31 =	vor.u32 v31, v10;
	[tilespmem:v12+s23+$0x0] =	vst.idx.msk $0xffff, v13;
	v48 =	vld.idx.msk [tilespmem:v36+s29+$0x0], $0xffff  }
0x317: {  	v29 =	vor.u32 v29, v10;
	v31 =	vor.u32 v41, v31;
	v13 =	vand.u32 $0x2800, v49;
	v11 =	vld.idx.msk [tilespmem:v63+s29+$0x0], $0xffff  }
0x318: {  	v52 =	vor.u32 v9, v16;
	v51 =	vor.u32 v44, v29;
	v50 =	vor.u32 v13, v10  }
0x319: {  	v53 =	vor.u32 v9, v17;
	v18 =	vmul.f32 $8.000000000e+00, v18;
	v10 =	vor.u32 v47, v50  }
0x31a: {  	[tilespmem:v27+s23+$0x0] =	vst.idx.msk $0xffff, v26;
	v54 =	vor.u32 v9, v28;
	v55 =	vmul.f32 $8.000000000e+00, v30  }
0x31b: {  	[tilespmem:v19+s23+$0x0] =	vst.idx.msk $0xffff, v18;
	v12 =	vmul.f32 $8.000000000e+00, v48  }
0x31c: {  	v8 =	vld.idx.msk [tilespmem:v8+s29+$0x0], $0xffff;
	[tilespmem:v31+s23+$0x0] =	vst.idx.msk $0xffff, v55;
	v11 =	vmul.f32 $8.000000000e+00, v11  }
0x31d: {  	v15 =	vor.u32 v7, v15;
	v56 =	vmul.f32 $8.000000000e+00, v20;
	v57 =	vld.idx.msk [tilespmem:v52+s29+$0x0], $0xffff;
	[tilespmem:v51+s23+$0x0] =	vst.idx.msk $0xffff, v12  }
0x31e: {  	v59 =	vor.u32 v14, v15;
	v60 =	vor.u32 v7, v40;
	[tilespmem:v10+s23+$0x0] =	vst.idx.msk $0xffff, v11;
	v58 =	vld.idx.msk [tilespmem:v53+s29+$0x0], $0xffff  }
0x31f: {  	v61 =	vmul.f32 $8.000000000e+00, v21;
	v62 =	vor.u32 v7, v45;
	v13 =	vor.u32 v41, v60;
	v9 =	vld.idx.msk [tilespmem:v54+s29+$0x0], $0xffff  }
0x320: {  	[tilespmem:v23+s23+$0x0] =	vst.idx.msk $0xffff, v56;
	v7 =	vor.u32 v7, v46;
	v15 =	vor.u32 v44, v62;
	v63 =	vmul.f32 $8.000000000e+00, v22  }
0x321: {  	p0 =	slt.u32 s0, $0x6;
	[tilespmem:v24+s23+$0x0] =	vst.idx.msk $0xffff, v61;
	v7 =	vor.u32 v47, v7;
	v8 =	vmul.f32 $8.000000000e+00, v8  }
.Ltmp13:
0x322: {  	[tilespmem:v25+s23+$0x0] =	vst.idx.msk $0xffff, v63;
	v12 =	vmul.f32 $8.000000000e+00, v57;
	(pc) =	sbr.rel @p0 .LBB2_21-.Ltmp13, $4  }
0x323: {  	[tilespmem:v59+s23+$0x0] =	vst.idx.msk $0xffff, v8;
	v8 =	vmul.f32 $8.000000000e+00, v58  }
0x324: {  	[tilespmem:v13+s23+$0x0] =	vst.idx.msk $0xffff, v12;
	v9 =	vmul.f32 $8.000000000e+00, v9  }
0x325: {  	s13 =	sadd.s32 $0x2, s0;
	[tilespmem:v15+s23+$0x0] =	vst.idx.msk $0xffff, v8  }
0x326: {  	s31 =	simm.s32 $0x0;
	s0 =	smov.u32 s13;
	[tilespmem:v7+s23+$0x0] =	vst.idx.msk $0xffff, v9  }
0x327: {  	s0 =	simm.s32 $0x0  }
.LBB2_27:
0x328: {  	s1 =	sshll.u32 s0, $0x4;
	v13 =	vadd.s32 s31, v0  }
0x329: {  	v14 =	vand.u32 $0xF, v13;
	v9 =	vor.u32 s1, v4;
	v11 =	vor.u32 s1, v5  }
0x32a: {  	s14 =	simm.s32 $0x3;
	s15 =	simm.s32 $0x2;
	s13 =	sor.u32 $0x180, s1;
	v18 =	vand.u32 $0x7, v13;
	v16 =	vshll.u32 v13, $0x7;
	v17 =	vshll.u32 v13, $0x8  }
0x32b: {  	v22 =	vadd.s32 s14, v0;
	v25 =	vadd.s32 s15, v0;
	v7 =	vmov s13  }
0x32c: {  	s14 =	simm.s32 $0x1;
	v16 =	vand.u32 $0x380, v16;
	v17 =	vand.u32 $0x800, v17;
	v7 =	vshll.u32 v7, $0x6  }
0x32d: {  	v24 =	vand.u32 $0xF, v22;
	v27 =	vadd.s32 s14, v0;
	v10 =	vor.u32 v3, v7  }
0x32e: {  	v28 =	vand.u32 $0xF, v25;
	v32 =	vshll.u32 v22, $0x8;
	v15 =	vor.u32 v10, v14  }
0x32f: {  	v33 =	vshll.u32 v22, $0x7;
	v36 =	vshll.u32 v25, $0x7;
	v37 =	vshll.u32 v25, $0x8  }
0x330: {  	v20 =	vor.u32 v11, v17;
	v21 =	vor.u32 v17, v9;
	v29 =	vand.u32 $0xF, v27  }
0x331: {  	v32 =	vand.u32 $0x800, v32;
	v33 =	vand.u32 $0x380, v33;
	v38 =	vshll.u32 v27, $0x8  }
0x332: {  	v39 =	vand.u32 $0x380, v36;
	v37 =	vand.u32 $0x800, v37;
	v57 =	vshll.u32 v27, $0x7  }
0x333: {  	v41 =	vor.u32 $0x20, v24;
	v60 =	vand.u32 $0x7, v27;
	v26 =	vor.u32 v10, v24;
	v15 =	vld.idx.msk [tilespmem:v15+s29+$0x0], $0xffff  }
0x334: {  	v7 =	vor.u32 s1, v6;
	v21 =	vor.u32 v16, v21;
	v30 =	vor.u32 v10, v28  }
0x335: {  	v20 =	vor.u32 v16, v20;
	v34 =	vor.u32 v32, v9;
	v31 =	vor.u32 v10, v29  }
0x336: {  	v38 =	vand.u32 $0x800, v38;
	v40 =	vand.u32 $0x380, v57;
	v12 =	vor.u32 $0x10, v10  }
0x337: {  	v42 =	vor.u32 v11, v32;
	v8 =	vor.u32 $0x30, v10;
	v19 =	vor.u32 v12, v13  }
0x338: {  	v14 =	vor.u32 $0x20, v14;
	v34 =	vor.u32 v33, v34;
	v26 =	vld.idx.msk [tilespmem:v26+s29+$0x0], $0xffff;
	v15 =	vmul.f32 $8.000000000e+00, v15  }
0x339: {  	v24 =	vand.u32 $0x7, v22;
	v59 =	vor.u32 v33, v42;
	v17 =	vor.u32 v7, v17;
	v30 =	vld.idx.msk [tilespmem:v30+s29+$0x0], $0xffff  }
0x33a: {  	v23 =	vand.u32 $0x28, v14;
	v14 =	vshll.u32 v14, $0x8;
	v31 =	vld.idx.msk [tilespmem:v31+s29+$0x0], $0xffff;
	[tilespmem:v21+s23+$0x0] =	vst.idx.msk $0xffff, v15;
	v15 =	vor.u32 v37, v9  }
0x33b: {  	v35 =	vor.u32 v12, v22;
	v21 =	vor.u32 v38, v9;
	v15 =	vor.u32 v39, v15  }
0x33c: {  	v18 =	vor.u32 v23, v18;
	v23 =	vor.u32 v12, v25;
	v19 =	vld.idx.msk [tilespmem:v19+s29+$0x0], $0xffff;
	v21 =	vor.u32 v40, v21  }
0x33d: {  	v58 =	vor.u32 v12, v27;
	v13 =	vor.u32 v8, v13;
	v26 =	vmul.f32 $8.000000000e+00, v26  }
0x33e: {  	v22 =	vor.u32 v8, v22;
	v27 =	vor.u32 v8, v27;
	v30 =	vmul.f32 $8.000000000e+00, v30  }
0x33f: {  	v18 =	vor.u32 v10, v18;
	[tilespmem:v34+s23+$0x0] =	vst.idx.msk $0xffff, v26;
	v26 =	vmul.f32 $8.000000000e+00, v31;
	v31 =	vand.u32 $0x28, v41  }
0x340: {  	v28 =	vor.u32 $0x20, v28;
	v14 =	vand.u32 $0x2800, v14;
	[tilespmem:v15+s23+$0x0] =	vst.idx.msk $0xffff, v30;
	v15 =	vor.u32 v31, v24;
	v24 =	vld.idx.msk [tilespmem:v35+s29+$0x0], $0xffff  }
0x341: {  	v19 =	vmul.f32 $8.000000000e+00, v19;
	v30 =	vor.u32 v11, v37;
	v31 =	vand.u32 $0x28, v28;
	[tilespmem:v21+s23+$0x0] =	vst.idx.msk $0xffff, v26;
	v21 =	vld.idx.msk [tilespmem:v23+s29+$0x0], $0xffff  }
0x342: {  	v26 =	vor.u32 $0x20, v29;
	v28 =	vshll.u32 v28, $0x8;
	v29 =	vor.u32 v39, v30;
	v30 =	vld.idx.msk [tilespmem:v58+s29+$0x0], $0xffff  }
0x343: {  	v15 =	vor.u32 v10, v15;
	v23 =	vand.u32 $0x7, v25;
	[tilespmem:v20+s23+$0x0] =	vst.idx.msk $0xffff, v19;
	v19 =	vor.u32 v11, v38  }
0x344: {  	v20 =	vand.u32 $0x28, v26;
	v23 =	vor.u32 v31, v23;
	v31 =	vld.idx.msk [tilespmem:v18+s29+$0x0], $0xffff;
	v19 =	vor.u32 v40, v19  }
0x345: {  	v18 =	vor.u32 v20, v60;
	v20 =	vor.u32 v10, v23;
	v24 =	vmul.f32 $8.000000000e+00, v24  }
0x346: {  	s15 =	simm.s32 $0x4;
	v23 =	vor.u32 v14, v9;
	v35 =	vor.u32 v10, v18;
	v21 =	vmul.f32 $8.000000000e+00, v21  }
0x347: {  	v14 =	vadd.s32 s15, v0;
	v23 =	vor.u32 v16, v23;
	v30 =	vmul.f32 $8.000000000e+00, v30;
	[tilespmem:v59+s23+$0x0] =	vst.idx.msk $0xffff, v24  }
0x348: {  	v18 =	vand.u32 $0x7, v14;
	v61 =	vshll.u32 v14, $0x7;
	[tilespmem:v29+s23+$0x0] =	vst.idx.msk $0xffff, v21;
	v21 =	vshll.u32 v41, $0x8  }
0x349: {  	v29 =	vmul.f32 $8.000000000e+00, v31;
	v15 =	vld.idx.msk [tilespmem:v15+s29+$0x0], $0xffff;
	[tilespmem:v19+s23+$0x0] =	vst.idx.msk $0xffff, v30;
	v30 =	vor.u32 v8, v25;
	v19 =	vand.u32 $0x2800, v21  }
0x34a: {  	v21 =	vshll.u32 v26, $0x8;
	v26 =	vand.u32 $0x2800, v28;
	v20 =	vld.idx.msk [tilespmem:v20+s29+$0x0], $0xffff;
	v19 =	vor.u32 v19, v9  }
0x34b: {  	v28 =	vld.idx.msk [tilespmem:v35+s29+$0x0], $0xffff;
	v21 =	vand.u32 $0x2800, v21;
	v26 =	vor.u32 v26, v9;
	v19 =	vor.u32 v33, v19  }
0x34c: {  	v25 =	vand.u32 $0xF, v14;
	v21 =	vor.u32 v21, v9;
	v26 =	vor.u32 v39, v26  }
0x34d: {  	v24 =	vor.u32 v12, v14;
	v62 =	vor.u32 $0x20, v25;
	v21 =	vor.u32 v40, v21  }
0x34e: {  	v63 =	vor.u32 v10, v25;
	[tilespmem:v23+s23+$0x0] =	vst.idx.msk $0xffff, v29;
	v23 =	vshll.u32 v14, $0x8;
	v31 =	vmul.f32 $8.000000000e+00, v15  }
0x34f: {  	v36 =	vshll.u32 v62, $0x8;
	v29 =	vld.idx.msk [tilespmem:v13+s29+$0x0], $0xffff;
	v15 =	vand.u32 $0x800, v23;
	v20 =	vmul.f32 $8.000000000e+00, v20  }
0x350: {  	v23 =	vmul.f32 $8.000000000e+00, v28;
	v34 =	vor.u32 v11, v15;
	v35 =	vor.u32 v15, v9;
	[tilespmem:v19+s23+$0x0] =	vst.idx.msk $0xffff, v31  }
0x351: {  	v13 =	vand.u32 $0x380, v61;
	[tilespmem:v26+s23+$0x0] =	vst.idx.msk $0xffff, v20;
	v31 =	vand.u32 $0x28, v62;
	v19 =	vor.u32 v7, v37;
	v25 =	vld.idx.msk [tilespmem:v22+s29+$0x0], $0xffff  }
0x352: {  	s14 =	simm.s32 $0x7;
	[tilespmem:v21+s23+$0x0] =	vst.idx.msk $0xffff, v23;
	v22 =	vor.u32 v16, v17;
	v17 =	vor.u32 v7, v32;
	v26 =	vld.idx.msk [tilespmem:v30+s29+$0x0], $0xffff  }
0x353: {  	v20 =	vor.u32 v7, v38;
	v16 =	vadd.s32 s14, v0;
	v23 =	vor.u32 v33, v17;
	v27 =	vld.idx.msk [tilespmem:v27+s29+$0x0], $0xffff  }
0x354: {  	s15 =	simm.s32 $0x6;
	v21 =	vmul.f32 $8.000000000e+00, v29;
	v19 =	vor.u32 v39, v19;
	v33 =	vand.u32 $0xF, v16  }
0x355: {  	s13 =	simm.s32 $0x8;
	v32 =	vld.idx.msk [tilespmem:v63+s29+$0x0], $0xffff;
	s14 =	simm.s32 $0x5;
	v20 =	vor.u32 v40, v20;
	v17 =	vadd.s32 s15, v0;
	v30 =	vor.u32 v10, v33  }
.LBB2_28:
0x356: {  	p0 =	slt.u32 s13, $0xC;
	v28 =	vadd.s32 s14, v0;
	v37 =	vand.u32 $0xF, v17;
	v25 =	vmul.f32 $8.000000000e+00, v25  }
0x357: {  	v38 =	vand.u32 $0xF, v28;
	v29 =	vor.u32 v10, v37;
	[tilespmem:v22+s23+$0x0] =	vst.idx.msk $0xffff, v21;
	v21 =	vmul.f32 $8.000000000e+00, v26  }
0x358: {  	v22 =	vand.u32 $0x2800, v36;
	v27 =	vmul.f32 $8.000000000e+00, v27;
	v26 =	vor.u32 v10, v38;
	[tilespmem:v23+s23+$0x0] =	vst.idx.msk $0xffff, v25  }
0x359: {  	v34 =	vor.u32 v13, v34;
	v25 =	vor.u32 v13, v35;
	v23 =	vshll.u32 v16, $0x8;
	[tilespmem:v19+s23+$0x0] =	vst.idx.msk $0xffff, v21  }
0x35a: {  	v21 =	vmul.f32 $8.000000000e+00, v32;
	v19 =	vshll.u32 v16, $0x7;
	v23 =	vand.u32 $0x800, v23;
	[tilespmem:v20+s23+$0x0] =	vst.idx.msk $0xffff, v27  }
0x35b: {  	v35 =	vor.u32 v12, v16;
	v19 =	vand.u32 $0x380, v19;
	v20 =	vor.u32 v23, v9;
	v27 =	vld.idx.msk [tilespmem:v30+s29+$0x0], $0xffff  }
0x35c: {  	v30 =	vshll.u32 v17, $0x8;
	v39 =	vor.u32 v19, v20;
	v36 =	vld.idx.msk [tilespmem:v29+s29+$0x0], $0xffff;
	v29 =	vshll.u32 v17, $0x7  }
0x35d: {  	v40 =	vshll.u32 v28, $0x8;
	v32 =	vand.u32 $0x800, v30;
	v26 =	vld.idx.msk [tilespmem:v26+s29+$0x0], $0xffff;
	v20 =	vand.u32 $0x380, v29  }
0x35e: {  	v30 =	vand.u32 $0x800, v40;
	[tilespmem:v25+s23+$0x0] =	vst.idx.msk $0xffff, v21;
	v21 =	vshll.u32 v28, $0x7;
	v25 =	vor.u32 v32, v9  }
0x35f: {  	v24 =	vld.idx.msk [tilespmem:v24+s29+$0x0], $0xffff;
	v29 =	vand.u32 $0x380, v21;
	v21 =	vor.u32 v30, v9;
	v25 =	vor.u32 v20, v25  }
0x360: {  	v18 =	vor.u32 v31, v18;
	v31 =	vor.u32 v12, v17;
	v21 =	vor.u32 v29, v21  }
0x361: {  	v18 =	vor.u32 v10, v18;
	v40 =	vor.u32 v12, v28;
	v27 =	vmul.f32 $8.000000000e+00, v27  }
0x362: {  	v33 =	vor.u32 $0x20, v33;
	v41 =	vand.u32 $0x7, v16;
	v36 =	vmul.f32 $8.000000000e+00, v36  }
0x363: {  	v26 =	vmul.f32 $8.000000000e+00, v26;
	[tilespmem:v39+s23+$0x0] =	vst.idx.msk $0xffff, v27;
	v27 =	vor.u32 v11, v23;
	v39 =	vand.u32 $0x28, v33  }
0x364: {  	[tilespmem:v25+s23+$0x0] =	vst.idx.msk $0xffff, v36;
	v25 =	vld.idx.msk [tilespmem:v35+s29+$0x0], $0xffff;
	v27 =	vor.u32 v19, v27;
	v35 =	vor.u32 v39, v41  }
0x365: {  	v24 =	vmul.f32 $8.000000000e+00, v24;
	[tilespmem:v21+s23+$0x0] =	vst.idx.msk $0xffff, v26;
	v21 =	vld.idx.msk [tilespmem:v31+s29+$0x0], $0xffff;
	v26 =	vor.u32 $0x20, v37;
	v31 =	vor.u32 v10, v35  }
0x366: {  	v36 =	vor.u32 v11, v32;
	v39 =	vand.u32 $0x7, v17;
	v35 =	vld.idx.msk [tilespmem:v40+s29+$0x0], $0xffff;
	v37 =	vand.u32 $0x28, v26  }
0x367: {  	v36 =	vor.u32 v20, v36;
	[tilespmem:v34+s23+$0x0] =	vst.idx.msk $0xffff, v24;
	v34 =	vor.u32 $0x20, v38;
	v24 =	vor.u32 v37, v39  }
0x368: {  	v39 =	vand.u32 $0x7, v28;
	v37 =	vld.idx.msk [tilespmem:v18+s29+$0x0], $0xffff;
	v18 =	vor.u32 v11, v30;
	v38 =	vand.u32 $0x28, v34  }
0x369: {  	v40 =	vor.u32 v29, v18;
	v18 =	vor.u32 v38, v39;
	v38 =	vor.u32 v10, v24  }
0x36a: {  	v22 =	vor.u32 v22, v9;
	v24 =	vmul.f32 $8.000000000e+00, v25;
	v39 =	vor.u32 v10, v18  }
0x36b: {  	v22 =	vor.u32 v13, v22;
	v25 =	vadd.s32 s13, v0;
	v21 =	vmul.f32 $8.000000000e+00, v21  }
0x36c: {  	v41 =	vor.u32 v8, v14;
	v18 =	vand.u32 $0x7, v25;
	v14 =	vmovc v25;
	v35 =	vmul.f32 $8.000000000e+00, v35;
	[tilespmem:v27+s23+$0x0] =	vst.idx.msk $0xffff, v24  }
0x36d: {  	v25 =	vshll.u32 v14, $0x7;
	v24 =	vor.u32 v12, v14;
	v27 =	vshll.u32 v33, $0x8;
	[tilespmem:v36+s23+$0x0] =	vst.idx.msk $0xffff, v21;
	v21 =	vld.idx.msk [tilespmem:v31+s29+$0x0], $0xffff  }
0x36e: {  	v26 =	vshll.u32 v26, $0x8;
	v31 =	vmul.f32 $8.000000000e+00, v37;
	v27 =	vand.u32 $0x2800, v27;
	[tilespmem:v40+s23+$0x0] =	vst.idx.msk $0xffff, v35;
	v33 =	vld.idx.msk [tilespmem:v38+s29+$0x0], $0xffff  }
0x36f: {  	v26 =	vand.u32 $0x2800, v26;
	v34 =	vshll.u32 v34, $0x8;
	v27 =	vor.u32 v27, v9;
	v35 =	vld.idx.msk [tilespmem:v39+s29+$0x0], $0xffff  }
0x370: {  	v26 =	vor.u32 v26, v9;
	v27 =	vor.u32 v19, v27;
	[tilespmem:v22+s23+$0x0] =	vst.idx.msk $0xffff, v31;
	v22 =	vand.u32 $0x2800, v34  }
0x371: {  	v16 =	vor.u32 v8, v16;
	v26 =	vor.u32 v20, v26;
	v22 =	vor.u32 v22, v9  }
0x372: {  	v17 =	vor.u32 v8, v17;
	v31 =	vshll.u32 v14, $0x8;
	v37 =	vld.idx.msk [tilespmem:v41+s29+$0x0], $0xffff;
	v22 =	vor.u32 v29, v22  }
0x373: {  	v28 =	vor.u32 v8, v28;
	v34 =	vand.u32 $0xF, v14;
	v21 =	vmul.f32 $8.000000000e+00, v21  }
0x374: {  	v38 =	vand.u32 $0x380, v25;
	v36 =	vor.u32 $0x20, v34;
	v25 =	vmul.f32 $8.000000000e+00, v33  }
0x375: {  	v39 =	vand.u32 $0x800, v31;
	v33 =	vor.u32 v10, v34;
	v40 =	vmul.f32 $8.000000000e+00, v35;
	[tilespmem:v27+s23+$0x0] =	vst.idx.msk $0xffff, v21  }
0x376: {  	v15 =	vor.u32 v7, v15;
	v34 =	vor.u32 v11, v39;
	[tilespmem:v26+s23+$0x0] =	vst.idx.msk $0xffff, v25;
	v25 =	vld.idx.msk [tilespmem:v16+s29+$0x0], $0xffff  }
.Ltmp14:
0x377: {  	v31 =	vand.u32 $0x28, v36;
	v36 =	vshll.u32 v36, $0x8;
	v35 =	vor.u32 v39, v9;
	[tilespmem:v22+s23+$0x0] =	vst.idx.msk $0xffff, v40;
	v26 =	vld.idx.msk [tilespmem:v17+s29+$0x0], $0xffff;
	(pc) =	sbr.rel @p0 .LBB2_28-.Ltmp14, $4  }
0x378: {  	s14 =	sadd.s32 $0x3, s13;
	v21 =	vmul.f32 $8.000000000e+00, v37;
	v22 =	vor.u32 v13, v15;
	v13 =	vmovc v38;
	v27 =	vld.idx.msk [tilespmem:v28+s29+$0x0], $0xffff;
	v28 =	vor.u32 v7, v23  }
0x379: {  	v16 =	vadd.s32 s14, v0;
	v17 =	vor.u32 v7, v32;
	v15 =	vmovc v39;
	v23 =	vor.u32 v19, v28  }
0x37a: {  	s15 =	sadd.s32 $0x2, s13;
	v28 =	vor.u32 v7, v30;
	v19 =	vor.u32 v20, v17;
	v32 =	vld.idx.msk [tilespmem:v33+s29+$0x0], $0xffff;
	v33 =	vand.u32 $0xF, v16  }
0x37b: {  	s14 =	sadd.s32 $0x1, s13;
	s13 =	sadd.s32 $0x4, s13;
	v17 =	vadd.s32 s15, v0;
	v20 =	vor.u32 v29, v28;
	v30 =	vor.u32 v10, v33  }
0x37c: {  	v28 =	vadd.s32 s14, v0;
	v29 =	vand.u32 $0xF, v17  }
0x37d: {  	v36 =	vand.u32 $0x2800, v36;
	v35 =	vor.u32 v13, v35;
	v38 =	vor.u32 v10, v29  }
0x37e: {  	v34 =	vor.u32 v13, v34;
	v40 =	vshll.u32 v16, $0x8;
	v37 =	vand.u32 $0xF, v28  }
0x37f: {  	v41 =	vshll.u32 v16, $0x7;
	v43 =	vor.u32 v12, v16;
	v39 =	vor.u32 v10, v37  }
0x380: {  	v44 =	vshll.u32 v17, $0x7;
	v45 =	vshll.u32 v17, $0x8;
	v32 =	vmul.f32 $8.000000000e+00, v32  }
0x381: {  	v30 =	vld.idx.msk [tilespmem:v30+s29+$0x0], $0xffff;
	v18 =	vor.u32 v31, v18;
	v40 =	vand.u32 $0x800, v40;
	v41 =	vand.u32 $0x380, v41  }
0x382: {  	v46 =	vshll.u32 v28, $0x8;
	v45 =	vand.u32 $0x800, v45;
	v42 =	vor.u32 v40, v9;
	[tilespmem:v35+s23+$0x0] =	vst.idx.msk $0xffff, v32;
	v38 =	vld.idx.msk [tilespmem:v38+s29+$0x0], $0xffff  }
0x383: {  	v44 =	vand.u32 $0x380, v44;
	v48 =	vor.u32 v45, v9;
	v42 =	vor.u32 v41, v42;
	v24 =	vld.idx.msk [tilespmem:v24+s29+$0x0], $0xffff  }
0x384: {  	v47 =	vshll.u32 v28, $0x7;
	v46 =	vand.u32 $0x800, v46;
	v61 =	vor.u32 v44, v48;
	v39 =	vld.idx.msk [tilespmem:v39+s29+$0x0], $0xffff  }
0x385: {  	v62 =	vor.u32 v12, v17;
	v59 =	vand.u32 $0x380, v47;
	v60 =	vor.u32 v46, v9  }
0x386: {  	v33 =	vor.u32 $0x20, v33;
	v31 =	vor.u32 v59, v60;
	v30 =	vmul.f32 $8.000000000e+00, v30  }
0x387: {  	v63 =	vand.u32 $0x7, v16;
	v18 =	vor.u32 v10, v18;
	v38 =	vmul.f32 $8.000000000e+00, v38  }
0x388: {  	v54 =	vand.u32 $0x7, v17;
	v12 =	vor.u32 v12, v28;
	[tilespmem:v42+s23+$0x0] =	vst.idx.msk $0xffff, v30;
	v24 =	vmul.f32 $8.000000000e+00, v24  }
0x389: {  	v49 =	vand.u32 $0x28, v33;
	v29 =	vor.u32 $0x20, v29;
	v39 =	vmul.f32 $8.000000000e+00, v39;
	[tilespmem:v61+s23+$0x0] =	vst.idx.msk $0xffff, v38  }
0x38a: {  	v36 =	vor.u32 v36, v9;
	v52 =	vor.u32 v11, v45;
	v50 =	vld.idx.msk [tilespmem:v43+s29+$0x0], $0xffff;
	[tilespmem:v34+s23+$0x0] =	vst.idx.msk $0xffff, v24  }
0x38b: {  	v58 =	vand.u32 $0x7, v28;
	v53 =	vand.u32 $0x28, v29;
	v30 =	vor.u32 v11, v40;
	[tilespmem:v31+s23+$0x0] =	vst.idx.msk $0xffff, v39;
	v31 =	vld.idx.msk [tilespmem:v62+s29+$0x0], $0xffff  }
0x38c: {  	v36 =	vor.u32 v13, v36;
	v55 =	vor.u32 v44, v52;
	v30 =	vor.u32 v41, v30;
	v18 =	vld.idx.msk [tilespmem:v18+s29+$0x0], $0xffff  }
0x38d: {  	v56 =	vor.u32 v53, v54;
	v42 =	vor.u32 v49, v63;
	v11 =	vor.u32 v11, v46;
	v12 =	vld.idx.msk [tilespmem:v12+s29+$0x0], $0xffff  }
0x38e: {  	v51 =	vor.u32 v10, v42;
	v11 =	vor.u32 v59, v11;
	v24 =	vor.u32 $0x20, v37  }
0x38f: {  	v37 =	vor.u32 v10, v56;
	v57 =	vand.u32 $0x28, v24;
	v38 =	vmul.f32 $8.000000000e+00, v50  }
0x390: {  	v14 =	vor.u32 v8, v14;
	v39 =	vor.u32 v57, v58;
	v31 =	vmul.f32 $8.000000000e+00, v31  }
0x391: {  	v10 =	vor.u32 v10, v39;
	[tilespmem:v30+s23+$0x0] =	vst.idx.msk $0xffff, v38;
	v18 =	vmul.f32 $8.000000000e+00, v18  }
0x392: {  	v12 =	vmul.f32 $8.000000000e+00, v12;
	[tilespmem:v55+s23+$0x0] =	vst.idx.msk $0xffff, v31  }
0x393: {  	v30 =	vshll.u32 v33, $0x8;
	v31 =	vld.idx.msk [tilespmem:v51+s29+$0x0], $0xffff;
	[tilespmem:v36+s23+$0x0] =	vst.idx.msk $0xffff, v18  }
0x394: {  	v16 =	vor.u32 v8, v16;
	v29 =	vshll.u32 v29, $0x8;
	v30 =	vand.u32 $0x2800, v30;
	[tilespmem:v11+s23+$0x0] =	vst.idx.msk $0xffff, v12;
	v11 =	vld.idx.msk [tilespmem:v37+s29+$0x0], $0xffff  }
0x395: {  	v12 =	vshll.u32 v24, $0x8;
	v24 =	vand.u32 $0x2800, v29;
	v29 =	vor.u32 v30, v9;
	v14 =	vld.idx.msk [tilespmem:v14+s29+$0x0], $0xffff  }
0x396: {  	v10 =	vld.idx.msk [tilespmem:v10+s29+$0x0], $0xffff;
	v12 =	vand.u32 $0x2800, v12;
	v24 =	vor.u32 v24, v9;
	v29 =	vor.u32 v41, v29  }
0x397: {  	v17 =	vor.u32 v8, v17;
	v9 =	vor.u32 v12, v9;
	v12 =	vor.u32 v44, v24  }
0x398: {  	v26 =	vmul.f32 $8.000000000e+00, v26;
	s14 =	simm.s32 $0x0;
	v8 =	vor.u32 v8, v28;
	v9 =	vor.u32 v59, v9  }
0x399: {  	v27 =	vmul.f32 $8.000000000e+00, v27;
	v18 =	vmul.f32 $8.000000000e+00, v31;
	v31 =	vadd.s32 s14, v0  }
0x39a: {  	v11 =	vmul.f32 $8.000000000e+00, v11;
	v28 =	vmul.f32 $8.000000000e+00, v14;
	v33 =	vand.u32 $0x7, v31  }
0x39b: {  	v60 =	vshll.u32 v31, $0x8;
	v10 =	vmul.f32 $8.000000000e+00, v10;
	[tilespmem:v29+s23+$0x0] =	vst.idx.msk $0xffff, v18;
	v18 =	vmul.f32 $8.000000000e+00, v25  }
0x39c: {  	s14 =	simm.s32 $0x2;
	v25 =	vand.u32 $0xF, v31;
	[tilespmem:v12+s23+$0x0] =	vst.idx.msk $0xffff, v11;
	v11 =	vld.idx.msk [tilespmem:v16+s29+$0x0], $0xffff;
	v12 =	vor.u32 v7, v40;
	v16 =	vshll.u32 v31, $0x7  }
0x39d: {  	v61 =	vor.u32 $0x20, v25;
	v40 =	vadd.s32 s14, v0;
	[tilespmem:v9+s23+$0x0] =	vst.idx.msk $0xffff, v10;
	v10 =	vor.u32 v7, v15  }
0x39e: {  	v29 =	vor.u32 v41, v12;
	v16 =	vand.u32 $0x380, v16;
	v38 =	vand.u32 $0x28, v61  }
0x39f: {  	v36 =	vshll.u32 v61, $0x8;
	v43 =	vand.u32 $0xF, v40;
	v52 =	vshll.u32 v40, $0x7  }
0x3a0: {  	[tilespmem:v22+s23+$0x0] =	vst.idx.msk $0xffff, v21;
	v22 =	vshll.u32 v40, $0x8;
	v53 =	vand.u32 $0x7, v40;
	v13 =	vor.u32 v13, v10  }
0x3a1: {  	s13 =	sor.u32 $0x190, s1;
	v10 =	vor.u32 v7, v45;
	v7 =	vor.u32 v7, v46;
	v36 =	vand.u32 $0x2800, v36  }
0x3a2: {  	v9 =	vld.idx.msk [tilespmem:v17+s29+$0x0], $0xffff;
	v46 =	vand.u32 $0x380, v52;
	v14 =	vor.u32 v44, v10;
	v10 =	vmov s13  }
0x3a3: {  	v22 =	vand.u32 $0x800, v22;
	v15 =	vor.u32 v59, v7;
	s13 =	simm.s32 $0x3;
	v7 =	vshll.u32 v10, $0x6  }
0x3a4: {  	s15 =	sor.u32 $0x10, s1;
	v33 =	vor.u32 v38, v33;
	v39 =	vadd.s32 s13, v0;
	v10 =	vor.u32 v3, v7  }
0x3a5: {  	v30 =	vmul.f32 $8.000000000e+00, v11;
	v11 =	vor.u32 s15, v5;
	v59 =	vor.u32 v10, v25  }
0x3a6: {  	v7 =	vor.u32 s15, v6;
	v41 =	vand.u32 $0xF, v39;
	v58 =	vshll.u32 v39, $0x8  }
0x3a7: {  	[tilespmem:v20+s23+$0x0] =	vst.idx.msk $0xffff, v27;
	v8 =	vld.idx.msk [tilespmem:v8+s29+$0x0], $0xffff;
	v49 =	vshll.u32 v39, $0x7;
	v20 =	vand.u32 $0x7, v39;
	v24 =	vmul.f32 $8.000000000e+00, v9  }
0x3a8: {  	v12 =	vor.u32 $0x10, v10;
	v9 =	vor.u32 s15, v4;
	v25 =	vand.u32 $0x800, v60  }
0x3a9: {  	s15 =	simm.s32 $0x1;
	v63 =	vor.u32 v10, v41;
	v56 =	vor.u32 v10, v43;
	v48 =	vand.u32 $0x800, v58  }
0x3aa: {  	v49 =	vand.u32 $0x380, v49;
	v33 =	vor.u32 v10, v33;
	v42 =	vadd.s32 s15, v0;
	v32 =	vld.idx.msk [tilespmem:v59+s29+$0x0], $0xffff  }
0x3ab: {  	[tilespmem:v19+s23+$0x0] =	vst.idx.msk $0xffff, v26;
	v26 =	vor.u32 $0x20, v41;
	v62 =	vor.u32 v25, v9;
	v45 =	vand.u32 $0xF, v42  }
0x3ac: {  	v17 =	vmul.f32 $8.000000000e+00, v8;
	v37 =	vor.u32 v16, v62;
	v57 =	vor.u32 v10, v45  }
0x3ad: {  	v8 =	vor.u32 $0x30, v10;
	v34 =	vor.u32 v12, v31;
	v35 =	vor.u32 v11, v25  }
0x3ae: {  	s13 =	simm.s32 $0x4;
	v50 =	vor.u32 v48, v9;
	v51 =	vor.u32 v12, v39;
	v61 =	vor.u32 v22, v9  }
0x3af: {  	v27 =	vand.u32 $0x28, v26;
	[tilespmem:v13+s23+$0x0] =	vst.idx.msk $0xffff, v28;
	v13 =	vadd.s32 s13, v0;
	v21 =	vld.idx.msk [tilespmem:v63+s29+$0x0], $0xffff;
	v32 =	vmul.f32 $8.000000000e+00, v32  }
0x3b0: {  	[tilespmem:v23+s23+$0x0] =	vst.idx.msk $0xffff, v18;
	v26 =	vshll.u32 v26, $0x8;
	v25 =	vor.u32 v7, v25;
	v60 =	vshll.u32 v42, $0x8;
	v18 =	vld.idx.msk [tilespmem:v56+s29+$0x0], $0xffff  }
0x3b1: {  	v23 =	vshll.u32 v42, $0x7;
	v59 =	vor.u32 v49, v50;
	v47 =	vld.idx.msk [tilespmem:v57+s29+$0x0], $0xffff;
	[tilespmem:v37+s23+$0x0] =	vst.idx.msk $0xffff, v32;
	v37 =	vand.u32 $0x800, v60  }
0x3b2: {  	v50 =	vand.u32 $0x380, v23;
	v32 =	vor.u32 v46, v61;
	v62 =	vor.u32 v37, v9  }
0x3b3: {  	v35 =	vor.u32 v16, v35;
	v63 =	vor.u32 v12, v40;
	v23 =	vld.idx.msk [tilespmem:v34+s29+$0x0], $0xffff;
	v34 =	vor.u32 v50, v62  }
0x3b4: {  	v19 =	vor.u32 v12, v42;
	v20 =	vor.u32 v27, v20;
	v21 =	vmul.f32 $8.000000000e+00, v21  }
0x3b5: {  	[tilespmem:v29+s23+$0x0] =	vst.idx.msk $0xffff, v30;
	v27 =	vor.u32 v11, v48;
	v55 =	vand.u32 $0x7, v42;
	v18 =	vmul.f32 $8.000000000e+00, v18  }
0x3b6: {  	v30 =	vor.u32 v8, v31;
	v27 =	vor.u32 v49, v27;
	[tilespmem:v59+s23+$0x0] =	vst.idx.msk $0xffff, v21;
	v21 =	vmul.f32 $8.000000000e+00, v47  }
0x3b7: {  	v26 =	vand.u32 $0x2800, v26;
	v54 =	vor.u32 $0x20, v45;
	v20 =	vor.u32 v10, v20;
	v52 =	vld.idx.msk [tilespmem:v51+s29+$0x0], $0xffff;
	[tilespmem:v32+s23+$0x0] =	vst.idx.msk $0xffff, v18  }
0x3b8: {  	v26 =	vor.u32 v26, v9;
	v18 =	vmul.f32 $8.000000000e+00, v23;
	v23 =	vor.u32 $0x20, v43;
	v38 =	vld.idx.msk [tilespmem:v63+s29+$0x0], $0xffff;
	[tilespmem:v34+s23+$0x0] =	vst.idx.msk $0xffff, v21  }
0x3b9: {  	v56 =	vor.u32 v11, v22;
	v57 =	vor.u32 v11, v37;
	v21 =	vand.u32 $0x28, v23;
	v19 =	vld.idx.msk [tilespmem:v19+s29+$0x0], $0xffff  }
0x3ba: {  	[tilespmem:v35+s23+$0x0] =	vst.idx.msk $0xffff, v18;
	v18 =	vor.u32 v21, v53;
	v21 =	vand.u32 $0x28, v54;
	v35 =	vor.u32 v46, v56  }
0x3bb: {  	v34 =	vor.u32 v50, v57;
	v21 =	vor.u32 v21, v55;
	v33 =	vld.idx.msk [tilespmem:v33+s29+$0x0], $0xffff;
	v58 =	vor.u32 v10, v18  }
0x3bc: {  	v28 =	vmul.f32 $8.000000000e+00, v52;
	v18 =	vor.u32 v36, v9;
	v21 =	vor.u32 v10, v21  }
0x3bd: {  	[tilespmem:v15+s23+$0x0] =	vst.idx.msk $0xffff, v17;
	v26 =	vor.u32 v49, v26;
	v59 =	vor.u32 v16, v18;
	v29 =	vmul.f32 $8.000000000e+00, v38  }
0x3be: {  	v60 =	vshll.u32 v13, $0x8;
	v23 =	vshll.u32 v23, $0x8;
	[tilespmem:v27+s23+$0x0] =	vst.idx.msk $0xffff, v28;
	v31 =	vmul.f32 $8.000000000e+00, v19  }
0x3bf: {  	v61 =	vor.u32 v8, v40;
	v15 =	vand.u32 $0x800, v60;
	v23 =	vand.u32 $0x2800, v23;
	v20 =	vld.idx.msk [tilespmem:v20+s29+$0x0], $0xffff;
	[tilespmem:v35+s23+$0x0] =	vst.idx.msk $0xffff, v29  }
0x3c0: {  	v23 =	vor.u32 v23, v9;
	v29 =	vshll.u32 v54, $0x8;
	v28 =	vmul.f32 $8.000000000e+00, v33;
	[tilespmem:v34+s23+$0x0] =	vst.idx.msk $0xffff, v31;
	v31 =	vld.idx.msk [tilespmem:v58+s29+$0x0], $0xffff  }
0x3c1: {  	[tilespmem:v14+s23+$0x0] =	vst.idx.msk $0xffff, v24;
	v62 =	vand.u32 $0xF, v13;
	v23 =	vor.u32 v46, v23;
	v29 =	vand.u32 $0x2800, v29;
	v21 =	vld.idx.msk [tilespmem:v21+s29+$0x0], $0xffff  }
0x3c2: {  	v24 =	vor.u32 $0x20, v62;
	v29 =	vor.u32 v29, v9;
	[tilespmem:v59+s23+$0x0] =	vst.idx.msk $0xffff, v28;
	v28 =	vor.u32 v8, v39  }
0x3c3: {  	v63 =	vor.u32 v8, v42;
	v27 =	vshll.u32 v13, $0x7;
	v29 =	vor.u32 v50, v29  }
0x3c4: {  	v14 =	vand.u32 $0x380, v27;
	v36 =	vor.u32 v15, v9;
	v20 =	vmul.f32 $8.000000000e+00, v20  }
0x3c5: {  	v27 =	vor.u32 v16, v25;
	v25 =	vor.u32 v7, v37;
	v17 =	vmul.f32 $8.000000000e+00, v31  }
0x3c6: {  	s14 =	simm.s32 $0x7;
	v32 =	vand.u32 $0x28, v24;
	[tilespmem:v26+s23+$0x0] =	vst.idx.msk $0xffff, v20;
	v30 =	vld.idx.msk [tilespmem:v30+s29+$0x0], $0xffff;
	v31 =	vor.u32 v10, v62;
	v21 =	vmul.f32 $8.000000000e+00, v21  }
0x3c7: {  	v18 =	vand.u32 $0x7, v13;
	v16 =	vadd.s32 s14, v0;
	v25 =	vor.u32 v50, v25;
	v20 =	vld.idx.msk [tilespmem:v28+s29+$0x0], $0xffff;
	[tilespmem:v23+s23+$0x0] =	vst.idx.msk $0xffff, v17  }
0x3c8: {  	v19 =	vor.u32 v12, v13;
	v17 =	vor.u32 v7, v48;
	[tilespmem:v29+s23+$0x0] =	vst.idx.msk $0xffff, v21;
	v21 =	vld.idx.msk [tilespmem:v61+s29+$0x0], $0xffff  }
0x3c9: {  	v33 =	vshll.u32 v24, $0x8;
	v24 =	vor.u32 v7, v22;
	v23 =	vor.u32 v49, v17;
	v22 =	vld.idx.msk [tilespmem:v63+s29+$0x0], $0xffff  }
0x3ca: {  	s15 =	simm.s32 $0x6;
	v35 =	vor.u32 v11, v15;
	v34 =	vand.u32 $0xF, v16;
	v24 =	vor.u32 v46, v24  }
0x3cb: {  	s1 =	simm.s32 $0x8;
	s13 =	simm.s32 $0x5;
	v26 =	vmul.f32 $8.000000000e+00, v30;
	v30 =	vor.u32 v10, v34;
	v17 =	vadd.s32 s15, v0;
	v31 =	vld.idx.msk [tilespmem:v31+s29+$0x0], $0xffff  }
.LBB2_30:
0x3cc: {  	p0 =	slt.u32 s1, $0xC;
	v28 =	vadd.s32 s13, v0;
	v37 =	vand.u32 $0xF, v17;
	v20 =	vmul.f32 $8.000000000e+00, v20  }
0x3cd: {  	v21 =	vmul.f32 $8.000000000e+00, v21;
	v38 =	vand.u32 $0xF, v28;
	v29 =	vor.u32 v10, v37;
	[tilespmem:v27+s23+$0x0] =	vst.idx.msk $0xffff, v26  }
0x3ce: {  	v26 =	vand.u32 $0x2800, v33;
	v22 =	vmul.f32 $8.000000000e+00, v22;
	v27 =	vor.u32 v10, v38;
	[tilespmem:v23+s23+$0x0] =	vst.idx.msk $0xffff, v20  }
0x3cf: {  	v33 =	vor.u32 v14, v35;
	v20 =	vor.u32 v14, v36;
	v23 =	vshll.u32 v16, $0x8;
	[tilespmem:v24+s23+$0x0] =	vst.idx.msk $0xffff, v21  }
0x3d0: {  	v21 =	vmul.f32 $8.000000000e+00, v31;
	v31 =	vshll.u32 v16, $0x7;
	v24 =	vand.u32 $0x800, v23;
	[tilespmem:v25+s23+$0x0] =	vst.idx.msk $0xffff, v22  }
0x3d1: {  	v35 =	vor.u32 v12, v16;
	v23 =	vand.u32 $0x380, v31;
	v25 =	vor.u32 v24, v9;
	v22 =	vld.idx.msk [tilespmem:v30+s29+$0x0], $0xffff  }
0x3d2: {  	v30 =	vshll.u32 v17, $0x8;
	v39 =	vor.u32 v23, v25;
	v36 =	vld.idx.msk [tilespmem:v29+s29+$0x0], $0xffff;
	v29 =	vshll.u32 v17, $0x7  }
0x3d3: {  	v40 =	vshll.u32 v28, $0x8;
	v31 =	vand.u32 $0x800, v30;
	v27 =	vld.idx.msk [tilespmem:v27+s29+$0x0], $0xffff;
	v25 =	vand.u32 $0x380, v29  }
0x3d4: {  	v30 =	vand.u32 $0x800, v40;
	[tilespmem:v20+s23+$0x0] =	vst.idx.msk $0xffff, v21;
	v20 =	vshll.u32 v28, $0x7;
	v21 =	vor.u32 v31, v9  }
0x3d5: {  	v19 =	vld.idx.msk [tilespmem:v19+s29+$0x0], $0xffff;
	v29 =	vand.u32 $0x380, v20;
	v20 =	vor.u32 v30, v9;
	v21 =	vor.u32 v25, v21  }
0x3d6: {  	v18 =	vor.u32 v32, v18;
	v32 =	vor.u32 v12, v17;
	v20 =	vor.u32 v29, v20  }
0x3d7: {  	v18 =	vor.u32 v10, v18;
	v40 =	vor.u32 v12, v28;
	v22 =	vmul.f32 $8.000000000e+00, v22  }
0x3d8: {  	v34 =	vor.u32 $0x20, v34;
	v41 =	vand.u32 $0x7, v16;
	v36 =	vmul.f32 $8.000000000e+00, v36  }
0x3d9: {  	v27 =	vmul.f32 $8.000000000e+00, v27;
	[tilespmem:v39+s23+$0x0] =	vst.idx.msk $0xffff, v22;
	v22 =	vor.u32 v11, v24;
	v39 =	vand.u32 $0x28, v34  }
0x3da: {  	[tilespmem:v21+s23+$0x0] =	vst.idx.msk $0xffff, v36;
	v21 =	vld.idx.msk [tilespmem:v35+s29+$0x0], $0xffff;
	v22 =	vor.u32 v23, v22;
	v35 =	vor.u32 v39, v41  }
0x3db: {  	v19 =	vmul.f32 $8.000000000e+00, v19;
	[tilespmem:v20+s23+$0x0] =	vst.idx.msk $0xffff, v27;
	v20 =	vld.idx.msk [tilespmem:v32+s29+$0x0], $0xffff;
	v27 =	vor.u32 $0x20, v37;
	v32 =	vor.u32 v10, v35  }
0x3dc: {  	v36 =	vor.u32 v11, v31;
	v39 =	vand.u32 $0x7, v17;
	v35 =	vld.idx.msk [tilespmem:v40+s29+$0x0], $0xffff;
	v37 =	vand.u32 $0x28, v27  }
0x3dd: {  	v36 =	vor.u32 v25, v36;
	[tilespmem:v33+s23+$0x0] =	vst.idx.msk $0xffff, v19;
	v33 =	vor.u32 $0x20, v38;
	v19 =	vor.u32 v37, v39  }
0x3de: {  	v39 =	vand.u32 $0x7, v28;
	v37 =	vld.idx.msk [tilespmem:v18+s29+$0x0], $0xffff;
	v18 =	vor.u32 v11, v30;
	v38 =	vand.u32 $0x28, v33  }
0x3df: {  	v40 =	vor.u32 v29, v18;
	v18 =	vor.u32 v38, v39;
	v38 =	vor.u32 v10, v19  }
0x3e0: {  	v19 =	vor.u32 v26, v9;
	v21 =	vmul.f32 $8.000000000e+00, v21;
	v26 =	vor.u32 v10, v18  }
0x3e1: {  	v39 =	vadd.s32 s1, v0;
	v41 =	vor.u32 v14, v19;
	v20 =	vmul.f32 $8.000000000e+00, v20  }
0x3e2: {  	v42 =	vor.u32 v8, v13;
	v18 =	vand.u32 $0x7, v39;
	v13 =	vmovc v39;
	v35 =	vmul.f32 $8.000000000e+00, v35;
	[tilespmem:v22+s23+$0x0] =	vst.idx.msk $0xffff, v21  }
0x3e3: {  	v19 =	vor.u32 v12, v13;
	v21 =	vshll.u32 v13, $0x7;
	v22 =	vshll.u32 v34, $0x8;
	[tilespmem:v36+s23+$0x0] =	vst.idx.msk $0xffff, v20;
	v20 =	vld.idx.msk [tilespmem:v32+s29+$0x0], $0xffff  }
0x3e4: {  	v27 =	vshll.u32 v27, $0x8;
	v32 =	vmul.f32 $8.000000000e+00, v37;
	v22 =	vand.u32 $0x2800, v22;
	[tilespmem:v40+s23+$0x0] =	vst.idx.msk $0xffff, v35;
	v34 =	vld.idx.msk [tilespmem:v38+s29+$0x0], $0xffff  }
0x3e5: {  	v27 =	vand.u32 $0x2800, v27;
	v33 =	vshll.u32 v33, $0x8;
	v22 =	vor.u32 v22, v9;
	v26 =	vld.idx.msk [tilespmem:v26+s29+$0x0], $0xffff  }
0x3e6: {  	v27 =	vor.u32 v27, v9;
	v22 =	vor.u32 v23, v22;
	[tilespmem:v41+s23+$0x0] =	vst.idx.msk $0xffff, v32;
	v32 =	vand.u32 $0x2800, v33  }
0x3e7: {  	v16 =	vor.u32 v8, v16;
	v27 =	vor.u32 v25, v27;
	v32 =	vor.u32 v32, v9  }
0x3e8: {  	v17 =	vor.u32 v8, v17;
	v33 =	vshll.u32 v13, $0x8;
	v37 =	vld.idx.msk [tilespmem:v42+s29+$0x0], $0xffff;
	v38 =	vor.u32 v29, v32  }
0x3e9: {  	v28 =	vor.u32 v8, v28;
	v32 =	vand.u32 $0xF, v13;
	v20 =	vmul.f32 $8.000000000e+00, v20  }
0x3ea: {  	v39 =	vand.u32 $0x380, v21;
	v21 =	vor.u32 $0x20, v32;
	v34 =	vmul.f32 $8.000000000e+00, v34  }
0x3eb: {  	v41 =	vand.u32 $0x800, v33;
	v40 =	vor.u32 v10, v32;
	v26 =	vmul.f32 $8.000000000e+00, v26;
	[tilespmem:v22+s23+$0x0] =	vst.idx.msk $0xffff, v20  }
0x3ec: {  	v15 =	vor.u32 v7, v15;
	v35 =	vor.u32 v11, v41;
	[tilespmem:v27+s23+$0x0] =	vst.idx.msk $0xffff, v34;
	v20 =	vld.idx.msk [tilespmem:v16+s29+$0x0], $0xffff  }
.Ltmp15:
0x3ed: {  	v36 =	vor.u32 v41, v9;
	v32 =	vand.u32 $0x28, v21;
	v33 =	vshll.u32 v21, $0x8;
	[tilespmem:v38+s23+$0x0] =	vst.idx.msk $0xffff, v26;
	v21 =	vld.idx.msk [tilespmem:v17+s29+$0x0], $0xffff;
	(pc) =	sbr.rel @p0 .LBB2_30-.Ltmp15, $4  }
0x3ee: {  	s13 =	sadd.s32 $0x3, s1;
	v24 =	vor.u32 v7, v24;
	v27 =	vor.u32 v14, v15;
	v14 =	vmovc v39;
	v26 =	vmul.f32 $8.000000000e+00, v37;
	v22 =	vld.idx.msk [tilespmem:v28+s29+$0x0], $0xffff  }
0x3ef: {  	v23 =	vor.u32 v23, v24;
	v16 =	vadd.s32 s13, v0;
	v15 =	vmovc v41;
	v17 =	vor.u32 v7, v31  }
0x3f0: {  	s14 =	sadd.s32 $0x2, s1;
	v34 =	vand.u32 $0xF, v16;
	v28 =	vor.u32 v7, v30;
	v24 =	vor.u32 v25, v17;
	v31 =	vld.idx.msk [tilespmem:v40+s29+$0x0], $0xffff  }
0x3f1: {  	s13 =	sadd.s32 $0x1, s1;
	s1 =	sadd.s32 $0x4, s1;
	v17 =	vadd.s32 s14, v0;
	v30 =	vor.u32 v10, v34;
	v25 =	vor.u32 v29, v28  }
0x3f2: {  	v28 =	vadd.s32 s13, v0;
	v29 =	vand.u32 $0xF, v17  }
0x3f3: {  	v36 =	vor.u32 v14, v36;
	v40 =	vshll.u32 v16, $0x8;
	v35 =	vor.u32 v14, v35  }
0x3f4: {  	v41 =	vshll.u32 v16, $0x7;
	v37 =	vand.u32 $0xF, v28;
	v38 =	vor.u32 v10, v29  }
0x3f5: {  	v43 =	vor.u32 v12, v16;
	v44 =	vshll.u32 v17, $0x7;
	v39 =	vor.u32 v10, v37  }
0x3f6: {  	v45 =	vshll.u32 v17, $0x8;
	v18 =	vor.u32 v32, v18;
	v62 =	vor.u32 v12, v17  }
0x3f7: {  	v34 =	vor.u32 $0x20, v34;
	v51 =	vand.u32 $0x7, v16;
	v40 =	vand.u32 $0x800, v40  }
0x3f8: {  	v30 =	vld.idx.msk [tilespmem:v30+s29+$0x0], $0xffff;
	v41 =	vand.u32 $0x380, v41;
	v46 =	vshll.u32 v28, $0x8;
	v44 =	vand.u32 $0x380, v44  }
0x3f9: {  	v45 =	vand.u32 $0x800, v45;
	v47 =	vshll.u32 v28, $0x7;
	v42 =	vor.u32 v40, v9;
	v38 =	vld.idx.msk [tilespmem:v38+s29+$0x0], $0xffff  }
0x3fa: {  	v46 =	vand.u32 $0x800, v46;
	v48 =	vor.u32 v45, v9;
	v42 =	vor.u32 v41, v42;
	v39 =	vld.idx.msk [tilespmem:v39+s29+$0x0], $0xffff  }
0x3fb: {  	v47 =	vand.u32 $0x380, v47;
	v49 =	vor.u32 v46, v9;
	v48 =	vor.u32 v44, v48  }
0x3fc: {  	v57 =	vand.u32 $0x7, v17;
	v31 =	vmul.f32 $8.000000000e+00, v31;
	v61 =	vor.u32 v47, v49  }
0x3fd: {  	v18 =	vor.u32 v10, v18;
	v63 =	vor.u32 v12, v28;
	v30 =	vmul.f32 $8.000000000e+00, v30  }
0x3fe: {  	v29 =	vor.u32 $0x20, v29;
	v54 =	vor.u32 v11, v40;
	[tilespmem:v36+s23+$0x0] =	vst.idx.msk $0xffff, v31;
	v50 =	vmul.f32 $8.000000000e+00, v38  }
0x3ff: {  	v56 =	vand.u32 $0x28, v29;
	v37 =	vor.u32 $0x20, v37;
	v19 =	vld.idx.msk [tilespmem:v19+s29+$0x0], $0xffff;
	[tilespmem:v42+s23+$0x0] =	vst.idx.msk $0xffff, v30;
	v52 =	vmul.f32 $8.000000000e+00, v39  }
0x400: {  	v53 =	vand.u32 $0x28, v34;
	v59 =	vor.u32 v56, v57;
	v60 =	vand.u32 $0x28, v37;
	v55 =	vld.idx.msk [tilespmem:v43+s29+$0x0], $0xffff;
	[tilespmem:v48+s23+$0x0] =	vst.idx.msk $0xffff, v50  }
0x401: {  	v36 =	vor.u32 v10, v59;
	v30 =	vor.u32 v53, v51;
	[tilespmem:v61+s23+$0x0] =	vst.idx.msk $0xffff, v52;
	v58 =	vld.idx.msk [tilespmem:v62+s29+$0x0], $0xffff  }
0x402: {  	v30 =	vor.u32 v10, v30;
	v38 =	vor.u32 v41, v54;
	v62 =	vor.u32 v11, v45;
	v12 =	vld.idx.msk [tilespmem:v63+s29+$0x0], $0xffff  }
0x403: {  	v61 =	vand.u32 $0x7, v28;
	v42 =	vor.u32 v44, v62;
	v63 =	vor.u32 v11, v46  }
0x404: {  	v19 =	vmul.f32 $8.000000000e+00, v19;
	v39 =	vor.u32 v60, v61;
	v11 =	vor.u32 v47, v63  }
0x405: {  	v31 =	vmul.f32 $8.000000000e+00, v55;
	v39 =	vor.u32 v10, v39  }
0x406: {  	v33 =	vand.u32 $0x2800, v33;
	v13 =	vor.u32 v8, v13;
	[tilespmem:v35+s23+$0x0] =	vst.idx.msk $0xffff, v19;
	v32 =	vmul.f32 $8.000000000e+00, v58  }
0x407: {  	v43 =	vor.u32 v33, v9;
	v48 =	vshll.u32 v34, $0x8;
	v18 =	vld.idx.msk [tilespmem:v18+s29+$0x0], $0xffff;
	[tilespmem:v38+s23+$0x0] =	vst.idx.msk $0xffff, v31;
	v12 =	vmul.f32 $8.000000000e+00, v12  }
0x408: {  	v29 =	vshll.u32 v29, $0x8;
	v19 =	vor.u32 v14, v43;
	v31 =	vand.u32 $0x2800, v48;
	v30 =	vld.idx.msk [tilespmem:v30+s29+$0x0], $0xffff;
	[tilespmem:v42+s23+$0x0] =	vst.idx.msk $0xffff, v32  }
0x409: {  	v29 =	vand.u32 $0x2800, v29;
	v50 =	vshll.u32 v37, $0x8;
	v31 =	vor.u32 v31, v9;
	[tilespmem:v11+s23+$0x0] =	vst.idx.msk $0xffff, v12;
	v49 =	vld.idx.msk [tilespmem:v36+s29+$0x0], $0xffff  }
0x40a: {  	v29 =	vor.u32 v29, v9;
	v31 =	vor.u32 v41, v31;
	v12 =	vand.u32 $0x2800, v50;
	v10 =	vld.idx.msk [tilespmem:v39+s29+$0x0], $0xffff  }
0x40b: {  	v53 =	vor.u32 v8, v16;
	v52 =	vor.u32 v44, v29;
	v51 =	vor.u32 v12, v9  }
0x40c: {  	v54 =	vor.u32 v8, v17;
	v18 =	vmul.f32 $8.000000000e+00, v18;
	v9 =	vor.u32 v47, v51  }
0x40d: {  	[tilespmem:v27+s23+$0x0] =	vst.idx.msk $0xffff, v26;
	v8 =	vor.u32 v8, v28;
	v55 =	vmul.f32 $8.000000000e+00, v30  }
0x40e: {  	[tilespmem:v19+s23+$0x0] =	vst.idx.msk $0xffff, v18;
	v11 =	vmul.f32 $8.000000000e+00, v49  }
0x40f: {  	v13 =	vld.idx.msk [tilespmem:v13+s29+$0x0], $0xffff;
	[tilespmem:v31+s23+$0x0] =	vst.idx.msk $0xffff, v55;
	v10 =	vmul.f32 $8.000000000e+00, v10  }
0x410: {  	v15 =	vor.u32 v7, v15;
	v56 =	vmul.f32 $8.000000000e+00, v20;
	v57 =	vld.idx.msk [tilespmem:v53+s29+$0x0], $0xffff;
	[tilespmem:v52+s23+$0x0] =	vst.idx.msk $0xffff, v11  }
0x411: {  	v59 =	vor.u32 v14, v15;
	v60 =	vor.u32 v7, v40;
	[tilespmem:v9+s23+$0x0] =	vst.idx.msk $0xffff, v10;
	v58 =	vld.idx.msk [tilespmem:v54+s29+$0x0], $0xffff  }
0x412: {  	v61 =	vmul.f32 $8.000000000e+00, v21;
	v62 =	vor.u32 v7, v45;
	v12 =	vor.u32 v41, v60;
	v8 =	vld.idx.msk [tilespmem:v8+s29+$0x0], $0xffff  }
0x413: {  	[tilespmem:v23+s23+$0x0] =	vst.idx.msk $0xffff, v56;
	v7 =	vor.u32 v7, v46;
	v63 =	vmul.f32 $8.000000000e+00, v22;
	v15 =	vor.u32 v44, v62  }
0x414: {  	p0 =	slt.u32 s0, $0x6;
	v7 =	vor.u32 v47, v7;
	[tilespmem:v24+s23+$0x0] =	vst.idx.msk $0xffff, v61;
	v13 =	vmul.f32 $8.000000000e+00, v13  }
.Ltmp16:
0x415: {  	[tilespmem:v25+s23+$0x0] =	vst.idx.msk $0xffff, v63;
	v11 =	vmul.f32 $8.000000000e+00, v57;
	(pc) =	sbr.rel @p0 .LBB2_27-.Ltmp16, $4  }
0x416: {  	[tilespmem:v59+s23+$0x0] =	vst.idx.msk $0xffff, v13;
	v9 =	vmul.f32 $8.000000000e+00, v58  }
0x417: {  	[tilespmem:v12+s23+$0x0] =	vst.idx.msk $0xffff, v11;
	v8 =	vmul.f32 $8.000000000e+00, v8  }
0x418: {  	s1 =	sadd.s32 $0x2, s0;
	[tilespmem:v15+s23+$0x0] =	vst.idx.msk $0xffff, v9  }
0x419: {  	s0 =	smov.u32 s1;
	[tilespmem:v7+s23+$0x0] =	vst.idx.msk $0xffff, v8  }
0x41a: {  	p0 =	sne.s32 s28, $0xC8  }
.Ltmp17:
0x41b: {  	_ = 	snop;
	(pc) =	sbr.rel @p0 .LBB2_2-.Ltmp17, $4  }
0x41c: {  	s0 =	sor.u32 s9, s30  }
0x41d: {  	s0 =	sshrl.u32 s0, $0x3  }
0x41e: {  	s30 =	smov.u32 s28;
	s0 =	sadd.s32 s2, s0  }
0x41f: {  	[hbm4b:s0+s21] =	stream.strided.scatter [tilespmem:s23], [sflag:$0x6], $0x4000, s22, s21, $0x38;
	[tilespmem:$0x18400] =	vst v63  }
0x420: {  	s26 =	sadd.s32 $0x1, s26  }
0x421: {  	_ =	swait.ge [sflag:s24], $0x4000;
	p0 =	sne.s32 s26, s10  }
.Ltmp18:
0x422: {  	[sflag:s24] =	ssyncset.done $0x0;
	(pc) =	sbr.rel @p0 .LBB2_1-.Ltmp18, $4  }
0x423: {  	[sflag:s24] =	ssyncadd.s32 $0xFFFFC000  }
0x424: {  	_ =	swait.ge [sflag:s25], $0x4000  }
0x425: {  	[sflag:s25] =	ssyncset.done $0x0  }
0x426: {  	[sflag:s25] =	ssyncadd.s32 $0xFFFFC000  }
0x427: {  	_ =	sfence.sel $0x180000  }
0x428: {  	[bflag:$0x0] =	sbarrier.arrive $0xFFFF  }
0x429: {  	_ =	strace $0x90000047  }
0x42a: {  	s0 =	stileid.u32;
	[bflag:$0x2] =	sbarrier.arrive $0xFFFF  }
0x42b: {  	p0 =	sne.s32 s0, $0x0;
	s0 =	rddreg [dreg:$0x2]  }
0x42c: {  	s0 =	sadd.s32 @!p0 $0x100000, s0  }
0x42d: {  	[sflag:s0] =	ssyncadd.tile.s32 @!p0 $0x1;
	_ =	shalt  }
.Lfunc_end2:
_tile_overlayer_lowered:
.L_overlay_start_2:
0x42e: {  	(tag) =	ssettag $0x2  }
0x42f: {  	s0 =	rddreg [dreg:$0x0];
	s2 =	stileid.u32  }
0x430: {  	s1 =	rddreg [dreg:$0x1];
	p0 =	sne.s32 s2, $0x0  }
0x431: {  	s3 =	rddreg [dreg:$0x2];
	[bflag:$0x3] =	sbarrier.arrive $0xFFFF;
	s2 =	simm.s32 @!p0 $0x1C07  }
0x432: {  	[timem:s3], [sflag:s2] =	dma.local @!p0 [hbm:s0], s1  }
0x433: {  	s0 =	simm.s32 @!p0 $0x7  }
0x434: {  	_ =	swait.ge @!p0 [sflag:s0], s1  }
0x435: {  	s1 =	ssub.s32 @!p0 $0x0, s1;
	[sflag:s0] =	ssyncset.done @!p0 $0x0  }
0x436: {  	[sflag:s0] =	ssyncadd.s32 @!p0 s1  }
0x437: {  	[bflag:$0x3] =	sbarrier.arrive $0xFFFF  }
0x438: {  	_ =	shalt  }

</sc_bundles>
